<compile_context>
chip_gen: v7x
topology: tpu7x:2x2x1
jax: 0.10.2.dev20260603
libtpu: 0.0.44.dev20260713+nightly
codegen_flags: <defaults>
</compile_context>

<pallas_src>
import functools

import jax
import jax.numpy as jnp
import numpy as np
from jax import lax
from jax.experimental import pallas as pl
from jax.experimental.pallas import tpu as pltpu
from jax.experimental.pallas import tpu_sc as plsc
from jax.experimental import layout as jlayout

MAXP = 524288
NLEV = 16
BRES = 16.0
MRES = 2048.0
NFEAT = 2
NPTS = 1048576

NC = 2
NS = 16
NW = NC * NS
NP = NPTS // NW
C = 512
NCH = NP // C
NCORN = 8
BIGN = MAXP

P2 = int(np.uint32(2654435761).view(np.int32))
P3 = int(np.uint32(805459861).view(np.int32))


def _levels():
    log_b = np.log(MRES / BRES) / float(NLEV - 1)
    offs, szs, scs, ress = [], [], [], []
    off = 0
    begin_fast = NLEV
    for i in range(NLEV):
        sc = BRES * np.exp(i * log_b) - 1.0
        res = int(np.uint32(np.ceil(sc))) + 1
        full = (np.ceil(sc) + 1.0) ** 3
        aligned = int((full + 7) // 8) * 8
        ps = int(min(MAXP, aligned))
        if full > ps and begin_fast == NLEV:
            begin_fast = i
        offs.append(off)
        szs.append(ps)
        scs.append(np.float32(sc))
        ress.append(res)
        off += ps
    return offs, szs, scs, ress, begin_fast, off


OFFS, SZS, SCALES, RESS, BEGIN_FAST, TOT = _levels()
SMALLN = OFFS[BEGIN_FAST]
TOTP = (TOT + 127) // 128 * 128
SMALLWP = ((SMALLN + 127) // 128) * 256
SSEGW = SMALLWP // NS
BIGWP = (BIGN // 128 + 1) * 256
FSEGW = BIGWP // NS


def _body(xyz_hbm, table_hbm, scales_hbm, sconst_hbm, out_hbm,
          xc_a, xc_b, idx_a, idx_b, rows_a, rows_b, w_a, w_b, out_a, out_b,
          scales_v, sconst_v, sp_big,
          sem_xa, sem_xb, sem_ga, sem_gb, sem_oa, sem_ob):
    cid = lax.axis_index("c")
    sid = lax.axis_index("s")
    wid = sid * NC + cid
    base = wid * NP

    pltpu.sync_copy(scales_hbm, scales_v)
    pltpu.sync_copy(sconst_hbm, sconst_v)

    pltpu.sync_copy(table_hbm.at[pl.ds(sid * SSEGW, SSEGW)],
                    sp_big.at[pl.ds(sid * SSEGW, SSEGW)])
    plsc.subcore_barrier()

    iota = lax.iota(jnp.int32, 16)
    iota3 = iota * 3
    zeros = jnp.zeros((16,), jnp.int32)
    ones = jnp.ones((16,), jnp.int32)

    def bcast_f(l):
        return plsc.load_gather(scales_v, [jnp.full((16,), l, jnp.int32)])

    def bcast_c(row, l):
        return plsc.load_gather(
            sconst_v, [jnp.full((16,), row * 16, jnp.int32) + l])

    def fire_xyz(k, xc_ref, sem):
        g = (base + k * C) * 4
        return pltpu.async_copy(xyz_hbm.at[pl.ds(g, 4 * C)], xc_ref, sem)

    def wait_xyz(xc_ref, sem):
        pltpu.make_async_copy(xyz_hbm.at[pl.ds(0, 4 * C)], xc_ref, sem).wait()

    def idx_pass(consts, xc_ref, idx_ref, w_ref, fast):
        if fast:
            scale, row0v, wsv = consts
        else:
            scale, resv, res2v, mv, offv = consts

        def vb(v, carry):
            s = v * 16
            sb = (v >> 3) * 512 + (v & 7) * 16
            x = xc_ref[pl.ds(sb, 16)]
            y = xc_ref[pl.ds(sb + 128, 16)]
            z = xc_ref[pl.ds(sb + 256, 16)]
            px = x * scale + 0.5
            py = y * scale + 0.5
            pz = z * scale + 0.5
            gx = px.astype(jnp.int32)
            gy = py.astype(jnp.int32)
            gz = pz.astype(jnp.int32)
            fx = px - gx.astype(jnp.float32)
            fy = py - gy.astype(jnp.float32)
            fz = pz - gz.astype(jnp.float32)
            if fast:
                cx0 = gx
                cx1 = gx + 1
                cy0 = gy * P2
                cy1 = cy0 + P2
                cz0 = gz * P3
                cz1 = cz0 + P3
                a = [cy0 ^ cz0, cy1 ^ cz0, cy0 ^ cz1, cy1 ^ cz1]
            else:
                cx0 = gx + offv
                cx1 = cx0 + 1
                cy0 = gy * resv
                cy1 = cy0 + resv
                cz0 = gz * res2v
                cz1 = cz0 + res2v
                a = [cy0 + cz0, cy1 + cz0, cy0 + cz1, cy1 + cz1]
            wx0 = 1.0 - fx
            wy0 = 1.0 - fy
            wz0 = 1.0 - fz
            wyz = [wy0 * wz0, fy * wz0, wy0 * fz, fy * fz]
            for c in range(8):
                if fast:
                    h = (cx1 if c & 1 else cx0) ^ a[c >> 1]
                    idx = (h & (BIGN - 1)) + row0v
                else:
                    h = (cx1 if c & 1 else cx0) + a[c >> 1]
                    t = h - mv
                    idx = jnp.where(t < offv, h, t)
                idx0 = ((idx >> 7) << 8) + (idx & 127)
                if fast:
                    idx0 = idx0 - wsv
                idx_ref[pl.ds(c * C + s, 16)] = idx0
                idx_ref[pl.ds(NCORN * C + c * C + s, 16)] = idx0 + 128
                w = (fx if c & 1 else wx0) * wyz[c >> 1]
                w_ref[pl.ds(c * C + s, 16)] = w
            return carry

        lax.fori_loop(0, C // 16, vb, 0)

    def acc_pass(rows_ref, w_ref, out_ref):
        def vb(v, carry):
            acc0 = jnp.zeros((16,), jnp.float32)
            acc1 = jnp.zeros((16,), jnp.float32)
            for c in range(8):
                w = w_ref[pl.ds(c * C + v * 16, 16)]
                f0 = rows_ref[pl.ds(c * C + v * 16, 16)]
                f1 = rows_ref[pl.ds(NCORN * C + c * C + v * 16, 16)]
                acc0 = acc0 + w * f0
                acc1 = acc1 + w * f1
            ob = (v >> 3) * 256 + (v & 7) * 16
            out_ref[pl.ds(ob, 16)] = acc0
            out_ref[pl.ds(ob + 128, 16)] = acc1
            return carry

        lax.fori_loop(0, C // 16, vb, 0)

    def fire_gather(idx_ref, rows_ref, sem):
        pltpu.async_copy(sp_big.at[idx_ref], rows_ref, sem)

    def wait_gather(idx_ref, rows_ref, sem):
        pltpu.make_async_copy(sp_big.at[idx_ref], rows_ref, sem).wait()

    def fire_out(l, k, out_ref, sem):
        off = l * (NFEAT * NPTS) + (base + k * C) * NFEAT
        pltpu.async_copy(out_ref, out_hbm.at[pl.ds(off, NFEAT * C)], sem)

    def wait_out(l, out_ref, sem):
        pltpu.make_async_copy(out_ref, out_hbm.at[pl.ds(0, NFEAT * C)],
                              sem).wait()

    def level_block(l, consts, fast):
        fire_xyz(0, xc_a, sem_xa)
        fire_xyz(1, xc_b, sem_xb)
        wait_xyz(xc_a, sem_xa)
        idx_pass(consts, xc_a, idx_a, w_a, fast)
        fire_gather(idx_a, rows_a, sem_ga)
        fire_xyz(2, xc_a, sem_xa)

        def body(k2, carry):
            k = 2 * k2
            wait_xyz(xc_b, sem_xb)
            idx_pass(consts, xc_b, idx_b, w_b, fast)
            fire_gather(idx_b, rows_b, sem_gb)

            @pl.when(k + 3 < NCH)
            def _():
                fire_xyz(k + 3, xc_b, sem_xb)

            wait_gather(idx_a, rows_a, sem_ga)

            @pl.when(k2 > 0)
            def _():
                wait_out(l, out_a, sem_oa)

            acc_pass(rows_a, w_a, out_a)
            fire_out(l, k, out_a, sem_oa)

            @pl.when(k + 2 < NCH)
            def _():
                wait_xyz(xc_a, sem_xa)
                idx_pass(consts, xc_a, idx_a, w_a, fast)
                fire_gather(idx_a, rows_a, sem_ga)

                @pl.when(k + 4 < NCH)
                def _():
                    fire_xyz(k + 4, xc_a, sem_xa)

            wait_gather(idx_b, rows_b, sem_gb)

            @pl.when(k2 > 0)
            def _():
                wait_out(l, out_b, sem_ob)

            acc_pass(rows_b, w_b, out_b)
            fire_out(l, k + 1, out_b, sem_ob)
            return carry

        lax.fori_loop(0, NCH // 2, body, 0)
        wait_out(l, out_a, sem_oa)
        wait_out(l, out_b, sem_ob)

    def slow_body(l, carry):
        consts = (bcast_f(l), bcast_c(0, l), bcast_c(1, l),
                  bcast_c(2, l), bcast_c(3, l))
        level_block(l, consts, False)
        return carry

    lax.fori_loop(0, BEGIN_FAST, slow_body, 0)

    def fast_body(l, carry):
        plsc.subcore_barrier()
        row0 = (SMALLN - BEGIN_FAST * BIGN) + l * BIGN
        ws = pl.multiple_of((row0 - 72) * 2, 256)
        pltpu.sync_copy(table_hbm.at[pl.ds(ws + sid * FSEGW, FSEGW)],
                        sp_big.at[pl.ds(sid * FSEGW, FSEGW)])
        plsc.subcore_barrier()
        row0v = jnp.zeros((16,), jnp.int32) + row0
        wsv = jnp.zeros((16,), jnp.int32) + ws
        level_block(l, (bcast_f(l), row0v, wsv), True)
        return carry

    lax.fori_loop(BEGIN_FAST, NLEV, fast_body, 0)


_mesh = plsc.VectorSubcoreMesh(core_axis_name="c", subcore_axis_name="s")

_hash_kernel = functools.partial(
    pl.kernel,
    out_type=jax.ShapeDtypeStruct((NPTS * NLEV * NFEAT,), jnp.float32),
    mesh=_mesh,
    compiler_params=pltpu.CompilerParams(
        needs_layout_passes=False, use_tc_tiling_on_sc=False),
    scratch_types=[
        pltpu.VMEM((4 * C,), jnp.float32),
        pltpu.VMEM((4 * C,), jnp.float32),
        pltpu.VMEM((2 * NCORN * C,), jnp.int32),
        pltpu.VMEM((2 * NCORN * C,), jnp.int32),
        pltpu.VMEM((2 * NCORN * C,), jnp.float32),
        pltpu.VMEM((2 * NCORN * C,), jnp.float32),
        pltpu.VMEM((NCORN * C,), jnp.float32),
        pltpu.VMEM((NCORN * C,), jnp.float32),
        pltpu.VMEM((NFEAT * C,), jnp.float32),
        pltpu.VMEM((NFEAT * C,), jnp.float32),
        pltpu.VMEM((16,), jnp.float32),
        pltpu.VMEM((4 * 16,), jnp.int32),
        pltpu.VMEM_SHARED((BIGWP,), jnp.float32),
        pltpu.SemaphoreType.DMA,
        pltpu.SemaphoreType.DMA,
        pltpu.SemaphoreType.DMA,
        pltpu.SemaphoreType.DMA,
        pltpu.SemaphoreType.DMA,
        pltpu.SemaphoreType.DMA,
    ],
)(_body)


@jax.jit
def kernel(xyzs, table):
    xyz_p = jnp.pad(xyzs.reshape(NPTS // 128, 128, 3), ((0, 0), (0, 0), (0, 1)))
    xyz_c = jnp.transpose(xyz_p, (0, 2, 1)).reshape(-1)
    tab_p = jnp.pad(table, ((0, TOTP - TOT), (0, 0)))
    tab_c = jnp.transpose(tab_p.reshape(TOTP // 128, 128, 2), (0, 2, 1))
    tab_c = tab_c.reshape(-1)
    scales = jnp.asarray(np.array(SCALES, dtype=np.float32))
    sconst = np.zeros((4, 16), dtype=np.int32)
    for l in range(BEGIN_FAST):
        sconst[0, l] = RESS[l]
        sconst[1, l] = RESS[l] * RESS[l]
        sconst[2, l] = SZS[l]
        sconst[3, l] = OFFS[l]
    sconst = jnp.asarray(sconst.reshape(-1))
    out = _hash_kernel(xyz_c, tab_c, scales, sconst)
    x4 = out.reshape(NLEV, NPTS // 128, NFEAT, 128)
    return jnp.transpose(x4, (1, 3, 0, 2)).reshape(NPTS, NLEV, NFEAT)

# --- scband reference (transcript-rebuilt; emitter-appended) ---
"""Pipeline reference for scband-hash-encoder-84198538871546 (READ-ONLY COPY).

The authoritative reference and input builder live on the scoring server;
editing this copy changes nothing except your own understanding.
"""

import jax, jax.numpy as jnp
import numpy as np

MAX_PARAMS = 524288
LEVELS = 16
BASE_RES = 16.0
MAX_RES = 2048.0
FEAT = 2
B = 1048576


def _level_params():
    log_b = np.log(MAX_RES / BASE_RES) / float(LEVELS - 1)
    offsets = []
    sizes = []
    begin_fast = LEVELS
    offset = 0
    for i in range(LEVELS):
        res = np.ceil(BASE_RES * np.exp(i * log_b) - 1.0) + 1.0
        full = res ** 3
        aligned = int((full + 7) // 8) * 8
        ps = int(min(MAX_PARAMS, aligned))
        offsets.append(offset)
        sizes.append(ps)
        if full > ps and begin_fast == LEVELS:
            begin_fast = i
        offset += ps
    return log_b, offsets, sizes, begin_fast, offset


def setup_inputs(seed: int = 0) -> dict:
    key = jax.random.key(seed)
    k1, k2 = jax.random.split(key)
    _, _, _, _, total = _level_params()
    xyzs = jax.random.uniform(k1, (B, 3), dtype=jnp.float32)
    table = jax.random.uniform(k2, (total, FEAT), minval=-1e-4, maxval=1e-4, dtype=jnp.float32)
    return {"xyzs": xyzs, "table": table}


def _hash_encode(xyzs, table):
    log_b, offsets, sizes, begin_fast, _total = _level_params()
    primes = (np.uint32(1), np.uint32(2654435761), np.uint32(805459861))
    n = xyzs.shape[0]
    outs = []
    for level in range(LEVELS):
        scale = float(BASE_RES * np.exp(level * log_b) - 1.0)
        resolution = jnp.uint32(int(np.uint32(np.ceil(scale))) + 1)
        pos = xyzs * jnp.float32(scale) + jnp.float32(0.5)
        pos_grid = jnp.floor(pos).astype(jnp.uint32)
        frac = pos - pos_grid.astype(jnp.float32)
        map_size = jnp.uint32(sizes[level])
        offset = jnp.int32(offsets[level])
        feats = jnp.zeros((n, FEAT), dtype=jnp.float32)
        for idx in range(8):
            w = jnp.ones((n,), dtype=jnp.float32)
            hs = []
            for d in range(3):
                if (idx >> d) & 1 == 0:
                    pg = pos_grid[:, d]
                    w = w * (1.0 - frac[:, d])
                else:
                    pg = pos_grid[:, d] + jnp.uint32(1)
                    w = w * frac[:, d]
                hs.append(pg)
            if level < begin_fast:
                h = hs[0] + hs[1] * resolution + hs[2] * (resolution * resolution)
            else:
                h = (hs[0] * primes[0]) ^ (hs[1] * primes[1]) ^ (hs[2] * primes[2])
            index = (h % map_size).astype(jnp.int32) + offset
            feats = feats + w[:, None] * jnp.take(table, index, axis=0)
        outs.append(feats)
    return jnp.stack(outs, axis=1)


def reference(xyzs, table):
    return _hash_encode(xyzs, table)

if __name__ == "__main__":
    import jax
    _d = setup_inputs()
    print(jax.jit(kernel)(*tuple(_d.values())))

</pallas_src>

<mosaic_0001>
#map = affine_map<(d0, d1) -> (0)>
module attributes {stable_mosaic.version = 14 : i64} {
  func.func @_body(%arg0: i32, %arg1: i32, %arg2: memref<4194304xf32, #tpu.memory_space<hbm>>, %arg3: memref<12196352xf32, #tpu.memory_space<hbm>>, %arg4: memref<16xf32, #tpu.memory_space<hbm>>, %arg5: memref<64xi32, #tpu.memory_space<hbm>>, %arg6: memref<33554432xf32, #tpu.memory_space<hbm>>, %arg7: memref<2048xf32, #tpu.memory_space<vmem>>, %arg8: memref<2048xf32, #tpu.memory_space<vmem>>, %arg9: memref<8192xi32, #tpu.memory_space<vmem>>, %arg10: memref<8192xi32, #tpu.memory_space<vmem>>, %arg11: memref<8192xf32, #tpu.memory_space<vmem>>, %arg12: memref<8192xf32, #tpu.memory_space<vmem>>, %arg13: memref<4096xf32, #tpu.memory_space<vmem>>, %arg14: memref<4096xf32, #tpu.memory_space<vmem>>, %arg15: memref<1024xf32, #tpu.memory_space<vmem>>, %arg16: memref<1024xf32, #tpu.memory_space<vmem>>, %arg17: memref<16xf32, #tpu.memory_space<vmem>>, %arg18: memref<64xi32, #tpu.memory_space<vmem>>, %arg19: memref<1048832xf32, #tpu.memory_space<vmem_shared>>, %arg20: memref<!tpu.dma_semaphore, #tpu.memory_space<semaphore_mem>>, %arg21: memref<!tpu.dma_semaphore, #tpu.memory_space<semaphore_mem>>, %arg22: memref<!tpu.dma_semaphore, #tpu.memory_space<semaphore_mem>>, %arg23: memref<!tpu.dma_semaphore, #tpu.memory_space<semaphore_mem>>, %arg24: memref<!tpu.dma_semaphore, #tpu.memory_space<semaphore_mem>>, %arg25: memref<!tpu.dma_semaphore, #tpu.memory_space<semaphore_mem>>) attributes {dimension_semantics = [#tpu.dimension_semantics<core_parallel>, #tpu.dimension_semantics<subcore_parallel>], iteration_bounds = array<i64: 2, 16>, scalar_prefetch = 0 : i64, scratch_operands = 19 : i64, tpu.core_type = #tpu.core_type<sc_vector_subcore>, window_params = [{transform_indices = #map}, {transform_indices = #map}, {transform_indices = #map}, {transform_indices = #map}, {transform_indices = #map}]} {
    %mul3A = arith.constant 2 : i32
    %mul3A_0 = arith.muli %arg1, %mul3A : i32
    %add3A = arith.addi %mul3A_0, %arg0 : i32
    %mul3A_1 = arith.constant 32768 : i32
    %mul3A_2 = arith.muli %add3A, %mul3A_1 : i32
    "tpu.region"() ({
      %run_scoped3A = tpu.sem_alloc : memref<!tpu.dma_semaphore, #tpu.memory_space<semaphore_mem>>
      tpu.enqueue_dma source(%arg4 : memref<16xf32, #tpu.memory_space<hbm>>) target(%arg17 : memref<16xf32, #tpu.memory_space<vmem>>) target_semaphore(%run_scoped3A : memref<!tpu.dma_semaphore, #tpu.memory_space<semaphore_mem>>)
      tpu.wait_dma2 semaphore(%run_scoped3A : memref<!tpu.dma_semaphore, #tpu.memory_space<semaphore_mem>>) src(%arg4 : memref<16xf32, #tpu.memory_space<hbm>>) dst(%arg17 : memref<16xf32, #tpu.memory_space<vmem>>)
      tpu.yield
    }) : () -> ()
    "tpu.region"() ({
      %run_scoped3A = tpu.sem_alloc : memref<!tpu.dma_semaphore, #tpu.memory_space<semaphore_mem>>
      tpu.enqueue_dma source(%arg5 : memref<64xi32, #tpu.memory_space<hbm>>) target(%arg18 : memref<64xi32, #tpu.memory_space<vmem>>) target_semaphore(%run_scoped3A : memref<!tpu.dma_semaphore, #tpu.memory_space<semaphore_mem>>)
      tpu.wait_dma2 semaphore(%run_scoped3A : memref<!tpu.dma_semaphore, #tpu.memory_space<semaphore_mem>>) src(%arg5 : memref<64xi32, #tpu.memory_space<hbm>>) dst(%arg18 : memref<64xi32, #tpu.memory_space<vmem>>)
      tpu.yield
    }) : () -> ()
    %mul3A_3 = arith.constant 41376 : i32
    %mul3A_4 = arith.muli %arg1, %mul3A_3 : i32
    %mul3A_5 = arith.constant 41376 : i32
    %mul3A_6 = arith.muli %arg1, %mul3A_5 : i32
    "tpu.region"() ({
      %run_scoped3A = tpu.sem_alloc : memref<!tpu.dma_semaphore, #tpu.memory_space<semaphore_mem>>
      %dma_start3A = tpu.memref_slice %arg19[%mul3A_6] : memref<1048832xf32, #tpu.memory_space<vmem_shared>> -> memref<41376xf32, #tpu.memory_space<vmem_shared>>
      %dma_start3A_24 = tpu.memref_slice %arg3[%mul3A_4] : memref<12196352xf32, #tpu.memory_space<hbm>> -> memref<41376xf32, #tpu.memory_space<hbm>>
      tpu.enqueue_dma source(%dma_start3A_24 : memref<41376xf32, #tpu.memory_space<hbm>>) target(%dma_start3A : memref<41376xf32, #tpu.memory_space<vmem_shared>>) target_semaphore(%run_scoped3A : memref<!tpu.dma_semaphore, #tpu.memory_space<semaphore_mem>>)
      %dma_wait3A = tpu.memref_slice %arg19[%mul3A_6] : memref<1048832xf32, #tpu.memory_space<vmem_shared>> -> memref<41376xf32, #tpu.memory_space<vmem_shared>>
      %dma_wait3A_25 = tpu.memref_slice %arg3[%mul3A_4] : memref<12196352xf32, #tpu.memory_space<hbm>> -> memref<41376xf32, #tpu.memory_space<hbm>>
      tpu.wait_dma2 semaphore(%run_scoped3A : memref<!tpu.dma_semaphore, #tpu.memory_space<semaphore_mem>>) src(%dma_wait3A_25 : memref<41376xf32, #tpu.memory_space<hbm>>) dst(%dma_wait3A : memref<41376xf32, #tpu.memory_space<vmem_shared>>)
      tpu.yield
    }) : () -> ()
    %barrier3A = arith.constant 0 : index
    tpu.barrier barrier_id(%barrier3A)
    %iota3A = tpu.iota {dimensions = array<i32: 0>} : vector<16xi32>
    %mul3A_7 = arith.constant 3 : i32
    %mul3A_8 = vector.broadcast %mul3A_7 : i32 to vector<16xi32>
    %mul3A_9 = arith.muli %iota3A, %mul3A_8 : vector<16xi32>
    %broadcast_in_dim3A = arith.constant 0 : i32
    %broadcast_in_dim3A_10 = vector.broadcast %broadcast_in_dim3A : i32 to vector<16xi32>
    %broadcast_in_dim3A_11 = arith.constant 1 : i32
    %broadcast_in_dim3A_12 = vector.broadcast %broadcast_in_dim3A_11 : i32 to vector<16xi32>
    %scan3A = arith.constant 0 : i32
    %scan3A_13 = arith.constant 0 : i32
    %scan3A_14 = arith.constant 5 : i32
    %scan3A_15 = arith.addi %scan3A_13, %scan3A_14 : i32
    %scan3A_16 = arith.constant 1 : i32
    scf.for %scan3A_24 = %scan3A_13 to %scan3A_15 step %scan3A_16  : i32 {
      %broadcast_in_dim3A_25 = vector.broadcast %scan3A_24 : i32 to vector<16xi32>
      %gather3A = tpu.vector_load_idx %arg17[%broadcast_in_dim3A_25] : memref<16xf32, #tpu.memory_space<vmem>>[vector<16xi32>], vector<16xf32>,
      %broadcast_in_dim3A_26 = arith.constant 0 : i32
      %broadcast_in_dim3A_27 = vector.broadcast %broadcast_in_dim3A_26 : i32 to vector<16xi32>
      %add3A_28 = vector.broadcast %scan3A_24 : i32 to vector<16xi32>
      %add3A_29 = arith.addi %broadcast_in_dim3A_27, %add3A_28 : vector<16xi32>
      %gather3A_30 = tpu.vector_load_idx %arg18[%add3A_29] : memref<64xi32, #tpu.memory_space<vmem>>[vector<16xi32>], vector<16xi32>,
      %broadcast_in_dim3A_31 = arith.constant 16 : i32
      %broadcast_in_dim3A_32 = vector.broadcast %broadcast_in_dim3A_31 : i32 to vector<16xi32>
      %add3A_33 = vector.broadcast %scan3A_24 : i32 to vector<16xi32>
      %add3A_34 = arith.addi %broadcast_in_dim3A_32, %add3A_33 : vector<16xi32>
      %gather3A_35 = tpu.vector_load_idx %arg18[%add3A_34] : memref<64xi32, #tpu.memory_space<vmem>>[vector<16xi32>], vector<16xi32>,
      %broadcast_in_dim3A_36 = arith.constant 32 : i32
      %broadcast_in_dim3A_37 = vector.broadcast %broadcast_in_dim3A_36 : i32 to vector<16xi32>
      %add3A_38 = vector.broadcast %scan3A_24 : i32 to vector<16xi32>
      %add3A_39 = arith.addi %broadcast_in_dim3A_37, %add3A_38 : vector<16xi32>
      %gather3A_40 = tpu.vector_load_idx %arg18[%add3A_39] : memref<64xi32, #tpu.memory_space<vmem>>[vector<16xi32>], vector<16xi32>,
      %broadcast_in_dim3A_41 = arith.constant 48 : i32
      %broadcast_in_dim3A_42 = vector.broadcast %broadcast_in_dim3A_41 : i32 to vector<16xi32>
      %add3A_43 = vector.broadcast %scan3A_24 : i32 to vector<16xi32>
      %add3A_44 = arith.addi %broadcast_in_dim3A_42, %add3A_43 : vector<16xi32>
      %gather3A_45 = tpu.vector_load_idx %arg18[%add3A_44] : memref<64xi32, #tpu.memory_space<vmem>>[vector<16xi32>], vector<16xi32>,
      %add3A_46 = arith.constant 0 : i32
      %add3A_47 = arith.addi %mul3A_2, %add3A_46 : i32
      %mul3A_48 = arith.constant 4 : i32
      %mul3A_49 = arith.muli %add3A_47, %mul3A_48 : i32
      %dma_start3A = tpu.memref_slice %arg2[%mul3A_49] : memref<4194304xf32, #tpu.memory_space<hbm>> -> memref<2048xf32, #tpu.memory_space<hbm>>
      %dma_start3A_50 = tpu.memref_slice %arg2[%mul3A_49] : memref<4194304xf32, #tpu.memory_space<hbm>> -> memref<2048xf32, #tpu.memory_space<hbm>>
      tpu.enqueue_dma source(%dma_start3A_50 : memref<2048xf32, #tpu.memory_space<hbm>>) target(%arg7 : memref<2048xf32, #tpu.memory_space<vmem>>) target_semaphore(%arg20 : memref<!tpu.dma_semaphore, #tpu.memory_space<semaphore_mem>>)
      %add3A_51 = arith.constant 512 : i32
      %add3A_52 = arith.addi %mul3A_2, %add3A_51 : i32
      %mul3A_53 = arith.constant 4 : i32
      %mul3A_54 = arith.muli %add3A_52, %mul3A_53 : i32
      %dma_start3A_55 = tpu.memref_slice %arg2[%mul3A_54] : memref<4194304xf32, #tpu.memory_space<hbm>> -> memref<2048xf32, #tpu.memory_space<hbm>>
      %dma_start3A_56 = tpu.memref_slice %arg2[%mul3A_54] : memref<4194304xf32, #tpu.memory_space<hbm>> -> memref<2048xf32, #tpu.memory_space<hbm>>
      tpu.enqueue_dma source(%dma_start3A_56 : memref<2048xf32, #tpu.memory_space<hbm>>) target(%arg8 : memref<2048xf32, #tpu.memory_space<vmem>>) target_semaphore(%arg21 : memref<!tpu.dma_semaphore, #tpu.memory_space<semaphore_mem>>)
      %dma_wait3A = arith.constant 0 : i32
      %dma_wait3A_57 = tpu.memref_slice %arg2[%dma_wait3A] : memref<4194304xf32, #tpu.memory_space<hbm>> -> memref<2048xf32, #tpu.memory_space<hbm>>
      %dma_wait3A_58 = arith.constant 0 : i32
      %dma_wait3A_59 = tpu.memref_slice %arg2[%dma_wait3A_58] : memref<4194304xf32, #tpu.memory_space<hbm>> -> memref<2048xf32, #tpu.memory_space<hbm>>
      tpu.wait_dma2 semaphore(%arg20 : memref<!tpu.dma_semaphore, #tpu.memory_space<semaphore_mem>>) src(%dma_wait3A_59 : memref<2048xf32, #tpu.memory_space<hbm>>) dst(%arg7 : memref<2048xf32, #tpu.memory_space<vmem>>)
      %scan3A_60 = arith.constant 0 : i32
      %scan3A_61 = arith.constant 0 : i32
      %scan3A_62 = arith.constant 32 : i32
      %scan3A_63 = arith.addi %scan3A_61, %scan3A_62 : i32
      %scan3A_64 = arith.constant 1 : i32
      scf.for %scan3A_88 = %scan3A_61 to %scan3A_63 step %scan3A_64  : i32 {
        %mul3A_89 = arith.constant 16 : i32
        %mul3A_90 = arith.muli %scan3A_88, %mul3A_89 : i32
        %shift_right_arithmetic3A = arith.constant 3 : i32
        %shift_right_arithmetic3A_91 = arith.shrsi %scan3A_88, %shift_right_arithmetic3A : i32
        %mul3A_92 = arith.constant 512 : i32
        %mul3A_93 = arith.muli %shift_right_arithmetic3A_91, %mul3A_92 : i32
        %and3A = arith.constant 7 : i32
        %and3A_94 = arith.andi %scan3A_88, %and3A : i32
        %mul3A_95 = arith.constant 16 : i32
        %mul3A_96 = arith.muli %and3A_94, %mul3A_95 : i32
        %add3A_97 = arith.addi %mul3A_93, %mul3A_96 : i32
        %get3A = arith.index_cast %add3A_97 : i32 to index
        %get3A_98 = tpu.vector_load %arg7[%get3A] {strides = array<i32>} : memref<2048xf32, #tpu.memory_space<vmem>>, vector<16xf32>,
        %add3A_99 = arith.constant 128 : i32
        %add3A_100 = arith.addi %add3A_97, %add3A_99 : i32
        %get3A_101 = arith.index_cast %add3A_100 : i32 to index
        %get3A_102 = tpu.vector_load %arg7[%get3A_101] {strides = array<i32>} : memref<2048xf32, #tpu.memory_space<vmem>>, vector<16xf32>,
        %add3A_103 = arith.constant 256 : i32
        %add3A_104 = arith.addi %add3A_97, %add3A_103 : i32
        %get3A_105 = arith.index_cast %add3A_104 : i32 to index
        %get3A_106 = tpu.vector_load %arg7[%get3A_105] {strides = array<i32>} : memref<2048xf32, #tpu.memory_space<vmem>>, vector<16xf32>,
        %mul3A_107 = arith.mulf %get3A_98, %gather3A : vector<16xf32>
        %add3A_108 = arith.constant 5.000000e-01 : f32
        %add3A_109 = vector.broadcast %add3A_108 : f32 to vector<16xf32>
        %add3A_110 = arith.addf %mul3A_107, %add3A_109 : vector<16xf32>
        %mul3A_111 = arith.mulf %get3A_102, %gather3A : vector<16xf32>
        %add3A_112 = arith.constant 5.000000e-01 : f32
        %add3A_113 = vector.broadcast %add3A_112 : f32 to vector<16xf32>
        %add3A_114 = arith.addf %mul3A_111, %add3A_113 : vector<16xf32>
        %mul3A_115 = arith.mulf %get3A_106, %gather3A : vector<16xf32>
        %add3A_116 = arith.constant 5.000000e-01 : f32
        %add3A_117 = vector.broadcast %add3A_116 : f32 to vector<16xf32>
        %add3A_118 = arith.addf %mul3A_115, %add3A_117 : vector<16xf32>
        %convert_element_type3A = arith.fptosi %add3A_110 : vector<16xf32> to vector<16xi32>
        %convert_element_type3A_119 = arith.fptosi %add3A_114 : vector<16xf32> to vector<16xi32>
        %convert_element_type3A_120 = arith.fptosi %add3A_118 : vector<16xf32> to vector<16xi32>
        %convert_element_type3A_121 = arith.sitofp %convert_element_type3A : vector<16xi32> to vector<16xf32>
        %sub3A = arith.subf %add3A_110, %convert_element_type3A_121 : vector<16xf32>
        %convert_element_type3A_122 = arith.sitofp %convert_element_type3A_119 : vector<16xi32> to vector<16xf32>
        %sub3A_123 = arith.subf %add3A_114, %convert_element_type3A_122 : vector<16xf32>
        %convert_element_type3A_124 = arith.sitofp %convert_element_type3A_120 : vector<16xi32> to vector<16xf32>
        %sub3A_125 = arith.subf %add3A_118, %convert_element_type3A_124 : vector<16xf32>
        %add3A_126 = arith.addi %convert_element_type3A, %gather3A_45 : vector<16xi32>
        %add3A_127 = arith.constant 1 : i32
        %add3A_128 = vector.broadcast %add3A_127 : i32 to vector<16xi32>
        %add3A_129 = arith.addi %add3A_126, %add3A_128 : vector<16xi32>
        %mul3A_130 = arith.muli %convert_element_type3A_119, %gather3A_30 : vector<16xi32>
        %add3A_131 = arith.addi %mul3A_130, %gather3A_30 : vector<16xi32>
        %mul3A_132 = arith.muli %convert_element_type3A_120, %gather3A_35 : vector<16xi32>
        %add3A_133 = arith.addi %mul3A_132, %gather3A_35 : vector<16xi32>
        %add3A_134 = arith.addi %mul3A_130, %mul3A_132 : vector<16xi32>
        %add3A_135 = arith.addi %add3A_131, %mul3A_132 : vector<16xi32>
        %add3A_136 = arith.addi %mul3A_130, %add3A_133 : vector<16xi32>
        %add3A_137 = arith.addi %add3A_131, %add3A_133 : vector<16xi32>
        %sub3A_138 = arith.constant 1.000000e+00 : f32
        %sub3A_139 = vector.broadcast %sub3A_138 : f32 to vector<16xf32>
        %sub3A_140 = arith.subf %sub3A_139, %sub3A : vector<16xf32>
        %sub3A_141 = arith.constant 1.000000e+00 : f32
        %sub3A_142 = vector.broadcast %sub3A_141 : f32 to vector<16xf32>
        %sub3A_143 = arith.subf %sub3A_142, %sub3A_123 : vector<16xf32>
        %sub3A_144 = arith.constant 1.000000e+00 : f32
        %sub3A_145 = vector.broadcast %sub3A_144 : f32 to vector<16xf32>
        %sub3A_146 = arith.subf %sub3A_145, %sub3A_125 : vector<16xf32>
        %mul3A_147 = arith.mulf %sub3A_143, %sub3A_146 : vector<16xf32>
        %mul3A_148 = arith.mulf %sub3A_123, %sub3A_146 : vector<16xf32>
        %mul3A_149 = arith.mulf %sub3A_143, %sub3A_125 : vector<16xf32>
        %mul3A_150 = arith.mulf %sub3A_123, %sub3A_125 : vector<16xf32>
        %add3A_151 = arith.addi %add3A_126, %add3A_134 : vector<16xi32>
        %sub3A_152 = arith.subi %add3A_151, %gather3A_40 : vector<16xi32>
        %lt3A = arith.cmpi slt, %sub3A_152, %gather3A_45 : vector<16xi32>
        %select_n3A = arith.select %lt3A, %add3A_151, %sub3A_152 : vector<16xi1>, vector<16xi32>
        %shift_right_arithmetic3A_153 = arith.constant 7 : i32
        %shift_right_arithmetic3A_154 = vector.broadcast %shift_right_arithmetic3A_153 : i32 to vector<16xi32>
        %shift_right_arithmetic3A_155 = arith.shrsi %select_n3A, %shift_right_arithmetic3A_154 : vector<16xi32>
        %shift_left3A = arith.constant 8 : i32
        %shift_left3A_156 = vector.broadcast %shift_left3A : i32 to vector<16xi32>
        %shift_left3A_157 = arith.shli %shift_right_arithmetic3A_155, %shift_left3A_156 : vector<16xi32>
        %and3A_158 = arith.constant 127 : i32
        %and3A_159 = vector.broadcast %and3A_158 : i32 to vector<16xi32>
        %and3A_160 = arith.andi %select_n3A, %and3A_159 : vector<16xi32>
        %add3A_161 = arith.addi %shift_left3A_157, %and3A_160 : vector<16xi32>
        %add3A_162 = arith.constant 0 : i32
        %add3A_163 = arith.addi %add3A_162, %mul3A_90 : i32
        %swap3A = arith.index_cast %add3A_163 : i32 to index
        %swap3A_164 = tpu.vector_load %arg9[%swap3A] {strides = array<i32>} : memref<8192xi32, #tpu.memory_space<vmem>>, vector<16xi32>,
        tpu.vector_store %arg9[%swap3A], %add3A_161 {strides = array<i32>} : memref<8192xi32, #tpu.memory_space<vmem>>, vector<16xi32>,
        %add3A_165 = arith.constant 128 : i32
        %add3A_166 = vector.broadcast %add3A_165 : i32 to vector<16xi32>
        %add3A_167 = arith.addi %add3A_161, %add3A_166 : vector<16xi32>
        %add3A_168 = arith.constant 4096 : i32
        %add3A_169 = arith.addi %add3A_168, %mul3A_90 : i32
        %swap3A_170 = arith.index_cast %add3A_169 : i32 to index
        %swap3A_171 = tpu.vector_load %arg9[%swap3A_170] {strides = array<i32>} : memref<8192xi32, #tpu.memory_space<vmem>>, vector<16xi32>,
        tpu.vector_store %arg9[%swap3A_170], %add3A_167 {strides = array<i32>} : memref<8192xi32, #tpu.memory_space<vmem>>, vector<16xi32>,
        %mul3A_172 = arith.mulf %sub3A_140, %mul3A_147 : vector<16xf32>
        %add3A_173 = arith.constant 0 : i32
        %add3A_174 = arith.addi %add3A_173, %mul3A_90 : i32
        %swap3A_175 = arith.index_cast %add3A_174 : i32 to index
        %swap3A_176 = tpu.vector_load %arg13[%swap3A_175] {strides = array<i32>} : memref<4096xf32, #tpu.memory_space<vmem>>, vector<16xf32>,
        tpu.vector_store %arg13[%swap3A_175], %mul3A_172 {strides = array<i32>} : memref<4096xf32, #tpu.memory_space<vmem>>, vector<16xf32>,
        %add3A_177 = arith.addi %add3A_129, %add3A_134 : vector<16xi32>
        %sub3A_178 = arith.subi %add3A_177, %gather3A_40 : vector<16xi32>
        %lt3A_179 = arith.cmpi slt, %sub3A_178, %gather3A_45 : vector<16xi32>
        %select_n3A_180 = arith.select %lt3A_179, %add3A_177, %sub3A_178 : vector<16xi1>, vector<16xi32>
        %shift_right_arithmetic3A_181 = arith.constant 7 : i32
        %shift_right_arithmetic3A_182 = vector.broadcast %shift_right_arithmetic3A_181 : i32 to vector<16xi32>
        %shift_right_arithmetic3A_183 = arith.shrsi %select_n3A_180, %shift_right_arithmetic3A_182 : vector<16xi32>
        %shift_left3A_184 = arith.constant 8 : i32
        %shift_left3A_185 = vector.broadcast %shift_left3A_184 : i32 to vector<16xi32>
        %shift_left3A_186 = arith.shli %shift_right_arithmetic3A_183, %shift_left3A_185 : vector<16xi32>
        %and3A_187 = arith.constant 127 : i32
        %and3A_188 = vector.broadcast %and3A_187 : i32 to vector<16xi32>
        %and3A_189 = arith.andi %select_n3A_180, %and3A_188 : vector<16xi32>
        %add3A_190 = arith.addi %shift_left3A_186, %and3A_189 : vector<16xi32>
        %add3A_191 = arith.constant 512 : i32
        %add3A_192 = arith.addi %add3A_191, %mul3A_90 : i32
        %swap3A_193 = arith.index_cast %add3A_192 : i32 to index
        %swap3A_194 = tpu.vector_load %arg9[%swap3A_193] {strides = array<i32>} : memref<8192xi32, #tpu.memory_space<vmem>>, vector<16xi32>,
        tpu.vector_store %arg9[%swap3A_193], %add3A_190 {strides = array<i32>} : memref<8192xi32, #tpu.memory_space<vmem>>, vector<16xi32>,
        %add3A_195 = arith.constant 128 : i32
        %add3A_196 = vector.broadcast %add3A_195 : i32 to vector<16xi32>
        %add3A_197 = arith.addi %add3A_190, %add3A_196 : vector<16xi32>
        %add3A_198 = arith.constant 4608 : i32
        %add3A_199 = arith.addi %add3A_198, %mul3A_90 : i32
        %swap3A_200 = arith.index_cast %add3A_199 : i32 to index
        %swap3A_201 = tpu.vector_load %arg9[%swap3A_200] {strides = array<i32>} : memref<8192xi32, #tpu.memory_space<vmem>>, vector<16xi32>,
        tpu.vector_store %arg9[%swap3A_200], %add3A_197 {strides = array<i32>} : memref<8192xi32, #tpu.memory_space<vmem>>, vector<16xi32>,
        %mul3A_202 = arith.mulf %sub3A, %mul3A_147 : vector<16xf32>
        %add3A_203 = arith.constant 512 : i32
        %add3A_204 = arith.addi %add3A_203, %mul3A_90 : i32
        %swap3A_205 = arith.index_cast %add3A_204 : i32 to index
        %swap3A_206 = tpu.vector_load %arg13[%swap3A_205] {strides = array<i32>} : memref<4096xf32, #tpu.memory_space<vmem>>, vector<16xf32>,
        tpu.vector_store %arg13[%swap3A_205], %mul3A_202 {strides = array<i32>} : memref<4096xf32, #tpu.memory_space<vmem>>, vector<16xf32>,
        %add3A_207 = arith.addi %add3A_126, %add3A_135 : vector<16xi32>
        %sub3A_208 = arith.subi %add3A_207, %gather3A_40 : vector<16xi32>
        %lt3A_209 = arith.cmpi slt, %sub3A_208, %gather3A_45 : vector<16xi32>
        %select_n3A_210 = arith.select %lt3A_209, %add3A_207, %sub3A_208 : vector<16xi1>, vector<16xi32>
        %shift_right_arithmetic3A_211 = arith.constant 7 : i32
        %shift_right_arithmetic3A_212 = vector.broadcast %shift_right_arithmetic3A_211 : i32 to vector<16xi32>
        %shift_right_arithmetic3A_213 = arith.shrsi %select_n3A_210, %shift_right_arithmetic3A_212 : vector<16xi32>
        %shift_left3A_214 = arith.constant 8 : i32
        %shift_left3A_215 = vector.broadcast %shift_left3A_214 : i32 to vector<16xi32>
        %shift_left3A_216 = arith.shli %shift_right_arithmetic3A_213, %shift_left3A_215 : vector<16xi32>
        %and3A_217 = arith.constant 127 : i32
        %and3A_218 = vector.broadcast %and3A_217 : i32 to vector<16xi32>
        %and3A_219 = arith.andi %select_n3A_210, %and3A_218 : vector<16xi32>
        %add3A_220 = arith.addi %shift_left3A_216, %and3A_219 : vector<16xi32>
        %add3A_221 = arith.constant 1024 : i32
        %add3A_222 = arith.addi %add3A_221, %mul3A_90 : i32
        %swap3A_223 = arith.index_cast %add3A_222 : i32 to index
        %swap3A_224 = tpu.vector_load %arg9[%swap3A_223] {strides = array<i32>} : memref<8192xi32, #tpu.memory_space<vmem>>, vector<16xi32>,
        tpu.vector_store %arg9[%swap3A_223], %add3A_220 {strides = array<i32>} : memref<8192xi32, #tpu.memory_space<vmem>>, vector<16xi32>,
        %add3A_225 = arith.constant 128 : i32
        %add3A_226 = vector.broadcast %add3A_225 : i32 to vector<16xi32>
        %add3A_227 = arith.addi %add3A_220, %add3A_226 : vector<16xi32>
        %add3A_228 = arith.constant 5120 : i32
        %add3A_229 = arith.addi %add3A_228, %mul3A_90 : i32
        %swap3A_230 = arith.index_cast %add3A_229 : i32 to index
        %swap3A_231 = tpu.vector_load %arg9[%swap3A_230] {strides = array<i32>} : memref<8192xi32, #tpu.memory_space<vmem>>, vector<16xi32>,
        tpu.vector_store %arg9[%swap3A_230], %add3A_227 {strides = array<i32>} : memref<8192xi32, #tpu.memory_space<vmem>>, vector<16xi32>,
        %mul3A_232 = arith.mulf %sub3A_140, %mul3A_148 : vector<16xf32>
        %add3A_233 = arith.constant 1024 : i32
        %add3A_234 = arith.addi %add3A_233, %mul3A_90 : i32
        %swap3A_235 = arith.index_cast %add3A_234 : i32 to index
        %swap3A_236 = tpu.vector_load %arg13[%swap3A_235] {strides = array<i32>} : memref<4096xf32, #tpu.memory_space<vmem>>, vector<16xf32>,
        tpu.vector_store %arg13[%swap3A_235], %mul3A_232 {strides = array<i32>} : memref<4096xf32, #tpu.memory_space<vmem>>, vector<16xf32>,
        %add3A_237 = arith.addi %add3A_129, %add3A_135 : vector<16xi32>
        %sub3A_238 = arith.subi %add3A_237, %gather3A_40 : vector<16xi32>
        %lt3A_239 = arith.cmpi slt, %sub3A_238, %gather3A_45 : vector<16xi32>
        %select_n3A_240 = arith.select %lt3A_239, %add3A_237, %sub3A_238 : vector<16xi1>, vector<16xi32>
        %shift_right_arithmetic3A_241 = arith.constant 7 : i32
        %shift_right_arithmetic3A_242 = vector.broadcast %shift_right_arithmetic3A_241 : i32 to vector<16xi32>
        %shift_right_arithmetic3A_243 = arith.shrsi %select_n3A_240, %shift_right_arithmetic3A_242 : vector<16xi32>
        %shift_left3A_244 = arith.constant 8 : i32
        %shift_left3A_245 = vector.broadcast %shift_left3A_244 : i32 to vector<16xi32>
        %shift_left3A_246 = arith.shli %shift_right_arithmetic3A_243, %shift_left3A_245 : vector<16xi32>
        %and3A_247 = arith.constant 127 : i32
        %and3A_248 = vector.broadcast %and3A_247 : i32 to vector<16xi32>
        %and3A_249 = arith.andi %select_n3A_240, %and3A_248 : vector<16xi32>
        %add3A_250 = arith.addi %shift_left3A_246, %and3A_249 : vector<16xi32>
        %add3A_251 = arith.constant 1536 : i32
        %add3A_252 = arith.addi %add3A_251, %mul3A_90 : i32
        %swap3A_253 = arith.index_cast %add3A_252 : i32 to index
        %swap3A_254 = tpu.vector_load %arg9[%swap3A_253] {strides = array<i32>} : memref<8192xi32, #tpu.memory_space<vmem>>, vector<16xi32>,
        tpu.vector_store %arg9[%swap3A_253], %add3A_250 {strides = array<i32>} : memref<8192xi32, #tpu.memory_space<vmem>>, vector<16xi32>,
        %add3A_255 = arith.constant 128 : i32
        %add3A_256 = vector.broadcast %add3A_255 : i32 to vector<16xi32>
        %add3A_257 = arith.addi %add3A_250, %add3A_256 : vector<16xi32>
        %add3A_258 = arith.constant 5632 : i32
        %add3A_259 = arith.addi %add3A_258, %mul3A_90 : i32
        %swap3A_260 = arith.index_cast %add3A_259 : i32 to index
        %swap3A_261 = tpu.vector_load %arg9[%swap3A_260] {strides = array<i32>} : memref<8192xi32, #tpu.memory_space<vmem>>, vector<16xi32>,
        tpu.vector_store %arg9[%swap3A_260], %add3A_257 {strides = array<i32>} : memref<8192xi32, #tpu.memory_space<vmem>>, vector<16xi32>,
        %mul3A_262 = arith.mulf %sub3A, %mul3A_148 : vector<16xf32>
        %add3A_263 = arith.constant 1536 : i32
        %add3A_264 = arith.addi %add3A_263, %mul3A_90 : i32
        %swap3A_265 = arith.index_cast %add3A_264 : i32 to index
        %swap3A_266 = tpu.vector_load %arg13[%swap3A_265] {strides = array<i32>} : memref<4096xf32, #tpu.memory_space<vmem>>, vector<16xf32>,
        tpu.vector_store %arg13[%swap3A_265], %mul3A_262 {strides = array<i32>} : memref<4096xf32, #tpu.memory_space<vmem>>, vector<16xf32>,
        %add3A_267 = arith.addi %add3A_126, %add3A_136 : vector<16xi32>
        %sub3A_268 = arith.subi %add3A_267, %gather3A_40 : vector<16xi32>
        %lt3A_269 = arith.cmpi slt, %sub3A_268, %gather3A_45 : vector<16xi32>
        %select_n3A_270 = arith.select %lt3A_269, %add3A_267, %sub3A_268 : vector<16xi1>, vector<16xi32>
        %shift_right_arithmetic3A_271 = arith.constant 7 : i32
        %shift_right_arithmetic3A_272 = vector.broadcast %shift_right_arithmetic3A_271 : i32 to vector<16xi32>
        %shift_right_arithmetic3A_273 = arith.shrsi %select_n3A_270, %shift_right_arithmetic3A_272 : vector<16xi32>
        %shift_left3A_274 = arith.constant 8 : i32
        %shift_left3A_275 = vector.broadcast %shift_left3A_274 : i32 to vector<16xi32>
        %shift_left3A_276 = arith.shli %shift_right_arithmetic3A_273, %shift_left3A_275 : vector<16xi32>
        %and3A_277 = arith.constant 127 : i32
        %and3A_278 = vector.broadcast %and3A_277 : i32 to vector<16xi32>
        %and3A_279 = arith.andi %select_n3A_270, %and3A_278 : vector<16xi32>
        %add3A_280 = arith.addi %shift_left3A_276, %and3A_279 : vector<16xi32>
        %add3A_281 = arith.constant 2048 : i32
        %add3A_282 = arith.addi %add3A_281, %mul3A_90 : i32
        %swap3A_283 = arith.index_cast %add3A_282 : i32 to index
        %swap3A_284 = tpu.vector_load %arg9[%swap3A_283] {strides = array<i32>} : memref<8192xi32, #tpu.memory_space<vmem>>, vector<16xi32>,
        tpu.vector_store %arg9[%swap3A_283], %add3A_280 {strides = array<i32>} : memref<8192xi32, #tpu.memory_space<vmem>>, vector<16xi32>,
        %add3A_285 = arith.constant 128 : i32
        %add3A_286 = vector.broadcast %add3A_285 : i32 to vector<16xi32>
        %add3A_287 = arith.addi %add3A_280, %add3A_286 : vector<16xi32>
        %add3A_288 = arith.constant 6144 : i32
        %add3A_289 = arith.addi %add3A_288, %mul3A_90 : i32
        %swap3A_290 = arith.index_cast %add3A_289 : i32 to index
        %swap3A_291 = tpu.vector_load %arg9[%swap3A_290] {strides = array<i32>} : memref<8192xi32, #tpu.memory_space<vmem>>, vector<16xi32>,
        tpu.vector_store %arg9[%swap3A_290], %add3A_287 {strides = array<i32>} : memref<8192xi32, #tpu.memory_space<vmem>>, vector<16xi32>,
        %mul3A_292 = arith.mulf %sub3A_140, %mul3A_149 : vector<16xf32>
        %add3A_293 = arith.constant 2048 : i32
        %add3A_294 = arith.addi %add3A_293, %mul3A_90 : i32
        %swap3A_295 = arith.index_cast %add3A_294 : i32 to index
        %swap3A_296 = tpu.vector_load %arg13[%swap3A_295] {strides = array<i32>} : memref<4096xf32, #tpu.memory_space<vmem>>, vector<16xf32>,
        tpu.vector_store %arg13[%swap3A_295], %mul3A_292 {strides = array<i32>} : memref<4096xf32, #tpu.memory_space<vmem>>, vector<16xf32>,
        %add3A_297 = arith.addi %add3A_129, %add3A_136 : vector<16xi32>
        %sub3A_298 = arith.subi %add3A_297, %gather3A_40 : vector<16xi32>
        %lt3A_299 = arith.cmpi slt, %sub3A_298, %gather3A_45 : vector<16xi32>
        %select_n3A_300 = arith.select %lt3A_299, %add3A_297, %sub3A_298 : vector<16xi1>, vector<16xi32>
        %shift_right_arithmetic3A_301 = arith.constant 7 : i32
        %shift_right_arithmetic3A_302 = vector.broadcast %shift_right_arithmetic3A_301 : i32 to vector<16xi32>
        %shift_right_arithmetic3A_303 = arith.shrsi %select_n3A_300, %shift_right_arithmetic3A_302 : vector<16xi32>
        %shift_left3A_304 = arith.constant 8 : i32
        %shift_left3A_305 = vector.broadcast %shift_left3A_304 : i32 to vector<16xi32>
        %shift_left3A_306 = arith.shli %shift_right_arithmetic3A_303, %shift_left3A_305 : vector<16xi32>
        %and3A_307 = arith.constant 127 : i32
        %and3A_308 = vector.broadcast %and3A_307 : i32 to vector<16xi32>
        %and3A_309 = arith.andi %select_n3A_300, %and3A_308 : vector<16xi32>
        %add3A_310 = arith.addi %shift_left3A_306, %and3A_309 : vector<16xi32>
        %add3A_311 = arith.constant 2560 : i32
        %add3A_312 = arith.addi %add3A_311, %mul3A_90 : i32
        %swap3A_313 = arith.index_cast %add3A_312 : i32 to index
        %swap3A_314 = tpu.vector_load %arg9[%swap3A_313] {strides = array<i32>} : memref<8192xi32, #tpu.memory_space<vmem>>, vector<16xi32>,
        tpu.vector_store %arg9[%swap3A_313], %add3A_310 {strides = array<i32>} : memref<8192xi32, #tpu.memory_space<vmem>>, vector<16xi32>,
        %add3A_315 = arith.constant 128 : i32
        %add3A_316 = vector.broadcast %add3A_315 : i32 to vector<16xi32>
        %add3A_317 = arith.addi %add3A_310, %add3A_316 : vector<16xi32>
        %add3A_318 = arith.constant 6656 : i32
        %add3A_319 = arith.addi %add3A_318, %mul3A_90 : i32
        %swap3A_320 = arith.index_cast %add3A_319 : i32 to index
        %swap3A_321 = tpu.vector_load %arg9[%swap3A_320] {strides = array<i32>} : memref<8192xi32, #tpu.memory_space<vmem>>, vector<16xi32>,
        tpu.vector_store %arg9[%swap3A_320], %add3A_317 {strides = array<i32>} : memref<8192xi32, #tpu.memory_space<vmem>>, vector<16xi32>,
        %mul3A_322 = arith.mulf %sub3A, %mul3A_149 : vector<16xf32>
        %add3A_323 = arith.constant 2560 : i32
        %add3A_324 = arith.addi %add3A_323, %mul3A_90 : i32
        %swap3A_325 = arith.index_cast %add3A_324 : i32 to index
        %swap3A_326 = tpu.vector_load %arg13[%swap3A_325] {strides = array<i32>} : memref<4096xf32, #tpu.memory_space<vmem>>, vector<16xf32>,
        tpu.vector_store %arg13[%swap3A_325], %mul3A_322 {strides = array<i32>} : memref<4096xf32, #tpu.memory_space<vmem>>, vector<16xf32>,
        %add3A_327 = arith.addi %add3A_126, %add3A_137 : vector<16xi32>
        %sub3A_328 = arith.subi %add3A_327, %gather3A_40 : vector<16xi32>
        %lt3A_329 = arith.cmpi slt, %sub3A_328, %gather3A_45 : vector<16xi32>
        %select_n3A_330 = arith.select %lt3A_329, %add3A_327, %sub3A_328 : vector<16xi1>, vector<16xi32>
        %shift_right_arithmetic3A_331 = arith.constant 7 : i32
        %shift_right_arithmetic3A_332 = vector.broadcast %shift_right_arithmetic3A_331 : i32 to vector<16xi32>
        %shift_right_arithmetic3A_333 = arith.shrsi %select_n3A_330, %shift_right_arithmetic3A_332 : vector<16xi32>
        %shift_left3A_334 = arith.constant 8 : i32
        %shift_left3A_335 = vector.broadcast %shift_left3A_334 : i32 to vector<16xi32>
        %shift_left3A_336 = arith.shli %shift_right_arithmetic3A_333, %shift_left3A_335 : vector<16xi32>
        %and3A_337 = arith.constant 127 : i32
        %and3A_338 = vector.broadcast %and3A_337 : i32 to vector<16xi32>
        %and3A_339 = arith.andi %select_n3A_330, %and3A_338 : vector<16xi32>
        %add3A_340 = arith.addi %shift_left3A_336, %and3A_339 : vector<16xi32>
        %add3A_341 = arith.constant 3072 : i32
        %add3A_342 = arith.addi %add3A_341, %mul3A_90 : i32
        %swap3A_343 = arith.index_cast %add3A_342 : i32 to index
        %swap3A_344 = tpu.vector_load %arg9[%swap3A_343] {strides = array<i32>} : memref<8192xi32, #tpu.memory_space<vmem>>, vector<16xi32>,
        tpu.vector_store %arg9[%swap3A_343], %add3A_340 {strides = array<i32>} : memref<8192xi32, #tpu.memory_space<vmem>>, vector<16xi32>,
        %add3A_345 = arith.constant 128 : i32
        %add3A_346 = vector.broadcast %add3A_345 : i32 to vector<16xi32>
        %add3A_347 = arith.addi %add3A_340, %add3A_346 : vector<16xi32>
        %add3A_348 = arith.constant 7168 : i32
        %add3A_349 = arith.addi %add3A_348, %mul3A_90 : i32
        %swap3A_350 = arith.index_cast %add3A_349 : i32 to index
        %swap3A_351 = tpu.vector_load %arg9[%swap3A_350] {strides = array<i32>} : memref<8192xi32, #tpu.memory_space<vmem>>, vector<16xi32>,
        tpu.vector_store %arg9[%swap3A_350], %add3A_347 {strides = array<i32>} : memref<8192xi32, #tpu.memory_space<vmem>>, vector<16xi32>,
        %mul3A_352 = arith.mulf %sub3A_140, %mul3A_150 : vector<16xf32>
        %add3A_353 = arith.constant 3072 : i32
        %add3A_354 = arith.addi %add3A_353, %mul3A_90 : i32
        %swap3A_355 = arith.index_cast %add3A_354 : i32 to index
        %swap3A_356 = tpu.vector_load %arg13[%swap3A_355] {strides = array<i32>} : memref<4096xf32, #tpu.memory_space<vmem>>, vector<16xf32>,
        tpu.vector_store %arg13[%swap3A_355], %mul3A_352 {strides = array<i32>} : memref<4096xf32, #tpu.memory_space<vmem>>, vector<16xf32>,
        %add3A_357 = arith.addi %add3A_129, %add3A_137 : vector<16xi32>
        %sub3A_358 = arith.subi %add3A_357, %gather3A_40 : vector<16xi32>
        %lt3A_359 = arith.cmpi slt, %sub3A_358, %gather3A_45 : vector<16xi32>
        %select_n3A_360 = arith.select %lt3A_359, %add3A_357, %sub3A_358 : vector<16xi1>, vector<16xi32>
        %shift_right_arithmetic3A_361 = arith.constant 7 : i32
        %shift_right_arithmetic3A_362 = vector.broadcast %shift_right_arithmetic3A_361 : i32 to vector<16xi32>
        %shift_right_arithmetic3A_363 = arith.shrsi %select_n3A_360, %shift_right_arithmetic3A_362 : vector<16xi32>
        %shift_left3A_364 = arith.constant 8 : i32
        %shift_left3A_365 = vector.broadcast %shift_left3A_364 : i32 to vector<16xi32>
        %shift_left3A_366 = arith.shli %shift_right_arithmetic3A_363, %shift_left3A_365 : vector<16xi32>
        %and3A_367 = arith.constant 127 : i32
        %and3A_368 = vector.broadcast %and3A_367 : i32 to vector<16xi32>
        %and3A_369 = arith.andi %select_n3A_360, %and3A_368 : vector<16xi32>
        %add3A_370 = arith.addi %shift_left3A_366, %and3A_369 : vector<16xi32>
        %add3A_371 = arith.constant 3584 : i32
        %add3A_372 = arith.addi %add3A_371, %mul3A_90 : i32
        %swap3A_373 = arith.index_cast %add3A_372 : i32 to index
        %swap3A_374 = tpu.vector_load %arg9[%swap3A_373] {strides = array<i32>} : memref<8192xi32, #tpu.memory_space<vmem>>, vector<16xi32>,
        tpu.vector_store %arg9[%swap3A_373], %add3A_370 {strides = array<i32>} : memref<8192xi32, #tpu.memory_space<vmem>>, vector<16xi32>,
        %add3A_375 = arith.constant 128 : i32
        %add3A_376 = vector.broadcast %add3A_375 : i32 to vector<16xi32>
        %add3A_377 = arith.addi %add3A_370, %add3A_376 : vector<16xi32>
        %add3A_378 = arith.constant 7680 : i32
        %add3A_379 = arith.addi %add3A_378, %mul3A_90 : i32
        %swap3A_380 = arith.index_cast %add3A_379 : i32 to index
        %swap3A_381 = tpu.vector_load %arg9[%swap3A_380] {strides = array<i32>} : memref<8192xi32, #tpu.memory_space<vmem>>, vector<16xi32>,
        tpu.vector_store %arg9[%swap3A_380], %add3A_377 {strides = array<i32>} : memref<8192xi32, #tpu.memory_space<vmem>>, vector<16xi32>,
        %mul3A_382 = arith.mulf %sub3A, %mul3A_150 : vector<16xf32>
        %add3A_383 = arith.constant 3584 : i32
        %add3A_384 = arith.addi %add3A_383, %mul3A_90 : i32
        %swap3A_385 = arith.index_cast %add3A_384 : i32 to index
        %swap3A_386 = tpu.vector_load %arg13[%swap3A_385] {strides = array<i32>} : memref<4096xf32, #tpu.memory_space<vmem>>, vector<16xf32>,
        tpu.vector_store %arg13[%swap3A_385], %mul3A_382 {strides = array<i32>} : memref<4096xf32, #tpu.memory_space<vmem>>, vector<16xf32>,
      }
      %scan3A_65 = arith.constant 32 : i32
      %dma_start3A_66 = arith.constant 0 : i32
      %dma_start3A_67 = tpu.memref_slice %arg19[%dma_start3A_66] : memref<1048832xf32, #tpu.memory_space<vmem_shared>> -> memref<1048832xf32, #tpu.memory_space<vmem_shared>>
      tpu.enqueue_indirect_dma source(%dma_start3A_67 : memref<1048832xf32, #tpu.memory_space<vmem_shared>>) target(%arg11 : memref<8192xf32, #tpu.memory_space<vmem>>) offsets(%arg9 : memref<8192xi32, #tpu.memory_space<vmem>>) semaphore(%arg22 : memref<!tpu.dma_semaphore, #tpu.memory_space<semaphore_mem>>)
      %add3A_68 = arith.constant 1024 : i32
      %add3A_69 = arith.addi %mul3A_2, %add3A_68 : i32
      %mul3A_70 = arith.constant 4 : i32
      %mul3A_71 = arith.muli %add3A_69, %mul3A_70 : i32
      %dma_start3A_72 = tpu.memref_slice %arg2[%mul3A_71] : memref<4194304xf32, #tpu.memory_space<hbm>> -> memref<2048xf32, #tpu.memory_space<hbm>>
      %dma_start3A_73 = tpu.memref_slice %arg2[%mul3A_71] : memref<4194304xf32, #tpu.memory_space<hbm>> -> memref<2048xf32, #tpu.memory_space<hbm>>
      tpu.enqueue_dma source(%dma_start3A_73 : memref<2048xf32, #tpu.memory_space<hbm>>) target(%arg7 : memref<2048xf32, #tpu.memory_space<vmem>>) target_semaphore(%arg20 : memref<!tpu.dma_semaphore, #tpu.memory_space<semaphore_mem>>)
      %scan3A_74 = arith.constant 0 : i32
      %scan3A_75 = arith.constant 0 : i32
      %scan3A_76 = arith.constant 32 : i32
      %scan3A_77 = arith.addi %scan3A_75, %scan3A_76 : i32
      %scan3A_78 = arith.constant 1 : i32
      scf.for %scan3A_88 = %scan3A_75 to %scan3A_77 step %scan3A_78  : i32 {
        %mul3A_89 = arith.constant 2 : i32
        %mul3A_90 = arith.muli %mul3A_89, %scan3A_88 : i32
        %dma_wait3A_91 = arith.constant 0 : i32
        %dma_wait3A_92 = tpu.memref_slice %arg2[%dma_wait3A_91] : memref<4194304xf32, #tpu.memory_space<hbm>> -> memref<2048xf32, #tpu.memory_space<hbm>>
        %dma_wait3A_93 = arith.constant 0 : i32
        %dma_wait3A_94 = tpu.memref_slice %arg2[%dma_wait3A_93] : memref<4194304xf32, #tpu.memory_space<hbm>> -> memref<2048xf32, #tpu.memory_space<hbm>>
        tpu.wait_dma2 semaphore(%arg21 : memref<!tpu.dma_semaphore, #tpu.memory_space<semaphore_mem>>) src(%dma_wait3A_94 : memref<2048xf32, #tpu.memory_space<hbm>>) dst(%arg8 : memref<2048xf32, #tpu.memory_space<vmem>>)
        %scan3A_95 = arith.constant 0 : i32
        %scan3A_96 = arith.constant 0 : i32
        %scan3A_97 = arith.constant 32 : i32
        %scan3A_98 = arith.addi %scan3A_96, %scan3A_97 : i32
        %scan3A_99 = arith.constant 1 : i32
        scf.for %scan3A_161 = %scan3A_96 to %scan3A_98 step %scan3A_99  : i32 {
          %mul3A_162 = arith.constant 16 : i32
          %mul3A_163 = arith.muli %scan3A_161, %mul3A_162 : i32
          %shift_right_arithmetic3A = arith.constant 3 : i32
          %shift_right_arithmetic3A_164 = arith.shrsi %scan3A_161, %shift_right_arithmetic3A : i32
          %mul3A_165 = arith.constant 512 : i32
          %mul3A_166 = arith.muli %shift_right_arithmetic3A_164, %mul3A_165 : i32
          %and3A = arith.constant 7 : i32
          %and3A_167 = arith.andi %scan3A_161, %and3A : i32
          %mul3A_168 = arith.constant 16 : i32
          %mul3A_169 = arith.muli %and3A_167, %mul3A_168 : i32
          %add3A_170 = arith.addi %mul3A_166, %mul3A_169 : i32
          %get3A = arith.index_cast %add3A_170 : i32 to index
          %get3A_171 = tpu.vector_load %arg8[%get3A] {strides = array<i32>} : memref<2048xf32, #tpu.memory_space<vmem>>, vector<16xf32>,
          %add3A_172 = arith.constant 128 : i32
          %add3A_173 = arith.addi %add3A_170, %add3A_172 : i32
          %get3A_174 = arith.index_cast %add3A_173 : i32 to index
          %get3A_175 = tpu.vector_load %arg8[%get3A_174] {strides = array<i32>} : memref<2048xf32, #tpu.memory_space<vmem>>, vector<16xf32>,
          %add3A_176 = arith.constant 256 : i32
          %add3A_177 = arith.addi %add3A_170, %add3A_176 : i32
          %get3A_178 = arith.index_cast %add3A_177 : i32 to index
          %get3A_179 = tpu.vector_load %arg8[%get3A_178] {strides = array<i32>} : memref<2048xf32, #tpu.memory_space<vmem>>, vector<16xf32>,
          %mul3A_180 = arith.mulf %get3A_171, %gather3A : vector<16xf32>
          %add3A_181 = arith.constant 5.000000e-01 : f32
          %add3A_182 = vector.broadcast %add3A_181 : f32 to vector<16xf32>
          %add3A_183 = arith.addf %mul3A_180, %add3A_182 : vector<16xf32>
          %mul3A_184 = arith.mulf %get3A_175, %gather3A : vector<16xf32>
          %add3A_185 = arith.constant 5.000000e-01 : f32
          %add3A_186 = vector.broadcast %add3A_185 : f32 to vector<16xf32>
          %add3A_187 = arith.addf %mul3A_184, %add3A_186 : vector<16xf32>
          %mul3A_188 = arith.mulf %get3A_179, %gather3A : vector<16xf32>
          %add3A_189 = arith.constant 5.000000e-01 : f32
          %add3A_190 = vector.broadcast %add3A_189 : f32 to vector<16xf32>
          %add3A_191 = arith.addf %mul3A_188, %add3A_190 : vector<16xf32>
          %convert_element_type3A_192 = arith.fptosi %add3A_183 : vector<16xf32> to vector<16xi32>
          %convert_element_type3A_193 = arith.fptosi %add3A_187 : vector<16xf32> to vector<16xi32>
          %convert_element_type3A_194 = arith.fptosi %add3A_191 : vector<16xf32> to vector<16xi32>
          %convert_element_type3A_195 = arith.sitofp %convert_element_type3A_192 : vector<16xi32> to vector<16xf32>
          %sub3A = arith.subf %add3A_183, %convert_element_type3A_195 : vector<16xf32>
          %convert_element_type3A_196 = arith.sitofp %convert_element_type3A_193 : vector<16xi32> to vector<16xf32>
          %sub3A_197 = arith.subf %add3A_187, %convert_element_type3A_196 : vector<16xf32>
          %convert_element_type3A_198 = arith.sitofp %convert_element_type3A_194 : vector<16xi32> to vector<16xf32>
          %sub3A_199 = arith.subf %add3A_191, %convert_element_type3A_198 : vector<16xf32>
          %add3A_200 = arith.addi %convert_element_type3A_192, %gather3A_45 : vector<16xi32>
          %add3A_201 = arith.constant 1 : i32
          %add3A_202 = vector.broadcast %add3A_201 : i32 to vector<16xi32>
          %add3A_203 = arith.addi %add3A_200, %add3A_202 : vector<16xi32>
          %mul3A_204 = arith.muli %convert_element_type3A_193, %gather3A_30 : vector<16xi32>
          %add3A_205 = arith.addi %mul3A_204, %gather3A_30 : vector<16xi32>
          %mul3A_206 = arith.muli %convert_element_type3A_194, %gather3A_35 : vector<16xi32>
          %add3A_207 = arith.addi %mul3A_206, %gather3A_35 : vector<16xi32>
          %add3A_208 = arith.addi %mul3A_204, %mul3A_206 : vector<16xi32>
          %add3A_209 = arith.addi %add3A_205, %mul3A_206 : vector<16xi32>
          %add3A_210 = arith.addi %mul3A_204, %add3A_207 : vector<16xi32>
          %add3A_211 = arith.addi %add3A_205, %add3A_207 : vector<16xi32>
          %sub3A_212 = arith.constant 1.000000e+00 : f32
          %sub3A_213 = vector.broadcast %sub3A_212 : f32 to vector<16xf32>
          %sub3A_214 = arith.subf %sub3A_213, %sub3A : vector<16xf32>
          %sub3A_215 = arith.constant 1.000000e+00 : f32
          %sub3A_216 = vector.broadcast %sub3A_215 : f32 to vector<16xf32>
          %sub3A_217 = arith.subf %sub3A_216, %sub3A_197 : vector<16xf32>
          %sub3A_218 = arith.constant 1.000000e+00 : f32
          %sub3A_219 = vector.broadcast %sub3A_218 : f32 to vector<16xf32>
          %sub3A_220 = arith.subf %sub3A_219, %sub3A_199 : vector<16xf32>
          %mul3A_221 = arith.mulf %sub3A_217, %sub3A_220 : vector<16xf32>
          %mul3A_222 = arith.mulf %sub3A_197, %sub3A_220 : vector<16xf32>
          %mul3A_223 = arith.mulf %sub3A_217, %sub3A_199 : vector<16xf32>
          %mul3A_224 = arith.mulf %sub3A_197, %sub3A_199 : vector<16xf32>
          %add3A_225 = arith.addi %add3A_200, %add3A_208 : vector<16xi32>
          %sub3A_226 = arith.subi %add3A_225, %gather3A_40 : vector<16xi32>
          %lt3A_227 = arith.cmpi slt, %sub3A_226, %gather3A_45 : vector<16xi32>
          %select_n3A = arith.select %lt3A_227, %add3A_225, %sub3A_226 : vector<16xi1>, vector<16xi32>
          %shift_right_arithmetic3A_228 = arith.constant 7 : i32
          %shift_right_arithmetic3A_229 = vector.broadcast %shift_right_arithmetic3A_228 : i32 to vector<16xi32>
          %shift_right_arithmetic3A_230 = arith.shrsi %select_n3A, %shift_right_arithmetic3A_229 : vector<16xi32>
          %shift_left3A = arith.constant 8 : i32
          %shift_left3A_231 = vector.broadcast %shift_left3A : i32 to vector<16xi32>
          %shift_left3A_232 = arith.shli %shift_right_arithmetic3A_230, %shift_left3A_231 : vector<16xi32>
          %and3A_233 = arith.constant 127 : i32
          %and3A_234 = vector.broadcast %and3A_233 : i32 to vector<16xi32>
          %and3A_235 = arith.andi %select_n3A, %and3A_234 : vector<16xi32>
          %add3A_236 = arith.addi %shift_left3A_232, %and3A_235 : vector<16xi32>
          %add3A_237 = arith.constant 0 : i32
          %add3A_238 = arith.addi %add3A_237, %mul3A_163 : i32
          %swap3A = arith.index_cast %add3A_238 : i32 to index
          %swap3A_239 = tpu.vector_load %arg10[%swap3A] {strides = array<i32>} : memref<8192xi32, #tpu.memory_space<vmem>>, vector<16xi32>,
          tpu.vector_store %arg10[%swap3A], %add3A_236 {strides = array<i32>} : memref<8192xi32, #tpu.memory_space<vmem>>, vector<16xi32>,
          %add3A_240 = arith.constant 128 : i32
          %add3A_241 = vector.broadcast %add3A_240 : i32 to vector<16xi32>
          %add3A_242 = arith.addi %add3A_236, %add3A_241 : vector<16xi32>
          %add3A_243 = arith.constant 4096 : i32
          %add3A_244 = arith.addi %add3A_243, %mul3A_163 : i32
          %swap3A_245 = arith.index_cast %add3A_244 : i32 to index
          %swap3A_246 = tpu.vector_load %arg10[%swap3A_245] {strides = array<i32>} : memref<8192xi32, #tpu.memory_space<vmem>>, vector<16xi32>,
          tpu.vector_store %arg10[%swap3A_245], %add3A_242 {strides = array<i32>} : memref<8192xi32, #tpu.memory_space<vmem>>, vector<16xi32>,
          %mul3A_247 = arith.mulf %sub3A_214, %mul3A_221 : vector<16xf32>
          %add3A_248 = arith.constant 0 : i32
          %add3A_249 = arith.addi %add3A_248, %mul3A_163 : i32
          %swap3A_250 = arith.index_cast %add3A_249 : i32 to index
          %swap3A_251 = tpu.vector_load %arg14[%swap3A_250] {strides = array<i32>} : memref<4096xf32, #tpu.memory_space<vmem>>, vector<16xf32>,
          tpu.vector_store %arg14[%swap3A_250], %mul3A_247 {strides = array<i32>} : memref<4096xf32, #tpu.memory_space<vmem>>, vector<16xf32>,
          %add3A_252 = arith.addi %add3A_203, %add3A_208 : vector<16xi32>
          %sub3A_253 = arith.subi %add3A_252, %gather3A_40 : vector<16xi32>
          %lt3A_254 = arith.cmpi slt, %sub3A_253, %gather3A_45 : vector<16xi32>
          %select_n3A_255 = arith.select %lt3A_254, %add3A_252, %sub3A_253 : vector<16xi1>, vector<16xi32>
          %shift_right_arithmetic3A_256 = arith.constant 7 : i32
          %shift_right_arithmetic3A_257 = vector.broadcast %shift_right_arithmetic3A_256 : i32 to vector<16xi32>
          %shift_right_arithmetic3A_258 = arith.shrsi %select_n3A_255, %shift_right_arithmetic3A_257 : vector<16xi32>
          %shift_left3A_259 = arith.constant 8 : i32
          %shift_left3A_260 = vector.broadcast %shift_left3A_259 : i32 to vector<16xi32>
          %shift_left3A_261 = arith.shli %shift_right_arithmetic3A_258, %shift_left3A_260 : vector<16xi32>
          %and3A_262 = arith.constant 127 : i32
          %and3A_263 = vector.broadcast %and3A_262 : i32 to vector<16xi32>
          %and3A_264 = arith.andi %select_n3A_255, %and3A_263 : vector<16xi32>
          %add3A_265 = arith.addi %shift_left3A_261, %and3A_264 : vector<16xi32>
          %add3A_266 = arith.constant 512 : i32
          %add3A_267 = arith.addi %add3A_266, %mul3A_163 : i32
          %swap3A_268 = arith.index_cast %add3A_267 : i32 to index
          %swap3A_269 = tpu.vector_load %arg10[%swap3A_268] {strides = array<i32>} : memref<8192xi32, #tpu.memory_space<vmem>>, vector<16xi32>,
          tpu.vector_store %arg10[%swap3A_268], %add3A_265 {strides = array<i32>} : memref<8192xi32, #tpu.memory_space<vmem>>, vector<16xi32>,
          %add3A_270 = arith.constant 128 : i32
          %add3A_271 = vector.broadcast %add3A_270 : i32 to vector<16xi32>
          %add3A_272 = arith.addi %add3A_265, %add3A_271 : vector<16xi32>
          %add3A_273 = arith.constant 4608 : i32
          %add3A_274 = arith.addi %add3A_273, %mul3A_163 : i32
          %swap3A_275 = arith.index_cast %add3A_274 : i32 to index
          %swap3A_276 = tpu.vector_load %arg10[%swap3A_275] {strides = array<i32>} : memref<8192xi32, #tpu.memory_space<vmem>>, vector<16xi32>,
          tpu.vector_store %arg10[%swap3A_275], %add3A_272 {strides = array<i32>} : memref<8192xi32, #tpu.memory_space<vmem>>, vector<16xi32>,
          %mul3A_277 = arith.mulf %sub3A, %mul3A_221 : vector<16xf32>
          %add3A_278 = arith.constant 512 : i32
          %add3A_279 = arith.addi %add3A_278, %mul3A_163 : i32
          %swap3A_280 = arith.index_cast %add3A_279 : i32 to index
          %swap3A_281 = tpu.vector_load %arg14[%swap3A_280] {strides = array<i32>} : memref<4096xf32, #tpu.memory_space<vmem>>, vector<16xf32>,
          tpu.vector_store %arg14[%swap3A_280], %mul3A_277 {strides = array<i32>} : memref<4096xf32, #tpu.memory_space<vmem>>, vector<16xf32>,
          %add3A_282 = arith.addi %add3A_200, %add3A_209 : vector<16xi32>
          %sub3A_283 = arith.subi %add3A_282, %gather3A_40 : vector<16xi32>
          %lt3A_284 = arith.cmpi slt, %sub3A_283, %gather3A_45 : vector<16xi32>
          %select_n3A_285 = arith.select %lt3A_284, %add3A_282, %sub3A_283 : vector<16xi1>, vector<16xi32>
          %shift_right_arithmetic3A_286 = arith.constant 7 : i32
          %shift_right_arithmetic3A_287 = vector.broadcast %shift_right_arithmetic3A_286 : i32 to vector<16xi32>
          %shift_right_arithmetic3A_288 = arith.shrsi %select_n3A_285, %shift_right_arithmetic3A_287 : vector<16xi32>
          %shift_left3A_289 = arith.constant 8 : i32
          %shift_left3A_290 = vector.broadcast %shift_left3A_289 : i32 to vector<16xi32>
          %shift_left3A_291 = arith.shli %shift_right_arithmetic3A_288, %shift_left3A_290 : vector<16xi32>
          %and3A_292 = arith.constant 127 : i32
          %and3A_293 = vector.broadcast %and3A_292 : i32 to vector<16xi32>
          %and3A_294 = arith.andi %select_n3A_285, %and3A_293 : vector<16xi32>
          %add3A_295 = arith.addi %shift_left3A_291, %and3A_294 : vector<16xi32>
          %add3A_296 = arith.constant 1024 : i32
          %add3A_297 = arith.addi %add3A_296, %mul3A_163 : i32
          %swap3A_298 = arith.index_cast %add3A_297 : i32 to index
          %swap3A_299 = tpu.vector_load %arg10[%swap3A_298] {strides = array<i32>} : memref<8192xi32, #tpu.memory_space<vmem>>, vector<16xi32>,
          tpu.vector_store %arg10[%swap3A_298], %add3A_295 {strides = array<i32>} : memref<8192xi32, #tpu.memory_space<vmem>>, vector<16xi32>,
          %add3A_300 = arith.constant 128 : i32
          %add3A_301 = vector.broadcast %add3A_300 : i32 to vector<16xi32>
          %add3A_302 = arith.addi %add3A_295, %add3A_301 : vector<16xi32>
          %add3A_303 = arith.constant 5120 : i32
          %add3A_304 = arith.addi %add3A_303, %mul3A_163 : i32
          %swap3A_305 = arith.index_cast %add3A_304 : i32 to index
          %swap3A_306 = tpu.vector_load %arg10[%swap3A_305] {strides = array<i32>} : memref<8192xi32, #tpu.memory_space<vmem>>, vector<16xi32>,
          tpu.vector_store %arg10[%swap3A_305], %add3A_302 {strides = array<i32>} : memref<8192xi32, #tpu.memory_space<vmem>>, vector<16xi32>,
          %mul3A_307 = arith.mulf %sub3A_214, %mul3A_222 : vector<16xf32>
          %add3A_308 = arith.constant 1024 : i32
          %add3A_309 = arith.addi %add3A_308, %mul3A_163 : i32
          %swap3A_310 = arith.index_cast %add3A_309 : i32 to index
          %swap3A_311 = tpu.vector_load %arg14[%swap3A_310] {strides = array<i32>} : memref<4096xf32, #tpu.memory_space<vmem>>, vector<16xf32>,
          tpu.vector_store %arg14[%swap3A_310], %mul3A_307 {strides = array<i32>} : memref<4096xf32, #tpu.memory_space<vmem>>, vector<16xf32>,
          %add3A_312 = arith.addi %add3A_203, %add3A_209 : vector<16xi32>
          %sub3A_313 = arith.subi %add3A_312, %gather3A_40 : vector<16xi32>
          %lt3A_314 = arith.cmpi slt, %sub3A_313, %gather3A_45 : vector<16xi32>
          %select_n3A_315 = arith.select %lt3A_314, %add3A_312, %sub3A_313 : vector<16xi1>, vector<16xi32>
          %shift_right_arithmetic3A_316 = arith.constant 7 : i32
          %shift_right_arithmetic3A_317 = vector.broadcast %shift_right_arithmetic3A_316 : i32 to vector<16xi32>
          %shift_right_arithmetic3A_318 = arith.shrsi %select_n3A_315, %shift_right_arithmetic3A_317 : vector<16xi32>
          %shift_left3A_319 = arith.constant 8 : i32
          %shift_left3A_320 = vector.broadcast %shift_left3A_319 : i32 to vector<16xi32>
          %shift_left3A_321 = arith.shli %shift_right_arithmetic3A_318, %shift_left3A_320 : vector<16xi32>
          %and3A_322 = arith.constant 127 : i32
          %and3A_323 = vector.broadcast %and3A_322 : i32 to vector<16xi32>
          %and3A_324 = arith.andi %select_n3A_315, %and3A_323 : vector<16xi32>
          %add3A_325 = arith.addi %shift_left3A_321, %and3A_324 : vector<16xi32>
          %add3A_326 = arith.constant 1536 : i32
          %add3A_327 = arith.addi %add3A_326, %mul3A_163 : i32
          %swap3A_328 = arith.index_cast %add3A_327 : i32 to index
          %swap3A_329 = tpu.vector_load %arg10[%swap3A_328] {strides = array<i32>} : memref<8192xi32, #tpu.memory_space<vmem>>, vector<16xi32>,
          tpu.vector_store %arg10[%swap3A_328], %add3A_325 {strides = array<i32>} : memref<8192xi32, #tpu.memory_space<vmem>>, vector<16xi32>,
          %add3A_330 = arith.constant 128 : i32
          %add3A_331 = vector.broadcast %add3A_330 : i32 to vector<16xi32>
          %add3A_332 = arith.addi %add3A_325, %add3A_331 : vector<16xi32>
          %add3A_333 = arith.constant 5632 : i32
          %add3A_334 = arith.addi %add3A_333, %mul3A_163 : i32
          %swap3A_335 = arith.index_cast %add3A_334 : i32 to index
          %swap3A_336 = tpu.vector_load %arg10[%swap3A_335] {strides = array<i32>} : memref<8192xi32, #tpu.memory_space<vmem>>, vector<16xi32>,
          tpu.vector_store %arg10[%swap3A_335], %add3A_332 {strides = array<i32>} : memref<8192xi32, #tpu.memory_space<vmem>>, vector<16xi32>,
          %mul3A_337 = arith.mulf %sub3A, %mul3A_222 : vector<16xf32>
          %add3A_338 = arith.constant 1536 : i32
          %add3A_339 = arith.addi %add3A_338, %mul3A_163 : i32
          %swap3A_340 = arith.index_cast %add3A_339 : i32 to index
          %swap3A_341 = tpu.vector_load %arg14[%swap3A_340] {strides = array<i32>} : memref<4096xf32, #tpu.memory_space<vmem>>, vector<16xf32>,
          tpu.vector_store %arg14[%swap3A_340], %mul3A_337 {strides = array<i32>} : memref<4096xf32, #tpu.memory_space<vmem>>, vector<16xf32>,
          %add3A_342 = arith.addi %add3A_200, %add3A_210 : vector<16xi32>
          %sub3A_343 = arith.subi %add3A_342, %gather3A_40 : vector<16xi32>
          %lt3A_344 = arith.cmpi slt, %sub3A_343, %gather3A_45 : vector<16xi32>
          %select_n3A_345 = arith.select %lt3A_344, %add3A_342, %sub3A_343 : vector<16xi1>, vector<16xi32>
          %shift_right_arithmetic3A_346 = arith.constant 7 : i32
          %shift_right_arithmetic3A_347 = vector.broadcast %shift_right_arithmetic3A_346 : i32 to vector<16xi32>
          %shift_right_arithmetic3A_348 = arith.shrsi %select_n3A_345, %shift_right_arithmetic3A_347 : vector<16xi32>
          %shift_left3A_349 = arith.constant 8 : i32
          %shift_left3A_350 = vector.broadcast %shift_left3A_349 : i32 to vector<16xi32>
          %shift_left3A_351 = arith.shli %shift_right_arithmetic3A_348, %shift_left3A_350 : vector<16xi32>
          %and3A_352 = arith.constant 127 : i32
          %and3A_353 = vector.broadcast %and3A_352 : i32 to vector<16xi32>
          %and3A_354 = arith.andi %select_n3A_345, %and3A_353 : vector<16xi32>
          %add3A_355 = arith.addi %shift_left3A_351, %and3A_354 : vector<16xi32>
          %add3A_356 = arith.constant 2048 : i32
          %add3A_357 = arith.addi %add3A_356, %mul3A_163 : i32
          %swap3A_358 = arith.index_cast %add3A_357 : i32 to index
          %swap3A_359 = tpu.vector_load %arg10[%swap3A_358] {strides = array<i32>} : memref<8192xi32, #tpu.memory_space<vmem>>, vector<16xi32>,
          tpu.vector_store %arg10[%swap3A_358], %add3A_355 {strides = array<i32>} : memref<8192xi32, #tpu.memory_space<vmem>>, vector<16xi32>,
          %add3A_360 = arith.constant 128 : i32
          %add3A_361 = vector.broadcast %add3A_360 : i32 to vector<16xi32>
          %add3A_362 = arith.addi %add3A_355, %add3A_361 : vector<16xi32>
          %add3A_363 = arith.constant 6144 : i32
          %add3A_364 = arith.addi %add3A_363, %mul3A_163 : i32
          %swap3A_365 = arith.index_cast %add3A_364 : i32 to index
          %swap3A_366 = tpu.vector_load %arg10[%swap3A_365] {strides = array<i32>} : memref<8192xi32, #tpu.memory_space<vmem>>, vector<16xi32>,
          tpu.vector_store %arg10[%swap3A_365], %add3A_362 {strides = array<i32>} : memref<8192xi32, #tpu.memory_space<vmem>>, vector<16xi32>,
          %mul3A_367 = arith.mulf %sub3A_214, %mul3A_223 : vector<16xf32>
          %add3A_368 = arith.constant 2048 : i32
          %add3A_369 = arith.addi %add3A_368, %mul3A_163 : i32
          %swap3A_370 = arith.index_cast %add3A_369 : i32 to index
          %swap3A_371 = tpu.vector_load %arg14[%swap3A_370] {strides = array<i32>} : memref<4096xf32, #tpu.memory_space<vmem>>, vector<16xf32>,
          tpu.vector_store %arg14[%swap3A_370], %mul3A_367 {strides = array<i32>} : memref<4096xf32, #tpu.memory_space<vmem>>, vector<16xf32>,
          %add3A_372 = arith.addi %add3A_203, %add3A_210 : vector<16xi32>
          %sub3A_373 = arith.subi %add3A_372, %gather3A_40 : vector<16xi32>
          %lt3A_374 = arith.cmpi slt, %sub3A_373, %gather3A_45 : vector<16xi32>
          %select_n3A_375 = arith.select %lt3A_374, %add3A_372, %sub3A_373 : vector<16xi1>, vector<16xi32>
          %shift_right_arithmetic3A_376 = arith.constant 7 : i32
          %shift_right_arithmetic3A_377 = vector.broadcast %shift_right_arithmetic3A_376 : i32 to vector<16xi32>
          %shift_right_arithmetic3A_378 = arith.shrsi %select_n3A_375, %shift_right_arithmetic3A_377 : vector<16xi32>
          %shift_left3A_379 = arith.constant 8 : i32
          %shift_left3A_380 = vector.broadcast %shift_left3A_379 : i32 to vector<16xi32>
          %shift_left3A_381 = arith.shli %shift_right_arithmetic3A_378, %shift_left3A_380 : vector<16xi32>
          %and3A_382 = arith.constant 127 : i32
          %and3A_383 = vector.broadcast %and3A_382 : i32 to vector<16xi32>
          %and3A_384 = arith.andi %select_n3A_375, %and3A_383 : vector<16xi32>
          %add3A_385 = arith.addi %shift_left3A_381, %and3A_384 : vector<16xi32>
          %add3A_386 = arith.constant 2560 : i32
          %add3A_387 = arith.addi %add3A_386, %mul3A_163 : i32
          %swap3A_388 = arith.index_cast %add3A_387 : i32 to index
          %swap3A_389 = tpu.vector_load %arg10[%swap3A_388] {strides = array<i32>} : memref<8192xi32, #tpu.memory_space<vmem>>, vector<16xi32>,
          tpu.vector_store %arg10[%swap3A_388], %add3A_385 {strides = array<i32>} : memref<8192xi32, #tpu.memory_space<vmem>>, vector<16xi32>,
          %add3A_390 = arith.constant 128 : i32
          %add3A_391 = vector.broadcast %add3A_390 : i32 to vector<16xi32>
          %add3A_392 = arith.addi %add3A_385, %add3A_391 : vector<16xi32>
          %add3A_393 = arith.constant 6656 : i32
          %add3A_394 = arith.addi %add3A_393, %mul3A_163 : i32
          %swap3A_395 = arith.index_cast %add3A_394 : i32 to index
          %swap3A_396 = tpu.vector_load %arg10[%swap3A_395] {strides = array<i32>} : memref<8192xi32, #tpu.memory_space<vmem>>, vector<16xi32>,
          tpu.vector_store %arg10[%swap3A_395], %add3A_392 {strides = array<i32>} : memref<8192xi32, #tpu.memory_space<vmem>>, vector<16xi32>,
          %mul3A_397 = arith.mulf %sub3A, %mul3A_223 : vector<16xf32>
          %add3A_398 = arith.constant 2560 : i32
          %add3A_399 = arith.addi %add3A_398, %mul3A_163 : i32
          %swap3A_400 = arith.index_cast %add3A_399 : i32 to index
          %swap3A_401 = tpu.vector_load %arg14[%swap3A_400] {strides = array<i32>} : memref<4096xf32, #tpu.memory_space<vmem>>, vector<16xf32>,
          tpu.vector_store %arg14[%swap3A_400], %mul3A_397 {strides = array<i32>} : memref<4096xf32, #tpu.memory_space<vmem>>, vector<16xf32>,
          %add3A_402 = arith.addi %add3A_200, %add3A_211 : vector<16xi32>
          %sub3A_403 = arith.subi %add3A_402, %gather3A_40 : vector<16xi32>
          %lt3A_404 = arith.cmpi slt, %sub3A_403, %gather3A_45 : vector<16xi32>
          %select_n3A_405 = arith.select %lt3A_404, %add3A_402, %sub3A_403 : vector<16xi1>, vector<16xi32>
          %shift_right_arithmetic3A_406 = arith.constant 7 : i32
          %shift_right_arithmetic3A_407 = vector.broadcast %shift_right_arithmetic3A_406 : i32 to vector<16xi32>
          %shift_right_arithmetic3A_408 = arith.shrsi %select_n3A_405, %shift_right_arithmetic3A_407 : vector<16xi32>
          %shift_left3A_409 = arith.constant 8 : i32
          %shift_left3A_410 = vector.broadcast %shift_left3A_409 : i32 to vector<16xi32>
          %shift_left3A_411 = arith.shli %shift_right_arithmetic3A_408, %shift_left3A_410 : vector<16xi32>
          %and3A_412 = arith.constant 127 : i32
          %and3A_413 = vector.broadcast %and3A_412 : i32 to vector<16xi32>
          %and3A_414 = arith.andi %select_n3A_405, %and3A_413 : vector<16xi32>
          %add3A_415 = arith.addi %shift_left3A_411, %and3A_414 : vector<16xi32>
          %add3A_416 = arith.constant 3072 : i32
          %add3A_417 = arith.addi %add3A_416, %mul3A_163 : i32
          %swap3A_418 = arith.index_cast %add3A_417 : i32 to index
          %swap3A_419 = tpu.vector_load %arg10[%swap3A_418] {strides = array<i32>} : memref<8192xi32, #tpu.memory_space<vmem>>, vector<16xi32>,
          tpu.vector_store %arg10[%swap3A_418], %add3A_415 {strides = array<i32>} : memref<8192xi32, #tpu.memory_space<vmem>>, vector<16xi32>,
          %add3A_420 = arith.constant 128 : i32
          %add3A_421 = vector.broadcast %add3A_420 : i32 to vector<16xi32>
          %add3A_422 = arith.addi %add3A_415, %add3A_421 : vector<16xi32>
          %add3A_423 = arith.constant 7168 : i32
          %add3A_424 = arith.addi %add3A_423, %mul3A_163 : i32
          %swap3A_425 = arith.index_cast %add3A_424 : i32 to index
          %swap3A_426 = tpu.vector_load %arg10[%swap3A_425] {strides = array<i32>} : memref<8192xi32, #tpu.memory_space<vmem>>, vector<16xi32>,
          tpu.vector_store %arg10[%swap3A_425], %add3A_422 {strides = array<i32>} : memref<8192xi32, #tpu.memory_space<vmem>>, vector<16xi32>,
          %mul3A_427 = arith.mulf %sub3A_214, %mul3A_224 : vector<16xf32>
          %add3A_428 = arith.constant 3072 : i32
          %add3A_429 = arith.addi %add3A_428, %mul3A_163 : i32
          %swap3A_430 = arith.index_cast %add3A_429 : i32 to index
          %swap3A_431 = tpu.vector_load %arg14[%swap3A_430] {strides = array<i32>} : memref<4096xf32, #tpu.memory_space<vmem>>, vector<16xf32>,
          tpu.vector_store %arg14[%swap3A_430], %mul3A_427 {strides = array<i32>} : memref<4096xf32, #tpu.memory_space<vmem>>, vector<16xf32>,
          %add3A_432 = arith.addi %add3A_203, %add3A_211 : vector<16xi32>
          %sub3A_433 = arith.subi %add3A_432, %gather3A_40 : vector<16xi32>
          %lt3A_434 = arith.cmpi slt, %sub3A_433, %gather3A_45 : vector<16xi32>
          %select_n3A_435 = arith.select %lt3A_434, %add3A_432, %sub3A_433 : vector<16xi1>, vector<16xi32>
          %shift_right_arithmetic3A_436 = arith.constant 7 : i32
          %shift_right_arithmetic3A_437 = vector.broadcast %shift_right_arithmetic3A_436 : i32 to vector<16xi32>
          %shift_right_arithmetic3A_438 = arith.shrsi %select_n3A_435, %shift_right_arithmetic3A_437 : vector<16xi32>
          %shift_left3A_439 = arith.constant 8 : i32
          %shift_left3A_440 = vector.broadcast %shift_left3A_439 : i32 to vector<16xi32>
          %shift_left3A_441 = arith.shli %shift_right_arithmetic3A_438, %shift_left3A_440 : vector<16xi32>
          %and3A_442 = arith.constant 127 : i32
          %and3A_443 = vector.broadcast %and3A_442 : i32 to vector<16xi32>
          %and3A_444 = arith.andi %select_n3A_435, %and3A_443 : vector<16xi32>
          %add3A_445 = arith.addi %shift_left3A_441, %and3A_444 : vector<16xi32>
          %add3A_446 = arith.constant 3584 : i32
          %add3A_447 = arith.addi %add3A_446, %mul3A_163 : i32
          %swap3A_448 = arith.index_cast %add3A_447 : i32 to index
          %swap3A_449 = tpu.vector_load %arg10[%swap3A_448] {strides = array<i32>} : memref<8192xi32, #tpu.memory_space<vmem>>, vector<16xi32>,
          tpu.vector_store %arg10[%swap3A_448], %add3A_445 {strides = array<i32>} : memref<8192xi32, #tpu.memory_space<vmem>>, vector<16xi32>,
          %add3A_450 = arith.constant 128 : i32
          %add3A_451 = vector.broadcast %add3A_450 : i32 to vector<16xi32>
          %add3A_452 = arith.addi %add3A_445, %add3A_451 : vector<16xi32>
          %add3A_453 = arith.constant 7680 : i32
          %add3A_454 = arith.addi %add3A_453, %mul3A_163 : i32
          %swap3A_455 = arith.index_cast %add3A_454 : i32 to index
          %swap3A_456 = tpu.vector_load %arg10[%swap3A_455] {strides = array<i32>} : memref<8192xi32, #tpu.memory_space<vmem>>, vector<16xi32>,
          tpu.vector_store %arg10[%swap3A_455], %add3A_452 {strides = array<i32>} : memref<8192xi32, #tpu.memory_space<vmem>>, vector<16xi32>,
          %mul3A_457 = arith.mulf %sub3A, %mul3A_224 : vector<16xf32>
          %add3A_458 = arith.constant 3584 : i32
          %add3A_459 = arith.addi %add3A_458, %mul3A_163 : i32
          %swap3A_460 = arith.index_cast %add3A_459 : i32 to index
          %swap3A_461 = tpu.vector_load %arg14[%swap3A_460] {strides = array<i32>} : memref<4096xf32, #tpu.memory_space<vmem>>, vector<16xf32>,
          tpu.vector_store %arg14[%swap3A_460], %mul3A_457 {strides = array<i32>} : memref<4096xf32, #tpu.memory_space<vmem>>, vector<16xf32>,
        }
        %scan3A_100 = arith.constant 32 : i32
        %dma_start3A_101 = arith.constant 0 : i32
        %dma_start3A_102 = tpu.memref_slice %arg19[%dma_start3A_101] : memref<1048832xf32, #tpu.memory_space<vmem_shared>> -> memref<1048832xf32, #tpu.memory_space<vmem_shared>>
        tpu.enqueue_indirect_dma source(%dma_start3A_102 : memref<1048832xf32, #tpu.memory_space<vmem_shared>>) target(%arg12 : memref<8192xf32, #tpu.memory_space<vmem>>) offsets(%arg10 : memref<8192xi32, #tpu.memory_space<vmem>>) semaphore(%arg23 : memref<!tpu.dma_semaphore, #tpu.memory_space<semaphore_mem>>)
        %add3A_103 = arith.constant 3 : i32
        %add3A_104 = arith.addi %mul3A_90, %add3A_103 : i32
        %lt3A = arith.constant 64 : i32
        %lt3A_105 = arith.cmpi slt, %add3A_104, %lt3A : i32
        %convert_element_type3A = arith.extui %lt3A_105 : i1 to i32
        %cond3A = arith.constant 0 : i32
        %cond3A_106 = arith.cmpi ne, %convert_element_type3A, %cond3A : i32
        scf.if %cond3A_106 {
          %add3A_161 = arith.constant 3 : i32
          %add3A_162 = arith.addi %mul3A_90, %add3A_161 : i32
          %mul3A_163 = arith.constant 512 : i32
          %mul3A_164 = arith.muli %add3A_162, %mul3A_163 : i32
          %add3A_165 = arith.addi %mul3A_2, %mul3A_164 : i32
          %mul3A_166 = arith.constant 4 : i32
          %mul3A_167 = arith.muli %add3A_165, %mul3A_166 : i32
          %dma_start3A_168 = tpu.memref_slice %arg2[%mul3A_167] : memref<4194304xf32, #tpu.memory_space<hbm>> -> memref<2048xf32, #tpu.memory_space<hbm>>
          %dma_start3A_169 = tpu.memref_slice %arg2[%mul3A_167] : memref<4194304xf32, #tpu.memory_space<hbm>> -> memref<2048xf32, #tpu.memory_space<hbm>>
          tpu.enqueue_dma source(%dma_start3A_169 : memref<2048xf32, #tpu.memory_space<hbm>>) target(%arg8 : memref<2048xf32, #tpu.memory_space<vmem>>) target_semaphore(%arg21 : memref<!tpu.dma_semaphore, #tpu.memory_space<semaphore_mem>>)
        } else {
        }
        %dma_wait3A_107 = arith.constant 0 : i32
        %dma_wait3A_108 = tpu.memref_slice %arg19[%dma_wait3A_107] : memref<1048832xf32, #tpu.memory_space<vmem_shared>> -> memref<1048832xf32, #tpu.memory_space<vmem_shared>>
        tpu.wait_indirect_dma semaphore(%arg22 : memref<!tpu.dma_semaphore, #tpu.memory_space<semaphore_mem>>) src(%dma_wait3A_108 : memref<1048832xf32, #tpu.memory_space<vmem_shared>>) dst(%arg11 : memref<8192xf32, #tpu.memory_space<vmem>>)
        %gt3A = arith.constant 0 : i32
        %gt3A_109 = arith.cmpi sgt, %scan3A_88, %gt3A : i32
        %convert_element_type3A_110 = arith.extui %gt3A_109 : i1 to i32
        %cond3A_111 = arith.constant 0 : i32
        %cond3A_112 = arith.cmpi ne, %convert_element_type3A_110, %cond3A_111 : i32
        scf.if %cond3A_112 {
          %dma_wait3A_161 = arith.constant 0 : i32
          %dma_wait3A_162 = tpu.memref_slice %arg6[%dma_wait3A_161] : memref<33554432xf32, #tpu.memory_space<hbm>> -> memref<1024xf32, #tpu.memory_space<hbm>>
          %dma_wait3A_163 = arith.constant 0 : i32
          %dma_wait3A_164 = tpu.memref_slice %arg6[%dma_wait3A_163] : memref<33554432xf32, #tpu.memory_space<hbm>> -> memref<1024xf32, #tpu.memory_space<hbm>>
          tpu.wait_dma2 semaphore(%arg24 : memref<!tpu.dma_semaphore, #tpu.memory_space<semaphore_mem>>) src(%arg15 : memref<1024xf32, #tpu.memory_space<vmem>>) dst(%dma_wait3A_164 : memref<1024xf32, #tpu.memory_space<hbm>>)
        } else {
        }
        %scan3A_113 = arith.constant 0 : i32
        %scan3A_114 = arith.constant 0 : i32
        %scan3A_115 = arith.constant 32 : i32
        %scan3A_116 = arith.addi %scan3A_114, %scan3A_115 : i32
        %scan3A_117 = arith.constant 1 : i32
        scf.for %scan3A_161 = %scan3A_114 to %scan3A_116 step %scan3A_117  : i32 {
          %broadcast_in_dim3A_162 = arith.constant 0.000000e+00 : f32
          %broadcast_in_dim3A_163 = vector.broadcast %broadcast_in_dim3A_162 : f32 to vector<16xf32>
          %broadcast_in_dim3A_164 = arith.constant 0.000000e+00 : f32
          %broadcast_in_dim3A_165 = vector.broadcast %broadcast_in_dim3A_164 : f32 to vector<16xf32>
          %mul3A_166 = arith.constant 16 : i32
          %mul3A_167 = arith.muli %scan3A_161, %mul3A_166 : i32
          %add3A_168 = arith.constant 0 : i32
          %add3A_169 = arith.addi %add3A_168, %mul3A_167 : i32
          %get3A = arith.index_cast %add3A_169 : i32 to index
          %get3A_170 = tpu.vector_load %arg13[%get3A] {strides = array<i32>} : memref<4096xf32, #tpu.memory_space<vmem>>, vector<16xf32>,
          %mul3A_171 = arith.constant 16 : i32
          %mul3A_172 = arith.muli %scan3A_161, %mul3A_171 : i32
          %add3A_173 = arith.constant 0 : i32
          %add3A_174 = arith.addi %add3A_173, %mul3A_172 : i32
          %get3A_175 = arith.index_cast %add3A_174 : i32 to index
          %get3A_176 = tpu.vector_load %arg11[%get3A_175] {strides = array<i32>} : memref<8192xf32, #tpu.memory_space<vmem>>, vector<16xf32>,
          %mul3A_177 = arith.constant 16 : i32
          %mul3A_178 = arith.muli %scan3A_161, %mul3A_177 : i32
          %add3A_179 = arith.constant 4096 : i32
          %add3A_180 = arith.addi %add3A_179, %mul3A_178 : i32
          %get3A_181 = arith.index_cast %add3A_180 : i32 to index
          %get3A_182 = tpu.vector_load %arg11[%get3A_181] {strides = array<i32>} : memref<8192xf32, #tpu.memory_space<vmem>>, vector<16xf32>,
          %mul3A_183 = arith.mulf %get3A_170, %get3A_176 : vector<16xf32>
          %add3A_184 = arith.addf %broadcast_in_dim3A_163, %mul3A_183 : vector<16xf32>
          %mul3A_185 = arith.mulf %get3A_170, %get3A_182 : vector<16xf32>
          %add3A_186 = arith.addf %broadcast_in_dim3A_165, %mul3A_185 : vector<16xf32>
          %mul3A_187 = arith.constant 16 : i32
          %mul3A_188 = arith.muli %scan3A_161, %mul3A_187 : i32
          %add3A_189 = arith.constant 512 : i32
          %add3A_190 = arith.addi %add3A_189, %mul3A_188 : i32
          %get3A_191 = arith.index_cast %add3A_190 : i32 to index
          %get3A_192 = tpu.vector_load %arg13[%get3A_191] {strides = array<i32>} : memref<4096xf32, #tpu.memory_space<vmem>>, vector<16xf32>,
          %mul3A_193 = arith.constant 16 : i32
          %mul3A_194 = arith.muli %scan3A_161, %mul3A_193 : i32
          %add3A_195 = arith.constant 512 : i32
          %add3A_196 = arith.addi %add3A_195, %mul3A_194 : i32
          %get3A_197 = arith.index_cast %add3A_196 : i32 to index
          %get3A_198 = tpu.vector_load %arg11[%get3A_197] {strides = array<i32>} : memref<8192xf32, #tpu.memory_space<vmem>>, vector<16xf32>,
          %mul3A_199 = arith.constant 16 : i32
          %mul3A_200 = arith.muli %scan3A_161, %mul3A_199 : i32
          %add3A_201 = arith.constant 4608 : i32
          %add3A_202 = arith.addi %add3A_201, %mul3A_200 : i32
          %get3A_203 = arith.index_cast %add3A_202 : i32 to index
          %get3A_204 = tpu.vector_load %arg11[%get3A_203] {strides = array<i32>} : memref<8192xf32, #tpu.memory_space<vmem>>, vector<16xf32>,
          %mul3A_205 = arith.mulf %get3A_192, %get3A_198 : vector<16xf32>
          %add3A_206 = arith.addf %add3A_184, %mul3A_205 : vector<16xf32>
          %mul3A_207 = arith.mulf %get3A_192, %get3A_204 : vector<16xf32>
          %add3A_208 = arith.addf %add3A_186, %mul3A_207 : vector<16xf32>
          %mul3A_209 = arith.constant 16 : i32
          %mul3A_210 = arith.muli %scan3A_161, %mul3A_209 : i32
          %add3A_211 = arith.constant 1024 : i32
          %add3A_212 = arith.addi %add3A_211, %mul3A_210 : i32
          %get3A_213 = arith.index_cast %add3A_212 : i32 to index
          %get3A_214 = tpu.vector_load %arg13[%get3A_213] {strides = array<i32>} : memref<4096xf32, #tpu.memory_space<vmem>>, vector<16xf32>,
          %mul3A_215 = arith.constant 16 : i32
          %mul3A_216 = arith.muli %scan3A_161, %mul3A_215 : i32
          %add3A_217 = arith.constant 1024 : i32
          %add3A_218 = arith.addi %add3A_217, %mul3A_216 : i32
          %get3A_219 = arith.index_cast %add3A_218 : i32 to index
          %get3A_220 = tpu.vector_load %arg11[%get3A_219] {strides = array<i32>} : memref<8192xf32, #tpu.memory_space<vmem>>, vector<16xf32>,
          %mul3A_221 = arith.constant 16 : i32
          %mul3A_222 = arith.muli %scan3A_161, %mul3A_221 : i32
          %add3A_223 = arith.constant 5120 : i32
          %add3A_224 = arith.addi %add3A_223, %mul3A_222 : i32
          %get3A_225 = arith.index_cast %add3A_224 : i32 to index
          %get3A_226 = tpu.vector_load %arg11[%get3A_225] {strides = array<i32>} : memref<8192xf32, #tpu.memory_space<vmem>>, vector<16xf32>,
          %mul3A_227 = arith.mulf %get3A_214, %get3A_220 : vector<16xf32>
          %add3A_228 = arith.addf %add3A_206, %mul3A_227 : vector<16xf32>
          %mul3A_229 = arith.mulf %get3A_214, %get3A_226 : vector<16xf32>
          %add3A_230 = arith.addf %add3A_208, %mul3A_229 : vector<16xf32>
          %mul3A_231 = arith.constant 16 : i32
          %mul3A_232 = arith.muli %scan3A_161, %mul3A_231 : i32
          %add3A_233 = arith.constant 1536 : i32
          %add3A_234 = arith.addi %add3A_233, %mul3A_232 : i32
          %get3A_235 = arith.index_cast %add3A_234 : i32 to index
          %get3A_236 = tpu.vector_load %arg13[%get3A_235] {strides = array<i32>} : memref<4096xf32, #tpu.memory_space<vmem>>, vector<16xf32>,
          %mul3A_237 = arith.constant 16 : i32
          %mul3A_238 = arith.muli %scan3A_161, %mul3A_237 : i32
          %add3A_239 = arith.constant 1536 : i32
          %add3A_240 = arith.addi %add3A_239, %mul3A_238 : i32
          %get3A_241 = arith.index_cast %add3A_240 : i32 to index
          %get3A_242 = tpu.vector_load %arg11[%get3A_241] {strides = array<i32>} : memref<8192xf32, #tpu.memory_space<vmem>>, vector<16xf32>,
          %mul3A_243 = arith.constant 16 : i32
          %mul3A_244 = arith.muli %scan3A_161, %mul3A_243 : i32
          %add3A_245 = arith.constant 5632 : i32
          %add3A_246 = arith.addi %add3A_245, %mul3A_244 : i32
          %get3A_247 = arith.index_cast %add3A_246 : i32 to index
          %get3A_248 = tpu.vector_load %arg11[%get3A_247] {strides = array<i32>} : memref<8192xf32, #tpu.memory_space<vmem>>, vector<16xf32>,
          %mul3A_249 = arith.mulf %get3A_236, %get3A_242 : vector<16xf32>
          %add3A_250 = arith.addf %add3A_228, %mul3A_249 : vector<16xf32>
          %mul3A_251 = arith.mulf %get3A_236, %get3A_248 : vector<16xf32>
          %add3A_252 = arith.addf %add3A_230, %mul3A_251 : vector<16xf32>
          %mul3A_253 = arith.constant 16 : i32
          %mul3A_254 = arith.muli %scan3A_161, %mul3A_253 : i32
          %add3A_255 = arith.constant 2048 : i32
          %add3A_256 = arith.addi %add3A_255, %mul3A_254 : i32
          %get3A_257 = arith.index_cast %add3A_256 : i32 to index
          %get3A_258 = tpu.vector_load %arg13[%get3A_257] {strides = array<i32>} : memref<4096xf32, #tpu.memory_space<vmem>>, vector<16xf32>,
          %mul3A_259 = arith.constant 16 : i32
          %mul3A_260 = arith.muli %scan3A_161, %mul3A_259 : i32
          %add3A_261 = arith.constant 2048 : i32
          %add3A_262 = arith.addi %add3A_261, %mul3A_260 : i32
          %get3A_263 = arith.index_cast %add3A_262 : i32 to index
          %get3A_264 = tpu.vector_load %arg11[%get3A_263] {strides = array<i32>} : memref<8192xf32, #tpu.memory_space<vmem>>, vector<16xf32>,
          %mul3A_265 = arith.constant 16 : i32
          %mul3A_266 = arith.muli %scan3A_161, %mul3A_265 : i32
          %add3A_267 = arith.constant 6144 : i32
          %add3A_268 = arith.addi %add3A_267, %mul3A_266 : i32
          %get3A_269 = arith.index_cast %add3A_268 : i32 to index
          %get3A_270 = tpu.vector_load %arg11[%get3A_269] {strides = array<i32>} : memref<8192xf32, #tpu.memory_space<vmem>>, vector<16xf32>,
          %mul3A_271 = arith.mulf %get3A_258, %get3A_264 : vector<16xf32>
          %add3A_272 = arith.addf %add3A_250, %mul3A_271 : vector<16xf32>
          %mul3A_273 = arith.mulf %get3A_258, %get3A_270 : vector<16xf32>
          %add3A_274 = arith.addf %add3A_252, %mul3A_273 : vector<16xf32>
          %mul3A_275 = arith.constant 16 : i32
          %mul3A_276 = arith.muli %scan3A_161, %mul3A_275 : i32
          %add3A_277 = arith.constant 2560 : i32
          %add3A_278 = arith.addi %add3A_277, %mul3A_276 : i32
          %get3A_279 = arith.index_cast %add3A_278 : i32 to index
          %get3A_280 = tpu.vector_load %arg13[%get3A_279] {strides = array<i32>} : memref<4096xf32, #tpu.memory_space<vmem>>, vector<16xf32>,
          %mul3A_281 = arith.constant 16 : i32
          %mul3A_282 = arith.muli %scan3A_161, %mul3A_281 : i32
          %add3A_283 = arith.constant 2560 : i32
          %add3A_284 = arith.addi %add3A_283, %mul3A_282 : i32
          %get3A_285 = arith.index_cast %add3A_284 : i32 to index
          %get3A_286 = tpu.vector_load %arg11[%get3A_285] {strides = array<i32>} : memref<8192xf32, #tpu.memory_space<vmem>>, vector<16xf32>,
          %mul3A_287 = arith.constant 16 : i32
          %mul3A_288 = arith.muli %scan3A_161, %mul3A_287 : i32
          %add3A_289 = arith.constant 6656 : i32
          %add3A_290 = arith.addi %add3A_289, %mul3A_288 : i32
          %get3A_291 = arith.index_cast %add3A_290 : i32 to index
          %get3A_292 = tpu.vector_load %arg11[%get3A_291] {strides = array<i32>} : memref<8192xf32, #tpu.memory_space<vmem>>, vector<16xf32>,
          %mul3A_293 = arith.mulf %get3A_280, %get3A_286 : vector<16xf32>
          %add3A_294 = arith.addf %add3A_272, %mul3A_293 : vector<16xf32>
          %mul3A_295 = arith.mulf %get3A_280, %get3A_292 : vector<16xf32>
          %add3A_296 = arith.addf %add3A_274, %mul3A_295 : vector<16xf32>
          %mul3A_297 = arith.constant 16 : i32
          %mul3A_298 = arith.muli %scan3A_161, %mul3A_297 : i32
          %add3A_299 = arith.constant 3072 : i32
          %add3A_300 = arith.addi %add3A_299, %mul3A_298 : i32
          %get3A_301 = arith.index_cast %add3A_300 : i32 to index
          %get3A_302 = tpu.vector_load %arg13[%get3A_301] {strides = array<i32>} : memref<4096xf32, #tpu.memory_space<vmem>>, vector<16xf32>,
          %mul3A_303 = arith.constant 16 : i32
          %mul3A_304 = arith.muli %scan3A_161, %mul3A_303 : i32
          %add3A_305 = arith.constant 3072 : i32
          %add3A_306 = arith.addi %add3A_305, %mul3A_304 : i32
          %get3A_307 = arith.index_cast %add3A_306 : i32 to index
          %get3A_308 = tpu.vector_load %arg11[%get3A_307] {strides = array<i32>} : memref<8192xf32, #tpu.memory_space<vmem>>, vector<16xf32>,
          %mul3A_309 = arith.constant 16 : i32
          %mul3A_310 = arith.muli %scan3A_161, %mul3A_309 : i32
          %add3A_311 = arith.constant 7168 : i32
          %add3A_312 = arith.addi %add3A_311, %mul3A_310 : i32
          %get3A_313 = arith.index_cast %add3A_312 : i32 to index
          %get3A_314 = tpu.vector_load %arg11[%get3A_313] {strides = array<i32>} : memref<8192xf32, #tpu.memory_space<vmem>>, vector<16xf32>,
          %mul3A_315 = arith.mulf %get3A_302, %get3A_308 : vector<16xf32>
          %add3A_316 = arith.addf %add3A_294, %mul3A_315 : vector<16xf32>
          %mul3A_317 = arith.mulf %get3A_302, %get3A_314 : vector<16xf32>
          %add3A_318 = arith.addf %add3A_296, %mul3A_317 : vector<16xf32>
          %mul3A_319 = arith.constant 16 : i32
          %mul3A_320 = arith.muli %scan3A_161, %mul3A_319 : i32
          %add3A_321 = arith.constant 3584 : i32
          %add3A_322 = arith.addi %add3A_321, %mul3A_320 : i32
          %get3A_323 = arith.index_cast %add3A_322 : i32 to index
          %get3A_324 = tpu.vector_load %arg13[%get3A_323] {strides = array<i32>} : memref<4096xf32, #tpu.memory_space<vmem>>, vector<16xf32>,
          %mul3A_325 = arith.constant 16 : i32
          %mul3A_326 = arith.muli %scan3A_161, %mul3A_325 : i32
          %add3A_327 = arith.constant 3584 : i32
          %add3A_328 = arith.addi %add3A_327, %mul3A_326 : i32
          %get3A_329 = arith.index_cast %add3A_328 : i32 to index
          %get3A_330 = tpu.vector_load %arg11[%get3A_329] {strides = array<i32>} : memref<8192xf32, #tpu.memory_space<vmem>>, vector<16xf32>,
          %mul3A_331 = arith.constant 16 : i32
          %mul3A_332 = arith.muli %scan3A_161, %mul3A_331 : i32
          %add3A_333 = arith.constant 7680 : i32
          %add3A_334 = arith.addi %add3A_333, %mul3A_332 : i32
          %get3A_335 = arith.index_cast %add3A_334 : i32 to index
          %get3A_336 = tpu.vector_load %arg11[%get3A_335] {strides = array<i32>} : memref<8192xf32, #tpu.memory_space<vmem>>, vector<16xf32>,
          %mul3A_337 = arith.mulf %get3A_324, %get3A_330 : vector<16xf32>
          %add3A_338 = arith.addf %add3A_316, %mul3A_337 : vector<16xf32>
          %mul3A_339 = arith.mulf %get3A_324, %get3A_336 : vector<16xf32>
          %add3A_340 = arith.addf %add3A_318, %mul3A_339 : vector<16xf32>
          %shift_right_arithmetic3A = arith.constant 3 : i32
          %shift_right_arithmetic3A_341 = arith.shrsi %scan3A_161, %shift_right_arithmetic3A : i32
          %mul3A_342 = arith.constant 256 : i32
          %mul3A_343 = arith.muli %shift_right_arithmetic3A_341, %mul3A_342 : i32
          %and3A = arith.constant 7 : i32
          %and3A_344 = arith.andi %scan3A_161, %and3A : i32
          %mul3A_345 = arith.constant 16 : i32
          %mul3A_346 = arith.muli %and3A_344, %mul3A_345 : i32
          %add3A_347 = arith.addi %mul3A_343, %mul3A_346 : i32
          %swap3A = arith.index_cast %add3A_347 : i32 to index
          %swap3A_348 = tpu.vector_load %arg15[%swap3A] {strides = array<i32>} : memref<1024xf32, #tpu.memory_space<vmem>>, vector<16xf32>,
          tpu.vector_store %arg15[%swap3A], %add3A_338 {strides = array<i32>} : memref<1024xf32, #tpu.memory_space<vmem>>, vector<16xf32>,
          %add3A_349 = arith.constant 128 : i32
          %add3A_350 = arith.addi %add3A_347, %add3A_349 : i32
          %swap3A_351 = arith.index_cast %add3A_350 : i32 to index
          %swap3A_352 = tpu.vector_load %arg15[%swap3A_351] {strides = array<i32>} : memref<1024xf32, #tpu.memory_space<vmem>>, vector<16xf32>,
          tpu.vector_store %arg15[%swap3A_351], %add3A_340 {strides = array<i32>} : memref<1024xf32, #tpu.memory_space<vmem>>, vector<16xf32>,
        }
        %scan3A_118 = arith.constant 32 : i32
        %mul3A_119 = arith.constant 2097152 : i32
        %mul3A_120 = arith.muli %scan3A_24, %mul3A_119 : i32
        %mul3A_121 = arith.constant 512 : i32
        %mul3A_122 = arith.muli %mul3A_90, %mul3A_121 : i32
        %add3A_123 = arith.addi %mul3A_2, %mul3A_122 : i32
        %mul3A_124 = arith.constant 2 : i32
        %mul3A_125 = arith.muli %add3A_123, %mul3A_124 : i32
        %add3A_126 = arith.addi %mul3A_120, %mul3A_125 : i32
        %dma_start3A_127 = tpu.memref_slice %arg6[%add3A_126] : memref<33554432xf32, #tpu.memory_space<hbm>> -> memref<1024xf32, #tpu.memory_space<hbm>>
        %dma_start3A_128 = tpu.memref_slice %arg6[%add3A_126] : memref<33554432xf32, #tpu.memory_space<hbm>> -> memref<1024xf32, #tpu.memory_space<hbm>>
        tpu.enqueue_dma source(%arg15 : memref<1024xf32, #tpu.memory_space<vmem>>) target(%dma_start3A_128 : memref<1024xf32, #tpu.memory_space<hbm>>) target_semaphore(%arg24 : memref<!tpu.dma_semaphore, #tpu.memory_space<semaphore_mem>>)
        %add3A_129 = arith.constant 2 : i32
        %add3A_130 = arith.addi %mul3A_90, %add3A_129 : i32
        %lt3A_131 = arith.constant 64 : i32
        %lt3A_132 = arith.cmpi slt, %add3A_130, %lt3A_131 : i32
        %convert_element_type3A_133 = arith.extui %lt3A_132 : i1 to i32
        %cond3A_134 = arith.constant 0 : i32
        %cond3A_135 = arith.cmpi ne, %convert_element_type3A_133, %cond3A_134 : i32
        scf.if %cond3A_135 {
          %dma_wait3A_161 = arith.constant 0 : i32
          %dma_wait3A_162 = tpu.memref_slice %arg2[%dma_wait3A_161] : memref<4194304xf32, #tpu.memory_space<hbm>> -> memref<2048xf32, #tpu.memory_space<hbm>>
          %dma_wait3A_163 = arith.constant 0 : i32
          %dma_wait3A_164 = tpu.memref_slice %arg2[%dma_wait3A_163] : memref<4194304xf32, #tpu.memory_space<hbm>> -> memref<2048xf32, #tpu.memory_space<hbm>>
          tpu.wait_dma2 semaphore(%arg20 : memref<!tpu.dma_semaphore, #tpu.memory_space<semaphore_mem>>) src(%dma_wait3A_164 : memref<2048xf32, #tpu.memory_space<hbm>>) dst(%arg7 : memref<2048xf32, #tpu.memory_space<vmem>>)
          %scan3A_165 = arith.constant 0 : i32
          %scan3A_166 = arith.constant 0 : i32
          %scan3A_167 = arith.constant 32 : i32
          %scan3A_168 = arith.addi %scan3A_166, %scan3A_167 : i32
          %scan3A_169 = arith.constant 1 : i32
          scf.for %scan3A_180 = %scan3A_166 to %scan3A_168 step %scan3A_169  : i32 {
            %mul3A_181 = arith.constant 16 : i32
            %mul3A_182 = arith.muli %scan3A_180, %mul3A_181 : i32
            %shift_right_arithmetic3A = arith.constant 3 : i32
            %shift_right_arithmetic3A_183 = arith.shrsi %scan3A_180, %shift_right_arithmetic3A : i32
            %mul3A_184 = arith.constant 512 : i32
            %mul3A_185 = arith.muli %shift_right_arithmetic3A_183, %mul3A_184 : i32
            %and3A = arith.constant 7 : i32
            %and3A_186 = arith.andi %scan3A_180, %and3A : i32
            %mul3A_187 = arith.constant 16 : i32
            %mul3A_188 = arith.muli %and3A_186, %mul3A_187 : i32
            %add3A_189 = arith.addi %mul3A_185, %mul3A_188 : i32
            %get3A = arith.index_cast %add3A_189 : i32 to index
            %get3A_190 = tpu.vector_load %arg7[%get3A] {strides = array<i32>} : memref<2048xf32, #tpu.memory_space<vmem>>, vector<16xf32>,
            %add3A_191 = arith.constant 128 : i32
            %add3A_192 = arith.addi %add3A_189, %add3A_191 : i32
            %get3A_193 = arith.index_cast %add3A_192 : i32 to index
            %get3A_194 = tpu.vector_load %arg7[%get3A_193] {strides = array<i32>} : memref<2048xf32, #tpu.memory_space<vmem>>, vector<16xf32>,
            %add3A_195 = arith.constant 256 : i32
            %add3A_196 = arith.addi %add3A_189, %add3A_195 : i32
            %get3A_197 = arith.index_cast %add3A_196 : i32 to index
            %get3A_198 = tpu.vector_load %arg7[%get3A_197] {strides = array<i32>} : memref<2048xf32, #tpu.memory_space<vmem>>, vector<16xf32>,
            %mul3A_199 = arith.mulf %get3A_190, %gather3A : vector<16xf32>
            %add3A_200 = arith.constant 5.000000e-01 : f32
            %add3A_201 = vector.broadcast %add3A_200 : f32 to vector<16xf32>
            %add3A_202 = arith.addf %mul3A_199, %add3A_201 : vector<16xf32>
            %mul3A_203 = arith.mulf %get3A_194, %gather3A : vector<16xf32>
            %add3A_204 = arith.constant 5.000000e-01 : f32
            %add3A_205 = vector.broadcast %add3A_204 : f32 to vector<16xf32>
            %add3A_206 = arith.addf %mul3A_203, %add3A_205 : vector<16xf32>
            %mul3A_207 = arith.mulf %get3A_198, %gather3A : vector<16xf32>
            %add3A_208 = arith.constant 5.000000e-01 : f32
            %add3A_209 = vector.broadcast %add3A_208 : f32 to vector<16xf32>
            %add3A_210 = arith.addf %mul3A_207, %add3A_209 : vector<16xf32>
            %convert_element_type3A_211 = arith.fptosi %add3A_202 : vector<16xf32> to vector<16xi32>
            %convert_element_type3A_212 = arith.fptosi %add3A_206 : vector<16xf32> to vector<16xi32>
            %convert_element_type3A_213 = arith.fptosi %add3A_210 : vector<16xf32> to vector<16xi32>
            %convert_element_type3A_214 = arith.sitofp %convert_element_type3A_211 : vector<16xi32> to vector<16xf32>
            %sub3A = arith.subf %add3A_202, %convert_element_type3A_214 : vector<16xf32>
            %convert_element_type3A_215 = arith.sitofp %convert_element_type3A_212 : vector<16xi32> to vector<16xf32>
            %sub3A_216 = arith.subf %add3A_206, %convert_element_type3A_215 : vector<16xf32>
            %convert_element_type3A_217 = arith.sitofp %convert_element_type3A_213 : vector<16xi32> to vector<16xf32>
            %sub3A_218 = arith.subf %add3A_210, %convert_element_type3A_217 : vector<16xf32>
            %add3A_219 = arith.addi %convert_element_type3A_211, %gather3A_45 : vector<16xi32>
            %add3A_220 = arith.constant 1 : i32
            %add3A_221 = vector.broadcast %add3A_220 : i32 to vector<16xi32>
            %add3A_222 = arith.addi %add3A_219, %add3A_221 : vector<16xi32>
            %mul3A_223 = arith.muli %convert_element_type3A_212, %gather3A_30 : vector<16xi32>
            %add3A_224 = arith.addi %mul3A_223, %gather3A_30 : vector<16xi32>
            %mul3A_225 = arith.muli %convert_element_type3A_213, %gather3A_35 : vector<16xi32>
            %add3A_226 = arith.addi %mul3A_225, %gather3A_35 : vector<16xi32>
            %add3A_227 = arith.addi %mul3A_223, %mul3A_225 : vector<16xi32>
            %add3A_228 = arith.addi %add3A_224, %mul3A_225 : vector<16xi32>
            %add3A_229 = arith.addi %mul3A_223, %add3A_226 : vector<16xi32>
            %add3A_230 = arith.addi %add3A_224, %add3A_226 : vector<16xi32>
            %sub3A_231 = arith.constant 1.000000e+00 : f32
            %sub3A_232 = vector.broadcast %sub3A_231 : f32 to vector<16xf32>
            %sub3A_233 = arith.subf %sub3A_232, %sub3A : vector<16xf32>
            %sub3A_234 = arith.constant 1.000000e+00 : f32
            %sub3A_235 = vector.broadcast %sub3A_234 : f32 to vector<16xf32>
            %sub3A_236 = arith.subf %sub3A_235, %sub3A_216 : vector<16xf32>
            %sub3A_237 = arith.constant 1.000000e+00 : f32
            %sub3A_238 = vector.broadcast %sub3A_237 : f32 to vector<16xf32>
            %sub3A_239 = arith.subf %sub3A_238, %sub3A_218 : vector<16xf32>
            %mul3A_240 = arith.mulf %sub3A_236, %sub3A_239 : vector<16xf32>
            %mul3A_241 = arith.mulf %sub3A_216, %sub3A_239 : vector<16xf32>
            %mul3A_242 = arith.mulf %sub3A_236, %sub3A_218 : vector<16xf32>
            %mul3A_243 = arith.mulf %sub3A_216, %sub3A_218 : vector<16xf32>
            %add3A_244 = arith.addi %add3A_219, %add3A_227 : vector<16xi32>
            %sub3A_245 = arith.subi %add3A_244, %gather3A_40 : vector<16xi32>
            %lt3A_246 = arith.cmpi slt, %sub3A_245, %gather3A_45 : vector<16xi32>
            %select_n3A = arith.select %lt3A_246, %add3A_244, %sub3A_245 : vector<16xi1>, vector<16xi32>
            %shift_right_arithmetic3A_247 = arith.constant 7 : i32
            %shift_right_arithmetic3A_248 = vector.broadcast %shift_right_arithmetic3A_247 : i32 to vector<16xi32>
            %shift_right_arithmetic3A_249 = arith.shrsi %select_n3A, %shift_right_arithmetic3A_248 : vector<16xi32>
            %shift_left3A = arith.constant 8 : i32
            %shift_left3A_250 = vector.broadcast %shift_left3A : i32 to vector<16xi32>
            %shift_left3A_251 = arith.shli %shift_right_arithmetic3A_249, %shift_left3A_250 : vector<16xi32>
            %and3A_252 = arith.constant 127 : i32
            %and3A_253 = vector.broadcast %and3A_252 : i32 to vector<16xi32>
            %and3A_254 = arith.andi %select_n3A, %and3A_253 : vector<16xi32>
            %add3A_255 = arith.addi %shift_left3A_251, %and3A_254 : vector<16xi32>
            %add3A_256 = arith.constant 0 : i32
            %add3A_257 = arith.addi %add3A_256, %mul3A_182 : i32
            %swap3A = arith.index_cast %add3A_257 : i32 to index
            %swap3A_258 = tpu.vector_load %arg9[%swap3A] {strides = array<i32>} : memref<8192xi32, #tpu.memory_space<vmem>>, vector<16xi32>,
            tpu.vector_store %arg9[%swap3A], %add3A_255 {strides = array<i32>} : memref<8192xi32, #tpu.memory_space<vmem>>, vector<16xi32>,
            %add3A_259 = arith.constant 128 : i32
            %add3A_260 = vector.broadcast %add3A_259 : i32 to vector<16xi32>
            %add3A_261 = arith.addi %add3A_255, %add3A_260 : vector<16xi32>
            %add3A_262 = arith.constant 4096 : i32
            %add3A_263 = arith.addi %add3A_262, %mul3A_182 : i32
            %swap3A_264 = arith.index_cast %add3A_263 : i32 to index
            %swap3A_265 = tpu.vector_load %arg9[%swap3A_264] {strides = array<i32>} : memref<8192xi32, #tpu.memory_space<vmem>>, vector<16xi32>,
            tpu.vector_store %arg9[%swap3A_264], %add3A_261 {strides = array<i32>} : memref<8192xi32, #tpu.memory_space<vmem>>, vector<16xi32>,
            %mul3A_266 = arith.mulf %sub3A_233, %mul3A_240 : vector<16xf32>
            %add3A_267 = arith.constant 0 : i32
            %add3A_268 = arith.addi %add3A_267, %mul3A_182 : i32
            %swap3A_269 = arith.index_cast %add3A_268 : i32 to index
            %swap3A_270 = tpu.vector_load %arg13[%swap3A_269] {strides = array<i32>} : memref<4096xf32, #tpu.memory_space<vmem>>, vector<16xf32>,
            tpu.vector_store %arg13[%swap3A_269], %mul3A_266 {strides = array<i32>} : memref<4096xf32, #tpu.memory_space<vmem>>, vector<16xf32>,
            %add3A_271 = arith.addi %add3A_222, %add3A_227 : vector<16xi32>
            %sub3A_272 = arith.subi %add3A_271, %gather3A_40 : vector<16xi32>
            %lt3A_273 = arith.cmpi slt, %sub3A_272, %gather3A_45 : vector<16xi32>
            %select_n3A_274 = arith.select %lt3A_273, %add3A_271, %sub3A_272 : vector<16xi1>, vector<16xi32>
            %shift_right_arithmetic3A_275 = arith.constant 7 : i32
            %shift_right_arithmetic3A_276 = vector.broadcast %shift_right_arithmetic3A_275 : i32 to vector<16xi32>
            %shift_right_arithmetic3A_277 = arith.shrsi %select_n3A_274, %shift_right_arithmetic3A_276 : vector<16xi32>
            %shift_left3A_278 = arith.constant 8 : i32
            %shift_left3A_279 = vector.broadcast %shift_left3A_278 : i32 to vector<16xi32>
            %shift_left3A_280 = arith.shli %shift_right_arithmetic3A_277, %shift_left3A_279 : vector<16xi32>
            %and3A_281 = arith.constant 127 : i32
            %and3A_282 = vector.broadcast %and3A_281 : i32 to vector<16xi32>
            %and3A_283 = arith.andi %select_n3A_274, %and3A_282 : vector<16xi32>
            %add3A_284 = arith.addi %shift_left3A_280, %and3A_283 : vector<16xi32>
            %add3A_285 = arith.constant 512 : i32
            %add3A_286 = arith.addi %add3A_285, %mul3A_182 : i32
            %swap3A_287 = arith.index_cast %add3A_286 : i32 to index
            %swap3A_288 = tpu.vector_load %arg9[%swap3A_287] {strides = array<i32>} : memref<8192xi32, #tpu.memory_space<vmem>>, vector<16xi32>,
            tpu.vector_store %arg9[%swap3A_287], %add3A_284 {strides = array<i32>} : memref<8192xi32, #tpu.memory_space<vmem>>, vector<16xi32>,
            %add3A_289 = arith.constant 128 : i32
            %add3A_290 = vector.broadcast %add3A_289 : i32 to vector<16xi32>
            %add3A_291 = arith.addi %add3A_284, %add3A_290 : vector<16xi32>
            %add3A_292 = arith.constant 4608 : i32
            %add3A_293 = arith.addi %add3A_292, %mul3A_182 : i32
            %swap3A_294 = arith.index_cast %add3A_293 : i32 to index
            %swap3A_295 = tpu.vector_load %arg9[%swap3A_294] {strides = array<i32>} : memref<8192xi32, #tpu.memory_space<vmem>>, vector<16xi32>,
            tpu.vector_store %arg9[%swap3A_294], %add3A_291 {strides = array<i32>} : memref<8192xi32, #tpu.memory_space<vmem>>, vector<16xi32>,
            %mul3A_296 = arith.mulf %sub3A, %mul3A_240 : vector<16xf32>
            %add3A_297 = arith.constant 512 : i32
            %add3A_298 = arith.addi %add3A_297, %mul3A_182 : i32
            %swap3A_299 = arith.index_cast %add3A_298 : i32 to index
            %swap3A_300 = tpu.vector_load %arg13[%swap3A_299] {strides = array<i32>} : memref<4096xf32, #tpu.memory_space<vmem>>, vector<16xf32>,
            tpu.vector_store %arg13[%swap3A_299], %mul3A_296 {strides = array<i32>} : memref<4096xf32, #tpu.memory_space<vmem>>, vector<16xf32>,
            %add3A_301 = arith.addi %add3A_219, %add3A_228 : vector<16xi32>
            %sub3A_302 = arith.subi %add3A_301, %gather3A_40 : vector<16xi32>
            %lt3A_303 = arith.cmpi slt, %sub3A_302, %gather3A_45 : vector<16xi32>
            %select_n3A_304 = arith.select %lt3A_303, %add3A_301, %sub3A_302 : vector<16xi1>, vector<16xi32>
            %shift_right_arithmetic3A_305 = arith.constant 7 : i32
            %shift_right_arithmetic3A_306 = vector.broadcast %shift_right_arithmetic3A_305 : i32 to vector<16xi32>
            %shift_right_arithmetic3A_307 = arith.shrsi %select_n3A_304, %shift_right_arithmetic3A_306 : vector<16xi32>
            %shift_left3A_308 = arith.constant 8 : i32
            %shift_left3A_309 = vector.broadcast %shift_left3A_308 : i32 to vector<16xi32>
            %shift_left3A_310 = arith.shli %shift_right_arithmetic3A_307, %shift_left3A_309 : vector<16xi32>
            %and3A_311 = arith.constant 127 : i32
            %and3A_312 = vector.broadcast %and3A_311 : i32 to vector<16xi32>
            %and3A_313 = arith.andi %select_n3A_304, %and3A_312 : vector<16xi32>
            %add3A_314 = arith.addi %shift_left3A_310, %and3A_313 : vector<16xi32>
            %add3A_315 = arith.constant 1024 : i32
            %add3A_316 = arith.addi %add3A_315, %mul3A_182 : i32
            %swap3A_317 = arith.index_cast %add3A_316 : i32 to index
            %swap3A_318 = tpu.vector_load %arg9[%swap3A_317] {strides = array<i32>} : memref<8192xi32, #tpu.memory_space<vmem>>, vector<16xi32>,
            tpu.vector_store %arg9[%swap3A_317], %add3A_314 {strides = array<i32>} : memref<8192xi32, #tpu.memory_space<vmem>>, vector<16xi32>,
            %add3A_319 = arith.constant 128 : i32
            %add3A_320 = vector.broadcast %add3A_319 : i32 to vector<16xi32>
            %add3A_321 = arith.addi %add3A_314, %add3A_320 : vector<16xi32>
            %add3A_322 = arith.constant 5120 : i32
            %add3A_323 = arith.addi %add3A_322, %mul3A_182 : i32
            %swap3A_324 = arith.index_cast %add3A_323 : i32 to index
            %swap3A_325 = tpu.vector_load %arg9[%swap3A_324] {strides = array<i32>} : memref<8192xi32, #tpu.memory_space<vmem>>, vector<16xi32>,
            tpu.vector_store %arg9[%swap3A_324], %add3A_321 {strides = array<i32>} : memref<8192xi32, #tpu.memory_space<vmem>>, vector<16xi32>,
            %mul3A_326 = arith.mulf %sub3A_233, %mul3A_241 : vector<16xf32>
            %add3A_327 = arith.constant 1024 : i32
            %add3A_328 = arith.addi %add3A_327, %mul3A_182 : i32
            %swap3A_329 = arith.index_cast %add3A_328 : i32 to index
            %swap3A_330 = tpu.vector_load %arg13[%swap3A_329] {strides = array<i32>} : memref<4096xf32, #tpu.memory_space<vmem>>, vector<16xf32>,
            tpu.vector_store %arg13[%swap3A_329], %mul3A_326 {strides = array<i32>} : memref<4096xf32, #tpu.memory_space<vmem>>, vector<16xf32>,
            %add3A_331 = arith.addi %add3A_222, %add3A_228 : vector<16xi32>
            %sub3A_332 = arith.subi %add3A_331, %gather3A_40 : vector<16xi32>
            %lt3A_333 = arith.cmpi slt, %sub3A_332, %gather3A_45 : vector<16xi32>
            %select_n3A_334 = arith.select %lt3A_333, %add3A_331, %sub3A_332 : vector<16xi1>, vector<16xi32>
            %shift_right_arithmetic3A_335 = arith.constant 7 : i32
            %shift_right_arithmetic3A_336 = vector.broadcast %shift_right_arithmetic3A_335 : i32 to vector<16xi32>
            %shift_right_arithmetic3A_337 = arith.shrsi %select_n3A_334, %shift_right_arithmetic3A_336 : vector<16xi32>
            %shift_left3A_338 = arith.constant 8 : i32
            %shift_left3A_339 = vector.broadcast %shift_left3A_338 : i32 to vector<16xi32>
            %shift_left3A_340 = arith.shli %shift_right_arithmetic3A_337, %shift_left3A_339 : vector<16xi32>
            %and3A_341 = arith.constant 127 : i32
            %and3A_342 = vector.broadcast %and3A_341 : i32 to vector<16xi32>
            %and3A_343 = arith.andi %select_n3A_334, %and3A_342 : vector<16xi32>
            %add3A_344 = arith.addi %shift_left3A_340, %and3A_343 : vector<16xi32>
            %add3A_345 = arith.constant 1536 : i32
            %add3A_346 = arith.addi %add3A_345, %mul3A_182 : i32
            %swap3A_347 = arith.index_cast %add3A_346 : i32 to index
            %swap3A_348 = tpu.vector_load %arg9[%swap3A_347] {strides = array<i32>} : memref<8192xi32, #tpu.memory_space<vmem>>, vector<16xi32>,
            tpu.vector_store %arg9[%swap3A_347], %add3A_344 {strides = array<i32>} : memref<8192xi32, #tpu.memory_space<vmem>>, vector<16xi32>,
            %add3A_349 = arith.constant 128 : i32
            %add3A_350 = vector.broadcast %add3A_349 : i32 to vector<16xi32>
            %add3A_351 = arith.addi %add3A_344, %add3A_350 : vector<16xi32>
            %add3A_352 = arith.constant 5632 : i32
            %add3A_353 = arith.addi %add3A_352, %mul3A_182 : i32
            %swap3A_354 = arith.index_cast %add3A_353 : i32 to index
            %swap3A_355 = tpu.vector_load %arg9[%swap3A_354] {strides = array<i32>} : memref<8192xi32, #tpu.memory_space<vmem>>, vector<16xi32>,
            tpu.vector_store %arg9[%swap3A_354], %add3A_351 {strides = array<i32>} : memref<8192xi32, #tpu.memory_space<vmem>>, vector<16xi32>,
            %mul3A_356 = arith.mulf %sub3A, %mul3A_241 : vector<16xf32>
            %add3A_357 = arith.constant 1536 : i32
            %add3A_358 = arith.addi %add3A_357, %mul3A_182 : i32
            %swap3A_359 = arith.index_cast %add3A_358 : i32 to index
            %swap3A_360 = tpu.vector_load %arg13[%swap3A_359] {strides = array<i32>} : memref<4096xf32, #tpu.memory_space<vmem>>, vector<16xf32>,
            tpu.vector_store %arg13[%swap3A_359], %mul3A_356 {strides = array<i32>} : memref<4096xf32, #tpu.memory_space<vmem>>, vector<16xf32>,
            %add3A_361 = arith.addi %add3A_219, %add3A_229 : vector<16xi32>
            %sub3A_362 = arith.subi %add3A_361, %gather3A_40 : vector<16xi32>
            %lt3A_363 = arith.cmpi slt, %sub3A_362, %gather3A_45 : vector<16xi32>
            %select_n3A_364 = arith.select %lt3A_363, %add3A_361, %sub3A_362 : vector<16xi1>, vector<16xi32>
            %shift_right_arithmetic3A_365 = arith.constant 7 : i32
            %shift_right_arithmetic3A_366 = vector.broadcast %shift_right_arithmetic3A_365 : i32 to vector<16xi32>
            %shift_right_arithmetic3A_367 = arith.shrsi %select_n3A_364, %shift_right_arithmetic3A_366 : vector<16xi32>
            %shift_left3A_368 = arith.constant 8 : i32
            %shift_left3A_369 = vector.broadcast %shift_left3A_368 : i32 to vector<16xi32>
            %shift_left3A_370 = arith.shli %shift_right_arithmetic3A_367, %shift_left3A_369 : vector<16xi32>
            %and3A_371 = arith.constant 127 : i32
            %and3A_372 = vector.broadcast %and3A_371 : i32 to vector<16xi32>
            %and3A_373 = arith.andi %select_n3A_364, %and3A_372 : vector<16xi32>
            %add3A_374 = arith.addi %shift_left3A_370, %and3A_373 : vector<16xi32>
            %add3A_375 = arith.constant 2048 : i32
            %add3A_376 = arith.addi %add3A_375, %mul3A_182 : i32
            %swap3A_377 = arith.index_cast %add3A_376 : i32 to index
            %swap3A_378 = tpu.vector_load %arg9[%swap3A_377] {strides = array<i32>} : memref<8192xi32, #tpu.memory_space<vmem>>, vector<16xi32>,
            tpu.vector_store %arg9[%swap3A_377], %add3A_374 {strides = array<i32>} : memref<8192xi32, #tpu.memory_space<vmem>>, vector<16xi32>,
            %add3A_379 = arith.constant 128 : i32
            %add3A_380 = vector.broadcast %add3A_379 : i32 to vector<16xi32>
            %add3A_381 = arith.addi %add3A_374, %add3A_380 : vector<16xi32>
            %add3A_382 = arith.constant 6144 : i32
            %add3A_383 = arith.addi %add3A_382, %mul3A_182 : i32
            %swap3A_384 = arith.index_cast %add3A_383 : i32 to index
            %swap3A_385 = tpu.vector_load %arg9[%swap3A_384] {strides = array<i32>} : memref<8192xi32, #tpu.memory_space<vmem>>, vector<16xi32>,
            tpu.vector_store %arg9[%swap3A_384], %add3A_381 {strides = array<i32>} : memref<8192xi32, #tpu.memory_space<vmem>>, vector<16xi32>,
            %mul3A_386 = arith.mulf %sub3A_233, %mul3A_242 : vector<16xf32>
            %add3A_387 = arith.constant 2048 : i32
            %add3A_388 = arith.addi %add3A_387, %mul3A_182 : i32
            %swap3A_389 = arith.index_cast %add3A_388 : i32 to index
            %swap3A_390 = tpu.vector_load %arg13[%swap3A_389] {strides = array<i32>} : memref<4096xf32, #tpu.memory_space<vmem>>, vector<16xf32>,
            tpu.vector_store %arg13[%swap3A_389], %mul3A_386 {strides = array<i32>} : memref<4096xf32, #tpu.memory_space<vmem>>, vector<16xf32>,
            %add3A_391 = arith.addi %add3A_222, %add3A_229 : vector<16xi32>
            %sub3A_392 = arith.subi %add3A_391, %gather3A_40 : vector<16xi32>
            %lt3A_393 = arith.cmpi slt, %sub3A_392, %gather3A_45 : vector<16xi32>
            %select_n3A_394 = arith.select %lt3A_393, %add3A_391, %sub3A_392 : vector<16xi1>, vector<16xi32>
            %shift_right_arithmetic3A_395 = arith.constant 7 : i32
            %shift_right_arithmetic3A_396 = vector.broadcast %shift_right_arithmetic3A_395 : i32 to vector<16xi32>
            %shift_right_arithmetic3A_397 = arith.shrsi %select_n3A_394, %shift_right_arithmetic3A_396 : vector<16xi32>
            %shift_left3A_398 = arith.constant 8 : i32
            %shift_left3A_399 = vector.broadcast %shift_left3A_398 : i32 to vector<16xi32>
            %shift_left3A_400 = arith.shli %shift_right_arithmetic3A_397, %shift_left3A_399 : vector<16xi32>
            %and3A_401 = arith.constant 127 : i32
            %and3A_402 = vector.broadcast %and3A_401 : i32 to vector<16xi32>
            %and3A_403 = arith.andi %select_n3A_394, %and3A_402 : vector<16xi32>
            %add3A_404 = arith.addi %shift_left3A_400, %and3A_403 : vector<16xi32>
            %add3A_405 = arith.constant 2560 : i32
            %add3A_406 = arith.addi %add3A_405, %mul3A_182 : i32
            %swap3A_407 = arith.index_cast %add3A_406 : i32 to index
            %swap3A_408 = tpu.vector_load %arg9[%swap3A_407] {strides = array<i32>} : memref<8192xi32, #tpu.memory_space<vmem>>, vector<16xi32>,
            tpu.vector_store %arg9[%swap3A_407], %add3A_404 {strides = array<i32>} : memref<8192xi32, #tpu.memory_space<vmem>>, vector<16xi32>,
            %add3A_409 = arith.constant 128 : i32
            %add3A_410 = vector.broadcast %add3A_409 : i32 to vector<16xi32>
            %add3A_411 = arith.addi %add3A_404, %add3A_410 : vector<16xi32>
            %add3A_412 = arith.constant 6656 : i32
            %add3A_413 = arith.addi %add3A_412, %mul3A_182 : i32
            %swap3A_414 = arith.index_cast %add3A_413 : i32 to index
            %swap3A_415 = tpu.vector_load %arg9[%swap3A_414] {strides = array<i32>} : memref<8192xi32, #tpu.memory_space<vmem>>, vector<16xi32>,
            tpu.vector_store %arg9[%swap3A_414], %add3A_411 {strides = array<i32>} : memref<8192xi32, #tpu.memory_space<vmem>>, vector<16xi32>,
            %mul3A_416 = arith.mulf %sub3A, %mul3A_242 : vector<16xf32>
            %add3A_417 = arith.constant 2560 : i32
            %add3A_418 = arith.addi %add3A_417, %mul3A_182 : i32
            %swap3A_419 = arith.index_cast %add3A_418 : i32 to index
            %swap3A_420 = tpu.vector_load %arg13[%swap3A_419] {strides = array<i32>} : memref<4096xf32, #tpu.memory_space<vmem>>, vector<16xf32>,
            tpu.vector_store %arg13[%swap3A_419], %mul3A_416 {strides = array<i32>} : memref<4096xf32, #tpu.memory_space<vmem>>, vector<16xf32>,
            %add3A_421 = arith.addi %add3A_219, %add3A_230 : vector<16xi32>
            %sub3A_422 = arith.subi %add3A_421, %gather3A_40 : vector<16xi32>
            %lt3A_423 = arith.cmpi slt, %sub3A_422, %gather3A_45 : vector<16xi32>
            %select_n3A_424 = arith.select %lt3A_423, %add3A_421, %sub3A_422 : vector<16xi1>, vector<16xi32>
            %shift_right_arithmetic3A_425 = arith.constant 7 : i32
            %shift_right_arithmetic3A_426 = vector.broadcast %shift_right_arithmetic3A_425 : i32 to vector<16xi32>
            %shift_right_arithmetic3A_427 = arith.shrsi %select_n3A_424, %shift_right_arithmetic3A_426 : vector<16xi32>
            %shift_left3A_428 = arith.constant 8 : i32
            %shift_left3A_429 = vector.broadcast %shift_left3A_428 : i32 to vector<16xi32>
            %shift_left3A_430 = arith.shli %shift_right_arithmetic3A_427, %shift_left3A_429 : vector<16xi32>
            %and3A_431 = arith.constant 127 : i32
            %and3A_432 = vector.broadcast %and3A_431 : i32 to vector<16xi32>
            %and3A_433 = arith.andi %select_n3A_424, %and3A_432 : vector<16xi32>
            %add3A_434 = arith.addi %shift_left3A_430, %and3A_433 : vector<16xi32>
            %add3A_435 = arith.constant 3072 : i32
            %add3A_436 = arith.addi %add3A_435, %mul3A_182 : i32
            %swap3A_437 = arith.index_cast %add3A_436 : i32 to index
            %swap3A_438 = tpu.vector_load %arg9[%swap3A_437] {strides = array<i32>} : memref<8192xi32, #tpu.memory_space<vmem>>, vector<16xi32>,
            tpu.vector_store %arg9[%swap3A_437], %add3A_434 {strides = array<i32>} : memref<8192xi32, #tpu.memory_space<vmem>>, vector<16xi32>,
            %add3A_439 = arith.constant 128 : i32
            %add3A_440 = vector.broadcast %add3A_439 : i32 to vector<16xi32>
            %add3A_441 = arith.addi %add3A_434, %add3A_440 : vector<16xi32>
            %add3A_442 = arith.constant 7168 : i32
            %add3A_443 = arith.addi %add3A_442, %mul3A_182 : i32
            %swap3A_444 = arith.index_cast %add3A_443 : i32 to index
            %swap3A_445 = tpu.vector_load %arg9[%swap3A_444] {strides = array<i32>} : memref<8192xi32, #tpu.memory_space<vmem>>, vector<16xi32>,
            tpu.vector_store %arg9[%swap3A_444], %add3A_441 {strides = array<i32>} : memref<8192xi32, #tpu.memory_space<vmem>>, vector<16xi32>,
            %mul3A_446 = arith.mulf %sub3A_233, %mul3A_243 : vector<16xf32>
            %add3A_447 = arith.constant 3072 : i32
            %add3A_448 = arith.addi %add3A_447, %mul3A_182 : i32
            %swap3A_449 = arith.index_cast %add3A_448 : i32 to index
            %swap3A_450 = tpu.vector_load %arg13[%swap3A_449] {strides = array<i32>} : memref<4096xf32, #tpu.memory_space<vmem>>, vector<16xf32>,
            tpu.vector_store %arg13[%swap3A_449], %mul3A_446 {strides = array<i32>} : memref<4096xf32, #tpu.memory_space<vmem>>, vector<16xf32>,
            %add3A_451 = arith.addi %add3A_222, %add3A_230 : vector<16xi32>
            %sub3A_452 = arith.subi %add3A_451, %gather3A_40 : vector<16xi32>
            %lt3A_453 = arith.cmpi slt, %sub3A_452, %gather3A_45 : vector<16xi32>
            %select_n3A_454 = arith.select %lt3A_453, %add3A_451, %sub3A_452 : vector<16xi1>, vector<16xi32>
            %shift_right_arithmetic3A_455 = arith.constant 7 : i32
            %shift_right_arithmetic3A_456 = vector.broadcast %shift_right_arithmetic3A_455 : i32 to vector<16xi32>
            %shift_right_arithmetic3A_457 = arith.shrsi %select_n3A_454, %shift_right_arithmetic3A_456 : vector<16xi32>
            %shift_left3A_458 = arith.constant 8 : i32
            %shift_left3A_459 = vector.broadcast %shift_left3A_458 : i32 to vector<16xi32>
            %shift_left3A_460 = arith.shli %shift_right_arithmetic3A_457, %shift_left3A_459 : vector<16xi32>
            %and3A_461 = arith.constant 127 : i32
            %and3A_462 = vector.broadcast %and3A_461 : i32 to vector<16xi32>
            %and3A_463 = arith.andi %select_n3A_454, %and3A_462 : vector<16xi32>
            %add3A_464 = arith.addi %shift_left3A_460, %and3A_463 : vector<16xi32>
            %add3A_465 = arith.constant 3584 : i32
            %add3A_466 = arith.addi %add3A_465, %mul3A_182 : i32
            %swap3A_467 = arith.index_cast %add3A_466 : i32 to index
            %swap3A_468 = tpu.vector_load %arg9[%swap3A_467] {strides = array<i32>} : memref<8192xi32, #tpu.memory_space<vmem>>, vector<16xi32>,
            tpu.vector_store %arg9[%swap3A_467], %add3A_464 {strides = array<i32>} : memref<8192xi32, #tpu.memory_space<vmem>>, vector<16xi32>,
            %add3A_469 = arith.constant 128 : i32
            %add3A_470 = vector.broadcast %add3A_469 : i32 to vector<16xi32>
            %add3A_471 = arith.addi %add3A_464, %add3A_470 : vector<16xi32>
            %add3A_472 = arith.constant 7680 : i32
            %add3A_473 = arith.addi %add3A_472, %mul3A_182 : i32
            %swap3A_474 = arith.index_cast %add3A_473 : i32 to index
            %swap3A_475 = tpu.vector_load %arg9[%swap3A_474] {strides = array<i32>} : memref<8192xi32, #tpu.memory_space<vmem>>, vector<16xi32>,
            tpu.vector_store %arg9[%swap3A_474], %add3A_471 {strides = array<i32>} : memref<8192xi32, #tpu.memory_space<vmem>>, vector<16xi32>,
            %mul3A_476 = arith.mulf %sub3A, %mul3A_243 : vector<16xf32>
            %add3A_477 = arith.constant 3584 : i32
            %add3A_478 = arith.addi %add3A_477, %mul3A_182 : i32
            %swap3A_479 = arith.index_cast %add3A_478 : i32 to index
            %swap3A_480 = tpu.vector_load %arg13[%swap3A_479] {strides = array<i32>} : memref<4096xf32, #tpu.memory_space<vmem>>, vector<16xf32>,
            tpu.vector_store %arg13[%swap3A_479], %mul3A_476 {strides = array<i32>} : memref<4096xf32, #tpu.memory_space<vmem>>, vector<16xf32>,
          }
          %scan3A_170 = arith.constant 32 : i32
          %dma_start3A_171 = arith.constant 0 : i32
          %dma_start3A_172 = tpu.memref_slice %arg19[%dma_start3A_171] : memref<1048832xf32, #tpu.memory_space<vmem_shared>> -> memref<1048832xf32, #tpu.memory_space<vmem_shared>>
          tpu.enqueue_indirect_dma source(%dma_start3A_172 : memref<1048832xf32, #tpu.memory_space<vmem_shared>>) target(%arg11 : memref<8192xf32, #tpu.memory_space<vmem>>) offsets(%arg9 : memref<8192xi32, #tpu.memory_space<vmem>>) semaphore(%arg22 : memref<!tpu.dma_semaphore, #tpu.memory_space<semaphore_mem>>)
          %add3A_173 = arith.constant 4 : i32
          %add3A_174 = arith.addi %mul3A_90, %add3A_173 : i32
          %lt3A_175 = arith.constant 64 : i32
          %lt3A_176 = arith.cmpi slt, %add3A_174, %lt3A_175 : i32
          %convert_element_type3A_177 = arith.extui %lt3A_176 : i1 to i32
          %cond3A_178 = arith.constant 0 : i32
          %cond3A_179 = arith.cmpi ne, %convert_element_type3A_177, %cond3A_178 : i32
          scf.if %cond3A_179 {
            %add3A_180 = arith.constant 4 : i32
            %add3A_181 = arith.addi %mul3A_90, %add3A_180 : i32
            %mul3A_182 = arith.constant 512 : i32
            %mul3A_183 = arith.muli %add3A_181, %mul3A_182 : i32
            %add3A_184 = arith.addi %mul3A_2, %mul3A_183 : i32
            %mul3A_185 = arith.constant 4 : i32
            %mul3A_186 = arith.muli %add3A_184, %mul3A_185 : i32
            %dma_start3A_187 = tpu.memref_slice %arg2[%mul3A_186] : memref<4194304xf32, #tpu.memory_space<hbm>> -> memref<2048xf32, #tpu.memory_space<hbm>>
            %dma_start3A_188 = tpu.memref_slice %arg2[%mul3A_186] : memref<4194304xf32, #tpu.memory_space<hbm>> -> memref<2048xf32, #tpu.memory_space<hbm>>
            tpu.enqueue_dma source(%dma_start3A_188 : memref<2048xf32, #tpu.memory_space<hbm>>) target(%arg7 : memref<2048xf32, #tpu.memory_space<vmem>>) target_semaphore(%arg20 : memref<!tpu.dma_semaphore, #tpu.memory_space<semaphore_mem>>)
          } else {
          }
        } else {
        }
        %dma_wait3A_136 = arith.constant 0 : i32
        %dma_wait3A_137 = tpu.memref_slice %arg19[%dma_wait3A_136] : memref<1048832xf32, #tpu.memory_space<vmem_shared>> -> memref<1048832xf32, #tpu.memory_space<vmem_shared>>
        tpu.wait_indirect_dma semaphore(%arg23 : memref<!tpu.dma_semaphore, #tpu.memory_space<semaphore_mem>>) src(%dma_wait3A_137 : memref<1048832xf32, #tpu.memory_space<vmem_shared>>) dst(%arg12 : memref<8192xf32, #tpu.memory_space<vmem>>)
        %gt3A_138 = arith.constant 0 : i32
        %gt3A_139 = arith.cmpi sgt, %scan3A_88, %gt3A_138 : i32
        %convert_element_type3A_140 = arith.extui %gt3A_139 : i1 to i32
        %cond3A_141 = arith.constant 0 : i32
        %cond3A_142 = arith.cmpi ne, %convert_element_type3A_140, %cond3A_141 : i32
        scf.if %cond3A_142 {
          %dma_wait3A_161 = arith.constant 0 : i32
          %dma_wait3A_162 = tpu.memref_slice %arg6[%dma_wait3A_161] : memref<33554432xf32, #tpu.memory_space<hbm>> -> memref<1024xf32, #tpu.memory_space<hbm>>
          %dma_wait3A_163 = arith.constant 0 : i32
          %dma_wait3A_164 = tpu.memref_slice %arg6[%dma_wait3A_163] : memref<33554432xf32, #tpu.memory_space<hbm>> -> memref<1024xf32, #tpu.memory_space<hbm>>
          tpu.wait_dma2 semaphore(%arg25 : memref<!tpu.dma_semaphore, #tpu.memory_space<semaphore_mem>>) src(%arg16 : memref<1024xf32, #tpu.memory_space<vmem>>) dst(%dma_wait3A_164 : memref<1024xf32, #tpu.memory_space<hbm>>)
        } else {
        }
        %scan3A_143 = arith.constant 0 : i32
        %scan3A_144 = arith.constant 0 : i32
        %scan3A_145 = arith.constant 32 : i32
        %scan3A_146 = arith.addi %scan3A_144, %scan3A_145 : i32
        %scan3A_147 = arith.constant 1 : i32
        scf.for %scan3A_161 = %scan3A_144 to %scan3A_146 step %scan3A_147  : i32 {
          %broadcast_in_dim3A_162 = arith.constant 0.000000e+00 : f32
          %broadcast_in_dim3A_163 = vector.broadcast %broadcast_in_dim3A_162 : f32 to vector<16xf32>
          %broadcast_in_dim3A_164 = arith.constant 0.000000e+00 : f32
          %broadcast_in_dim3A_165 = vector.broadcast %broadcast_in_dim3A_164 : f32 to vector<16xf32>
          %mul3A_166 = arith.constant 16 : i32
          %mul3A_167 = arith.muli %scan3A_161, %mul3A_166 : i32
          %add3A_168 = arith.constant 0 : i32
          %add3A_169 = arith.addi %add3A_168, %mul3A_167 : i32
          %get3A = arith.index_cast %add3A_169 : i32 to index
          %get3A_170 = tpu.vector_load %arg14[%get3A] {strides = array<i32>} : memref<4096xf32, #tpu.memory_space<vmem>>, vector<16xf32>,
          %mul3A_171 = arith.constant 16 : i32
          %mul3A_172 = arith.muli %scan3A_161, %mul3A_171 : i32
          %add3A_173 = arith.constant 0 : i32
          %add3A_174 = arith.addi %add3A_173, %mul3A_172 : i32
          %get3A_175 = arith.index_cast %add3A_174 : i32 to index
          %get3A_176 = tpu.vector_load %arg12[%get3A_175] {strides = array<i32>} : memref<8192xf32, #tpu.memory_space<vmem>>, vector<16xf32>,
          %mul3A_177 = arith.constant 16 : i32
          %mul3A_178 = arith.muli %scan3A_161, %mul3A_177 : i32
          %add3A_179 = arith.constant 4096 : i32
          %add3A_180 = arith.addi %add3A_179, %mul3A_178 : i32
          %get3A_181 = arith.index_cast %add3A_180 : i32 to index
          %get3A_182 = tpu.vector_load %arg12[%get3A_181] {strides = array<i32>} : memref<8192xf32, #tpu.memory_space<vmem>>, vector<16xf32>,
          %mul3A_183 = arith.mulf %get3A_170, %get3A_176 : vector<16xf32>
          %add3A_184 = arith.addf %broadcast_in_dim3A_163, %mul3A_183 : vector<16xf32>
          %mul3A_185 = arith.mulf %get3A_170, %get3A_182 : vector<16xf32>
          %add3A_186 = arith.addf %broadcast_in_dim3A_165, %mul3A_185 : vector<16xf32>
          %mul3A_187 = arith.constant 16 : i32
          %mul3A_188 = arith.muli %scan3A_161, %mul3A_187 : i32
          %add3A_189 = arith.constant 512 : i32
          %add3A_190 = arith.addi %add3A_189, %mul3A_188 : i32
          %get3A_191 = arith.index_cast %add3A_190 : i32 to index
          %get3A_192 = tpu.vector_load %arg14[%get3A_191] {strides = array<i32>} : memref<4096xf32, #tpu.memory_space<vmem>>, vector<16xf32>,
          %mul3A_193 = arith.constant 16 : i32
          %mul3A_194 = arith.muli %scan3A_161, %mul3A_193 : i32
          %add3A_195 = arith.constant 512 : i32
          %add3A_196 = arith.addi %add3A_195, %mul3A_194 : i32
          %get3A_197 = arith.index_cast %add3A_196 : i32 to index
          %get3A_198 = tpu.vector_load %arg12[%get3A_197] {strides = array<i32>} : memref<8192xf32, #tpu.memory_space<vmem>>, vector<16xf32>,
          %mul3A_199 = arith.constant 16 : i32
          %mul3A_200 = arith.muli %scan3A_161, %mul3A_199 : i32
          %add3A_201 = arith.constant 4608 : i32
          %add3A_202 = arith.addi %add3A_201, %mul3A_200 : i32
          %get3A_203 = arith.index_cast %add3A_202 : i32 to index
          %get3A_204 = tpu.vector_load %arg12[%get3A_203] {strides = array<i32>} : memref<8192xf32, #tpu.memory_space<vmem>>, vector<16xf32>,
          %mul3A_205 = arith.mulf %get3A_192, %get3A_198 : vector<16xf32>
          %add3A_206 = arith.addf %add3A_184, %mul3A_205 : vector<16xf32>
          %mul3A_207 = arith.mulf %get3A_192, %get3A_204 : vector<16xf32>
          %add3A_208 = arith.addf %add3A_186, %mul3A_207 : vector<16xf32>
          %mul3A_209 = arith.constant 16 : i32
          %mul3A_210 = arith.muli %scan3A_161, %mul3A_209 : i32
          %add3A_211 = arith.constant 1024 : i32
          %add3A_212 = arith.addi %add3A_211, %mul3A_210 : i32
          %get3A_213 = arith.index_cast %add3A_212 : i32 to index
          %get3A_214 = tpu.vector_load %arg14[%get3A_213] {strides = array<i32>} : memref<4096xf32, #tpu.memory_space<vmem>>, vector<16xf32>,
          %mul3A_215 = arith.constant 16 : i32
          %mul3A_216 = arith.muli %scan3A_161, %mul3A_215 : i32
          %add3A_217 = arith.constant 1024 : i32
          %add3A_218 = arith.addi %add3A_217, %mul3A_216 : i32
          %get3A_219 = arith.index_cast %add3A_218 : i32 to index
          %get3A_220 = tpu.vector_load %arg12[%get3A_219] {strides = array<i32>} : memref<8192xf32, #tpu.memory_space<vmem>>, vector<16xf32>,
          %mul3A_221 = arith.constant 16 : i32
          %mul3A_222 = arith.muli %scan3A_161, %mul3A_221 : i32
          %add3A_223 = arith.constant 5120 : i32
          %add3A_224 = arith.addi %add3A_223, %mul3A_222 : i32
          %get3A_225 = arith.index_cast %add3A_224 : i32 to index
          %get3A_226 = tpu.vector_load %arg12[%get3A_225] {strides = array<i32>} : memref<8192xf32, #tpu.memory_space<vmem>>, vector<16xf32>,
          %mul3A_227 = arith.mulf %get3A_214, %get3A_220 : vector<16xf32>
          %add3A_228 = arith.addf %add3A_206, %mul3A_227 : vector<16xf32>
          %mul3A_229 = arith.mulf %get3A_214, %get3A_226 : vector<16xf32>
          %add3A_230 = arith.addf %add3A_208, %mul3A_229 : vector<16xf32>
          %mul3A_231 = arith.constant 16 : i32
          %mul3A_232 = arith.muli %scan3A_161, %mul3A_231 : i32
          %add3A_233 = arith.constant 1536 : i32
          %add3A_234 = arith.addi %add3A_233, %mul3A_232 : i32
          %get3A_235 = arith.index_cast %add3A_234 : i32 to index
          %get3A_236 = tpu.vector_load %arg14[%get3A_235] {strides = array<i32>} : memref<4096xf32, #tpu.memory_space<vmem>>, vector<16xf32>,
          %mul3A_237 = arith.constant 16 : i32
          %mul3A_238 = arith.muli %scan3A_161, %mul3A_237 : i32
          %add3A_239 = arith.constant 1536 : i32
          %add3A_240 = arith.addi %add3A_239, %mul3A_238 : i32
          %get3A_241 = arith.index_cast %add3A_240 : i32 to index
          %get3A_242 = tpu.vector_load %arg12[%get3A_241] {strides = array<i32>} : memref<8192xf32, #tpu.memory_space<vmem>>, vector<16xf32>,
          %mul3A_243 = arith.constant 16 : i32
          %mul3A_244 = arith.muli %scan3A_161, %mul3A_243 : i32
          %add3A_245 = arith.constant 5632 : i32
          %add3A_246 = arith.addi %add3A_245, %mul3A_244 : i32
          %get3A_247 = arith.index_cast %add3A_246 : i32 to index
          %get3A_248 = tpu.vector_load %arg12[%get3A_247] {strides = array<i32>} : memref<8192xf32, #tpu.memory_space<vmem>>, vector<16xf32>,
          %mul3A_249 = arith.mulf %get3A_236, %get3A_242 : vector<16xf32>
          %add3A_250 = arith.addf %add3A_228, %mul3A_249 : vector<16xf32>
          %mul3A_251 = arith.mulf %get3A_236, %get3A_248 : vector<16xf32>
          %add3A_252 = arith.addf %add3A_230, %mul3A_251 : vector<16xf32>
          %mul3A_253 = arith.constant 16 : i32
          %mul3A_254 = arith.muli %scan3A_161, %mul3A_253 : i32
          %add3A_255 = arith.constant 2048 : i32
          %add3A_256 = arith.addi %add3A_255, %mul3A_254 : i32
          %get3A_257 = arith.index_cast %add3A_256 : i32 to index
          %get3A_258 = tpu.vector_load %arg14[%get3A_257] {strides = array<i32>} : memref<4096xf32, #tpu.memory_space<vmem>>, vector<16xf32>,
          %mul3A_259 = arith.constant 16 : i32
          %mul3A_260 = arith.muli %scan3A_161, %mul3A_259 : i32
          %add3A_261 = arith.constant 2048 : i32
          %add3A_262 = arith.addi %add3A_261, %mul3A_260 : i32
          %get3A_263 = arith.index_cast %add3A_262 : i32 to index
          %get3A_264 = tpu.vector_load %arg12[%get3A_263] {strides = array<i32>} : memref<8192xf32, #tpu.memory_space<vmem>>, vector<16xf32>,
          %mul3A_265 = arith.constant 16 : i32
          %mul3A_266 = arith.muli %scan3A_161, %mul3A_265 : i32
          %add3A_267 = arith.constant 6144 : i32
          %add3A_268 = arith.addi %add3A_267, %mul3A_266 : i32
          %get3A_269 = arith.index_cast %add3A_268 : i32 to index
          %get3A_270 = tpu.vector_load %arg12[%get3A_269] {strides = array<i32>} : memref<8192xf32, #tpu.memory_space<vmem>>, vector<16xf32>,
          %mul3A_271 = arith.mulf %get3A_258, %get3A_264 : vector<16xf32>
          %add3A_272 = arith.addf %add3A_250, %mul3A_271 : vector<16xf32>
          %mul3A_273 = arith.mulf %get3A_258, %get3A_270 : vector<16xf32>
          %add3A_274 = arith.addf %add3A_252, %mul3A_273 : vector<16xf32>
          %mul3A_275 = arith.constant 16 : i32
          %mul3A_276 = arith.muli %scan3A_161, %mul3A_275 : i32
          %add3A_277 = arith.constant 2560 : i32
          %add3A_278 = arith.addi %add3A_277, %mul3A_276 : i32
          %get3A_279 = arith.index_cast %add3A_278 : i32 to index
          %get3A_280 = tpu.vector_load %arg14[%get3A_279] {strides = array<i32>} : memref<4096xf32, #tpu.memory_space<vmem>>, vector<16xf32>,
          %mul3A_281 = arith.constant 16 : i32
          %mul3A_282 = arith.muli %scan3A_161, %mul3A_281 : i32
          %add3A_283 = arith.constant 2560 : i32
          %add3A_284 = arith.addi %add3A_283, %mul3A_282 : i32
          %get3A_285 = arith.index_cast %add3A_284 : i32 to index
          %get3A_286 = tpu.vector_load %arg12[%get3A_285] {strides = array<i32>} : memref<8192xf32, #tpu.memory_space<vmem>>, vector<16xf32>,
          %mul3A_287 = arith.constant 16 : i32
          %mul3A_288 = arith.muli %scan3A_161, %mul3A_287 : i32
          %add3A_289 = arith.constant 6656 : i32
          %add3A_290 = arith.addi %add3A_289, %mul3A_288 : i32
          %get3A_291 = arith.index_cast %add3A_290 : i32 to index
          %get3A_292 = tpu.vector_load %arg12[%get3A_291] {strides = array<i32>} : memref<8192xf32, #tpu.memory_space<vmem>>, vector<16xf32>,
          %mul3A_293 = arith.mulf %get3A_280, %get3A_286 : vector<16xf32>
          %add3A_294 = arith.addf %add3A_272, %mul3A_293 : vector<16xf32>
          %mul3A_295 = arith.mulf %get3A_280, %get3A_292 : vector<16xf32>
          %add3A_296 = arith.addf %add3A_274, %mul3A_295 : vector<16xf32>
          %mul3A_297 = arith.constant 16 : i32
          %mul3A_298 = arith.muli %scan3A_161, %mul3A_297 : i32
          %add3A_299 = arith.constant 3072 : i32
          %add3A_300 = arith.addi %add3A_299, %mul3A_298 : i32
          %get3A_301 = arith.index_cast %add3A_300 : i32 to index
          %get3A_302 = tpu.vector_load %arg14[%get3A_301] {strides = array<i32>} : memref<4096xf32, #tpu.memory_space<vmem>>, vector<16xf32>,
          %mul3A_303 = arith.constant 16 : i32
          %mul3A_304 = arith.muli %scan3A_161, %mul3A_303 : i32
          %add3A_305 = arith.constant 3072 : i32
          %add3A_306 = arith.addi %add3A_305, %mul3A_304 : i32
          %get3A_307 = arith.index_cast %add3A_306 : i32 to index
          %get3A_308 = tpu.vector_load %arg12[%get3A_307] {strides = array<i32>} : memref<8192xf32, #tpu.memory_space<vmem>>, vector<16xf32>,
          %mul3A_309 = arith.constant 16 : i32
          %mul3A_310 = arith.muli %scan3A_161, %mul3A_309 : i32
          %add3A_311 = arith.constant 7168 : i32
          %add3A_312 = arith.addi %add3A_311, %mul3A_310 : i32
          %get3A_313 = arith.index_cast %add3A_312 : i32 to index
          %get3A_314 = tpu.vector_load %arg12[%get3A_313] {strides = array<i32>} : memref<8192xf32, #tpu.memory_space<vmem>>, vector<16xf32>,
          %mul3A_315 = arith.mulf %get3A_302, %get3A_308 : vector<16xf32>
          %add3A_316 = arith.addf %add3A_294, %mul3A_315 : vector<16xf32>
          %mul3A_317 = arith.mulf %get3A_302, %get3A_314 : vector<16xf32>
          %add3A_318 = arith.addf %add3A_296, %mul3A_317 : vector<16xf32>
          %mul3A_319 = arith.constant 16 : i32
          %mul3A_320 = arith.muli %scan3A_161, %mul3A_319 : i32
          %add3A_321 = arith.constant 3584 : i32
          %add3A_322 = arith.addi %add3A_321, %mul3A_320 : i32
          %get3A_323 = arith.index_cast %add3A_322 : i32 to index
          %get3A_324 = tpu.vector_load %arg14[%get3A_323] {strides = array<i32>} : memref<4096xf32, #tpu.memory_space<vmem>>, vector<16xf32>,
          %mul3A_325 = arith.constant 16 : i32
          %mul3A_326 = arith.muli %scan3A_161, %mul3A_325 : i32
          %add3A_327 = arith.constant 3584 : i32
          %add3A_328 = arith.addi %add3A_327, %mul3A_326 : i32
          %get3A_329 = arith.index_cast %add3A_328 : i32 to index
          %get3A_330 = tpu.vector_load %arg12[%get3A_329] {strides = array<i32>} : memref<8192xf32, #tpu.memory_space<vmem>>, vector<16xf32>,
          %mul3A_331 = arith.constant 16 : i32
          %mul3A_332 = arith.muli %scan3A_161, %mul3A_331 : i32
          %add3A_333 = arith.constant 7680 : i32
          %add3A_334 = arith.addi %add3A_333, %mul3A_332 : i32
          %get3A_335 = arith.index_cast %add3A_334 : i32 to index
          %get3A_336 = tpu.vector_load %arg12[%get3A_335] {strides = array<i32>} : memref<8192xf32, #tpu.memory_space<vmem>>, vector<16xf32>,
          %mul3A_337 = arith.mulf %get3A_324, %get3A_330 : vector<16xf32>
          %add3A_338 = arith.addf %add3A_316, %mul3A_337 : vector<16xf32>
          %mul3A_339 = arith.mulf %get3A_324, %get3A_336 : vector<16xf32>
          %add3A_340 = arith.addf %add3A_318, %mul3A_339 : vector<16xf32>
          %shift_right_arithmetic3A = arith.constant 3 : i32
          %shift_right_arithmetic3A_341 = arith.shrsi %scan3A_161, %shift_right_arithmetic3A : i32
          %mul3A_342 = arith.constant 256 : i32
          %mul3A_343 = arith.muli %shift_right_arithmetic3A_341, %mul3A_342 : i32
          %and3A = arith.constant 7 : i32
          %and3A_344 = arith.andi %scan3A_161, %and3A : i32
          %mul3A_345 = arith.constant 16 : i32
          %mul3A_346 = arith.muli %and3A_344, %mul3A_345 : i32
          %add3A_347 = arith.addi %mul3A_343, %mul3A_346 : i32
          %swap3A = arith.index_cast %add3A_347 : i32 to index
          %swap3A_348 = tpu.vector_load %arg16[%swap3A] {strides = array<i32>} : memref<1024xf32, #tpu.memory_space<vmem>>, vector<16xf32>,
          tpu.vector_store %arg16[%swap3A], %add3A_338 {strides = array<i32>} : memref<1024xf32, #tpu.memory_space<vmem>>, vector<16xf32>,
          %add3A_349 = arith.constant 128 : i32
          %add3A_350 = arith.addi %add3A_347, %add3A_349 : i32
          %swap3A_351 = arith.index_cast %add3A_350 : i32 to index
          %swap3A_352 = tpu.vector_load %arg16[%swap3A_351] {strides = array<i32>} : memref<1024xf32, #tpu.memory_space<vmem>>, vector<16xf32>,
          tpu.vector_store %arg16[%swap3A_351], %add3A_340 {strides = array<i32>} : memref<1024xf32, #tpu.memory_space<vmem>>, vector<16xf32>,
        }
        %scan3A_148 = arith.constant 32 : i32
        %add3A_149 = arith.constant 1 : i32
        %add3A_150 = arith.addi %mul3A_90, %add3A_149 : i32
        %mul3A_151 = arith.constant 2097152 : i32
        %mul3A_152 = arith.muli %scan3A_24, %mul3A_151 : i32
        %mul3A_153 = arith.constant 512 : i32
        %mul3A_154 = arith.muli %add3A_150, %mul3A_153 : i32
        %add3A_155 = arith.addi %mul3A_2, %mul3A_154 : i32
        %mul3A_156 = arith.constant 2 : i32
        %mul3A_157 = arith.muli %add3A_155, %mul3A_156 : i32
        %add3A_158 = arith.addi %mul3A_152, %mul3A_157 : i32
        %dma_start3A_159 = tpu.memref_slice %arg6[%add3A_158] : memref<33554432xf32, #tpu.memory_space<hbm>> -> memref<1024xf32, #tpu.memory_space<hbm>>
        %dma_start3A_160 = tpu.memref_slice %arg6[%add3A_158] : memref<33554432xf32, #tpu.memory_space<hbm>> -> memref<1024xf32, #tpu.memory_space<hbm>>
        tpu.enqueue_dma source(%arg16 : memref<1024xf32, #tpu.memory_space<vmem>>) target(%dma_start3A_160 : memref<1024xf32, #tpu.memory_space<hbm>>) target_semaphore(%arg25 : memref<!tpu.dma_semaphore, #tpu.memory_space<semaphore_mem>>)
      }
      %scan3A_79 = arith.constant 32 : i32
      %dma_wait3A_80 = arith.constant 0 : i32
      %dma_wait3A_81 = tpu.memref_slice %arg6[%dma_wait3A_80] : memref<33554432xf32, #tpu.memory_space<hbm>> -> memref<1024xf32, #tpu.memory_space<hbm>>
      %dma_wait3A_82 = arith.constant 0 : i32
      %dma_wait3A_83 = tpu.memref_slice %arg6[%dma_wait3A_82] : memref<33554432xf32, #tpu.memory_space<hbm>> -> memref<1024xf32, #tpu.memory_space<hbm>>
      tpu.wait_dma2 semaphore(%arg24 : memref<!tpu.dma_semaphore, #tpu.memory_space<semaphore_mem>>) src(%arg15 : memref<1024xf32, #tpu.memory_space<vmem>>) dst(%dma_wait3A_83 : memref<1024xf32, #tpu.memory_space<hbm>>)
      %dma_wait3A_84 = arith.constant 0 : i32
      %dma_wait3A_85 = tpu.memref_slice %arg6[%dma_wait3A_84] : memref<33554432xf32, #tpu.memory_space<hbm>> -> memref<1024xf32, #tpu.memory_space<hbm>>
      %dma_wait3A_86 = arith.constant 0 : i32
      %dma_wait3A_87 = tpu.memref_slice %arg6[%dma_wait3A_86] : memref<33554432xf32, #tpu.memory_space<hbm>> -> memref<1024xf32, #tpu.memory_space<hbm>>
      tpu.wait_dma2 semaphore(%arg25 : memref<!tpu.dma_semaphore, #tpu.memory_space<semaphore_mem>>) src(%arg16 : memref<1024xf32, #tpu.memory_space<vmem>>) dst(%dma_wait3A_87 : memref<1024xf32, #tpu.memory_space<hbm>>)
    }
    %scan3A_17 = arith.constant 5 : i32
    %scan3A_18 = arith.constant 0 : i32
    %scan3A_19 = arith.constant 5 : i32
    %scan3A_20 = arith.constant 11 : i32
    %scan3A_21 = arith.addi %scan3A_19, %scan3A_20 : i32
    %scan3A_22 = arith.constant 1 : i32
    scf.for %scan3A_24 = %scan3A_19 to %scan3A_21 step %scan3A_22  : i32 {
      %barrier3A_25 = arith.constant 0 : index
      tpu.barrier barrier_id(%barrier3A_25)
      %mul3A_26 = arith.constant 524288 : i32
      %mul3A_27 = arith.muli %scan3A_24, %mul3A_26 : i32
      %add3A_28 = arith.constant -2290488 : i32
      %add3A_29 = arith.addi %add3A_28, %mul3A_27 : i32
      %sub3A = arith.constant 72 : i32
      %sub3A_30 = arith.subi %add3A_29, %sub3A : i32
      %mul3A_31 = arith.constant 2 : i32
      %mul3A_32 = arith.muli %sub3A_30, %mul3A_31 : i32
      %multiple_of3A = tpu.assume_multiple %mul3A_32, 256 : i32
      %mul3A_33 = arith.constant 65552 : i32
      %mul3A_34 = arith.muli %arg1, %mul3A_33 : i32
      %add3A_35 = arith.addi %multiple_of3A, %mul3A_34 : i32
      %mul3A_36 = arith.constant 65552 : i32
      %mul3A_37 = arith.muli %arg1, %mul3A_36 : i32
      "tpu.region"() ({
        %run_scoped3A = tpu.sem_alloc : memref<!tpu.dma_semaphore, #tpu.memory_space<semaphore_mem>>
        %dma_start3A_90 = tpu.memref_slice %arg19[%mul3A_37] : memref<1048832xf32, #tpu.memory_space<vmem_shared>> -> memref<65552xf32, #tpu.memory_space<vmem_shared>>
        %dma_start3A_91 = tpu.memref_slice %arg3[%add3A_35] : memref<12196352xf32, #tpu.memory_space<hbm>> -> memref<65552xf32, #tpu.memory_space<hbm>>
        tpu.enqueue_dma source(%dma_start3A_91 : memref<65552xf32, #tpu.memory_space<hbm>>) target(%dma_start3A_90 : memref<65552xf32, #tpu.memory_space<vmem_shared>>) target_semaphore(%run_scoped3A : memref<!tpu.dma_semaphore, #tpu.memory_space<semaphore_mem>>)
        %dma_wait3A_92 = tpu.memref_slice %arg19[%mul3A_37] : memref<1048832xf32, #tpu.memory_space<vmem_shared>> -> memref<65552xf32, #tpu.memory_space<vmem_shared>>
        %dma_wait3A_93 = tpu.memref_slice %arg3[%add3A_35] : memref<12196352xf32, #tpu.memory_space<hbm>> -> memref<65552xf32, #tpu.memory_space<hbm>>
        tpu.wait_dma2 semaphore(%run_scoped3A : memref<!tpu.dma_semaphore, #tpu.memory_space<semaphore_mem>>) src(%dma_wait3A_93 : memref<65552xf32, #tpu.memory_space<hbm>>) dst(%dma_wait3A_92 : memref<65552xf32, #tpu.memory_space<vmem_shared>>)
        tpu.yield
      }) : () -> ()
      %barrier3A_38 = arith.constant 0 : index
      tpu.barrier barrier_id(%barrier3A_38)
      %broadcast_in_dim3A_39 = arith.constant 0 : i32
      %broadcast_in_dim3A_40 = vector.broadcast %broadcast_in_dim3A_39 : i32 to vector<16xi32>
      %add3A_41 = vector.broadcast %add3A_29 : i32 to vector<16xi32>
      %add3A_42 = arith.addi %broadcast_in_dim3A_40, %add3A_41 : vector<16xi32>
      %broadcast_in_dim3A_43 = arith.constant 0 : i32
      %broadcast_in_dim3A_44 = vector.broadcast %broadcast_in_dim3A_43 : i32 to vector<16xi32>
      %add3A_45 = vector.broadcast %multiple_of3A : i32 to vector<16xi32>
      %add3A_46 = arith.addi %broadcast_in_dim3A_44, %add3A_45 : vector<16xi32>
      %broadcast_in_dim3A_47 = vector.broadcast %scan3A_24 : i32 to vector<16xi32>
      %gather3A = tpu.vector_load_idx %arg17[%broadcast_in_dim3A_47] : memref<16xf32, #tpu.memory_space<vmem>>[vector<16xi32>], vector<16xf32>,
      %add3A_48 = arith.constant 0 : i32
      %add3A_49 = arith.addi %mul3A_2, %add3A_48 : i32
      %mul3A_50 = arith.constant 4 : i32
      %mul3A_51 = arith.muli %add3A_49, %mul3A_50 : i32
      %dma_start3A = tpu.memref_slice %arg2[%mul3A_51] : memref<4194304xf32, #tpu.memory_space<hbm>> -> memref<2048xf32, #tpu.memory_space<hbm>>
      %dma_start3A_52 = tpu.memref_slice %arg2[%mul3A_51] : memref<4194304xf32, #tpu.memory_space<hbm>> -> memref<2048xf32, #tpu.memory_space<hbm>>
      tpu.enqueue_dma source(%dma_start3A_52 : memref<2048xf32, #tpu.memory_space<hbm>>) target(%arg7 : memref<2048xf32, #tpu.memory_space<vmem>>) target_semaphore(%arg20 : memref<!tpu.dma_semaphore, #tpu.memory_space<semaphore_mem>>)
      %add3A_53 = arith.constant 512 : i32
      %add3A_54 = arith.addi %mul3A_2, %add3A_53 : i32
      %mul3A_55 = arith.constant 4 : i32
      %mul3A_56 = arith.muli %add3A_54, %mul3A_55 : i32
      %dma_start3A_57 = tpu.memref_slice %arg2[%mul3A_56] : memref<4194304xf32, #tpu.memory_space<hbm>> -> memref<2048xf32, #tpu.memory_space<hbm>>
      %dma_start3A_58 = tpu.memref_slice %arg2[%mul3A_56] : memref<4194304xf32, #tpu.memory_space<hbm>> -> memref<2048xf32, #tpu.memory_space<hbm>>
      tpu.enqueue_dma source(%dma_start3A_58 : memref<2048xf32, #tpu.memory_space<hbm>>) target(%arg8 : memref<2048xf32, #tpu.memory_space<vmem>>) target_semaphore(%arg21 : memref<!tpu.dma_semaphore, #tpu.memory_space<semaphore_mem>>)
      %dma_wait3A = arith.constant 0 : i32
      %dma_wait3A_59 = tpu.memref_slice %arg2[%dma_wait3A] : memref<4194304xf32, #tpu.memory_space<hbm>> -> memref<2048xf32, #tpu.memory_space<hbm>>
      %dma_wait3A_60 = arith.constant 0 : i32
      %dma_wait3A_61 = tpu.memref_slice %arg2[%dma_wait3A_60] : memref<4194304xf32, #tpu.memory_space<hbm>> -> memref<2048xf32, #tpu.memory_space<hbm>>
      tpu.wait_dma2 semaphore(%arg20 : memref<!tpu.dma_semaphore, #tpu.memory_space<semaphore_mem>>) src(%dma_wait3A_61 : memref<2048xf32, #tpu.memory_space<hbm>>) dst(%arg7 : memref<2048xf32, #tpu.memory_space<vmem>>)
      %scan3A_62 = arith.constant 0 : i32
      %scan3A_63 = arith.constant 0 : i32
      %scan3A_64 = arith.constant 32 : i32
      %scan3A_65 = arith.addi %scan3A_63, %scan3A_64 : i32
      %scan3A_66 = arith.constant 1 : i32
      scf.for %scan3A_90 = %scan3A_63 to %scan3A_65 step %scan3A_66  : i32 {
        %mul3A_91 = arith.constant 16 : i32
        %mul3A_92 = arith.muli %scan3A_90, %mul3A_91 : i32
        %shift_right_arithmetic3A = arith.constant 3 : i32
        %shift_right_arithmetic3A_93 = arith.shrsi %scan3A_90, %shift_right_arithmetic3A : i32
        %mul3A_94 = arith.constant 512 : i32
        %mul3A_95 = arith.muli %shift_right_arithmetic3A_93, %mul3A_94 : i32
        %and3A = arith.constant 7 : i32
        %and3A_96 = arith.andi %scan3A_90, %and3A : i32
        %mul3A_97 = arith.constant 16 : i32
        %mul3A_98 = arith.muli %and3A_96, %mul3A_97 : i32
        %add3A_99 = arith.addi %mul3A_95, %mul3A_98 : i32
        %get3A = arith.index_cast %add3A_99 : i32 to index
        %get3A_100 = tpu.vector_load %arg7[%get3A] {strides = array<i32>} : memref<2048xf32, #tpu.memory_space<vmem>>, vector<16xf32>,
        %add3A_101 = arith.constant 128 : i32
        %add3A_102 = arith.addi %add3A_99, %add3A_101 : i32
        %get3A_103 = arith.index_cast %add3A_102 : i32 to index
        %get3A_104 = tpu.vector_load %arg7[%get3A_103] {strides = array<i32>} : memref<2048xf32, #tpu.memory_space<vmem>>, vector<16xf32>,
        %add3A_105 = arith.constant 256 : i32
        %add3A_106 = arith.addi %add3A_99, %add3A_105 : i32
        %get3A_107 = arith.index_cast %add3A_106 : i32 to index
        %get3A_108 = tpu.vector_load %arg7[%get3A_107] {strides = array<i32>} : memref<2048xf32, #tpu.memory_space<vmem>>, vector<16xf32>,
        %mul3A_109 = arith.mulf %get3A_100, %gather3A : vector<16xf32>
        %add3A_110 = arith.constant 5.000000e-01 : f32
        %add3A_111 = vector.broadcast %add3A_110 : f32 to vector<16xf32>
        %add3A_112 = arith.addf %mul3A_109, %add3A_111 : vector<16xf32>
        %mul3A_113 = arith.mulf %get3A_104, %gather3A : vector<16xf32>
        %add3A_114 = arith.constant 5.000000e-01 : f32
        %add3A_115 = vector.broadcast %add3A_114 : f32 to vector<16xf32>
        %add3A_116 = arith.addf %mul3A_113, %add3A_115 : vector<16xf32>
        %mul3A_117 = arith.mulf %get3A_108, %gather3A : vector<16xf32>
        %add3A_118 = arith.constant 5.000000e-01 : f32
        %add3A_119 = vector.broadcast %add3A_118 : f32 to vector<16xf32>
        %add3A_120 = arith.addf %mul3A_117, %add3A_119 : vector<16xf32>
        %convert_element_type3A = arith.fptosi %add3A_112 : vector<16xf32> to vector<16xi32>
        %convert_element_type3A_121 = arith.fptosi %add3A_116 : vector<16xf32> to vector<16xi32>
        %convert_element_type3A_122 = arith.fptosi %add3A_120 : vector<16xf32> to vector<16xi32>
        %convert_element_type3A_123 = arith.sitofp %convert_element_type3A : vector<16xi32> to vector<16xf32>
        %sub3A_124 = arith.subf %add3A_112, %convert_element_type3A_123 : vector<16xf32>
        %convert_element_type3A_125 = arith.sitofp %convert_element_type3A_121 : vector<16xi32> to vector<16xf32>
        %sub3A_126 = arith.subf %add3A_116, %convert_element_type3A_125 : vector<16xf32>
        %convert_element_type3A_127 = arith.sitofp %convert_element_type3A_122 : vector<16xi32> to vector<16xf32>
        %sub3A_128 = arith.subf %add3A_120, %convert_element_type3A_127 : vector<16xf32>
        %add3A_129 = arith.constant 1 : i32
        %add3A_130 = vector.broadcast %add3A_129 : i32 to vector<16xi32>
        %add3A_131 = arith.addi %convert_element_type3A, %add3A_130 : vector<16xi32>
        %mul3A_132 = arith.constant -1640531535 : i32
        %mul3A_133 = vector.broadcast %mul3A_132 : i32 to vector<16xi32>
        %mul3A_134 = arith.muli %convert_element_type3A_121, %mul3A_133 : vector<16xi32>
        %add3A_135 = arith.constant -1640531535 : i32
        %add3A_136 = vector.broadcast %add3A_135 : i32 to vector<16xi32>
        %add3A_137 = arith.addi %mul3A_134, %add3A_136 : vector<16xi32>
        %mul3A_138 = arith.constant 805459861 : i32
        %mul3A_139 = vector.broadcast %mul3A_138 : i32 to vector<16xi32>
        %mul3A_140 = arith.muli %convert_element_type3A_122, %mul3A_139 : vector<16xi32>
        %add3A_141 = arith.constant 805459861 : i32
        %add3A_142 = vector.broadcast %add3A_141 : i32 to vector<16xi32>
        %add3A_143 = arith.addi %mul3A_140, %add3A_142 : vector<16xi32>
        %xor3A = arith.xori %mul3A_134, %mul3A_140 : vector<16xi32>
        %xor3A_144 = arith.xori %add3A_137, %mul3A_140 : vector<16xi32>
        %xor3A_145 = arith.xori %mul3A_134, %add3A_143 : vector<16xi32>
        %xor3A_146 = arith.xori %add3A_137, %add3A_143 : vector<16xi32>
        %sub3A_147 = arith.constant 1.000000e+00 : f32
        %sub3A_148 = vector.broadcast %sub3A_147 : f32 to vector<16xf32>
        %sub3A_149 = arith.subf %sub3A_148, %sub3A_124 : vector<16xf32>
        %sub3A_150 = arith.constant 1.000000e+00 : f32
        %sub3A_151 = vector.broadcast %sub3A_150 : f32 to vector<16xf32>
        %sub3A_152 = arith.subf %sub3A_151, %sub3A_126 : vector<16xf32>
        %sub3A_153 = arith.constant 1.000000e+00 : f32
        %sub3A_154 = vector.broadcast %sub3A_153 : f32 to vector<16xf32>
        %sub3A_155 = arith.subf %sub3A_154, %sub3A_128 : vector<16xf32>
        %mul3A_156 = arith.mulf %sub3A_152, %sub3A_155 : vector<16xf32>
        %mul3A_157 = arith.mulf %sub3A_126, %sub3A_155 : vector<16xf32>
        %mul3A_158 = arith.mulf %sub3A_152, %sub3A_128 : vector<16xf32>
        %mul3A_159 = arith.mulf %sub3A_126, %sub3A_128 : vector<16xf32>
        %xor3A_160 = arith.xori %convert_element_type3A, %xor3A : vector<16xi32>
        %and3A_161 = arith.constant 524287 : i32
        %and3A_162 = vector.broadcast %and3A_161 : i32 to vector<16xi32>
        %and3A_163 = arith.andi %xor3A_160, %and3A_162 : vector<16xi32>
        %add3A_164 = arith.addi %and3A_163, %add3A_42 : vector<16xi32>
        %shift_right_arithmetic3A_165 = arith.constant 7 : i32
        %shift_right_arithmetic3A_166 = vector.broadcast %shift_right_arithmetic3A_165 : i32 to vector<16xi32>
        %shift_right_arithmetic3A_167 = arith.shrsi %add3A_164, %shift_right_arithmetic3A_166 : vector<16xi32>
        %shift_left3A = arith.constant 8 : i32
        %shift_left3A_168 = vector.broadcast %shift_left3A : i32 to vector<16xi32>
        %shift_left3A_169 = arith.shli %shift_right_arithmetic3A_167, %shift_left3A_168 : vector<16xi32>
        %and3A_170 = arith.constant 127 : i32
        %and3A_171 = vector.broadcast %and3A_170 : i32 to vector<16xi32>
        %and3A_172 = arith.andi %add3A_164, %and3A_171 : vector<16xi32>
        %add3A_173 = arith.addi %shift_left3A_169, %and3A_172 : vector<16xi32>
        %sub3A_174 = arith.subi %add3A_173, %add3A_46 : vector<16xi32>
        %add3A_175 = arith.constant 0 : i32
        %add3A_176 = arith.addi %add3A_175, %mul3A_92 : i32
        %swap3A = arith.index_cast %add3A_176 : i32 to index
        %swap3A_177 = tpu.vector_load %arg9[%swap3A] {strides = array<i32>} : memref<8192xi32, #tpu.memory_space<vmem>>, vector<16xi32>,
        tpu.vector_store %arg9[%swap3A], %sub3A_174 {strides = array<i32>} : memref<8192xi32, #tpu.memory_space<vmem>>, vector<16xi32>,
        %add3A_178 = arith.constant 128 : i32
        %add3A_179 = vector.broadcast %add3A_178 : i32 to vector<16xi32>
        %add3A_180 = arith.addi %sub3A_174, %add3A_179 : vector<16xi32>
        %add3A_181 = arith.constant 4096 : i32
        %add3A_182 = arith.addi %add3A_181, %mul3A_92 : i32
        %swap3A_183 = arith.index_cast %add3A_182 : i32 to index
        %swap3A_184 = tpu.vector_load %arg9[%swap3A_183] {strides = array<i32>} : memref<8192xi32, #tpu.memory_space<vmem>>, vector<16xi32>,
        tpu.vector_store %arg9[%swap3A_183], %add3A_180 {strides = array<i32>} : memref<8192xi32, #tpu.memory_space<vmem>>, vector<16xi32>,
        %mul3A_185 = arith.mulf %sub3A_149, %mul3A_156 : vector<16xf32>
        %add3A_186 = arith.constant 0 : i32
        %add3A_187 = arith.addi %add3A_186, %mul3A_92 : i32
        %swap3A_188 = arith.index_cast %add3A_187 : i32 to index
        %swap3A_189 = tpu.vector_load %arg13[%swap3A_188] {strides = array<i32>} : memref<4096xf32, #tpu.memory_space<vmem>>, vector<16xf32>,
        tpu.vector_store %arg13[%swap3A_188], %mul3A_185 {strides = array<i32>} : memref<4096xf32, #tpu.memory_space<vmem>>, vector<16xf32>,
        %xor3A_190 = arith.xori %add3A_131, %xor3A : vector<16xi32>
        %and3A_191 = arith.constant 524287 : i32
        %and3A_192 = vector.broadcast %and3A_191 : i32 to vector<16xi32>
        %and3A_193 = arith.andi %xor3A_190, %and3A_192 : vector<16xi32>
        %add3A_194 = arith.addi %and3A_193, %add3A_42 : vector<16xi32>
        %shift_right_arithmetic3A_195 = arith.constant 7 : i32
        %shift_right_arithmetic3A_196 = vector.broadcast %shift_right_arithmetic3A_195 : i32 to vector<16xi32>
        %shift_right_arithmetic3A_197 = arith.shrsi %add3A_194, %shift_right_arithmetic3A_196 : vector<16xi32>
        %shift_left3A_198 = arith.constant 8 : i32
        %shift_left3A_199 = vector.broadcast %shift_left3A_198 : i32 to vector<16xi32>
        %shift_left3A_200 = arith.shli %shift_right_arithmetic3A_197, %shift_left3A_199 : vector<16xi32>
        %and3A_201 = arith.constant 127 : i32
        %and3A_202 = vector.broadcast %and3A_201 : i32 to vector<16xi32>
        %and3A_203 = arith.andi %add3A_194, %and3A_202 : vector<16xi32>
        %add3A_204 = arith.addi %shift_left3A_200, %and3A_203 : vector<16xi32>
        %sub3A_205 = arith.subi %add3A_204, %add3A_46 : vector<16xi32>
        %add3A_206 = arith.constant 512 : i32
        %add3A_207 = arith.addi %add3A_206, %mul3A_92 : i32
        %swap3A_208 = arith.index_cast %add3A_207 : i32 to index
        %swap3A_209 = tpu.vector_load %arg9[%swap3A_208] {strides = array<i32>} : memref<8192xi32, #tpu.memory_space<vmem>>, vector<16xi32>,
        tpu.vector_store %arg9[%swap3A_208], %sub3A_205 {strides = array<i32>} : memref<8192xi32, #tpu.memory_space<vmem>>, vector<16xi32>,
        %add3A_210 = arith.constant 128 : i32
        %add3A_211 = vector.broadcast %add3A_210 : i32 to vector<16xi32>
        %add3A_212 = arith.addi %sub3A_205, %add3A_211 : vector<16xi32>
        %add3A_213 = arith.constant 4608 : i32
        %add3A_214 = arith.addi %add3A_213, %mul3A_92 : i32
        %swap3A_215 = arith.index_cast %add3A_214 : i32 to index
        %swap3A_216 = tpu.vector_load %arg9[%swap3A_215] {strides = array<i32>} : memref<8192xi32, #tpu.memory_space<vmem>>, vector<16xi32>,
        tpu.vector_store %arg9[%swap3A_215], %add3A_212 {strides = array<i32>} : memref<8192xi32, #tpu.memory_space<vmem>>, vector<16xi32>,
        %mul3A_217 = arith.mulf %sub3A_124, %mul3A_156 : vector<16xf32>
        %add3A_218 = arith.constant 512 : i32
        %add3A_219 = arith.addi %add3A_218, %mul3A_92 : i32
        %swap3A_220 = arith.index_cast %add3A_219 : i32 to index
        %swap3A_221 = tpu.vector_load %arg13[%swap3A_220] {strides = array<i32>} : memref<4096xf32, #tpu.memory_space<vmem>>, vector<16xf32>,
        tpu.vector_store %arg13[%swap3A_220], %mul3A_217 {strides = array<i32>} : memref<4096xf32, #tpu.memory_space<vmem>>, vector<16xf32>,
        %xor3A_222 = arith.xori %convert_element_type3A, %xor3A_144 : vector<16xi32>
        %and3A_223 = arith.constant 524287 : i32
        %and3A_224 = vector.broadcast %and3A_223 : i32 to vector<16xi32>
        %and3A_225 = arith.andi %xor3A_222, %and3A_224 : vector<16xi32>
        %add3A_226 = arith.addi %and3A_225, %add3A_42 : vector<16xi32>
        %shift_right_arithmetic3A_227 = arith.constant 7 : i32
        %shift_right_arithmetic3A_228 = vector.broadcast %shift_right_arithmetic3A_227 : i32 to vector<16xi32>
        %shift_right_arithmetic3A_229 = arith.shrsi %add3A_226, %shift_right_arithmetic3A_228 : vector<16xi32>
        %shift_left3A_230 = arith.constant 8 : i32
        %shift_left3A_231 = vector.broadcast %shift_left3A_230 : i32 to vector<16xi32>
        %shift_left3A_232 = arith.shli %shift_right_arithmetic3A_229, %shift_left3A_231 : vector<16xi32>
        %and3A_233 = arith.constant 127 : i32
        %and3A_234 = vector.broadcast %and3A_233 : i32 to vector<16xi32>
        %and3A_235 = arith.andi %add3A_226, %and3A_234 : vector<16xi32>
        %add3A_236 = arith.addi %shift_left3A_232, %and3A_235 : vector<16xi32>
        %sub3A_237 = arith.subi %add3A_236, %add3A_46 : vector<16xi32>
        %add3A_238 = arith.constant 1024 : i32
        %add3A_239 = arith.addi %add3A_238, %mul3A_92 : i32
        %swap3A_240 = arith.index_cast %add3A_239 : i32 to index
        %swap3A_241 = tpu.vector_load %arg9[%swap3A_240] {strides = array<i32>} : memref<8192xi32, #tpu.memory_space<vmem>>, vector<16xi32>,
        tpu.vector_store %arg9[%swap3A_240], %sub3A_237 {strides = array<i32>} : memref<8192xi32, #tpu.memory_space<vmem>>, vector<16xi32>,
        %add3A_242 = arith.constant 128 : i32
        %add3A_243 = vector.broadcast %add3A_242 : i32 to vector<16xi32>
        %add3A_244 = arith.addi %sub3A_237, %add3A_243 : vector<16xi32>
        %add3A_245 = arith.constant 5120 : i32
        %add3A_246 = arith.addi %add3A_245, %mul3A_92 : i32
        %swap3A_247 = arith.index_cast %add3A_246 : i32 to index
        %swap3A_248 = tpu.vector_load %arg9[%swap3A_247] {strides = array<i32>} : memref<8192xi32, #tpu.memory_space<vmem>>, vector<16xi32>,
        tpu.vector_store %arg9[%swap3A_247], %add3A_244 {strides = array<i32>} : memref<8192xi32, #tpu.memory_space<vmem>>, vector<16xi32>,
        %mul3A_249 = arith.mulf %sub3A_149, %mul3A_157 : vector<16xf32>
        %add3A_250 = arith.constant 1024 : i32
        %add3A_251 = arith.addi %add3A_250, %mul3A_92 : i32
        %swap3A_252 = arith.index_cast %add3A_251 : i32 to index
        %swap3A_253 = tpu.vector_load %arg13[%swap3A_252] {strides = array<i32>} : memref<4096xf32, #tpu.memory_space<vmem>>, vector<16xf32>,
        tpu.vector_store %arg13[%swap3A_252], %mul3A_249 {strides = array<i32>} : memref<4096xf32, #tpu.memory_space<vmem>>, vector<16xf32>,
        %xor3A_254 = arith.xori %add3A_131, %xor3A_144 : vector<16xi32>
        %and3A_255 = arith.constant 524287 : i32
        %and3A_256 = vector.broadcast %and3A_255 : i32 to vector<16xi32>
        %and3A_257 = arith.andi %xor3A_254, %and3A_256 : vector<16xi32>
        %add3A_258 = arith.addi %and3A_257, %add3A_42 : vector<16xi32>
        %shift_right_arithmetic3A_259 = arith.constant 7 : i32
        %shift_right_arithmetic3A_260 = vector.broadcast %shift_right_arithmetic3A_259 : i32 to vector<16xi32>
        %shift_right_arithmetic3A_261 = arith.shrsi %add3A_258, %shift_right_arithmetic3A_260 : vector<16xi32>
        %shift_left3A_262 = arith.constant 8 : i32
        %shift_left3A_263 = vector.broadcast %shift_left3A_262 : i32 to vector<16xi32>
        %shift_left3A_264 = arith.shli %shift_right_arithmetic3A_261, %shift_left3A_263 : vector<16xi32>
        %and3A_265 = arith.constant 127 : i32
        %and3A_266 = vector.broadcast %and3A_265 : i32 to vector<16xi32>
        %and3A_267 = arith.andi %add3A_258, %and3A_266 : vector<16xi32>
        %add3A_268 = arith.addi %shift_left3A_264, %and3A_267 : vector<16xi32>
        %sub3A_269 = arith.subi %add3A_268, %add3A_46 : vector<16xi32>
        %add3A_270 = arith.constant 1536 : i32
        %add3A_271 = arith.addi %add3A_270, %mul3A_92 : i32
        %swap3A_272 = arith.index_cast %add3A_271 : i32 to index
        %swap3A_273 = tpu.vector_load %arg9[%swap3A_272] {strides = array<i32>} : memref<8192xi32, #tpu.memory_space<vmem>>, vector<16xi32>,
        tpu.vector_store %arg9[%swap3A_272], %sub3A_269 {strides = array<i32>} : memref<8192xi32, #tpu.memory_space<vmem>>, vector<16xi32>,
        %add3A_274 = arith.constant 128 : i32
        %add3A_275 = vector.broadcast %add3A_274 : i32 to vector<16xi32>
        %add3A_276 = arith.addi %sub3A_269, %add3A_275 : vector<16xi32>
        %add3A_277 = arith.constant 5632 : i32
        %add3A_278 = arith.addi %add3A_277, %mul3A_92 : i32
        %swap3A_279 = arith.index_cast %add3A_278 : i32 to index
        %swap3A_280 = tpu.vector_load %arg9[%swap3A_279] {strides = array<i32>} : memref<8192xi32, #tpu.memory_space<vmem>>, vector<16xi32>,
        tpu.vector_store %arg9[%swap3A_279], %add3A_276 {strides = array<i32>} : memref<8192xi32, #tpu.memory_space<vmem>>, vector<16xi32>,
        %mul3A_281 = arith.mulf %sub3A_124, %mul3A_157 : vector<16xf32>
        %add3A_282 = arith.constant 1536 : i32
        %add3A_283 = arith.addi %add3A_282, %mul3A_92 : i32
        %swap3A_284 = arith.index_cast %add3A_283 : i32 to index
        %swap3A_285 = tpu.vector_load %arg13[%swap3A_284] {strides = array<i32>} : memref<4096xf32, #tpu.memory_space<vmem>>, vector<16xf32>,
        tpu.vector_store %arg13[%swap3A_284], %mul3A_281 {strides = array<i32>} : memref<4096xf32, #tpu.memory_space<vmem>>, vector<16xf32>,
        %xor3A_286 = arith.xori %convert_element_type3A, %xor3A_145 : vector<16xi32>
        %and3A_287 = arith.constant 524287 : i32
        %and3A_288 = vector.broadcast %and3A_287 : i32 to vector<16xi32>
        %and3A_289 = arith.andi %xor3A_286, %and3A_288 : vector<16xi32>
        %add3A_290 = arith.addi %and3A_289, %add3A_42 : vector<16xi32>
        %shift_right_arithmetic3A_291 = arith.constant 7 : i32
        %shift_right_arithmetic3A_292 = vector.broadcast %shift_right_arithmetic3A_291 : i32 to vector<16xi32>
        %shift_right_arithmetic3A_293 = arith.shrsi %add3A_290, %shift_right_arithmetic3A_292 : vector<16xi32>
        %shift_left3A_294 = arith.constant 8 : i32
        %shift_left3A_295 = vector.broadcast %shift_left3A_294 : i32 to vector<16xi32>
        %shift_left3A_296 = arith.shli %shift_right_arithmetic3A_293, %shift_left3A_295 : vector<16xi32>
        %and3A_297 = arith.constant 127 : i32
        %and3A_298 = vector.broadcast %and3A_297 : i32 to vector<16xi32>
        %and3A_299 = arith.andi %add3A_290, %and3A_298 : vector<16xi32>
        %add3A_300 = arith.addi %shift_left3A_296, %and3A_299 : vector<16xi32>
        %sub3A_301 = arith.subi %add3A_300, %add3A_46 : vector<16xi32>
        %add3A_302 = arith.constant 2048 : i32
        %add3A_303 = arith.addi %add3A_302, %mul3A_92 : i32
        %swap3A_304 = arith.index_cast %add3A_303 : i32 to index
        %swap3A_305 = tpu.vector_load %arg9[%swap3A_304] {strides = array<i32>} : memref<8192xi32, #tpu.memory_space<vmem>>, vector<16xi32>,
        tpu.vector_store %arg9[%swap3A_304], %sub3A_301 {strides = array<i32>} : memref<8192xi32, #tpu.memory_space<vmem>>, vector<16xi32>,
        %add3A_306 = arith.constant 128 : i32
        %add3A_307 = vector.broadcast %add3A_306 : i32 to vector<16xi32>
        %add3A_308 = arith.addi %sub3A_301, %add3A_307 : vector<16xi32>
        %add3A_309 = arith.constant 6144 : i32
        %add3A_310 = arith.addi %add3A_309, %mul3A_92 : i32
        %swap3A_311 = arith.index_cast %add3A_310 : i32 to index
        %swap3A_312 = tpu.vector_load %arg9[%swap3A_311] {strides = array<i32>} : memref<8192xi32, #tpu.memory_space<vmem>>, vector<16xi32>,
        tpu.vector_store %arg9[%swap3A_311], %add3A_308 {strides = array<i32>} : memref<8192xi32, #tpu.memory_space<vmem>>, vector<16xi32>,
        %mul3A_313 = arith.mulf %sub3A_149, %mul3A_158 : vector<16xf32>
        %add3A_314 = arith.constant 2048 : i32
        %add3A_315 = arith.addi %add3A_314, %mul3A_92 : i32
        %swap3A_316 = arith.index_cast %add3A_315 : i32 to index
        %swap3A_317 = tpu.vector_load %arg13[%swap3A_316] {strides = array<i32>} : memref<4096xf32, #tpu.memory_space<vmem>>, vector<16xf32>,
        tpu.vector_store %arg13[%swap3A_316], %mul3A_313 {strides = array<i32>} : memref<4096xf32, #tpu.memory_space<vmem>>, vector<16xf32>,
        %xor3A_318 = arith.xori %add3A_131, %xor3A_145 : vector<16xi32>
        %and3A_319 = arith.constant 524287 : i32
        %and3A_320 = vector.broadcast %and3A_319 : i32 to vector<16xi32>
        %and3A_321 = arith.andi %xor3A_318, %and3A_320 : vector<16xi32>
        %add3A_322 = arith.addi %and3A_321, %add3A_42 : vector<16xi32>
        %shift_right_arithmetic3A_323 = arith.constant 7 : i32
        %shift_right_arithmetic3A_324 = vector.broadcast %shift_right_arithmetic3A_323 : i32 to vector<16xi32>
        %shift_right_arithmetic3A_325 = arith.shrsi %add3A_322, %shift_right_arithmetic3A_324 : vector<16xi32>
        %shift_left3A_326 = arith.constant 8 : i32
        %shift_left3A_327 = vector.broadcast %shift_left3A_326 : i32 to vector<16xi32>
        %shift_left3A_328 = arith.shli %shift_right_arithmetic3A_325, %shift_left3A_327 : vector<16xi32>
        %and3A_329 = arith.constant 127 : i32
        %and3A_330 = vector.broadcast %and3A_329 : i32 to vector<16xi32>
        %and3A_331 = arith.andi %add3A_322, %and3A_330 : vector<16xi32>
        %add3A_332 = arith.addi %shift_left3A_328, %and3A_331 : vector<16xi32>
        %sub3A_333 = arith.subi %add3A_332, %add3A_46 : vector<16xi32>
        %add3A_334 = arith.constant 2560 : i32
        %add3A_335 = arith.addi %add3A_334, %mul3A_92 : i32
        %swap3A_336 = arith.index_cast %add3A_335 : i32 to index
        %swap3A_337 = tpu.vector_load %arg9[%swap3A_336] {strides = array<i32>} : memref<8192xi32, #tpu.memory_space<vmem>>, vector<16xi32>,
        tpu.vector_store %arg9[%swap3A_336], %sub3A_333 {strides = array<i32>} : memref<8192xi32, #tpu.memory_space<vmem>>, vector<16xi32>,
        %add3A_338 = arith.constant 128 : i32
        %add3A_339 = vector.broadcast %add3A_338 : i32 to vector<16xi32>
        %add3A_340 = arith.addi %sub3A_333, %add3A_339 : vector<16xi32>
        %add3A_341 = arith.constant 6656 : i32
        %add3A_342 = arith.addi %add3A_341, %mul3A_92 : i32
        %swap3A_343 = arith.index_cast %add3A_342 : i32 to index
        %swap3A_344 = tpu.vector_load %arg9[%swap3A_343] {strides = array<i32>} : memref<8192xi32, #tpu.memory_space<vmem>>, vector<16xi32>,
        tpu.vector_store %arg9[%swap3A_343], %add3A_340 {strides = array<i32>} : memref<8192xi32, #tpu.memory_space<vmem>>, vector<16xi32>,
        %mul3A_345 = arith.mulf %sub3A_124, %mul3A_158 : vector<16xf32>
        %add3A_346 = arith.constant 2560 : i32
        %add3A_347 = arith.addi %add3A_346, %mul3A_92 : i32
        %swap3A_348 = arith.index_cast %add3A_347 : i32 to index
        %swap3A_349 = tpu.vector_load %arg13[%swap3A_348] {strides = array<i32>} : memref<4096xf32, #tpu.memory_space<vmem>>, vector<16xf32>,
        tpu.vector_store %arg13[%swap3A_348], %mul3A_345 {strides = array<i32>} : memref<4096xf32, #tpu.memory_space<vmem>>, vector<16xf32>,
        %xor3A_350 = arith.xori %convert_element_type3A, %xor3A_146 : vector<16xi32>
        %and3A_351 = arith.constant 524287 : i32
        %and3A_352 = vector.broadcast %and3A_351 : i32 to vector<16xi32>
        %and3A_353 = arith.andi %xor3A_350, %and3A_352 : vector<16xi32>
        %add3A_354 = arith.addi %and3A_353, %add3A_42 : vector<16xi32>
        %shift_right_arithmetic3A_355 = arith.constant 7 : i32
        %shift_right_arithmetic3A_356 = vector.broadcast %shift_right_arithmetic3A_355 : i32 to vector<16xi32>
        %shift_right_arithmetic3A_357 = arith.shrsi %add3A_354, %shift_right_arithmetic3A_356 : vector<16xi32>
        %shift_left3A_358 = arith.constant 8 : i32
        %shift_left3A_359 = vector.broadcast %shift_left3A_358 : i32 to vector<16xi32>
        %shift_left3A_360 = arith.shli %shift_right_arithmetic3A_357, %shift_left3A_359 : vector<16xi32>
        %and3A_361 = arith.constant 127 : i32
        %and3A_362 = vector.broadcast %and3A_361 : i32 to vector<16xi32>
        %and3A_363 = arith.andi %add3A_354, %and3A_362 : vector<16xi32>
        %add3A_364 = arith.addi %shift_left3A_360, %and3A_363 : vector<16xi32>
        %sub3A_365 = arith.subi %add3A_364, %add3A_46 : vector<16xi32>
        %add3A_366 = arith.constant 3072 : i32
        %add3A_367 = arith.addi %add3A_366, %mul3A_92 : i32
        %swap3A_368 = arith.index_cast %add3A_367 : i32 to index
        %swap3A_369 = tpu.vector_load %arg9[%swap3A_368] {strides = array<i32>} : memref<8192xi32, #tpu.memory_space<vmem>>, vector<16xi32>,
        tpu.vector_store %arg9[%swap3A_368], %sub3A_365 {strides = array<i32>} : memref<8192xi32, #tpu.memory_space<vmem>>, vector<16xi32>,
        %add3A_370 = arith.constant 128 : i32
        %add3A_371 = vector.broadcast %add3A_370 : i32 to vector<16xi32>
        %add3A_372 = arith.addi %sub3A_365, %add3A_371 : vector<16xi32>
        %add3A_373 = arith.constant 7168 : i32
        %add3A_374 = arith.addi %add3A_373, %mul3A_92 : i32
        %swap3A_375 = arith.index_cast %add3A_374 : i32 to index
        %swap3A_376 = tpu.vector_load %arg9[%swap3A_375] {strides = array<i32>} : memref<8192xi32, #tpu.memory_space<vmem>>, vector<16xi32>,
        tpu.vector_store %arg9[%swap3A_375], %add3A_372 {strides = array<i32>} : memref<8192xi32, #tpu.memory_space<vmem>>, vector<16xi32>,
        %mul3A_377 = arith.mulf %sub3A_149, %mul3A_159 : vector<16xf32>
        %add3A_378 = arith.constant 3072 : i32
        %add3A_379 = arith.addi %add3A_378, %mul3A_92 : i32
        %swap3A_380 = arith.index_cast %add3A_379 : i32 to index
        %swap3A_381 = tpu.vector_load %arg13[%swap3A_380] {strides = array<i32>} : memref<4096xf32, #tpu.memory_space<vmem>>, vector<16xf32>,
        tpu.vector_store %arg13[%swap3A_380], %mul3A_377 {strides = array<i32>} : memref<4096xf32, #tpu.memory_space<vmem>>, vector<16xf32>,
        %xor3A_382 = arith.xori %add3A_131, %xor3A_146 : vector<16xi32>
        %and3A_383 = arith.constant 524287 : i32
        %and3A_384 = vector.broadcast %and3A_383 : i32 to vector<16xi32>
        %and3A_385 = arith.andi %xor3A_382, %and3A_384 : vector<16xi32>
        %add3A_386 = arith.addi %and3A_385, %add3A_42 : vector<16xi32>
        %shift_right_arithmetic3A_387 = arith.constant 7 : i32
        %shift_right_arithmetic3A_388 = vector.broadcast %shift_right_arithmetic3A_387 : i32 to vector<16xi32>
        %shift_right_arithmetic3A_389 = arith.shrsi %add3A_386, %shift_right_arithmetic3A_388 : vector<16xi32>
        %shift_left3A_390 = arith.constant 8 : i32
        %shift_left3A_391 = vector.broadcast %shift_left3A_390 : i32 to vector<16xi32>
        %shift_left3A_392 = arith.shli %shift_right_arithmetic3A_389, %shift_left3A_391 : vector<16xi32>
        %and3A_393 = arith.constant 127 : i32
        %and3A_394 = vector.broadcast %and3A_393 : i32 to vector<16xi32>
        %and3A_395 = arith.andi %add3A_386, %and3A_394 : vector<16xi32>
        %add3A_396 = arith.addi %shift_left3A_392, %and3A_395 : vector<16xi32>
        %sub3A_397 = arith.subi %add3A_396, %add3A_46 : vector<16xi32>
        %add3A_398 = arith.constant 3584 : i32
        %add3A_399 = arith.addi %add3A_398, %mul3A_92 : i32
        %swap3A_400 = arith.index_cast %add3A_399 : i32 to index
        %swap3A_401 = tpu.vector_load %arg9[%swap3A_400] {strides = array<i32>} : memref<8192xi32, #tpu.memory_space<vmem>>, vector<16xi32>,
        tpu.vector_store %arg9[%swap3A_400], %sub3A_397 {strides = array<i32>} : memref<8192xi32, #tpu.memory_space<vmem>>, vector<16xi32>,
        %add3A_402 = arith.constant 128 : i32
        %add3A_403 = vector.broadcast %add3A_402 : i32 to vector<16xi32>
        %add3A_404 = arith.addi %sub3A_397, %add3A_403 : vector<16xi32>
        %add3A_405 = arith.constant 7680 : i32
        %add3A_406 = arith.addi %add3A_405, %mul3A_92 : i32
        %swap3A_407 = arith.index_cast %add3A_406 : i32 to index
        %swap3A_408 = tpu.vector_load %arg9[%swap3A_407] {strides = array<i32>} : memref<8192xi32, #tpu.memory_space<vmem>>, vector<16xi32>,
        tpu.vector_store %arg9[%swap3A_407], %add3A_404 {strides = array<i32>} : memref<8192xi32, #tpu.memory_space<vmem>>, vector<16xi32>,
        %mul3A_409 = arith.mulf %sub3A_124, %mul3A_159 : vector<16xf32>
        %add3A_410 = arith.constant 3584 : i32
        %add3A_411 = arith.addi %add3A_410, %mul3A_92 : i32
        %swap3A_412 = arith.index_cast %add3A_411 : i32 to index
        %swap3A_413 = tpu.vector_load %arg13[%swap3A_412] {strides = array<i32>} : memref<4096xf32, #tpu.memory_space<vmem>>, vector<16xf32>,
        tpu.vector_store %arg13[%swap3A_412], %mul3A_409 {strides = array<i32>} : memref<4096xf32, #tpu.memory_space<vmem>>, vector<16xf32>,
      }
      %scan3A_67 = arith.constant 32 : i32
      %dma_start3A_68 = arith.constant 0 : i32
      %dma_start3A_69 = tpu.memref_slice %arg19[%dma_start3A_68] : memref<1048832xf32, #tpu.memory_space<vmem_shared>> -> memref<1048832xf32, #tpu.memory_space<vmem_shared>>
      tpu.enqueue_indirect_dma source(%dma_start3A_69 : memref<1048832xf32, #tpu.memory_space<vmem_shared>>) target(%arg11 : memref<8192xf32, #tpu.memory_space<vmem>>) offsets(%arg9 : memref<8192xi32, #tpu.memory_space<vmem>>) semaphore(%arg22 : memref<!tpu.dma_semaphore, #tpu.memory_space<semaphore_mem>>)
      %add3A_70 = arith.constant 1024 : i32
      %add3A_71 = arith.addi %mul3A_2, %add3A_70 : i32
      %mul3A_72 = arith.constant 4 : i32
      %mul3A_73 = arith.muli %add3A_71, %mul3A_72 : i32
      %dma_start3A_74 = tpu.memref_slice %arg2[%mul3A_73] : memref<4194304xf32, #tpu.memory_space<hbm>> -> memref<2048xf32, #tpu.memory_space<hbm>>
      %dma_start3A_75 = tpu.memref_slice %arg2[%mul3A_73] : memref<4194304xf32, #tpu.memory_space<hbm>> -> memref<2048xf32, #tpu.memory_space<hbm>>
      tpu.enqueue_dma source(%dma_start3A_75 : memref<2048xf32, #tpu.memory_space<hbm>>) target(%arg7 : memref<2048xf32, #tpu.memory_space<vmem>>) target_semaphore(%arg20 : memref<!tpu.dma_semaphore, #tpu.memory_space<semaphore_mem>>)
      %scan3A_76 = arith.constant 0 : i32
      %scan3A_77 = arith.constant 0 : i32
      %scan3A_78 = arith.constant 32 : i32
      %scan3A_79 = arith.addi %scan3A_77, %scan3A_78 : i32
      %scan3A_80 = arith.constant 1 : i32
      scf.for %scan3A_90 = %scan3A_77 to %scan3A_79 step %scan3A_80  : i32 {
        %mul3A_91 = arith.constant 2 : i32
        %mul3A_92 = arith.muli %mul3A_91, %scan3A_90 : i32
        %dma_wait3A_93 = arith.constant 0 : i32
        %dma_wait3A_94 = tpu.memref_slice %arg2[%dma_wait3A_93] : memref<4194304xf32, #tpu.memory_space<hbm>> -> memref<2048xf32, #tpu.memory_space<hbm>>
        %dma_wait3A_95 = arith.constant 0 : i32
        %dma_wait3A_96 = tpu.memref_slice %arg2[%dma_wait3A_95] : memref<4194304xf32, #tpu.memory_space<hbm>> -> memref<2048xf32, #tpu.memory_space<hbm>>
        tpu.wait_dma2 semaphore(%arg21 : memref<!tpu.dma_semaphore, #tpu.memory_space<semaphore_mem>>) src(%dma_wait3A_96 : memref<2048xf32, #tpu.memory_space<hbm>>) dst(%arg8 : memref<2048xf32, #tpu.memory_space<vmem>>)
        %scan3A_97 = arith.constant 0 : i32
        %scan3A_98 = arith.constant 0 : i32
        %scan3A_99 = arith.constant 32 : i32
        %scan3A_100 = arith.addi %scan3A_98, %scan3A_99 : i32
        %scan3A_101 = arith.constant 1 : i32
        scf.for %scan3A_163 = %scan3A_98 to %scan3A_100 step %scan3A_101  : i32 {
          %mul3A_164 = arith.constant 16 : i32
          %mul3A_165 = arith.muli %scan3A_163, %mul3A_164 : i32
          %shift_right_arithmetic3A = arith.constant 3 : i32
          %shift_right_arithmetic3A_166 = arith.shrsi %scan3A_163, %shift_right_arithmetic3A : i32
          %mul3A_167 = arith.constant 512 : i32
          %mul3A_168 = arith.muli %shift_right_arithmetic3A_166, %mul3A_167 : i32
          %and3A = arith.constant 7 : i32
          %and3A_169 = arith.andi %scan3A_163, %and3A : i32
          %mul3A_170 = arith.constant 16 : i32
          %mul3A_171 = arith.muli %and3A_169, %mul3A_170 : i32
          %add3A_172 = arith.addi %mul3A_168, %mul3A_171 : i32
          %get3A = arith.index_cast %add3A_172 : i32 to index
          %get3A_173 = tpu.vector_load %arg8[%get3A] {strides = array<i32>} : memref<2048xf32, #tpu.memory_space<vmem>>, vector<16xf32>,
          %add3A_174 = arith.constant 128 : i32
          %add3A_175 = arith.addi %add3A_172, %add3A_174 : i32
          %get3A_176 = arith.index_cast %add3A_175 : i32 to index
          %get3A_177 = tpu.vector_load %arg8[%get3A_176] {strides = array<i32>} : memref<2048xf32, #tpu.memory_space<vmem>>, vector<16xf32>,
          %add3A_178 = arith.constant 256 : i32
          %add3A_179 = arith.addi %add3A_172, %add3A_178 : i32
          %get3A_180 = arith.index_cast %add3A_179 : i32 to index
          %get3A_181 = tpu.vector_load %arg8[%get3A_180] {strides = array<i32>} : memref<2048xf32, #tpu.memory_space<vmem>>, vector<16xf32>,
          %mul3A_182 = arith.mulf %get3A_173, %gather3A : vector<16xf32>
          %add3A_183 = arith.constant 5.000000e-01 : f32
          %add3A_184 = vector.broadcast %add3A_183 : f32 to vector<16xf32>
          %add3A_185 = arith.addf %mul3A_182, %add3A_184 : vector<16xf32>
          %mul3A_186 = arith.mulf %get3A_177, %gather3A : vector<16xf32>
          %add3A_187 = arith.constant 5.000000e-01 : f32
          %add3A_188 = vector.broadcast %add3A_187 : f32 to vector<16xf32>
          %add3A_189 = arith.addf %mul3A_186, %add3A_188 : vector<16xf32>
          %mul3A_190 = arith.mulf %get3A_181, %gather3A : vector<16xf32>
          %add3A_191 = arith.constant 5.000000e-01 : f32
          %add3A_192 = vector.broadcast %add3A_191 : f32 to vector<16xf32>
          %add3A_193 = arith.addf %mul3A_190, %add3A_192 : vector<16xf32>
          %convert_element_type3A_194 = arith.fptosi %add3A_185 : vector<16xf32> to vector<16xi32>
          %convert_element_type3A_195 = arith.fptosi %add3A_189 : vector<16xf32> to vector<16xi32>
          %convert_element_type3A_196 = arith.fptosi %add3A_193 : vector<16xf32> to vector<16xi32>
          %convert_element_type3A_197 = arith.sitofp %convert_element_type3A_194 : vector<16xi32> to vector<16xf32>
          %sub3A_198 = arith.subf %add3A_185, %convert_element_type3A_197 : vector<16xf32>
          %convert_element_type3A_199 = arith.sitofp %convert_element_type3A_195 : vector<16xi32> to vector<16xf32>
          %sub3A_200 = arith.subf %add3A_189, %convert_element_type3A_199 : vector<16xf32>
          %convert_element_type3A_201 = arith.sitofp %convert_element_type3A_196 : vector<16xi32> to vector<16xf32>
          %sub3A_202 = arith.subf %add3A_193, %convert_element_type3A_201 : vector<16xf32>
          %add3A_203 = arith.constant 1 : i32
          %add3A_204 = vector.broadcast %add3A_203 : i32 to vector<16xi32>
          %add3A_205 = arith.addi %convert_element_type3A_194, %add3A_204 : vector<16xi32>
          %mul3A_206 = arith.constant -1640531535 : i32
          %mul3A_207 = vector.broadcast %mul3A_206 : i32 to vector<16xi32>
          %mul3A_208 = arith.muli %convert_element_type3A_195, %mul3A_207 : vector<16xi32>
          %add3A_209 = arith.constant -1640531535 : i32
          %add3A_210 = vector.broadcast %add3A_209 : i32 to vector<16xi32>
          %add3A_211 = arith.addi %mul3A_208, %add3A_210 : vector<16xi32>
          %mul3A_212 = arith.constant 805459861 : i32
          %mul3A_213 = vector.broadcast %mul3A_212 : i32 to vector<16xi32>
          %mul3A_214 = arith.muli %convert_element_type3A_196, %mul3A_213 : vector<16xi32>
          %add3A_215 = arith.constant 805459861 : i32
          %add3A_216 = vector.broadcast %add3A_215 : i32 to vector<16xi32>
          %add3A_217 = arith.addi %mul3A_214, %add3A_216 : vector<16xi32>
          %xor3A = arith.xori %mul3A_208, %mul3A_214 : vector<16xi32>
          %xor3A_218 = arith.xori %add3A_211, %mul3A_214 : vector<16xi32>
          %xor3A_219 = arith.xori %mul3A_208, %add3A_217 : vector<16xi32>
          %xor3A_220 = arith.xori %add3A_211, %add3A_217 : vector<16xi32>
          %sub3A_221 = arith.constant 1.000000e+00 : f32
          %sub3A_222 = vector.broadcast %sub3A_221 : f32 to vector<16xf32>
          %sub3A_223 = arith.subf %sub3A_222, %sub3A_198 : vector<16xf32>
          %sub3A_224 = arith.constant 1.000000e+00 : f32
          %sub3A_225 = vector.broadcast %sub3A_224 : f32 to vector<16xf32>
          %sub3A_226 = arith.subf %sub3A_225, %sub3A_200 : vector<16xf32>
          %sub3A_227 = arith.constant 1.000000e+00 : f32
          %sub3A_228 = vector.broadcast %sub3A_227 : f32 to vector<16xf32>
          %sub3A_229 = arith.subf %sub3A_228, %sub3A_202 : vector<16xf32>
          %mul3A_230 = arith.mulf %sub3A_226, %sub3A_229 : vector<16xf32>
          %mul3A_231 = arith.mulf %sub3A_200, %sub3A_229 : vector<16xf32>
          %mul3A_232 = arith.mulf %sub3A_226, %sub3A_202 : vector<16xf32>
          %mul3A_233 = arith.mulf %sub3A_200, %sub3A_202 : vector<16xf32>
          %xor3A_234 = arith.xori %convert_element_type3A_194, %xor3A : vector<16xi32>
          %and3A_235 = arith.constant 524287 : i32
          %and3A_236 = vector.broadcast %and3A_235 : i32 to vector<16xi32>
          %and3A_237 = arith.andi %xor3A_234, %and3A_236 : vector<16xi32>
          %add3A_238 = arith.addi %and3A_237, %add3A_42 : vector<16xi32>
          %shift_right_arithmetic3A_239 = arith.constant 7 : i32
          %shift_right_arithmetic3A_240 = vector.broadcast %shift_right_arithmetic3A_239 : i32 to vector<16xi32>
          %shift_right_arithmetic3A_241 = arith.shrsi %add3A_238, %shift_right_arithmetic3A_240 : vector<16xi32>
          %shift_left3A = arith.constant 8 : i32
          %shift_left3A_242 = vector.broadcast %shift_left3A : i32 to vector<16xi32>
          %shift_left3A_243 = arith.shli %shift_right_arithmetic3A_241, %shift_left3A_242 : vector<16xi32>
          %and3A_244 = arith.constant 127 : i32
          %and3A_245 = vector.broadcast %and3A_244 : i32 to vector<16xi32>
          %and3A_246 = arith.andi %add3A_238, %and3A_245 : vector<16xi32>
          %add3A_247 = arith.addi %shift_left3A_243, %and3A_246 : vector<16xi32>
          %sub3A_248 = arith.subi %add3A_247, %add3A_46 : vector<16xi32>
          %add3A_249 = arith.constant 0 : i32
          %add3A_250 = arith.addi %add3A_249, %mul3A_165 : i32
          %swap3A = arith.index_cast %add3A_250 : i32 to index
          %swap3A_251 = tpu.vector_load %arg10[%swap3A] {strides = array<i32>} : memref<8192xi32, #tpu.memory_space<vmem>>, vector<16xi32>,
          tpu.vector_store %arg10[%swap3A], %sub3A_248 {strides = array<i32>} : memref<8192xi32, #tpu.memory_space<vmem>>, vector<16xi32>,
          %add3A_252 = arith.constant 128 : i32
          %add3A_253 = vector.broadcast %add3A_252 : i32 to vector<16xi32>
          %add3A_254 = arith.addi %sub3A_248, %add3A_253 : vector<16xi32>
          %add3A_255 = arith.constant 4096 : i32
          %add3A_256 = arith.addi %add3A_255, %mul3A_165 : i32
          %swap3A_257 = arith.index_cast %add3A_256 : i32 to index
          %swap3A_258 = tpu.vector_load %arg10[%swap3A_257] {strides = array<i32>} : memref<8192xi32, #tpu.memory_space<vmem>>, vector<16xi32>,
          tpu.vector_store %arg10[%swap3A_257], %add3A_254 {strides = array<i32>} : memref<8192xi32, #tpu.memory_space<vmem>>, vector<16xi32>,
          %mul3A_259 = arith.mulf %sub3A_223, %mul3A_230 : vector<16xf32>
          %add3A_260 = arith.constant 0 : i32
          %add3A_261 = arith.addi %add3A_260, %mul3A_165 : i32
          %swap3A_262 = arith.index_cast %add3A_261 : i32 to index
          %swap3A_263 = tpu.vector_load %arg14[%swap3A_262] {strides = array<i32>} : memref<4096xf32, #tpu.memory_space<vmem>>, vector<16xf32>,
          tpu.vector_store %arg14[%swap3A_262], %mul3A_259 {strides = array<i32>} : memref<4096xf32, #tpu.memory_space<vmem>>, vector<16xf32>,
          %xor3A_264 = arith.xori %add3A_205, %xor3A : vector<16xi32>
          %and3A_265 = arith.constant 524287 : i32
          %and3A_266 = vector.broadcast %and3A_265 : i32 to vector<16xi32>
          %and3A_267 = arith.andi %xor3A_264, %and3A_266 : vector<16xi32>
          %add3A_268 = arith.addi %and3A_267, %add3A_42 : vector<16xi32>
          %shift_right_arithmetic3A_269 = arith.constant 7 : i32
          %shift_right_arithmetic3A_270 = vector.broadcast %shift_right_arithmetic3A_269 : i32 to vector<16xi32>
          %shift_right_arithmetic3A_271 = arith.shrsi %add3A_268, %shift_right_arithmetic3A_270 : vector<16xi32>
          %shift_left3A_272 = arith.constant 8 : i32
          %shift_left3A_273 = vector.broadcast %shift_left3A_272 : i32 to vector<16xi32>
          %shift_left3A_274 = arith.shli %shift_right_arithmetic3A_271, %shift_left3A_273 : vector<16xi32>
          %and3A_275 = arith.constant 127 : i32
          %and3A_276 = vector.broadcast %and3A_275 : i32 to vector<16xi32>
          %and3A_277 = arith.andi %add3A_268, %and3A_276 : vector<16xi32>
          %add3A_278 = arith.addi %shift_left3A_274, %and3A_277 : vector<16xi32>
          %sub3A_279 = arith.subi %add3A_278, %add3A_46 : vector<16xi32>
          %add3A_280 = arith.constant 512 : i32
          %add3A_281 = arith.addi %add3A_280, %mul3A_165 : i32
          %swap3A_282 = arith.index_cast %add3A_281 : i32 to index
          %swap3A_283 = tpu.vector_load %arg10[%swap3A_282] {strides = array<i32>} : memref<8192xi32, #tpu.memory_space<vmem>>, vector<16xi32>,
          tpu.vector_store %arg10[%swap3A_282], %sub3A_279 {strides = array<i32>} : memref<8192xi32, #tpu.memory_space<vmem>>, vector<16xi32>,
          %add3A_284 = arith.constant 128 : i32
          %add3A_285 = vector.broadcast %add3A_284 : i32 to vector<16xi32>
          %add3A_286 = arith.addi %sub3A_279, %add3A_285 : vector<16xi32>
          %add3A_287 = arith.constant 4608 : i32
          %add3A_288 = arith.addi %add3A_287, %mul3A_165 : i32
          %swap3A_289 = arith.index_cast %add3A_288 : i32 to index
          %swap3A_290 = tpu.vector_load %arg10[%swap3A_289] {strides = array<i32>} : memref<8192xi32, #tpu.memory_space<vmem>>, vector<16xi32>,
          tpu.vector_store %arg10[%swap3A_289], %add3A_286 {strides = array<i32>} : memref<8192xi32, #tpu.memory_space<vmem>>, vector<16xi32>,
          %mul3A_291 = arith.mulf %sub3A_198, %mul3A_230 : vector<16xf32>
          %add3A_292 = arith.constant 512 : i32
          %add3A_293 = arith.addi %add3A_292, %mul3A_165 : i32
          %swap3A_294 = arith.index_cast %add3A_293 : i32 to index
          %swap3A_295 = tpu.vector_load %arg14[%swap3A_294] {strides = array<i32>} : memref<4096xf32, #tpu.memory_space<vmem>>, vector<16xf32>,
          tpu.vector_store %arg14[%swap3A_294], %mul3A_291 {strides = array<i32>} : memref<4096xf32, #tpu.memory_space<vmem>>, vector<16xf32>,
          %xor3A_296 = arith.xori %convert_element_type3A_194, %xor3A_218 : vector<16xi32>
          %and3A_297 = arith.constant 524287 : i32
          %and3A_298 = vector.broadcast %and3A_297 : i32 to vector<16xi32>
          %and3A_299 = arith.andi %xor3A_296, %and3A_298 : vector<16xi32>
          %add3A_300 = arith.addi %and3A_299, %add3A_42 : vector<16xi32>
          %shift_right_arithmetic3A_301 = arith.constant 7 : i32
          %shift_right_arithmetic3A_302 = vector.broadcast %shift_right_arithmetic3A_301 : i32 to vector<16xi32>
          %shift_right_arithmetic3A_303 = arith.shrsi %add3A_300, %shift_right_arithmetic3A_302 : vector<16xi32>
          %shift_left3A_304 = arith.constant 8 : i32
          %shift_left3A_305 = vector.broadcast %shift_left3A_304 : i32 to vector<16xi32>
          %shift_left3A_306 = arith.shli %shift_right_arithmetic3A_303, %shift_left3A_305 : vector<16xi32>
          %and3A_307 = arith.constant 127 : i32
          %and3A_308 = vector.broadcast %and3A_307 : i32 to vector<16xi32>
          %and3A_309 = arith.andi %add3A_300, %and3A_308 : vector<16xi32>
          %add3A_310 = arith.addi %shift_left3A_306, %and3A_309 : vector<16xi32>
          %sub3A_311 = arith.subi %add3A_310, %add3A_46 : vector<16xi32>
          %add3A_312 = arith.constant 1024 : i32
          %add3A_313 = arith.addi %add3A_312, %mul3A_165 : i32
          %swap3A_314 = arith.index_cast %add3A_313 : i32 to index
          %swap3A_315 = tpu.vector_load %arg10[%swap3A_314] {strides = array<i32>} : memref<8192xi32, #tpu.memory_space<vmem>>, vector<16xi32>,
          tpu.vector_store %arg10[%swap3A_314], %sub3A_311 {strides = array<i32>} : memref<8192xi32, #tpu.memory_space<vmem>>, vector<16xi32>,
          %add3A_316 = arith.constant 128 : i32
          %add3A_317 = vector.broadcast %add3A_316 : i32 to vector<16xi32>
          %add3A_318 = arith.addi %sub3A_311, %add3A_317 : vector<16xi32>
          %add3A_319 = arith.constant 5120 : i32
          %add3A_320 = arith.addi %add3A_319, %mul3A_165 : i32
          %swap3A_321 = arith.index_cast %add3A_320 : i32 to index
          %swap3A_322 = tpu.vector_load %arg10[%swap3A_321] {strides = array<i32>} : memref<8192xi32, #tpu.memory_space<vmem>>, vector<16xi32>,
          tpu.vector_store %arg10[%swap3A_321], %add3A_318 {strides = array<i32>} : memref<8192xi32, #tpu.memory_space<vmem>>, vector<16xi32>,
          %mul3A_323 = arith.mulf %sub3A_223, %mul3A_231 : vector<16xf32>
          %add3A_324 = arith.constant 1024 : i32
          %add3A_325 = arith.addi %add3A_324, %mul3A_165 : i32
          %swap3A_326 = arith.index_cast %add3A_325 : i32 to index
          %swap3A_327 = tpu.vector_load %arg14[%swap3A_326] {strides = array<i32>} : memref<4096xf32, #tpu.memory_space<vmem>>, vector<16xf32>,
          tpu.vector_store %arg14[%swap3A_326], %mul3A_323 {strides = array<i32>} : memref<4096xf32, #tpu.memory_space<vmem>>, vector<16xf32>,
          %xor3A_328 = arith.xori %add3A_205, %xor3A_218 : vector<16xi32>
          %and3A_329 = arith.constant 524287 : i32
          %and3A_330 = vector.broadcast %and3A_329 : i32 to vector<16xi32>
          %and3A_331 = arith.andi %xor3A_328, %and3A_330 : vector<16xi32>
          %add3A_332 = arith.addi %and3A_331, %add3A_42 : vector<16xi32>
          %shift_right_arithmetic3A_333 = arith.constant 7 : i32
          %shift_right_arithmetic3A_334 = vector.broadcast %shift_right_arithmetic3A_333 : i32 to vector<16xi32>
          %shift_right_arithmetic3A_335 = arith.shrsi %add3A_332, %shift_right_arithmetic3A_334 : vector<16xi32>
          %shift_left3A_336 = arith.constant 8 : i32
          %shift_left3A_337 = vector.broadcast %shift_left3A_336 : i32 to vector<16xi32>
          %shift_left3A_338 = arith.shli %shift_right_arithmetic3A_335, %shift_left3A_337 : vector<16xi32>
          %and3A_339 = arith.constant 127 : i32
          %and3A_340 = vector.broadcast %and3A_339 : i32 to vector<16xi32>
          %and3A_341 = arith.andi %add3A_332, %and3A_340 : vector<16xi32>
          %add3A_342 = arith.addi %shift_left3A_338, %and3A_341 : vector<16xi32>
          %sub3A_343 = arith.subi %add3A_342, %add3A_46 : vector<16xi32>
          %add3A_344 = arith.constant 1536 : i32
          %add3A_345 = arith.addi %add3A_344, %mul3A_165 : i32
          %swap3A_346 = arith.index_cast %add3A_345 : i32 to index
          %swap3A_347 = tpu.vector_load %arg10[%swap3A_346] {strides = array<i32>} : memref<8192xi32, #tpu.memory_space<vmem>>, vector<16xi32>,
          tpu.vector_store %arg10[%swap3A_346], %sub3A_343 {strides = array<i32>} : memref<8192xi32, #tpu.memory_space<vmem>>, vector<16xi32>,
          %add3A_348 = arith.constant 128 : i32
          %add3A_349 = vector.broadcast %add3A_348 : i32 to vector<16xi32>
          %add3A_350 = arith.addi %sub3A_343, %add3A_349 : vector<16xi32>
          %add3A_351 = arith.constant 5632 : i32
          %add3A_352 = arith.addi %add3A_351, %mul3A_165 : i32
          %swap3A_353 = arith.index_cast %add3A_352 : i32 to index
          %swap3A_354 = tpu.vector_load %arg10[%swap3A_353] {strides = array<i32>} : memref<8192xi32, #tpu.memory_space<vmem>>, vector<16xi32>,
          tpu.vector_store %arg10[%swap3A_353], %add3A_350 {strides = array<i32>} : memref<8192xi32, #tpu.memory_space<vmem>>, vector<16xi32>,
          %mul3A_355 = arith.mulf %sub3A_198, %mul3A_231 : vector<16xf32>
          %add3A_356 = arith.constant 1536 : i32
          %add3A_357 = arith.addi %add3A_356, %mul3A_165 : i32
          %swap3A_358 = arith.index_cast %add3A_357 : i32 to index
          %swap3A_359 = tpu.vector_load %arg14[%swap3A_358] {strides = array<i32>} : memref<4096xf32, #tpu.memory_space<vmem>>, vector<16xf32>,
          tpu.vector_store %arg14[%swap3A_358], %mul3A_355 {strides = array<i32>} : memref<4096xf32, #tpu.memory_space<vmem>>, vector<16xf32>,
          %xor3A_360 = arith.xori %convert_element_type3A_194, %xor3A_219 : vector<16xi32>
          %and3A_361 = arith.constant 524287 : i32
          %and3A_362 = vector.broadcast %and3A_361 : i32 to vector<16xi32>
          %and3A_363 = arith.andi %xor3A_360, %and3A_362 : vector<16xi32>
          %add3A_364 = arith.addi %and3A_363, %add3A_42 : vector<16xi32>
          %shift_right_arithmetic3A_365 = arith.constant 7 : i32
          %shift_right_arithmetic3A_366 = vector.broadcast %shift_right_arithmetic3A_365 : i32 to vector<16xi32>
          %shift_right_arithmetic3A_367 = arith.shrsi %add3A_364, %shift_right_arithmetic3A_366 : vector<16xi32>
          %shift_left3A_368 = arith.constant 8 : i32
          %shift_left3A_369 = vector.broadcast %shift_left3A_368 : i32 to vector<16xi32>
          %shift_left3A_370 = arith.shli %shift_right_arithmetic3A_367, %shift_left3A_369 : vector<16xi32>
          %and3A_371 = arith.constant 127 : i32
          %and3A_372 = vector.broadcast %and3A_371 : i32 to vector<16xi32>
          %and3A_373 = arith.andi %add3A_364, %and3A_372 : vector<16xi32>
          %add3A_374 = arith.addi %shift_left3A_370, %and3A_373 : vector<16xi32>
          %sub3A_375 = arith.subi %add3A_374, %add3A_46 : vector<16xi32>
          %add3A_376 = arith.constant 2048 : i32
          %add3A_377 = arith.addi %add3A_376, %mul3A_165 : i32
          %swap3A_378 = arith.index_cast %add3A_377 : i32 to index
          %swap3A_379 = tpu.vector_load %arg10[%swap3A_378] {strides = array<i32>} : memref<8192xi32, #tpu.memory_space<vmem>>, vector<16xi32>,
          tpu.vector_store %arg10[%swap3A_378], %sub3A_375 {strides = array<i32>} : memref<8192xi32, #tpu.memory_space<vmem>>, vector<16xi32>,
          %add3A_380 = arith.constant 128 : i32
          %add3A_381 = vector.broadcast %add3A_380 : i32 to vector<16xi32>
          %add3A_382 = arith.addi %sub3A_375, %add3A_381 : vector<16xi32>
          %add3A_383 = arith.constant 6144 : i32
          %add3A_384 = arith.addi %add3A_383, %mul3A_165 : i32
          %swap3A_385 = arith.index_cast %add3A_384 : i32 to index
          %swap3A_386 = tpu.vector_load %arg10[%swap3A_385] {strides = array<i32>} : memref<8192xi32, #tpu.memory_space<vmem>>, vector<16xi32>,
          tpu.vector_store %arg10[%swap3A_385], %add3A_382 {strides = array<i32>} : memref<8192xi32, #tpu.memory_space<vmem>>, vector<16xi32>,
          %mul3A_387 = arith.mulf %sub3A_223, %mul3A_232 : vector<16xf32>
          %add3A_388 = arith.constant 2048 : i32
          %add3A_389 = arith.addi %add3A_388, %mul3A_165 : i32
          %swap3A_390 = arith.index_cast %add3A_389 : i32 to index
          %swap3A_391 = tpu.vector_load %arg14[%swap3A_390] {strides = array<i32>} : memref<4096xf32, #tpu.memory_space<vmem>>, vector<16xf32>,
          tpu.vector_store %arg14[%swap3A_390], %mul3A_387 {strides = array<i32>} : memref<4096xf32, #tpu.memory_space<vmem>>, vector<16xf32>,
          %xor3A_392 = arith.xori %add3A_205, %xor3A_219 : vector<16xi32>
          %and3A_393 = arith.constant 524287 : i32
          %and3A_394 = vector.broadcast %and3A_393 : i32 to vector<16xi32>
          %and3A_395 = arith.andi %xor3A_392, %and3A_394 : vector<16xi32>
          %add3A_396 = arith.addi %and3A_395, %add3A_42 : vector<16xi32>
          %shift_right_arithmetic3A_397 = arith.constant 7 : i32
          %shift_right_arithmetic3A_398 = vector.broadcast %shift_right_arithmetic3A_397 : i32 to vector<16xi32>
          %shift_right_arithmetic3A_399 = arith.shrsi %add3A_396, %shift_right_arithmetic3A_398 : vector<16xi32>
          %shift_left3A_400 = arith.constant 8 : i32
          %shift_left3A_401 = vector.broadcast %shift_left3A_400 : i32 to vector<16xi32>
          %shift_left3A_402 = arith.shli %shift_right_arithmetic3A_399, %shift_left3A_401 : vector<16xi32>
          %and3A_403 = arith.constant 127 : i32
          %and3A_404 = vector.broadcast %and3A_403 : i32 to vector<16xi32>
          %and3A_405 = arith.andi %add3A_396, %and3A_404 : vector<16xi32>
          %add3A_406 = arith.addi %shift_left3A_402, %and3A_405 : vector<16xi32>
          %sub3A_407 = arith.subi %add3A_406, %add3A_46 : vector<16xi32>
          %add3A_408 = arith.constant 2560 : i32
          %add3A_409 = arith.addi %add3A_408, %mul3A_165 : i32
          %swap3A_410 = arith.index_cast %add3A_409 : i32 to index
          %swap3A_411 = tpu.vector_load %arg10[%swap3A_410] {strides = array<i32>} : memref<8192xi32, #tpu.memory_space<vmem>>, vector<16xi32>,
          tpu.vector_store %arg10[%swap3A_410], %sub3A_407 {strides = array<i32>} : memref<8192xi32, #tpu.memory_space<vmem>>, vector<16xi32>,
          %add3A_412 = arith.constant 128 : i32
          %add3A_413 = vector.broadcast %add3A_412 : i32 to vector<16xi32>
          %add3A_414 = arith.addi %sub3A_407, %add3A_413 : vector<16xi32>
          %add3A_415 = arith.constant 6656 : i32
          %add3A_416 = arith.addi %add3A_415, %mul3A_165 : i32
          %swap3A_417 = arith.index_cast %add3A_416 : i32 to index
          %swap3A_418 = tpu.vector_load %arg10[%swap3A_417] {strides = array<i32>} : memref<8192xi32, #tpu.memory_space<vmem>>, vector<16xi32>,
          tpu.vector_store %arg10[%swap3A_417], %add3A_414 {strides = array<i32>} : memref<8192xi32, #tpu.memory_space<vmem>>, vector<16xi32>,
          %mul3A_419 = arith.mulf %sub3A_198, %mul3A_232 : vector<16xf32>
          %add3A_420 = arith.constant 2560 : i32
          %add3A_421 = arith.addi %add3A_420, %mul3A_165 : i32
          %swap3A_422 = arith.index_cast %add3A_421 : i32 to index
          %swap3A_423 = tpu.vector_load %arg14[%swap3A_422] {strides = array<i32>} : memref<4096xf32, #tpu.memory_space<vmem>>, vector<16xf32>,
          tpu.vector_store %arg14[%swap3A_422], %mul3A_419 {strides = array<i32>} : memref<4096xf32, #tpu.memory_space<vmem>>, vector<16xf32>,
          %xor3A_424 = arith.xori %convert_element_type3A_194, %xor3A_220 : vector<16xi32>
          %and3A_425 = arith.constant 524287 : i32
          %and3A_426 = vector.broadcast %and3A_425 : i32 to vector<16xi32>
          %and3A_427 = arith.andi %xor3A_424, %and3A_426 : vector<16xi32>
          %add3A_428 = arith.addi %and3A_427, %add3A_42 : vector<16xi32>
          %shift_right_arithmetic3A_429 = arith.constant 7 : i32
          %shift_right_arithmetic3A_430 = vector.broadcast %shift_right_arithmetic3A_429 : i32 to vector<16xi32>
          %shift_right_arithmetic3A_431 = arith.shrsi %add3A_428, %shift_right_arithmetic3A_430 : vector<16xi32>
          %shift_left3A_432 = arith.constant 8 : i32
          %shift_left3A_433 = vector.broadcast %shift_left3A_432 : i32 to vector<16xi32>
          %shift_left3A_434 = arith.shli %shift_right_arithmetic3A_431, %shift_left3A_433 : vector<16xi32>
          %and3A_435 = arith.constant 127 : i32
          %and3A_436 = vector.broadcast %and3A_435 : i32 to vector<16xi32>
          %and3A_437 = arith.andi %add3A_428, %and3A_436 : vector<16xi32>
          %add3A_438 = arith.addi %shift_left3A_434, %and3A_437 : vector<16xi32>
          %sub3A_439 = arith.subi %add3A_438, %add3A_46 : vector<16xi32>
          %add3A_440 = arith.constant 3072 : i32
          %add3A_441 = arith.addi %add3A_440, %mul3A_165 : i32
          %swap3A_442 = arith.index_cast %add3A_441 : i32 to index
          %swap3A_443 = tpu.vector_load %arg10[%swap3A_442] {strides = array<i32>} : memref<8192xi32, #tpu.memory_space<vmem>>, vector<16xi32>,
          tpu.vector_store %arg10[%swap3A_442], %sub3A_439 {strides = array<i32>} : memref<8192xi32, #tpu.memory_space<vmem>>, vector<16xi32>,
          %add3A_444 = arith.constant 128 : i32
          %add3A_445 = vector.broadcast %add3A_444 : i32 to vector<16xi32>
          %add3A_446 = arith.addi %sub3A_439, %add3A_445 : vector<16xi32>
          %add3A_447 = arith.constant 7168 : i32
          %add3A_448 = arith.addi %add3A_447, %mul3A_165 : i32
          %swap3A_449 = arith.index_cast %add3A_448 : i32 to index
          %swap3A_450 = tpu.vector_load %arg10[%swap3A_449] {strides = array<i32>} : memref<8192xi32, #tpu.memory_space<vmem>>, vector<16xi32>,
          tpu.vector_store %arg10[%swap3A_449], %add3A_446 {strides = array<i32>} : memref<8192xi32, #tpu.memory_space<vmem>>, vector<16xi32>,
          %mul3A_451 = arith.mulf %sub3A_223, %mul3A_233 : vector<16xf32>
          %add3A_452 = arith.constant 3072 : i32
          %add3A_453 = arith.addi %add3A_452, %mul3A_165 : i32
          %swap3A_454 = arith.index_cast %add3A_453 : i32 to index
          %swap3A_455 = tpu.vector_load %arg14[%swap3A_454] {strides = array<i32>} : memref<4096xf32, #tpu.memory_space<vmem>>, vector<16xf32>,
          tpu.vector_store %arg14[%swap3A_454], %mul3A_451 {strides = array<i32>} : memref<4096xf32, #tpu.memory_space<vmem>>, vector<16xf32>,
          %xor3A_456 = arith.xori %add3A_205, %xor3A_220 : vector<16xi32>
          %and3A_457 = arith.constant 524287 : i32
          %and3A_458 = vector.broadcast %and3A_457 : i32 to vector<16xi32>
          %and3A_459 = arith.andi %xor3A_456, %and3A_458 : vector<16xi32>
          %add3A_460 = arith.addi %and3A_459, %add3A_42 : vector<16xi32>
          %shift_right_arithmetic3A_461 = arith.constant 7 : i32
          %shift_right_arithmetic3A_462 = vector.broadcast %shift_right_arithmetic3A_461 : i32 to vector<16xi32>
          %shift_right_arithmetic3A_463 = arith.shrsi %add3A_460, %shift_right_arithmetic3A_462 : vector<16xi32>
          %shift_left3A_464 = arith.constant 8 : i32
          %shift_left3A_465 = vector.broadcast %shift_left3A_464 : i32 to vector<16xi32>
          %shift_left3A_466 = arith.shli %shift_right_arithmetic3A_463, %shift_left3A_465 : vector<16xi32>
          %and3A_467 = arith.constant 127 : i32
          %and3A_468 = vector.broadcast %and3A_467 : i32 to vector<16xi32>
          %and3A_469 = arith.andi %add3A_460, %and3A_468 : vector<16xi32>
          %add3A_470 = arith.addi %shift_left3A_466, %and3A_469 : vector<16xi32>
          %sub3A_471 = arith.subi %add3A_470, %add3A_46 : vector<16xi32>
          %add3A_472 = arith.constant 3584 : i32
          %add3A_473 = arith.addi %add3A_472, %mul3A_165 : i32
          %swap3A_474 = arith.index_cast %add3A_473 : i32 to index
          %swap3A_475 = tpu.vector_load %arg10[%swap3A_474] {strides = array<i32>} : memref<8192xi32, #tpu.memory_space<vmem>>, vector<16xi32>,
          tpu.vector_store %arg10[%swap3A_474], %sub3A_471 {strides = array<i32>} : memref<8192xi32, #tpu.memory_space<vmem>>, vector<16xi32>,
          %add3A_476 = arith.constant 128 : i32
          %add3A_477 = vector.broadcast %add3A_476 : i32 to vector<16xi32>
          %add3A_478 = arith.addi %sub3A_471, %add3A_477 : vector<16xi32>
          %add3A_479 = arith.constant 7680 : i32
          %add3A_480 = arith.addi %add3A_479, %mul3A_165 : i32
          %swap3A_481 = arith.index_cast %add3A_480 : i32 to index
          %swap3A_482 = tpu.vector_load %arg10[%swap3A_481] {strides = array<i32>} : memref<8192xi32, #tpu.memory_space<vmem>>, vector<16xi32>,
          tpu.vector_store %arg10[%swap3A_481], %add3A_478 {strides = array<i32>} : memref<8192xi32, #tpu.memory_space<vmem>>, vector<16xi32>,
          %mul3A_483 = arith.mulf %sub3A_198, %mul3A_233 : vector<16xf32>
          %add3A_484 = arith.constant 3584 : i32
          %add3A_485 = arith.addi %add3A_484, %mul3A_165 : i32
          %swap3A_486 = arith.index_cast %add3A_485 : i32 to index
          %swap3A_487 = tpu.vector_load %arg14[%swap3A_486] {strides = array<i32>} : memref<4096xf32, #tpu.memory_space<vmem>>, vector<16xf32>,
          tpu.vector_store %arg14[%swap3A_486], %mul3A_483 {strides = array<i32>} : memref<4096xf32, #tpu.memory_space<vmem>>, vector<16xf32>,
        }
        %scan3A_102 = arith.constant 32 : i32
        %dma_start3A_103 = arith.constant 0 : i32
        %dma_start3A_104 = tpu.memref_slice %arg19[%dma_start3A_103] : memref<1048832xf32, #tpu.memory_space<vmem_shared>> -> memref<1048832xf32, #tpu.memory_space<vmem_shared>>
        tpu.enqueue_indirect_dma source(%dma_start3A_104 : memref<1048832xf32, #tpu.memory_space<vmem_shared>>) target(%arg12 : memref<8192xf32, #tpu.memory_space<vmem>>) offsets(%arg10 : memref<8192xi32, #tpu.memory_space<vmem>>) semaphore(%arg23 : memref<!tpu.dma_semaphore, #tpu.memory_space<semaphore_mem>>)
        %add3A_105 = arith.constant 3 : i32
        %add3A_106 = arith.addi %mul3A_92, %add3A_105 : i32
        %lt3A = arith.constant 64 : i32
        %lt3A_107 = arith.cmpi slt, %add3A_106, %lt3A : i32
        %convert_element_type3A = arith.extui %lt3A_107 : i1 to i32
        %cond3A = arith.constant 0 : i32
        %cond3A_108 = arith.cmpi ne, %convert_element_type3A, %cond3A : i32
        scf.if %cond3A_108 {
          %add3A_163 = arith.constant 3 : i32
          %add3A_164 = arith.addi %mul3A_92, %add3A_163 : i32
          %mul3A_165 = arith.constant 512 : i32
          %mul3A_166 = arith.muli %add3A_164, %mul3A_165 : i32
          %add3A_167 = arith.addi %mul3A_2, %mul3A_166 : i32
          %mul3A_168 = arith.constant 4 : i32
          %mul3A_169 = arith.muli %add3A_167, %mul3A_168 : i32
          %dma_start3A_170 = tpu.memref_slice %arg2[%mul3A_169] : memref<4194304xf32, #tpu.memory_space<hbm>> -> memref<2048xf32, #tpu.memory_space<hbm>>
          %dma_start3A_171 = tpu.memref_slice %arg2[%mul3A_169] : memref<4194304xf32, #tpu.memory_space<hbm>> -> memref<2048xf32, #tpu.memory_space<hbm>>
          tpu.enqueue_dma source(%dma_start3A_171 : memref<2048xf32, #tpu.memory_space<hbm>>) target(%arg8 : memref<2048xf32, #tpu.memory_space<vmem>>) target_semaphore(%arg21 : memref<!tpu.dma_semaphore, #tpu.memory_space<semaphore_mem>>)
        } else {
        }
        %dma_wait3A_109 = arith.constant 0 : i32
        %dma_wait3A_110 = tpu.memref_slice %arg19[%dma_wait3A_109] : memref<1048832xf32, #tpu.memory_space<vmem_shared>> -> memref<1048832xf32, #tpu.memory_space<vmem_shared>>
        tpu.wait_indirect_dma semaphore(%arg22 : memref<!tpu.dma_semaphore, #tpu.memory_space<semaphore_mem>>) src(%dma_wait3A_110 : memref<1048832xf32, #tpu.memory_space<vmem_shared>>) dst(%arg11 : memref<8192xf32, #tpu.memory_space<vmem>>)
        %gt3A = arith.constant 0 : i32
        %gt3A_111 = arith.cmpi sgt, %scan3A_90, %gt3A : i32
        %convert_element_type3A_112 = arith.extui %gt3A_111 : i1 to i32
        %cond3A_113 = arith.constant 0 : i32
        %cond3A_114 = arith.cmpi ne, %convert_element_type3A_112, %cond3A_113 : i32
        scf.if %cond3A_114 {
          %dma_wait3A_163 = arith.constant 0 : i32
          %dma_wait3A_164 = tpu.memref_slice %arg6[%dma_wait3A_163] : memref<33554432xf32, #tpu.memory_space<hbm>> -> memref<1024xf32, #tpu.memory_space<hbm>>
          %dma_wait3A_165 = arith.constant 0 : i32
          %dma_wait3A_166 = tpu.memref_slice %arg6[%dma_wait3A_165] : memref<33554432xf32, #tpu.memory_space<hbm>> -> memref<1024xf32, #tpu.memory_space<hbm>>
          tpu.wait_dma2 semaphore(%arg24 : memref<!tpu.dma_semaphore, #tpu.memory_space<semaphore_mem>>) src(%arg15 : memref<1024xf32, #tpu.memory_space<vmem>>) dst(%dma_wait3A_166 : memref<1024xf32, #tpu.memory_space<hbm>>)
        } else {
        }
        %scan3A_115 = arith.constant 0 : i32
        %scan3A_116 = arith.constant 0 : i32
        %scan3A_117 = arith.constant 32 : i32
        %scan3A_118 = arith.addi %scan3A_116, %scan3A_117 : i32
        %scan3A_119 = arith.constant 1 : i32
        scf.for %scan3A_163 = %scan3A_116 to %scan3A_118 step %scan3A_119  : i32 {
          %broadcast_in_dim3A_164 = arith.constant 0.000000e+00 : f32
          %broadcast_in_dim3A_165 = vector.broadcast %broadcast_in_dim3A_164 : f32 to vector<16xf32>
          %broadcast_in_dim3A_166 = arith.constant 0.000000e+00 : f32
          %broadcast_in_dim3A_167 = vector.broadcast %broadcast_in_dim3A_166 : f32 to vector<16xf32>
          %mul3A_168 = arith.constant 16 : i32
          %mul3A_169 = arith.muli %scan3A_163, %mul3A_168 : i32
          %add3A_170 = arith.constant 0 : i32
          %add3A_171 = arith.addi %add3A_170, %mul3A_169 : i32
          %get3A = arith.index_cast %add3A_171 : i32 to index
          %get3A_172 = tpu.vector_load %arg13[%get3A] {strides = array<i32>} : memref<4096xf32, #tpu.memory_space<vmem>>, vector<16xf32>,
          %mul3A_173 = arith.constant 16 : i32
          %mul3A_174 = arith.muli %scan3A_163, %mul3A_173 : i32
          %add3A_175 = arith.constant 0 : i32
          %add3A_176 = arith.addi %add3A_175, %mul3A_174 : i32
          %get3A_177 = arith.index_cast %add3A_176 : i32 to index
          %get3A_178 = tpu.vector_load %arg11[%get3A_177] {strides = array<i32>} : memref<8192xf32, #tpu.memory_space<vmem>>, vector<16xf32>,
          %mul3A_179 = arith.constant 16 : i32
          %mul3A_180 = arith.muli %scan3A_163, %mul3A_179 : i32
          %add3A_181 = arith.constant 4096 : i32
          %add3A_182 = arith.addi %add3A_181, %mul3A_180 : i32
          %get3A_183 = arith.index_cast %add3A_182 : i32 to index
          %get3A_184 = tpu.vector_load %arg11[%get3A_183] {strides = array<i32>} : memref<8192xf32, #tpu.memory_space<vmem>>, vector<16xf32>,
          %mul3A_185 = arith.mulf %get3A_172, %get3A_178 : vector<16xf32>
          %add3A_186 = arith.addf %broadcast_in_dim3A_165, %mul3A_185 : vector<16xf32>
          %mul3A_187 = arith.mulf %get3A_172, %get3A_184 : vector<16xf32>
          %add3A_188 = arith.addf %broadcast_in_dim3A_167, %mul3A_187 : vector<16xf32>
          %mul3A_189 = arith.constant 16 : i32
          %mul3A_190 = arith.muli %scan3A_163, %mul3A_189 : i32
          %add3A_191 = arith.constant 512 : i32
          %add3A_192 = arith.addi %add3A_191, %mul3A_190 : i32
          %get3A_193 = arith.index_cast %add3A_192 : i32 to index
          %get3A_194 = tpu.vector_load %arg13[%get3A_193] {strides = array<i32>} : memref<4096xf32, #tpu.memory_space<vmem>>, vector<16xf32>,
          %mul3A_195 = arith.constant 16 : i32
          %mul3A_196 = arith.muli %scan3A_163, %mul3A_195 : i32
          %add3A_197 = arith.constant 512 : i32
          %add3A_198 = arith.addi %add3A_197, %mul3A_196 : i32
          %get3A_199 = arith.index_cast %add3A_198 : i32 to index
          %get3A_200 = tpu.vector_load %arg11[%get3A_199] {strides = array<i32>} : memref<8192xf32, #tpu.memory_space<vmem>>, vector<16xf32>,
          %mul3A_201 = arith.constant 16 : i32
          %mul3A_202 = arith.muli %scan3A_163, %mul3A_201 : i32
          %add3A_203 = arith.constant 4608 : i32
          %add3A_204 = arith.addi %add3A_203, %mul3A_202 : i32
          %get3A_205 = arith.index_cast %add3A_204 : i32 to index
          %get3A_206 = tpu.vector_load %arg11[%get3A_205] {strides = array<i32>} : memref<8192xf32, #tpu.memory_space<vmem>>, vector<16xf32>,
          %mul3A_207 = arith.mulf %get3A_194, %get3A_200 : vector<16xf32>
          %add3A_208 = arith.addf %add3A_186, %mul3A_207 : vector<16xf32>
          %mul3A_209 = arith.mulf %get3A_194, %get3A_206 : vector<16xf32>
          %add3A_210 = arith.addf %add3A_188, %mul3A_209 : vector<16xf32>
          %mul3A_211 = arith.constant 16 : i32
          %mul3A_212 = arith.muli %scan3A_163, %mul3A_211 : i32
          %add3A_213 = arith.constant 1024 : i32
          %add3A_214 = arith.addi %add3A_213, %mul3A_212 : i32
          %get3A_215 = arith.index_cast %add3A_214 : i32 to index
          %get3A_216 = tpu.vector_load %arg13[%get3A_215] {strides = array<i32>} : memref<4096xf32, #tpu.memory_space<vmem>>, vector<16xf32>,
          %mul3A_217 = arith.constant 16 : i32
          %mul3A_218 = arith.muli %scan3A_163, %mul3A_217 : i32
          %add3A_219 = arith.constant 1024 : i32
          %add3A_220 = arith.addi %add3A_219, %mul3A_218 : i32
          %get3A_221 = arith.index_cast %add3A_220 : i32 to index
          %get3A_222 = tpu.vector_load %arg11[%get3A_221] {strides = array<i32>} : memref<8192xf32, #tpu.memory_space<vmem>>, vector<16xf32>,
          %mul3A_223 = arith.constant 16 : i32
          %mul3A_224 = arith.muli %scan3A_163, %mul3A_223 : i32
          %add3A_225 = arith.constant 5120 : i32
          %add3A_226 = arith.addi %add3A_225, %mul3A_224 : i32
          %get3A_227 = arith.index_cast %add3A_226 : i32 to index
          %get3A_228 = tpu.vector_load %arg11[%get3A_227] {strides = array<i32>} : memref<8192xf32, #tpu.memory_space<vmem>>, vector<16xf32>,
          %mul3A_229 = arith.mulf %get3A_216, %get3A_222 : vector<16xf32>
          %add3A_230 = arith.addf %add3A_208, %mul3A_229 : vector<16xf32>
          %mul3A_231 = arith.mulf %get3A_216, %get3A_228 : vector<16xf32>
          %add3A_232 = arith.addf %add3A_210, %mul3A_231 : vector<16xf32>
          %mul3A_233 = arith.constant 16 : i32
          %mul3A_234 = arith.muli %scan3A_163, %mul3A_233 : i32
          %add3A_235 = arith.constant 1536 : i32
          %add3A_236 = arith.addi %add3A_235, %mul3A_234 : i32
          %get3A_237 = arith.index_cast %add3A_236 : i32 to index
          %get3A_238 = tpu.vector_load %arg13[%get3A_237] {strides = array<i32>} : memref<4096xf32, #tpu.memory_space<vmem>>, vector<16xf32>,
          %mul3A_239 = arith.constant 16 : i32
          %mul3A_240 = arith.muli %scan3A_163, %mul3A_239 : i32
          %add3A_241 = arith.constant 1536 : i32
          %add3A_242 = arith.addi %add3A_241, %mul3A_240 : i32
          %get3A_243 = arith.index_cast %add3A_242 : i32 to index
          %get3A_244 = tpu.vector_load %arg11[%get3A_243] {strides = array<i32>} : memref<8192xf32, #tpu.memory_space<vmem>>, vector<16xf32>,
          %mul3A_245 = arith.constant 16 : i32
          %mul3A_246 = arith.muli %scan3A_163, %mul3A_245 : i32
          %add3A_247 = arith.constant 5632 : i32
          %add3A_248 = arith.addi %add3A_247, %mul3A_246 : i32
          %get3A_249 = arith.index_cast %add3A_248 : i32 to index
          %get3A_250 = tpu.vector_load %arg11[%get3A_249] {strides = array<i32>} : memref<8192xf32, #tpu.memory_space<vmem>>, vector<16xf32>,
          %mul3A_251 = arith.mulf %get3A_238, %get3A_244 : vector<16xf32>
          %add3A_252 = arith.addf %add3A_230, %mul3A_251 : vector<16xf32>
          %mul3A_253 = arith.mulf %get3A_238, %get3A_250 : vector<16xf32>
          %add3A_254 = arith.addf %add3A_232, %mul3A_253 : vector<16xf32>
          %mul3A_255 = arith.constant 16 : i32
          %mul3A_256 = arith.muli %scan3A_163, %mul3A_255 : i32
          %add3A_257 = arith.constant 2048 : i32
          %add3A_258 = arith.addi %add3A_257, %mul3A_256 : i32
          %get3A_259 = arith.index_cast %add3A_258 : i32 to index
          %get3A_260 = tpu.vector_load %arg13[%get3A_259] {strides = array<i32>} : memref<4096xf32, #tpu.memory_space<vmem>>, vector<16xf32>,
          %mul3A_261 = arith.constant 16 : i32
          %mul3A_262 = arith.muli %scan3A_163, %mul3A_261 : i32
          %add3A_263 = arith.constant 2048 : i32
          %add3A_264 = arith.addi %add3A_263, %mul3A_262 : i32
          %get3A_265 = arith.index_cast %add3A_264 : i32 to index
          %get3A_266 = tpu.vector_load %arg11[%get3A_265] {strides = array<i32>} : memref<8192xf32, #tpu.memory_space<vmem>>, vector<16xf32>,
          %mul3A_267 = arith.constant 16 : i32
          %mul3A_268 = arith.muli %scan3A_163, %mul3A_267 : i32
          %add3A_269 = arith.constant 6144 : i32
          %add3A_270 = arith.addi %add3A_269, %mul3A_268 : i32
          %get3A_271 = arith.index_cast %add3A_270 : i32 to index
          %get3A_272 = tpu.vector_load %arg11[%get3A_271] {strides = array<i32>} : memref<8192xf32, #tpu.memory_space<vmem>>, vector<16xf32>,
          %mul3A_273 = arith.mulf %get3A_260, %get3A_266 : vector<16xf32>
          %add3A_274 = arith.addf %add3A_252, %mul3A_273 : vector<16xf32>
          %mul3A_275 = arith.mulf %get3A_260, %get3A_272 : vector<16xf32>
          %add3A_276 = arith.addf %add3A_254, %mul3A_275 : vector<16xf32>
          %mul3A_277 = arith.constant 16 : i32
          %mul3A_278 = arith.muli %scan3A_163, %mul3A_277 : i32
          %add3A_279 = arith.constant 2560 : i32
          %add3A_280 = arith.addi %add3A_279, %mul3A_278 : i32
          %get3A_281 = arith.index_cast %add3A_280 : i32 to index
          %get3A_282 = tpu.vector_load %arg13[%get3A_281] {strides = array<i32>} : memref<4096xf32, #tpu.memory_space<vmem>>, vector<16xf32>,
          %mul3A_283 = arith.constant 16 : i32
          %mul3A_284 = arith.muli %scan3A_163, %mul3A_283 : i32
          %add3A_285 = arith.constant 2560 : i32
          %add3A_286 = arith.addi %add3A_285, %mul3A_284 : i32
          %get3A_287 = arith.index_cast %add3A_286 : i32 to index
          %get3A_288 = tpu.vector_load %arg11[%get3A_287] {strides = array<i32>} : memref<8192xf32, #tpu.memory_space<vmem>>, vector<16xf32>,
          %mul3A_289 = arith.constant 16 : i32
          %mul3A_290 = arith.muli %scan3A_163, %mul3A_289 : i32
          %add3A_291 = arith.constant 6656 : i32
          %add3A_292 = arith.addi %add3A_291, %mul3A_290 : i32
          %get3A_293 = arith.index_cast %add3A_292 : i32 to index
          %get3A_294 = tpu.vector_load %arg11[%get3A_293] {strides = array<i32>} : memref<8192xf32, #tpu.memory_space<vmem>>, vector<16xf32>,
          %mul3A_295 = arith.mulf %get3A_282, %get3A_288 : vector<16xf32>
          %add3A_296 = arith.addf %add3A_274, %mul3A_295 : vector<16xf32>
          %mul3A_297 = arith.mulf %get3A_282, %get3A_294 : vector<16xf32>
          %add3A_298 = arith.addf %add3A_276, %mul3A_297 : vector<16xf32>
          %mul3A_299 = arith.constant 16 : i32
          %mul3A_300 = arith.muli %scan3A_163, %mul3A_299 : i32
          %add3A_301 = arith.constant 3072 : i32
          %add3A_302 = arith.addi %add3A_301, %mul3A_300 : i32
          %get3A_303 = arith.index_cast %add3A_302 : i32 to index
          %get3A_304 = tpu.vector_load %arg13[%get3A_303] {strides = array<i32>} : memref<4096xf32, #tpu.memory_space<vmem>>, vector<16xf32>,
          %mul3A_305 = arith.constant 16 : i32
          %mul3A_306 = arith.muli %scan3A_163, %mul3A_305 : i32
          %add3A_307 = arith.constant 3072 : i32
          %add3A_308 = arith.addi %add3A_307, %mul3A_306 : i32
          %get3A_309 = arith.index_cast %add3A_308 : i32 to index
          %get3A_310 = tpu.vector_load %arg11[%get3A_309] {strides = array<i32>} : memref<8192xf32, #tpu.memory_space<vmem>>, vector<16xf32>,
          %mul3A_311 = arith.constant 16 : i32
          %mul3A_312 = arith.muli %scan3A_163, %mul3A_311 : i32
          %add3A_313 = arith.constant 7168 : i32
          %add3A_314 = arith.addi %add3A_313, %mul3A_312 : i32
          %get3A_315 = arith.index_cast %add3A_314 : i32 to index
          %get3A_316 = tpu.vector_load %arg11[%get3A_315] {strides = array<i32>} : memref<8192xf32, #tpu.memory_space<vmem>>, vector<16xf32>,
          %mul3A_317 = arith.mulf %get3A_304, %get3A_310 : vector<16xf32>
          %add3A_318 = arith.addf %add3A_296, %mul3A_317 : vector<16xf32>
          %mul3A_319 = arith.mulf %get3A_304, %get3A_316 : vector<16xf32>
          %add3A_320 = arith.addf %add3A_298, %mul3A_319 : vector<16xf32>
          %mul3A_321 = arith.constant 16 : i32
          %mul3A_322 = arith.muli %scan3A_163, %mul3A_321 : i32
          %add3A_323 = arith.constant 3584 : i32
          %add3A_324 = arith.addi %add3A_323, %mul3A_322 : i32
          %get3A_325 = arith.index_cast %add3A_324 : i32 to index
          %get3A_326 = tpu.vector_load %arg13[%get3A_325] {strides = array<i32>} : memref<4096xf32, #tpu.memory_space<vmem>>, vector<16xf32>,
          %mul3A_327 = arith.constant 16 : i32
          %mul3A_328 = arith.muli %scan3A_163, %mul3A_327 : i32
          %add3A_329 = arith.constant 3584 : i32
          %add3A_330 = arith.addi %add3A_329, %mul3A_328 : i32
          %get3A_331 = arith.index_cast %add3A_330 : i32 to index
          %get3A_332 = tpu.vector_load %arg11[%get3A_331] {strides = array<i32>} : memref<8192xf32, #tpu.memory_space<vmem>>, vector<16xf32>,
          %mul3A_333 = arith.constant 16 : i32
          %mul3A_334 = arith.muli %scan3A_163, %mul3A_333 : i32
          %add3A_335 = arith.constant 7680 : i32
          %add3A_336 = arith.addi %add3A_335, %mul3A_334 : i32
          %get3A_337 = arith.index_cast %add3A_336 : i32 to index
          %get3A_338 = tpu.vector_load %arg11[%get3A_337] {strides = array<i32>} : memref<8192xf32, #tpu.memory_space<vmem>>, vector<16xf32>,
          %mul3A_339 = arith.mulf %get3A_326, %get3A_332 : vector<16xf32>
          %add3A_340 = arith.addf %add3A_318, %mul3A_339 : vector<16xf32>
          %mul3A_341 = arith.mulf %get3A_326, %get3A_338 : vector<16xf32>
          %add3A_342 = arith.addf %add3A_320, %mul3A_341 : vector<16xf32>
          %shift_right_arithmetic3A = arith.constant 3 : i32
          %shift_right_arithmetic3A_343 = arith.shrsi %scan3A_163, %shift_right_arithmetic3A : i32
          %mul3A_344 = arith.constant 256 : i32
          %mul3A_345 = arith.muli %shift_right_arithmetic3A_343, %mul3A_344 : i32
          %and3A = arith.constant 7 : i32
          %and3A_346 = arith.andi %scan3A_163, %and3A : i32
          %mul3A_347 = arith.constant 16 : i32
          %mul3A_348 = arith.muli %and3A_346, %mul3A_347 : i32
          %add3A_349 = arith.addi %mul3A_345, %mul3A_348 : i32
          %swap3A = arith.index_cast %add3A_349 : i32 to index
          %swap3A_350 = tpu.vector_load %arg15[%swap3A] {strides = array<i32>} : memref<1024xf32, #tpu.memory_space<vmem>>, vector<16xf32>,
          tpu.vector_store %arg15[%swap3A], %add3A_340 {strides = array<i32>} : memref<1024xf32, #tpu.memory_space<vmem>>, vector<16xf32>,
          %add3A_351 = arith.constant 128 : i32
          %add3A_352 = arith.addi %add3A_349, %add3A_351 : i32
          %swap3A_353 = arith.index_cast %add3A_352 : i32 to index
          %swap3A_354 = tpu.vector_load %arg15[%swap3A_353] {strides = array<i32>} : memref<1024xf32, #tpu.memory_space<vmem>>, vector<16xf32>,
          tpu.vector_store %arg15[%swap3A_353], %add3A_342 {strides = array<i32>} : memref<1024xf32, #tpu.memory_space<vmem>>, vector<16xf32>,
        }
        %scan3A_120 = arith.constant 32 : i32
        %mul3A_121 = arith.constant 2097152 : i32
        %mul3A_122 = arith.muli %scan3A_24, %mul3A_121 : i32
        %mul3A_123 = arith.constant 512 : i32
        %mul3A_124 = arith.muli %mul3A_92, %mul3A_123 : i32
        %add3A_125 = arith.addi %mul3A_2, %mul3A_124 : i32
        %mul3A_126 = arith.constant 2 : i32
        %mul3A_127 = arith.muli %add3A_125, %mul3A_126 : i32
        %add3A_128 = arith.addi %mul3A_122, %mul3A_127 : i32
        %dma_start3A_129 = tpu.memref_slice %arg6[%add3A_128] : memref<33554432xf32, #tpu.memory_space<hbm>> -> memref<1024xf32, #tpu.memory_space<hbm>>
        %dma_start3A_130 = tpu.memref_slice %arg6[%add3A_128] : memref<33554432xf32, #tpu.memory_space<hbm>> -> memref<1024xf32, #tpu.memory_space<hbm>>
        tpu.enqueue_dma source(%arg15 : memref<1024xf32, #tpu.memory_space<vmem>>) target(%dma_start3A_130 : memref<1024xf32, #tpu.memory_space<hbm>>) target_semaphore(%arg24 : memref<!tpu.dma_semaphore, #tpu.memory_space<semaphore_mem>>)
        %add3A_131 = arith.constant 2 : i32
        %add3A_132 = arith.addi %mul3A_92, %add3A_131 : i32
        %lt3A_133 = arith.constant 64 : i32
        %lt3A_134 = arith.cmpi slt, %add3A_132, %lt3A_133 : i32
        %convert_element_type3A_135 = arith.extui %lt3A_134 : i1 to i32
        %cond3A_136 = arith.constant 0 : i32
        %cond3A_137 = arith.cmpi ne, %convert_element_type3A_135, %cond3A_136 : i32
        scf.if %cond3A_137 {
          %dma_wait3A_163 = arith.constant 0 : i32
          %dma_wait3A_164 = tpu.memref_slice %arg2[%dma_wait3A_163] : memref<4194304xf32, #tpu.memory_space<hbm>> -> memref<2048xf32, #tpu.memory_space<hbm>>
          %dma_wait3A_165 = arith.constant 0 : i32
          %dma_wait3A_166 = tpu.memref_slice %arg2[%dma_wait3A_165] : memref<4194304xf32, #tpu.memory_space<hbm>> -> memref<2048xf32, #tpu.memory_space<hbm>>
          tpu.wait_dma2 semaphore(%arg20 : memref<!tpu.dma_semaphore, #tpu.memory_space<semaphore_mem>>) src(%dma_wait3A_166 : memref<2048xf32, #tpu.memory_space<hbm>>) dst(%arg7 : memref<2048xf32, #tpu.memory_space<vmem>>)
          %scan3A_167 = arith.constant 0 : i32
          %scan3A_168 = arith.constant 0 : i32
          %scan3A_169 = arith.constant 32 : i32
          %scan3A_170 = arith.addi %scan3A_168, %scan3A_169 : i32
          %scan3A_171 = arith.constant 1 : i32
          scf.for %scan3A_182 = %scan3A_168 to %scan3A_170 step %scan3A_171  : i32 {
            %mul3A_183 = arith.constant 16 : i32
            %mul3A_184 = arith.muli %scan3A_182, %mul3A_183 : i32
            %shift_right_arithmetic3A = arith.constant 3 : i32
            %shift_right_arithmetic3A_185 = arith.shrsi %scan3A_182, %shift_right_arithmetic3A : i32
            %mul3A_186 = arith.constant 512 : i32
            %mul3A_187 = arith.muli %shift_right_arithmetic3A_185, %mul3A_186 : i32
            %and3A = arith.constant 7 : i32
            %and3A_188 = arith.andi %scan3A_182, %and3A : i32
            %mul3A_189 = arith.constant 16 : i32
            %mul3A_190 = arith.muli %and3A_188, %mul3A_189 : i32
            %add3A_191 = arith.addi %mul3A_187, %mul3A_190 : i32
            %get3A = arith.index_cast %add3A_191 : i32 to index
            %get3A_192 = tpu.vector_load %arg7[%get3A] {strides = array<i32>} : memref<2048xf32, #tpu.memory_space<vmem>>, vector<16xf32>,
            %add3A_193 = arith.constant 128 : i32
            %add3A_194 = arith.addi %add3A_191, %add3A_193 : i32
            %get3A_195 = arith.index_cast %add3A_194 : i32 to index
            %get3A_196 = tpu.vector_load %arg7[%get3A_195] {strides = array<i32>} : memref<2048xf32, #tpu.memory_space<vmem>>, vector<16xf32>,
            %add3A_197 = arith.constant 256 : i32
            %add3A_198 = arith.addi %add3A_191, %add3A_197 : i32
            %get3A_199 = arith.index_cast %add3A_198 : i32 to index
            %get3A_200 = tpu.vector_load %arg7[%get3A_199] {strides = array<i32>} : memref<2048xf32, #tpu.memory_space<vmem>>, vector<16xf32>,
            %mul3A_201 = arith.mulf %get3A_192, %gather3A : vector<16xf32>
            %add3A_202 = arith.constant 5.000000e-01 : f32
            %add3A_203 = vector.broadcast %add3A_202 : f32 to vector<16xf32>
            %add3A_204 = arith.addf %mul3A_201, %add3A_203 : vector<16xf32>
            %mul3A_205 = arith.mulf %get3A_196, %gather3A : vector<16xf32>
            %add3A_206 = arith.constant 5.000000e-01 : f32
            %add3A_207 = vector.broadcast %add3A_206 : f32 to vector<16xf32>
            %add3A_208 = arith.addf %mul3A_205, %add3A_207 : vector<16xf32>
            %mul3A_209 = arith.mulf %get3A_200, %gather3A : vector<16xf32>
            %add3A_210 = arith.constant 5.000000e-01 : f32
            %add3A_211 = vector.broadcast %add3A_210 : f32 to vector<16xf32>
            %add3A_212 = arith.addf %mul3A_209, %add3A_211 : vector<16xf32>
            %convert_element_type3A_213 = arith.fptosi %add3A_204 : vector<16xf32> to vector<16xi32>
            %convert_element_type3A_214 = arith.fptosi %add3A_208 : vector<16xf32> to vector<16xi32>
            %convert_element_type3A_215 = arith.fptosi %add3A_212 : vector<16xf32> to vector<16xi32>
            %convert_element_type3A_216 = arith.sitofp %convert_element_type3A_213 : vector<16xi32> to vector<16xf32>
            %sub3A_217 = arith.subf %add3A_204, %convert_element_type3A_216 : vector<16xf32>
            %convert_element_type3A_218 = arith.sitofp %convert_element_type3A_214 : vector<16xi32> to vector<16xf32>
            %sub3A_219 = arith.subf %add3A_208, %convert_element_type3A_218 : vector<16xf32>
            %convert_element_type3A_220 = arith.sitofp %convert_element_type3A_215 : vector<16xi32> to vector<16xf32>
            %sub3A_221 = arith.subf %add3A_212, %convert_element_type3A_220 : vector<16xf32>
            %add3A_222 = arith.constant 1 : i32
            %add3A_223 = vector.broadcast %add3A_222 : i32 to vector<16xi32>
            %add3A_224 = arith.addi %convert_element_type3A_213, %add3A_223 : vector<16xi32>
            %mul3A_225 = arith.constant -1640531535 : i32
            %mul3A_226 = vector.broadcast %mul3A_225 : i32 to vector<16xi32>
            %mul3A_227 = arith.muli %convert_element_type3A_214, %mul3A_226 : vector<16xi32>
            %add3A_228 = arith.constant -1640531535 : i32
            %add3A_229 = vector.broadcast %add3A_228 : i32 to vector<16xi32>
            %add3A_230 = arith.addi %mul3A_227, %add3A_229 : vector<16xi32>
            %mul3A_231 = arith.constant 805459861 : i32
            %mul3A_232 = vector.broadcast %mul3A_231 : i32 to vector<16xi32>
            %mul3A_233 = arith.muli %convert_element_type3A_215, %mul3A_232 : vector<16xi32>
            %add3A_234 = arith.constant 805459861 : i32
            %add3A_235 = vector.broadcast %add3A_234 : i32 to vector<16xi32>
            %add3A_236 = arith.addi %mul3A_233, %add3A_235 : vector<16xi32>
            %xor3A = arith.xori %mul3A_227, %mul3A_233 : vector<16xi32>
            %xor3A_237 = arith.xori %add3A_230, %mul3A_233 : vector<16xi32>
            %xor3A_238 = arith.xori %mul3A_227, %add3A_236 : vector<16xi32>
            %xor3A_239 = arith.xori %add3A_230, %add3A_236 : vector<16xi32>
            %sub3A_240 = arith.constant 1.000000e+00 : f32
            %sub3A_241 = vector.broadcast %sub3A_240 : f32 to vector<16xf32>
            %sub3A_242 = arith.subf %sub3A_241, %sub3A_217 : vector<16xf32>
            %sub3A_243 = arith.constant 1.000000e+00 : f32
            %sub3A_244 = vector.broadcast %sub3A_243 : f32 to vector<16xf32>
            %sub3A_245 = arith.subf %sub3A_244, %sub3A_219 : vector<16xf32>
            %sub3A_246 = arith.constant 1.000000e+00 : f32
            %sub3A_247 = vector.broadcast %sub3A_246 : f32 to vector<16xf32>
            %sub3A_248 = arith.subf %sub3A_247, %sub3A_221 : vector<16xf32>
            %mul3A_249 = arith.mulf %sub3A_245, %sub3A_248 : vector<16xf32>
            %mul3A_250 = arith.mulf %sub3A_219, %sub3A_248 : vector<16xf32>
            %mul3A_251 = arith.mulf %sub3A_245, %sub3A_221 : vector<16xf32>
            %mul3A_252 = arith.mulf %sub3A_219, %sub3A_221 : vector<16xf32>
            %xor3A_253 = arith.xori %convert_element_type3A_213, %xor3A : vector<16xi32>
            %and3A_254 = arith.constant 524287 : i32
            %and3A_255 = vector.broadcast %and3A_254 : i32 to vector<16xi32>
            %and3A_256 = arith.andi %xor3A_253, %and3A_255 : vector<16xi32>
            %add3A_257 = arith.addi %and3A_256, %add3A_42 : vector<16xi32>
            %shift_right_arithmetic3A_258 = arith.constant 7 : i32
            %shift_right_arithmetic3A_259 = vector.broadcast %shift_right_arithmetic3A_258 : i32 to vector<16xi32>
            %shift_right_arithmetic3A_260 = arith.shrsi %add3A_257, %shift_right_arithmetic3A_259 : vector<16xi32>
            %shift_left3A = arith.constant 8 : i32
            %shift_left3A_261 = vector.broadcast %shift_left3A : i32 to vector<16xi32>
            %shift_left3A_262 = arith.shli %shift_right_arithmetic3A_260, %shift_left3A_261 : vector<16xi32>
            %and3A_263 = arith.constant 127 : i32
            %and3A_264 = vector.broadcast %and3A_263 : i32 to vector<16xi32>
            %and3A_265 = arith.andi %add3A_257, %and3A_264 : vector<16xi32>
            %add3A_266 = arith.addi %shift_left3A_262, %and3A_265 : vector<16xi32>
            %sub3A_267 = arith.subi %add3A_266, %add3A_46 : vector<16xi32>
            %add3A_268 = arith.constant 0 : i32
            %add3A_269 = arith.addi %add3A_268, %mul3A_184 : i32
            %swap3A = arith.index_cast %add3A_269 : i32 to index
            %swap3A_270 = tpu.vector_load %arg9[%swap3A] {strides = array<i32>} : memref<8192xi32, #tpu.memory_space<vmem>>, vector<16xi32>,
            tpu.vector_store %arg9[%swap3A], %sub3A_267 {strides = array<i32>} : memref<8192xi32, #tpu.memory_space<vmem>>, vector<16xi32>,
            %add3A_271 = arith.constant 128 : i32
            %add3A_272 = vector.broadcast %add3A_271 : i32 to vector<16xi32>
            %add3A_273 = arith.addi %sub3A_267, %add3A_272 : vector<16xi32>
            %add3A_274 = arith.constant 4096 : i32
            %add3A_275 = arith.addi %add3A_274, %mul3A_184 : i32
            %swap3A_276 = arith.index_cast %add3A_275 : i32 to index
            %swap3A_277 = tpu.vector_load %arg9[%swap3A_276] {strides = array<i32>} : memref<8192xi32, #tpu.memory_space<vmem>>, vector<16xi32>,
            tpu.vector_store %arg9[%swap3A_276], %add3A_273 {strides = array<i32>} : memref<8192xi32, #tpu.memory_space<vmem>>, vector<16xi32>,
            %mul3A_278 = arith.mulf %sub3A_242, %mul3A_249 : vector<16xf32>
            %add3A_279 = arith.constant 0 : i32
            %add3A_280 = arith.addi %add3A_279, %mul3A_184 : i32
            %swap3A_281 = arith.index_cast %add3A_280 : i32 to index
            %swap3A_282 = tpu.vector_load %arg13[%swap3A_281] {strides = array<i32>} : memref<4096xf32, #tpu.memory_space<vmem>>, vector<16xf32>,
            tpu.vector_store %arg13[%swap3A_281], %mul3A_278 {strides = array<i32>} : memref<4096xf32, #tpu.memory_space<vmem>>, vector<16xf32>,
            %xor3A_283 = arith.xori %add3A_224, %xor3A : vector<16xi32>
            %and3A_284 = arith.constant 524287 : i32
            %and3A_285 = vector.broadcast %and3A_284 : i32 to vector<16xi32>
            %and3A_286 = arith.andi %xor3A_283, %and3A_285 : vector<16xi32>
            %add3A_287 = arith.addi %and3A_286, %add3A_42 : vector<16xi32>
            %shift_right_arithmetic3A_288 = arith.constant 7 : i32
            %shift_right_arithmetic3A_289 = vector.broadcast %shift_right_arithmetic3A_288 : i32 to vector<16xi32>
            %shift_right_arithmetic3A_290 = arith.shrsi %add3A_287, %shift_right_arithmetic3A_289 : vector<16xi32>
            %shift_left3A_291 = arith.constant 8 : i32
            %shift_left3A_292 = vector.broadcast %shift_left3A_291 : i32 to vector<16xi32>
            %shift_left3A_293 = arith.shli %shift_right_arithmetic3A_290, %shift_left3A_292 : vector<16xi32>
            %and3A_294 = arith.constant 127 : i32
            %and3A_295 = vector.broadcast %and3A_294 : i32 to vector<16xi32>
            %and3A_296 = arith.andi %add3A_287, %and3A_295 : vector<16xi32>
            %add3A_297 = arith.addi %shift_left3A_293, %and3A_296 : vector<16xi32>
            %sub3A_298 = arith.subi %add3A_297, %add3A_46 : vector<16xi32>
            %add3A_299 = arith.constant 512 : i32
            %add3A_300 = arith.addi %add3A_299, %mul3A_184 : i32
            %swap3A_301 = arith.index_cast %add3A_300 : i32 to index
            %swap3A_302 = tpu.vector_load %arg9[%swap3A_301] {strides = array<i32>} : memref<8192xi32, #tpu.memory_space<vmem>>, vector<16xi32>,
            tpu.vector_store %arg9[%swap3A_301], %sub3A_298 {strides = array<i32>} : memref<8192xi32, #tpu.memory_space<vmem>>, vector<16xi32>,
            %add3A_303 = arith.constant 128 : i32
            %add3A_304 = vector.broadcast %add3A_303 : i32 to vector<16xi32>
            %add3A_305 = arith.addi %sub3A_298, %add3A_304 : vector<16xi32>
            %add3A_306 = arith.constant 4608 : i32
            %add3A_307 = arith.addi %add3A_306, %mul3A_184 : i32
            %swap3A_308 = arith.index_cast %add3A_307 : i32 to index
            %swap3A_309 = tpu.vector_load %arg9[%swap3A_308] {strides = array<i32>} : memref<8192xi32, #tpu.memory_space<vmem>>, vector<16xi32>,
            tpu.vector_store %arg9[%swap3A_308], %add3A_305 {strides = array<i32>} : memref<8192xi32, #tpu.memory_space<vmem>>, vector<16xi32>,
            %mul3A_310 = arith.mulf %sub3A_217, %mul3A_249 : vector<16xf32>
            %add3A_311 = arith.constant 512 : i32
            %add3A_312 = arith.addi %add3A_311, %mul3A_184 : i32
            %swap3A_313 = arith.index_cast %add3A_312 : i32 to index
            %swap3A_314 = tpu.vector_load %arg13[%swap3A_313] {strides = array<i32>} : memref<4096xf32, #tpu.memory_space<vmem>>, vector<16xf32>,
            tpu.vector_store %arg13[%swap3A_313], %mul3A_310 {strides = array<i32>} : memref<4096xf32, #tpu.memory_space<vmem>>, vector<16xf32>,
            %xor3A_315 = arith.xori %convert_element_type3A_213, %xor3A_237 : vector<16xi32>
            %and3A_316 = arith.constant 524287 : i32
            %and3A_317 = vector.broadcast %and3A_316 : i32 to vector<16xi32>
            %and3A_318 = arith.andi %xor3A_315, %and3A_317 : vector<16xi32>
            %add3A_319 = arith.addi %and3A_318, %add3A_42 : vector<16xi32>
            %shift_right_arithmetic3A_320 = arith.constant 7 : i32
            %shift_right_arithmetic3A_321 = vector.broadcast %shift_right_arithmetic3A_320 : i32 to vector<16xi32>
            %shift_right_arithmetic3A_322 = arith.shrsi %add3A_319, %shift_right_arithmetic3A_321 : vector<16xi32>
            %shift_left3A_323 = arith.constant 8 : i32
            %shift_left3A_324 = vector.broadcast %shift_left3A_323 : i32 to vector<16xi32>
            %shift_left3A_325 = arith.shli %shift_right_arithmetic3A_322, %shift_left3A_324 : vector<16xi32>
            %and3A_326 = arith.constant 127 : i32
            %and3A_327 = vector.broadcast %and3A_326 : i32 to vector<16xi32>
            %and3A_328 = arith.andi %add3A_319, %and3A_327 : vector<16xi32>
            %add3A_329 = arith.addi %shift_left3A_325, %and3A_328 : vector<16xi32>
            %sub3A_330 = arith.subi %add3A_329, %add3A_46 : vector<16xi32>
            %add3A_331 = arith.constant 1024 : i32
            %add3A_332 = arith.addi %add3A_331, %mul3A_184 : i32
            %swap3A_333 = arith.index_cast %add3A_332 : i32 to index
            %swap3A_334 = tpu.vector_load %arg9[%swap3A_333] {strides = array<i32>} : memref<8192xi32, #tpu.memory_space<vmem>>, vector<16xi32>,
            tpu.vector_store %arg9[%swap3A_333], %sub3A_330 {strides = array<i32>} : memref<8192xi32, #tpu.memory_space<vmem>>, vector<16xi32>,
            %add3A_335 = arith.constant 128 : i32
            %add3A_336 = vector.broadcast %add3A_335 : i32 to vector<16xi32>
            %add3A_337 = arith.addi %sub3A_330, %add3A_336 : vector<16xi32>
            %add3A_338 = arith.constant 5120 : i32
            %add3A_339 = arith.addi %add3A_338, %mul3A_184 : i32
            %swap3A_340 = arith.index_cast %add3A_339 : i32 to index
            %swap3A_341 = tpu.vector_load %arg9[%swap3A_340] {strides = array<i32>} : memref<8192xi32, #tpu.memory_space<vmem>>, vector<16xi32>,
            tpu.vector_store %arg9[%swap3A_340], %add3A_337 {strides = array<i32>} : memref<8192xi32, #tpu.memory_space<vmem>>, vector<16xi32>,
            %mul3A_342 = arith.mulf %sub3A_242, %mul3A_250 : vector<16xf32>
            %add3A_343 = arith.constant 1024 : i32
            %add3A_344 = arith.addi %add3A_343, %mul3A_184 : i32
            %swap3A_345 = arith.index_cast %add3A_344 : i32 to index
            %swap3A_346 = tpu.vector_load %arg13[%swap3A_345] {strides = array<i32>} : memref<4096xf32, #tpu.memory_space<vmem>>, vector<16xf32>,
            tpu.vector_store %arg13[%swap3A_345], %mul3A_342 {strides = array<i32>} : memref<4096xf32, #tpu.memory_space<vmem>>, vector<16xf32>,
            %xor3A_347 = arith.xori %add3A_224, %xor3A_237 : vector<16xi32>
            %and3A_348 = arith.constant 524287 : i32
            %and3A_349 = vector.broadcast %and3A_348 : i32 to vector<16xi32>
            %and3A_350 = arith.andi %xor3A_347, %and3A_349 : vector<16xi32>
            %add3A_351 = arith.addi %and3A_350, %add3A_42 : vector<16xi32>
            %shift_right_arithmetic3A_352 = arith.constant 7 : i32
            %shift_right_arithmetic3A_353 = vector.broadcast %shift_right_arithmetic3A_352 : i32 to vector<16xi32>
            %shift_right_arithmetic3A_354 = arith.shrsi %add3A_351, %shift_right_arithmetic3A_353 : vector<16xi32>
            %shift_left3A_355 = arith.constant 8 : i32
            %shift_left3A_356 = vector.broadcast %shift_left3A_355 : i32 to vector<16xi32>
            %shift_left3A_357 = arith.shli %shift_right_arithmetic3A_354, %shift_left3A_356 : vector<16xi32>
            %and3A_358 = arith.constant 127 : i32
            %and3A_359 = vector.broadcast %and3A_358 : i32 to vector<16xi32>
            %and3A_360 = arith.andi %add3A_351, %and3A_359 : vector<16xi32>
            %add3A_361 = arith.addi %shift_left3A_357, %and3A_360 : vector<16xi32>
            %sub3A_362 = arith.subi %add3A_361, %add3A_46 : vector<16xi32>
            %add3A_363 = arith.constant 1536 : i32
            %add3A_364 = arith.addi %add3A_363, %mul3A_184 : i32
            %swap3A_365 = arith.index_cast %add3A_364 : i32 to index
            %swap3A_366 = tpu.vector_load %arg9[%swap3A_365] {strides = array<i32>} : memref<8192xi32, #tpu.memory_space<vmem>>, vector<16xi32>,
            tpu.vector_store %arg9[%swap3A_365], %sub3A_362 {strides = array<i32>} : memref<8192xi32, #tpu.memory_space<vmem>>, vector<16xi32>,
            %add3A_367 = arith.constant 128 : i32
            %add3A_368 = vector.broadcast %add3A_367 : i32 to vector<16xi32>
            %add3A_369 = arith.addi %sub3A_362, %add3A_368 : vector<16xi32>
            %add3A_370 = arith.constant 5632 : i32
            %add3A_371 = arith.addi %add3A_370, %mul3A_184 : i32
            %swap3A_372 = arith.index_cast %add3A_371 : i32 to index
            %swap3A_373 = tpu.vector_load %arg9[%swap3A_372] {strides = array<i32>} : memref<8192xi32, #tpu.memory_space<vmem>>, vector<16xi32>,
            tpu.vector_store %arg9[%swap3A_372], %add3A_369 {strides = array<i32>} : memref<8192xi32, #tpu.memory_space<vmem>>, vector<16xi32>,
            %mul3A_374 = arith.mulf %sub3A_217, %mul3A_250 : vector<16xf32>
            %add3A_375 = arith.constant 1536 : i32
            %add3A_376 = arith.addi %add3A_375, %mul3A_184 : i32
            %swap3A_377 = arith.index_cast %add3A_376 : i32 to index
            %swap3A_378 = tpu.vector_load %arg13[%swap3A_377] {strides = array<i32>} : memref<4096xf32, #tpu.memory_space<vmem>>, vector<16xf32>,
            tpu.vector_store %arg13[%swap3A_377], %mul3A_374 {strides = array<i32>} : memref<4096xf32, #tpu.memory_space<vmem>>, vector<16xf32>,
            %xor3A_379 = arith.xori %convert_element_type3A_213, %xor3A_238 : vector<16xi32>
            %and3A_380 = arith.constant 524287 : i32
            %and3A_381 = vector.broadcast %and3A_380 : i32 to vector<16xi32>
            %and3A_382 = arith.andi %xor3A_379, %and3A_381 : vector<16xi32>
            %add3A_383 = arith.addi %and3A_382, %add3A_42 : vector<16xi32>
            %shift_right_arithmetic3A_384 = arith.constant 7 : i32
            %shift_right_arithmetic3A_385 = vector.broadcast %shift_right_arithmetic3A_384 : i32 to vector<16xi32>
            %shift_right_arithmetic3A_386 = arith.shrsi %add3A_383, %shift_right_arithmetic3A_385 : vector<16xi32>
            %shift_left3A_387 = arith.constant 8 : i32
            %shift_left3A_388 = vector.broadcast %shift_left3A_387 : i32 to vector<16xi32>
            %shift_left3A_389 = arith.shli %shift_right_arithmetic3A_386, %shift_left3A_388 : vector<16xi32>
            %and3A_390 = arith.constant 127 : i32
            %and3A_391 = vector.broadcast %and3A_390 : i32 to vector<16xi32>
            %and3A_392 = arith.andi %add3A_383, %and3A_391 : vector<16xi32>
            %add3A_393 = arith.addi %shift_left3A_389, %and3A_392 : vector<16xi32>
            %sub3A_394 = arith.subi %add3A_393, %add3A_46 : vector<16xi32>
            %add3A_395 = arith.constant 2048 : i32
            %add3A_396 = arith.addi %add3A_395, %mul3A_184 : i32
            %swap3A_397 = arith.index_cast %add3A_396 : i32 to index
            %swap3A_398 = tpu.vector_load %arg9[%swap3A_397] {strides = array<i32>} : memref<8192xi32, #tpu.memory_space<vmem>>, vector<16xi32>,
            tpu.vector_store %arg9[%swap3A_397], %sub3A_394 {strides = array<i32>} : memref<8192xi32, #tpu.memory_space<vmem>>, vector<16xi32>,
            %add3A_399 = arith.constant 128 : i32
            %add3A_400 = vector.broadcast %add3A_399 : i32 to vector<16xi32>
            %add3A_401 = arith.addi %sub3A_394, %add3A_400 : vector<16xi32>
            %add3A_402 = arith.constant 6144 : i32
            %add3A_403 = arith.addi %add3A_402, %mul3A_184 : i32
            %swap3A_404 = arith.index_cast %add3A_403 : i32 to index
            %swap3A_405 = tpu.vector_load %arg9[%swap3A_404] {strides = array<i32>} : memref<8192xi32, #tpu.memory_space<vmem>>, vector<16xi32>,
            tpu.vector_store %arg9[%swap3A_404], %add3A_401 {strides = array<i32>} : memref<8192xi32, #tpu.memory_space<vmem>>, vector<16xi32>,
            %mul3A_406 = arith.mulf %sub3A_242, %mul3A_251 : vector<16xf32>
            %add3A_407 = arith.constant 2048 : i32
            %add3A_408 = arith.addi %add3A_407, %mul3A_184 : i32
            %swap3A_409 = arith.index_cast %add3A_408 : i32 to index
            %swap3A_410 = tpu.vector_load %arg13[%swap3A_409] {strides = array<i32>} : memref<4096xf32, #tpu.memory_space<vmem>>, vector<16xf32>,
            tpu.vector_store %arg13[%swap3A_409], %mul3A_406 {strides = array<i32>} : memref<4096xf32, #tpu.memory_space<vmem>>, vector<16xf32>,
            %xor3A_411 = arith.xori %add3A_224, %xor3A_238 : vector<16xi32>
            %and3A_412 = arith.constant 524287 : i32
            %and3A_413 = vector.broadcast %and3A_412 : i32 to vector<16xi32>
            %and3A_414 = arith.andi %xor3A_411, %and3A_413 : vector<16xi32>
            %add3A_415 = arith.addi %and3A_414, %add3A_42 : vector<16xi32>
            %shift_right_arithmetic3A_416 = arith.constant 7 : i32
            %shift_right_arithmetic3A_417 = vector.broadcast %shift_right_arithmetic3A_416 : i32 to vector<16xi32>
            %shift_right_arithmetic3A_418 = arith.shrsi %add3A_415, %shift_right_arithmetic3A_417 : vector<16xi32>
            %shift_left3A_419 = arith.constant 8 : i32
            %shift_left3A_420 = vector.broadcast %shift_left3A_419 : i32 to vector<16xi32>
            %shift_left3A_421 = arith.shli %shift_right_arithmetic3A_418, %shift_left3A_420 : vector<16xi32>
            %and3A_422 = arith.constant 127 : i32
            %and3A_423 = vector.broadcast %and3A_422 : i32 to vector<16xi32>
            %and3A_424 = arith.andi %add3A_415, %and3A_423 : vector<16xi32>
            %add3A_425 = arith.addi %shift_left3A_421, %and3A_424 : vector<16xi32>
            %sub3A_426 = arith.subi %add3A_425, %add3A_46 : vector<16xi32>
            %add3A_427 = arith.constant 2560 : i32
            %add3A_428 = arith.addi %add3A_427, %mul3A_184 : i32
            %swap3A_429 = arith.index_cast %add3A_428 : i32 to index
            %swap3A_430 = tpu.vector_load %arg9[%swap3A_429] {strides = array<i32>} : memref<8192xi32, #tpu.memory_space<vmem>>, vector<16xi32>,
            tpu.vector_store %arg9[%swap3A_429], %sub3A_426 {strides = array<i32>} : memref<8192xi32, #tpu.memory_space<vmem>>, vector<16xi32>,
            %add3A_431 = arith.constant 128 : i32
            %add3A_432 = vector.broadcast %add3A_431 : i32 to vector<16xi32>
            %add3A_433 = arith.addi %sub3A_426, %add3A_432 : vector<16xi32>
            %add3A_434 = arith.constant 6656 : i32
            %add3A_435 = arith.addi %add3A_434, %mul3A_184 : i32
            %swap3A_436 = arith.index_cast %add3A_435 : i32 to index
            %swap3A_437 = tpu.vector_load %arg9[%swap3A_436] {strides = array<i32>} : memref<8192xi32, #tpu.memory_space<vmem>>, vector<16xi32>,
            tpu.vector_store %arg9[%swap3A_436], %add3A_433 {strides = array<i32>} : memref<8192xi32, #tpu.memory_space<vmem>>, vector<16xi32>,
            %mul3A_438 = arith.mulf %sub3A_217, %mul3A_251 : vector<16xf32>
            %add3A_439 = arith.constant 2560 : i32
            %add3A_440 = arith.addi %add3A_439, %mul3A_184 : i32
            %swap3A_441 = arith.index_cast %add3A_440 : i32 to index
            %swap3A_442 = tpu.vector_load %arg13[%swap3A_441] {strides = array<i32>} : memref<4096xf32, #tpu.memory_space<vmem>>, vector<16xf32>,
            tpu.vector_store %arg13[%swap3A_441], %mul3A_438 {strides = array<i32>} : memref<4096xf32, #tpu.memory_space<vmem>>, vector<16xf32>,
            %xor3A_443 = arith.xori %convert_element_type3A_213, %xor3A_239 : vector<16xi32>
            %and3A_444 = arith.constant 524287 : i32
            %and3A_445 = vector.broadcast %and3A_444 : i32 to vector<16xi32>
            %and3A_446 = arith.andi %xor3A_443, %and3A_445 : vector<16xi32>
            %add3A_447 = arith.addi %and3A_446, %add3A_42 : vector<16xi32>
            %shift_right_arithmetic3A_448 = arith.constant 7 : i32
            %shift_right_arithmetic3A_449 = vector.broadcast %shift_right_arithmetic3A_448 : i32 to vector<16xi32>
            %shift_right_arithmetic3A_450 = arith.shrsi %add3A_447, %shift_right_arithmetic3A_449 : vector<16xi32>
            %shift_left3A_451 = arith.constant 8 : i32
            %shift_left3A_452 = vector.broadcast %shift_left3A_451 : i32 to vector<16xi32>
            %shift_left3A_453 = arith.shli %shift_right_arithmetic3A_450, %shift_left3A_452 : vector<16xi32>
            %and3A_454 = arith.constant 127 : i32
            %and3A_455 = vector.broadcast %and3A_454 : i32 to vector<16xi32>
            %and3A_456 = arith.andi %add3A_447, %and3A_455 : vector<16xi32>
            %add3A_457 = arith.addi %shift_left3A_453, %and3A_456 : vector<16xi32>
            %sub3A_458 = arith.subi %add3A_457, %add3A_46 : vector<16xi32>
            %add3A_459 = arith.constant 3072 : i32
            %add3A_460 = arith.addi %add3A_459, %mul3A_184 : i32
            %swap3A_461 = arith.index_cast %add3A_460 : i32 to index
            %swap3A_462 = tpu.vector_load %arg9[%swap3A_461] {strides = array<i32>} : memref<8192xi32, #tpu.memory_space<vmem>>, vector<16xi32>,
            tpu.vector_store %arg9[%swap3A_461], %sub3A_458 {strides = array<i32>} : memref<8192xi32, #tpu.memory_space<vmem>>, vector<16xi32>,
            %add3A_463 = arith.constant 128 : i32
            %add3A_464 = vector.broadcast %add3A_463 : i32 to vector<16xi32>
            %add3A_465 = arith.addi %sub3A_458, %add3A_464 : vector<16xi32>
            %add3A_466 = arith.constant 7168 : i32
            %add3A_467 = arith.addi %add3A_466, %mul3A_184 : i32
            %swap3A_468 = arith.index_cast %add3A_467 : i32 to index
            %swap3A_469 = tpu.vector_load %arg9[%swap3A_468] {strides = array<i32>} : memref<8192xi32, #tpu.memory_space<vmem>>, vector<16xi32>,
            tpu.vector_store %arg9[%swap3A_468], %add3A_465 {strides = array<i32>} : memref<8192xi32, #tpu.memory_space<vmem>>, vector<16xi32>,
            %mul3A_470 = arith.mulf %sub3A_242, %mul3A_252 : vector<16xf32>
            %add3A_471 = arith.constant 3072 : i32
            %add3A_472 = arith.addi %add3A_471, %mul3A_184 : i32
            %swap3A_473 = arith.index_cast %add3A_472 : i32 to index
            %swap3A_474 = tpu.vector_load %arg13[%swap3A_473] {strides = array<i32>} : memref<4096xf32, #tpu.memory_space<vmem>>, vector<16xf32>,
            tpu.vector_store %arg13[%swap3A_473], %mul3A_470 {strides = array<i32>} : memref<4096xf32, #tpu.memory_space<vmem>>, vector<16xf32>,
            %xor3A_475 = arith.xori %add3A_224, %xor3A_239 : vector<16xi32>
            %and3A_476 = arith.constant 524287 : i32
            %and3A_477 = vector.broadcast %and3A_476 : i32 to vector<16xi32>
            %and3A_478 = arith.andi %xor3A_475, %and3A_477 : vector<16xi32>
            %add3A_479 = arith.addi %and3A_478, %add3A_42 : vector<16xi32>
            %shift_right_arithmetic3A_480 = arith.constant 7 : i32
            %shift_right_arithmetic3A_481 = vector.broadcast %shift_right_arithmetic3A_480 : i32 to vector<16xi32>
            %shift_right_arithmetic3A_482 = arith.shrsi %add3A_479, %shift_right_arithmetic3A_481 : vector<16xi32>
            %shift_left3A_483 = arith.constant 8 : i32
            %shift_left3A_484 = vector.broadcast %shift_left3A_483 : i32 to vector<16xi32>
            %shift_left3A_485 = arith.shli %shift_right_arithmetic3A_482, %shift_left3A_484 : vector<16xi32>
            %and3A_486 = arith.constant 127 : i32
            %and3A_487 = vector.broadcast %and3A_486 : i32 to vector<16xi32>
            %and3A_488 = arith.andi %add3A_479, %and3A_487 : vector<16xi32>
            %add3A_489 = arith.addi %shift_left3A_485, %and3A_488 : vector<16xi32>
            %sub3A_490 = arith.subi %add3A_489, %add3A_46 : vector<16xi32>
            %add3A_491 = arith.constant 3584 : i32
            %add3A_492 = arith.addi %add3A_491, %mul3A_184 : i32
            %swap3A_493 = arith.index_cast %add3A_492 : i32 to index
            %swap3A_494 = tpu.vector_load %arg9[%swap3A_493] {strides = array<i32>} : memref<8192xi32, #tpu.memory_space<vmem>>, vector<16xi32>,
            tpu.vector_store %arg9[%swap3A_493], %sub3A_490 {strides = array<i32>} : memref<8192xi32, #tpu.memory_space<vmem>>, vector<16xi32>,
            %add3A_495 = arith.constant 128 : i32
            %add3A_496 = vector.broadcast %add3A_495 : i32 to vector<16xi32>
            %add3A_497 = arith.addi %sub3A_490, %add3A_496 : vector<16xi32>
            %add3A_498 = arith.constant 7680 : i32
            %add3A_499 = arith.addi %add3A_498, %mul3A_184 : i32
            %swap3A_500 = arith.index_cast %add3A_499 : i32 to index
            %swap3A_501 = tpu.vector_load %arg9[%swap3A_500] {strides = array<i32>} : memref<8192xi32, #tpu.memory_space<vmem>>, vector<16xi32>,
            tpu.vector_store %arg9[%swap3A_500], %add3A_497 {strides = array<i32>} : memref<8192xi32, #tpu.memory_space<vmem>>, vector<16xi32>,
            %mul3A_502 = arith.mulf %sub3A_217, %mul3A_252 : vector<16xf32>
            %add3A_503 = arith.constant 3584 : i32
            %add3A_504 = arith.addi %add3A_503, %mul3A_184 : i32
            %swap3A_505 = arith.index_cast %add3A_504 : i32 to index
            %swap3A_506 = tpu.vector_load %arg13[%swap3A_505] {strides = array<i32>} : memref<4096xf32, #tpu.memory_space<vmem>>, vector<16xf32>,
            tpu.vector_store %arg13[%swap3A_505], %mul3A_502 {strides = array<i32>} : memref<4096xf32, #tpu.memory_space<vmem>>, vector<16xf32>,
          }
          %scan3A_172 = arith.constant 32 : i32
          %dma_start3A_173 = arith.constant 0 : i32
          %dma_start3A_174 = tpu.memref_slice %arg19[%dma_start3A_173] : memref<1048832xf32, #tpu.memory_space<vmem_shared>> -> memref<1048832xf32, #tpu.memory_space<vmem_shared>>
          tpu.enqueue_indirect_dma source(%dma_start3A_174 : memref<1048832xf32, #tpu.memory_space<vmem_shared>>) target(%arg11 : memref<8192xf32, #tpu.memory_space<vmem>>) offsets(%arg9 : memref<8192xi32, #tpu.memory_space<vmem>>) semaphore(%arg22 : memref<!tpu.dma_semaphore, #tpu.memory_space<semaphore_mem>>)
          %add3A_175 = arith.constant 4 : i32
          %add3A_176 = arith.addi %mul3A_92, %add3A_175 : i32
          %lt3A_177 = arith.constant 64 : i32
          %lt3A_178 = arith.cmpi slt, %add3A_176, %lt3A_177 : i32
          %convert_element_type3A_179 = arith.extui %lt3A_178 : i1 to i32
          %cond3A_180 = arith.constant 0 : i32
          %cond3A_181 = arith.cmpi ne, %convert_element_type3A_179, %cond3A_180 : i32
          scf.if %cond3A_181 {
            %add3A_182 = arith.constant 4 : i32
            %add3A_183 = arith.addi %mul3A_92, %add3A_182 : i32
            %mul3A_184 = arith.constant 512 : i32
            %mul3A_185 = arith.muli %add3A_183, %mul3A_184 : i32
            %add3A_186 = arith.addi %mul3A_2, %mul3A_185 : i32
            %mul3A_187 = arith.constant 4 : i32
            %mul3A_188 = arith.muli %add3A_186, %mul3A_187 : i32
            %dma_start3A_189 = tpu.memref_slice %arg2[%mul3A_188] : memref<4194304xf32, #tpu.memory_space<hbm>> -> memref<2048xf32, #tpu.memory_space<hbm>>
            %dma_start3A_190 = tpu.memref_slice %arg2[%mul3A_188] : memref<4194304xf32, #tpu.memory_space<hbm>> -> memref<2048xf32, #tpu.memory_space<hbm>>
            tpu.enqueue_dma source(%dma_start3A_190 : memref<2048xf32, #tpu.memory_space<hbm>>) target(%arg7 : memref<2048xf32, #tpu.memory_space<vmem>>) target_semaphore(%arg20 : memref<!tpu.dma_semaphore, #tpu.memory_space<semaphore_mem>>)
          } else {
          }
        } else {
        }
        %dma_wait3A_138 = arith.constant 0 : i32
        %dma_wait3A_139 = tpu.memref_slice %arg19[%dma_wait3A_138] : memref<1048832xf32, #tpu.memory_space<vmem_shared>> -> memref<1048832xf32, #tpu.memory_space<vmem_shared>>
        tpu.wait_indirect_dma semaphore(%arg23 : memref<!tpu.dma_semaphore, #tpu.memory_space<semaphore_mem>>) src(%dma_wait3A_139 : memref<1048832xf32, #tpu.memory_space<vmem_shared>>) dst(%arg12 : memref<8192xf32, #tpu.memory_space<vmem>>)
        %gt3A_140 = arith.constant 0 : i32
        %gt3A_141 = arith.cmpi sgt, %scan3A_90, %gt3A_140 : i32
        %convert_element_type3A_142 = arith.extui %gt3A_141 : i1 to i32
        %cond3A_143 = arith.constant 0 : i32
        %cond3A_144 = arith.cmpi ne, %convert_element_type3A_142, %cond3A_143 : i32
        scf.if %cond3A_144 {
          %dma_wait3A_163 = arith.constant 0 : i32
          %dma_wait3A_164 = tpu.memref_slice %arg6[%dma_wait3A_163] : memref<33554432xf32, #tpu.memory_space<hbm>> -> memref<1024xf32, #tpu.memory_space<hbm>>
          %dma_wait3A_165 = arith.constant 0 : i32
          %dma_wait3A_166 = tpu.memref_slice %arg6[%dma_wait3A_165] : memref<33554432xf32, #tpu.memory_space<hbm>> -> memref<1024xf32, #tpu.memory_space<hbm>>
          tpu.wait_dma2 semaphore(%arg25 : memref<!tpu.dma_semaphore, #tpu.memory_space<semaphore_mem>>) src(%arg16 : memref<1024xf32, #tpu.memory_space<vmem>>) dst(%dma_wait3A_166 : memref<1024xf32, #tpu.memory_space<hbm>>)
        } else {
        }
        %scan3A_145 = arith.constant 0 : i32
        %scan3A_146 = arith.constant 0 : i32
        %scan3A_147 = arith.constant 32 : i32
        %scan3A_148 = arith.addi %scan3A_146, %scan3A_147 : i32
        %scan3A_149 = arith.constant 1 : i32
        scf.for %scan3A_163 = %scan3A_146 to %scan3A_148 step %scan3A_149  : i32 {
          %broadcast_in_dim3A_164 = arith.constant 0.000000e+00 : f32
          %broadcast_in_dim3A_165 = vector.broadcast %broadcast_in_dim3A_164 : f32 to vector<16xf32>
          %broadcast_in_dim3A_166 = arith.constant 0.000000e+00 : f32
          %broadcast_in_dim3A_167 = vector.broadcast %broadcast_in_dim3A_166 : f32 to vector<16xf32>
          %mul3A_168 = arith.constant 16 : i32
          %mul3A_169 = arith.muli %scan3A_163, %mul3A_168 : i32
          %add3A_170 = arith.constant 0 : i32
          %add3A_171 = arith.addi %add3A_170, %mul3A_169 : i32
          %get3A = arith.index_cast %add3A_171 : i32 to index
          %get3A_172 = tpu.vector_load %arg14[%get3A] {strides = array<i32>} : memref<4096xf32, #tpu.memory_space<vmem>>, vector<16xf32>,
          %mul3A_173 = arith.constant 16 : i32
          %mul3A_174 = arith.muli %scan3A_163, %mul3A_173 : i32
          %add3A_175 = arith.constant 0 : i32
          %add3A_176 = arith.addi %add3A_175, %mul3A_174 : i32
          %get3A_177 = arith.index_cast %add3A_176 : i32 to index
          %get3A_178 = tpu.vector_load %arg12[%get3A_177] {strides = array<i32>} : memref<8192xf32, #tpu.memory_space<vmem>>, vector<16xf32>,
          %mul3A_179 = arith.constant 16 : i32
          %mul3A_180 = arith.muli %scan3A_163, %mul3A_179 : i32
          %add3A_181 = arith.constant 4096 : i32
          %add3A_182 = arith.addi %add3A_181, %mul3A_180 : i32
          %get3A_183 = arith.index_cast %add3A_182 : i32 to index
          %get3A_184 = tpu.vector_load %arg12[%get3A_183] {strides = array<i32>} : memref<8192xf32, #tpu.memory_space<vmem>>, vector<16xf32>,
          %mul3A_185 = arith.mulf %get3A_172, %get3A_178 : vector<16xf32>
          %add3A_186 = arith.addf %broadcast_in_dim3A_165, %mul3A_185 : vector<16xf32>
          %mul3A_187 = arith.mulf %get3A_172, %get3A_184 : vector<16xf32>
          %add3A_188 = arith.addf %broadcast_in_dim3A_167, %mul3A_187 : vector<16xf32>
          %mul3A_189 = arith.constant 16 : i32
          %mul3A_190 = arith.muli %scan3A_163, %mul3A_189 : i32
          %add3A_191 = arith.constant 512 : i32
          %add3A_192 = arith.addi %add3A_191, %mul3A_190 : i32
          %get3A_193 = arith.index_cast %add3A_192 : i32 to index
          %get3A_194 = tpu.vector_load %arg14[%get3A_193] {strides = array<i32>} : memref<4096xf32, #tpu.memory_space<vmem>>, vector<16xf32>,
          %mul3A_195 = arith.constant 16 : i32
          %mul3A_196 = arith.muli %scan3A_163, %mul3A_195 : i32
          %add3A_197 = arith.constant 512 : i32
          %add3A_198 = arith.addi %add3A_197, %mul3A_196 : i32
          %get3A_199 = arith.index_cast %add3A_198 : i32 to index
          %get3A_200 = tpu.vector_load %arg12[%get3A_199] {strides = array<i32>} : memref<8192xf32, #tpu.memory_space<vmem>>, vector<16xf32>,
          %mul3A_201 = arith.constant 16 : i32
          %mul3A_202 = arith.muli %scan3A_163, %mul3A_201 : i32
          %add3A_203 = arith.constant 4608 : i32
          %add3A_204 = arith.addi %add3A_203, %mul3A_202 : i32
          %get3A_205 = arith.index_cast %add3A_204 : i32 to index
          %get3A_206 = tpu.vector_load %arg12[%get3A_205] {strides = array<i32>} : memref<8192xf32, #tpu.memory_space<vmem>>, vector<16xf32>,
          %mul3A_207 = arith.mulf %get3A_194, %get3A_200 : vector<16xf32>
          %add3A_208 = arith.addf %add3A_186, %mul3A_207 : vector<16xf32>
          %mul3A_209 = arith.mulf %get3A_194, %get3A_206 : vector<16xf32>
          %add3A_210 = arith.addf %add3A_188, %mul3A_209 : vector<16xf32>
          %mul3A_211 = arith.constant 16 : i32
          %mul3A_212 = arith.muli %scan3A_163, %mul3A_211 : i32
          %add3A_213 = arith.constant 1024 : i32
          %add3A_214 = arith.addi %add3A_213, %mul3A_212 : i32
          %get3A_215 = arith.index_cast %add3A_214 : i32 to index
          %get3A_216 = tpu.vector_load %arg14[%get3A_215] {strides = array<i32>} : memref<4096xf32, #tpu.memory_space<vmem>>, vector<16xf32>,
          %mul3A_217 = arith.constant 16 : i32
          %mul3A_218 = arith.muli %scan3A_163, %mul3A_217 : i32
          %add3A_219 = arith.constant 1024 : i32
          %add3A_220 = arith.addi %add3A_219, %mul3A_218 : i32
          %get3A_221 = arith.index_cast %add3A_220 : i32 to index
          %get3A_222 = tpu.vector_load %arg12[%get3A_221] {strides = array<i32>} : memref<8192xf32, #tpu.memory_space<vmem>>, vector<16xf32>,
          %mul3A_223 = arith.constant 16 : i32
          %mul3A_224 = arith.muli %scan3A_163, %mul3A_223 : i32
          %add3A_225 = arith.constant 5120 : i32
          %add3A_226 = arith.addi %add3A_225, %mul3A_224 : i32
          %get3A_227 = arith.index_cast %add3A_226 : i32 to index
          %get3A_228 = tpu.vector_load %arg12[%get3A_227] {strides = array<i32>} : memref<8192xf32, #tpu.memory_space<vmem>>, vector<16xf32>,
          %mul3A_229 = arith.mulf %get3A_216, %get3A_222 : vector<16xf32>
          %add3A_230 = arith.addf %add3A_208, %mul3A_229 : vector<16xf32>
          %mul3A_231 = arith.mulf %get3A_216, %get3A_228 : vector<16xf32>
          %add3A_232 = arith.addf %add3A_210, %mul3A_231 : vector<16xf32>
          %mul3A_233 = arith.constant 16 : i32
          %mul3A_234 = arith.muli %scan3A_163, %mul3A_233 : i32
          %add3A_235 = arith.constant 1536 : i32
          %add3A_236 = arith.addi %add3A_235, %mul3A_234 : i32
          %get3A_237 = arith.index_cast %add3A_236 : i32 to index
          %get3A_238 = tpu.vector_load %arg14[%get3A_237] {strides = array<i32>} : memref<4096xf32, #tpu.memory_space<vmem>>, vector<16xf32>,
          %mul3A_239 = arith.constant 16 : i32
          %mul3A_240 = arith.muli %scan3A_163, %mul3A_239 : i32
          %add3A_241 = arith.constant 1536 : i32
          %add3A_242 = arith.addi %add3A_241, %mul3A_240 : i32
          %get3A_243 = arith.index_cast %add3A_242 : i32 to index
          %get3A_244 = tpu.vector_load %arg12[%get3A_243] {strides = array<i32>} : memref<8192xf32, #tpu.memory_space<vmem>>, vector<16xf32>,
          %mul3A_245 = arith.constant 16 : i32
          %mul3A_246 = arith.muli %scan3A_163, %mul3A_245 : i32
          %add3A_247 = arith.constant 5632 : i32
          %add3A_248 = arith.addi %add3A_247, %mul3A_246 : i32
          %get3A_249 = arith.index_cast %add3A_248 : i32 to index
          %get3A_250 = tpu.vector_load %arg12[%get3A_249] {strides = array<i32>} : memref<8192xf32, #tpu.memory_space<vmem>>, vector<16xf32>,
          %mul3A_251 = arith.mulf %get3A_238, %get3A_244 : vector<16xf32>
          %add3A_252 = arith.addf %add3A_230, %mul3A_251 : vector<16xf32>
          %mul3A_253 = arith.mulf %get3A_238, %get3A_250 : vector<16xf32>
          %add3A_254 = arith.addf %add3A_232, %mul3A_253 : vector<16xf32>
          %mul3A_255 = arith.constant 16 : i32
          %mul3A_256 = arith.muli %scan3A_163, %mul3A_255 : i32
          %add3A_257 = arith.constant 2048 : i32
          %add3A_258 = arith.addi %add3A_257, %mul3A_256 : i32
          %get3A_259 = arith.index_cast %add3A_258 : i32 to index
          %get3A_260 = tpu.vector_load %arg14[%get3A_259] {strides = array<i32>} : memref<4096xf32, #tpu.memory_space<vmem>>, vector<16xf32>,
          %mul3A_261 = arith.constant 16 : i32
          %mul3A_262 = arith.muli %scan3A_163, %mul3A_261 : i32
          %add3A_263 = arith.constant 2048 : i32
          %add3A_264 = arith.addi %add3A_263, %mul3A_262 : i32
          %get3A_265 = arith.index_cast %add3A_264 : i32 to index
          %get3A_266 = tpu.vector_load %arg12[%get3A_265] {strides = array<i32>} : memref<8192xf32, #tpu.memory_space<vmem>>, vector<16xf32>,
          %mul3A_267 = arith.constant 16 : i32
          %mul3A_268 = arith.muli %scan3A_163, %mul3A_267 : i32
          %add3A_269 = arith.constant 6144 : i32
          %add3A_270 = arith.addi %add3A_269, %mul3A_268 : i32
          %get3A_271 = arith.index_cast %add3A_270 : i32 to index
          %get3A_272 = tpu.vector_load %arg12[%get3A_271] {strides = array<i32>} : memref<8192xf32, #tpu.memory_space<vmem>>, vector<16xf32>,
          %mul3A_273 = arith.mulf %get3A_260, %get3A_266 : vector<16xf32>
          %add3A_274 = arith.addf %add3A_252, %mul3A_273 : vector<16xf32>
          %mul3A_275 = arith.mulf %get3A_260, %get3A_272 : vector<16xf32>
          %add3A_276 = arith.addf %add3A_254, %mul3A_275 : vector<16xf32>
          %mul3A_277 = arith.constant 16 : i32
          %mul3A_278 = arith.muli %scan3A_163, %mul3A_277 : i32
          %add3A_279 = arith.constant 2560 : i32
          %add3A_280 = arith.addi %add3A_279, %mul3A_278 : i32
          %get3A_281 = arith.index_cast %add3A_280 : i32 to index
          %get3A_282 = tpu.vector_load %arg14[%get3A_281] {strides = array<i32>} : memref<4096xf32, #tpu.memory_space<vmem>>, vector<16xf32>,
          %mul3A_283 = arith.constant 16 : i32
          %mul3A_284 = arith.muli %scan3A_163, %mul3A_283 : i32
          %add3A_285 = arith.constant 2560 : i32
          %add3A_286 = arith.addi %add3A_285, %mul3A_284 : i32
          %get3A_287 = arith.index_cast %add3A_286 : i32 to index
          %get3A_288 = tpu.vector_load %arg12[%get3A_287] {strides = array<i32>} : memref<8192xf32, #tpu.memory_space<vmem>>, vector<16xf32>,
          %mul3A_289 = arith.constant 16 : i32
          %mul3A_290 = arith.muli %scan3A_163, %mul3A_289 : i32
          %add3A_291 = arith.constant 6656 : i32
          %add3A_292 = arith.addi %add3A_291, %mul3A_290 : i32
          %get3A_293 = arith.index_cast %add3A_292 : i32 to index
          %get3A_294 = tpu.vector_load %arg12[%get3A_293] {strides = array<i32>} : memref<8192xf32, #tpu.memory_space<vmem>>, vector<16xf32>,
          %mul3A_295 = arith.mulf %get3A_282, %get3A_288 : vector<16xf32>
          %add3A_296 = arith.addf %add3A_274, %mul3A_295 : vector<16xf32>
          %mul3A_297 = arith.mulf %get3A_282, %get3A_294 : vector<16xf32>
          %add3A_298 = arith.addf %add3A_276, %mul3A_297 : vector<16xf32>
          %mul3A_299 = arith.constant 16 : i32
          %mul3A_300 = arith.muli %scan3A_163, %mul3A_299 : i32
          %add3A_301 = arith.constant 3072 : i32
          %add3A_302 = arith.addi %add3A_301, %mul3A_300 : i32
          %get3A_303 = arith.index_cast %add3A_302 : i32 to index
          %get3A_304 = tpu.vector_load %arg14[%get3A_303] {strides = array<i32>} : memref<4096xf32, #tpu.memory_space<vmem>>, vector<16xf32>,
          %mul3A_305 = arith.constant 16 : i32
          %mul3A_306 = arith.muli %scan3A_163, %mul3A_305 : i32
          %add3A_307 = arith.constant 3072 : i32
          %add3A_308 = arith.addi %add3A_307, %mul3A_306 : i32
          %get3A_309 = arith.index_cast %add3A_308 : i32 to index
          %get3A_310 = tpu.vector_load %arg12[%get3A_309] {strides = array<i32>} : memref<8192xf32, #tpu.memory_space<vmem>>, vector<16xf32>,
          %mul3A_311 = arith.constant 16 : i32
          %mul3A_312 = arith.muli %scan3A_163, %mul3A_311 : i32
          %add3A_313 = arith.constant 7168 : i32
          %add3A_314 = arith.addi %add3A_313, %mul3A_312 : i32
          %get3A_315 = arith.index_cast %add3A_314 : i32 to index
          %get3A_316 = tpu.vector_load %arg12[%get3A_315] {strides = array<i32>} : memref<8192xf32, #tpu.memory_space<vmem>>, vector<16xf32>,
          %mul3A_317 = arith.mulf %get3A_304, %get3A_310 : vector<16xf32>
          %add3A_318 = arith.addf %add3A_296, %mul3A_317 : vector<16xf32>
          %mul3A_319 = arith.mulf %get3A_304, %get3A_316 : vector<16xf32>
          %add3A_320 = arith.addf %add3A_298, %mul3A_319 : vector<16xf32>
          %mul3A_321 = arith.constant 16 : i32
          %mul3A_322 = arith.muli %scan3A_163, %mul3A_321 : i32
          %add3A_323 = arith.constant 3584 : i32
          %add3A_324 = arith.addi %add3A_323, %mul3A_322 : i32
          %get3A_325 = arith.index_cast %add3A_324 : i32 to index
          %get3A_326 = tpu.vector_load %arg14[%get3A_325] {strides = array<i32>} : memref<4096xf32, #tpu.memory_space<vmem>>, vector<16xf32>,
          %mul3A_327 = arith.constant 16 : i32
          %mul3A_328 = arith.muli %scan3A_163, %mul3A_327 : i32
          %add3A_329 = arith.constant 3584 : i32
          %add3A_330 = arith.addi %add3A_329, %mul3A_328 : i32
          %get3A_331 = arith.index_cast %add3A_330 : i32 to index
          %get3A_332 = tpu.vector_load %arg12[%get3A_331] {strides = array<i32>} : memref<8192xf32, #tpu.memory_space<vmem>>, vector<16xf32>,
          %mul3A_333 = arith.constant 16 : i32
          %mul3A_334 = arith.muli %scan3A_163, %mul3A_333 : i32
          %add3A_335 = arith.constant 7680 : i32
          %add3A_336 = arith.addi %add3A_335, %mul3A_334 : i32
          %get3A_337 = arith.index_cast %add3A_336 : i32 to index
          %get3A_338 = tpu.vector_load %arg12[%get3A_337] {strides = array<i32>} : memref<8192xf32, #tpu.memory_space<vmem>>, vector<16xf32>,
          %mul3A_339 = arith.mulf %get3A_326, %get3A_332 : vector<16xf32>
          %add3A_340 = arith.addf %add3A_318, %mul3A_339 : vector<16xf32>
          %mul3A_341 = arith.mulf %get3A_326, %get3A_338 : vector<16xf32>
          %add3A_342 = arith.addf %add3A_320, %mul3A_341 : vector<16xf32>
          %shift_right_arithmetic3A = arith.constant 3 : i32
          %shift_right_arithmetic3A_343 = arith.shrsi %scan3A_163, %shift_right_arithmetic3A : i32
          %mul3A_344 = arith.constant 256 : i32
          %mul3A_345 = arith.muli %shift_right_arithmetic3A_343, %mul3A_344 : i32
          %and3A = arith.constant 7 : i32
          %and3A_346 = arith.andi %scan3A_163, %and3A : i32
          %mul3A_347 = arith.constant 16 : i32
          %mul3A_348 = arith.muli %and3A_346, %mul3A_347 : i32
          %add3A_349 = arith.addi %mul3A_345, %mul3A_348 : i32
          %swap3A = arith.index_cast %add3A_349 : i32 to index
          %swap3A_350 = tpu.vector_load %arg16[%swap3A] {strides = array<i32>} : memref<1024xf32, #tpu.memory_space<vmem>>, vector<16xf32>,
          tpu.vector_store %arg16[%swap3A], %add3A_340 {strides = array<i32>} : memref<1024xf32, #tpu.memory_space<vmem>>, vector<16xf32>,
          %add3A_351 = arith.constant 128 : i32
          %add3A_352 = arith.addi %add3A_349, %add3A_351 : i32
          %swap3A_353 = arith.index_cast %add3A_352 : i32 to index
          %swap3A_354 = tpu.vector_load %arg16[%swap3A_353] {strides = array<i32>} : memref<1024xf32, #tpu.memory_space<vmem>>, vector<16xf32>,
          tpu.vector_store %arg16[%swap3A_353], %add3A_342 {strides = array<i32>} : memref<1024xf32, #tpu.memory_space<vmem>>, vector<16xf32>,
        }
        %scan3A_150 = arith.constant 32 : i32
        %add3A_151 = arith.constant 1 : i32
        %add3A_152 = arith.addi %mul3A_92, %add3A_151 : i32
        %mul3A_153 = arith.constant 2097152 : i32
        %mul3A_154 = arith.muli %scan3A_24, %mul3A_153 : i32
        %mul3A_155 = arith.constant 512 : i32
        %mul3A_156 = arith.muli %add3A_152, %mul3A_155 : i32
        %add3A_157 = arith.addi %mul3A_2, %mul3A_156 : i32
        %mul3A_158 = arith.constant 2 : i32
        %mul3A_159 = arith.muli %add3A_157, %mul3A_158 : i32
        %add3A_160 = arith.addi %mul3A_154, %mul3A_159 : i32
        %dma_start3A_161 = tpu.memref_slice %arg6[%add3A_160] : memref<33554432xf32, #tpu.memory_space<hbm>> -> memref<1024xf32, #tpu.memory_space<hbm>>
        %dma_start3A_162 = tpu.memref_slice %arg6[%add3A_160] : memref<33554432xf32, #tpu.memory_space<hbm>> -> memref<1024xf32, #tpu.memory_space<hbm>>
        tpu.enqueue_dma source(%arg16 : memref<1024xf32, #tpu.memory_space<vmem>>) target(%dma_start3A_162 : memref<1024xf32, #tpu.memory_space<hbm>>) target_semaphore(%arg25 : memref<!tpu.dma_semaphore, #tpu.memory_space<semaphore_mem>>)
      }
      %scan3A_81 = arith.constant 32 : i32
      %dma_wait3A_82 = arith.constant 0 : i32
      %dma_wait3A_83 = tpu.memref_slice %arg6[%dma_wait3A_82] : memref<33554432xf32, #tpu.memory_space<hbm>> -> memref<1024xf32, #tpu.memory_space<hbm>>
      %dma_wait3A_84 = arith.constant 0 : i32
      %dma_wait3A_85 = tpu.memref_slice %arg6[%dma_wait3A_84] : memref<33554432xf32, #tpu.memory_space<hbm>> -> memref<1024xf32, #tpu.memory_space<hbm>>
      tpu.wait_dma2 semaphore(%arg24 : memref<!tpu.dma_semaphore, #tpu.memory_space<semaphore_mem>>) src(%arg15 : memref<1024xf32, #tpu.memory_space<vmem>>) dst(%dma_wait3A_85 : memref<1024xf32, #tpu.memory_space<hbm>>)
      %dma_wait3A_86 = arith.constant 0 : i32
      %dma_wait3A_87 = tpu.memref_slice %arg6[%dma_wait3A_86] : memref<33554432xf32, #tpu.memory_space<hbm>> -> memref<1024xf32, #tpu.memory_space<hbm>>
      %dma_wait3A_88 = arith.constant 0 : i32
      %dma_wait3A_89 = tpu.memref_slice %arg6[%dma_wait3A_88] : memref<33554432xf32, #tpu.memory_space<hbm>> -> memref<1024xf32, #tpu.memory_space<hbm>>
      tpu.wait_dma2 semaphore(%arg25 : memref<!tpu.dma_semaphore, #tpu.memory_space<semaphore_mem>>) src(%arg16 : memref<1024xf32, #tpu.memory_space<vmem>>) dst(%dma_wait3A_89 : memref<1024xf32, #tpu.memory_space<hbm>>)
    }
    %scan3A_23 = arith.constant 11 : i32
    return
  }
}

</mosaic_0001>

<sc_bundles>
// kernel: kernel.3.cloned.1.call-start
scs
__scs_entry_jumppad:
0x0: {  	(pc) =	sbr.rel $0x88, $3  }
0x1: {  	(tag) =	ssettag $0x0;
	lr =	simm.s32 $0x1  }
0x2: {  	[smem:$0x3F9F] =	sst lr;
	_ =	strace $0xD0000000  }
0x3: {  	_ = 	snop  }
0x4: {  	_ = 	snop  }
0x5: {  	_ = 	snop  }
0x6: {  	_ = 	snop  }
0x7: {  	_ = 	snop  }
__scs_overlays_trampoline_lowered:
0x8: {  	[smem:$0x3FAE] =	sst s0  }
0x9: {  	[smem:$0x3FAF] =	sst s1  }
0xa: {  	[smem:$0x3FB0] =	sst s2  }
0xb: {  	[smem:$0x3FB1] =	sst s3  }
0xc: {  	[smem:$0x3FB2] =	sst s4  }
0xd: {  	[smem:$0x3FB3] =	sst s5  }
0xe: {  	[smem:$0x3FB4] =	sst s6  }
0xf: {  	[smem:$0x3FB5] =	sst s7  }
0x10: {  	[smem:$0x3FB6] =	sst s8  }
0x11: {  	[smem:$0x3FB7] =	sst s9;
	s0 =	simm.s32 @!p0 $0x0  }
0x12: {  	s1 =	sld [smem:$0x3F9D];
	s0 =	simm.s32 @p0 $0x1  }
0x13: {  	[smem:$0x3FB8] =	sst s0;
	s0 =	simm.s32 @!p1 $0x0  }
0x14: {  	s2 =	sld [smem:$0x3F9C];
	s0 =	simm.s32 @p1 $0x1  }
0x15: {  	[smem:$0x3FB9] =	sst s0;
	s0 =	simm.s32 @!p2 $0x0  }
0x16: {  	s3 =	sld [smem:$0x3FDB];
	s0 =	simm.s32 @p2 $0x1  }
0x17: {  	s4 =	simm.s32 $0x1BF5;
	[smem:$0x3FBB] =	sst s0  }
0x18: {  	s0 =	sld [smem:$0x3F9E];
	_ =	swait.ge [sflag:s4], $0x0  }
0x19: {  	s7 =	sld [smem:$0x3F9F]  }
0x1a: {  	s8 =	sadd.s32 $0xFFFFE003, lr  }
0x1b: {  	s9 =	sadd.s32 $0xFFFFFEF7, lr;
	s5 =	simm.s32 $0xFFFFFFFF;
	p2 =	slt.u32 s8, $0xFFFFF086  }
0x1c: {  	p1 =	slt.u32 s9, $0xF7A;
	s5 =	simm.s32 @!p2 $0x0  }
0x1d: {  	s5 =	simm.s32 @p1 $0x1;
	p0 =	seq.s32 s7, s2  }
0x1e: {  	s7 =	smul.u32 @!p0 $0xF7A, s2;
	p2 =	seq.s32 @!p0 s5, $0x0  }
0x1f: {  	s9 =	smul.u32 $0xF7A, s1;
	s8 =	simm.s32 @!p0 $0x1BF5;
	p2 =	por !p2, p0  }
0x20: {  	[sflag:s8] =	ssyncset.s32 @!p0 $0xFFFFF086;
	s6 =	sadd.s32 @!p0 s3, s7;
	s7 =	simm.s32 @!p0 $0x108  }
0x21: {  	s3 =	sadd.s32 s3, s9;
	s6 =	sadd.s32 @!p0 $0x88, s6;
	s7 =	simm.s32 @p2 $0x1082  }
0x22: {  	[simem:s7], [sflag:s8] =	dma.local @!p0 [hbm:s6], $0xF7A  }
0x23: {  	s9 =	sor.u32 $0xD0000000, s2;
	s6 =	simm.s32 $0x108;
	_ =	swait.ge @!p0 [sflag:s8], $0x0  }
0x24: {  	s3 =	sadd.s32 $0x88, s3;
	s6 =	simm.s32 @!p1 $0x1082;
	[sflag:s4] =	ssyncset.s32 $0xFFFFF086  }
0x25: {  	[simem:s6], [sflag:s4] =	dma.local [hbm:s3], $0xF7A  }
0x26: {  	[smem:$0x3F9F] =	sst s1;
	(tag) =	ssettag s2;
	_ =	strace s9  }
0x27: {  	s1 =	sld [smem:$0x3FAF]  }
0x28: {  	s2 =	sld [smem:$0x3FB0]  }
0x29: {  	s4 =	sld [smem:$0x3FB2]  }
0x2a: {  	p0 =	seq.s32 s5, $0x0;
	s5 =	sld [smem:$0x3FB3]  }
0x2b: {  	s6 =	sld [smem:$0x3FB4]  }
0x2c: {  	s7 =	sld [smem:$0x3FB5]  }
0x2d: {  	s3 =	simm.s32 $0x108;
	s8 =	sld [smem:$0x3FB6]  }
0x2e: {  	s3 =	simm.s32 @!p0 $0x1082;
	s9 =	sld [smem:$0x3FB7]  }
0x2f: {  	lr =	sadd.s32 s0, s3;
	s0 =	sld [smem:$0x3FAE]  }
0x30: {  	s3 =	sld [smem:$0x3FB1]  }
0x31: {  	[smem:$0x3FBA] =	sst s10  }
0x32: {  	s10 =	sld [smem:$0x3FB8];
	_ =	sdelay $0x3  }
0x33: {  	p0 =	seq.s32 s10, $0x1;
	s10 =	sld [smem:$0x3FBA];
	_ =	sdelay $0x3  }
0x34: {  	[smem:$0x3FBA] =	sst s10  }
0x35: {  	s10 =	sld [smem:$0x3FB9];
	_ =	sdelay $0x3  }
0x36: {  	p1 =	seq.s32 s10, $0x1;
	s10 =	sld [smem:$0x3FBA];
	_ =	sdelay $0x3  }
0x37: {  	[smem:$0x3FBA] =	sst s10  }
0x38: {  	s10 =	sld [smem:$0x3FBB]  }
0x39: {  	_ = 	snop;
	(pc) =	sbr.ind lr, $3  }
0x3a: {  	_ = 	snop  }
0x3b: {  	_ = 	snop  }
0x3c: {  	p2 =	seq.s32 s10, $0x1;
	s10 =	sld [smem:$0x3FBA]  }
0x3d: {  	_ =	shalt  }
0x3e: {  	_ =	shalt  }
0x3f: {  	_ =	shalt  }
0x40: {  	_ =	shalt  }
0x41: {  	_ =	shalt  }
0x42: {  	_ =	shalt  }
0x43: {  	_ =	shalt  }
0x44: {  	_ =	shalt  }
0x45: {  	_ =	shalt  }
0x46: {  	_ =	shalt  }
0x47: {  	_ =	shalt  }
0x48: {  	_ =	shalt  }
0x49: {  	_ =	shalt  }
0x4a: {  	_ =	shalt  }
0x4b: {  	_ =	shalt  }
0x4c: {  	_ =	shalt  }
0x4d: {  	_ =	shalt  }
0x4e: {  	_ =	shalt  }
0x4f: {  	_ =	shalt  }
0x50: {  	_ =	shalt  }
0x51: {  	_ =	shalt  }
0x52: {  	_ =	shalt  }
0x53: {  	_ =	shalt  }
0x54: {  	_ =	shalt  }
0x55: {  	_ =	shalt  }
0x56: {  	_ =	shalt  }
0x57: {  	_ =	shalt  }
0x58: {  	_ =	shalt  }
0x59: {  	_ =	shalt  }
0x5a: {  	_ =	shalt  }
0x5b: {  	_ =	shalt  }
0x5c: {  	_ =	shalt  }
0x5d: {  	_ =	shalt  }
0x5e: {  	_ =	shalt  }
0x5f: {  	_ =	shalt  }
0x60: {  	_ =	shalt  }
0x61: {  	_ =	shalt  }
0x62: {  	_ =	shalt  }
0x63: {  	_ =	shalt  }
0x64: {  	_ =	shalt  }
0x65: {  	_ =	shalt  }
0x66: {  	_ =	shalt  }
0x67: {  	_ =	shalt  }
0x68: {  	_ =	shalt  }
0x69: {  	_ =	shalt  }
0x6a: {  	_ =	shalt  }
0x6b: {  	_ =	shalt  }
0x6c: {  	_ =	shalt  }
0x6d: {  	_ =	shalt  }
0x6e: {  	_ =	shalt  }
0x6f: {  	_ =	shalt  }
0x70: {  	_ =	shalt  }
0x71: {  	_ =	shalt  }
0x72: {  	_ =	shalt  }
0x73: {  	_ =	shalt  }
0x74: {  	_ =	shalt  }
0x75: {  	_ =	shalt  }
0x76: {  	_ =	shalt  }
0x77: {  	_ =	shalt  }
0x78: {  	_ =	shalt  }
0x79: {  	_ =	shalt  }
0x7a: {  	_ =	shalt  }
0x7b: {  	_ =	shalt  }
0x7c: {  	_ =	shalt  }
0x7d: {  	_ =	shalt  }
0x7e: {  	_ =	shalt  }
0x7f: {  	_ =	shalt  }
0x80: {  	_ =	shalt  }
0x81: {  	_ =	shalt  }
0x82: {  	_ =	shalt  }
0x83: {  	_ =	shalt  }
0x84: {  	_ =	shalt  }
0x85: {  	_ =	shalt  }
0x86: {  	_ =	shalt  }
0x87: {  	_ =	shalt  }
.Lfunc_end0:
.L_simem_size_0:
called_computation.1_lowered:
.L_overlay_start_0:
0x88: {  	s2 =	sld [smem:$0x3FD9]  }
0x89: {  	s3 =	sld [smem:$0x3FFE];
	_ =	sdelay $0x1  }
0x8a: {  	s1 =	srdreg.scid  }
0x8b: {  	s0 =	sand.u32 $0x1, s1  }
0x8c: {  	s17 =	sshll.u32 s0, $0xA;
	s2 =	sadd.s32 s3, s2  }
0x8d: {  	s2 =	sadd.s32 s2, s17  }
0x8e: {  	[smem:$0x3FC6] =	sst s2  }
0x8f: {  	_ = 	snop  }
0x90: {  	s2 =	sld [smem:$0x3FD0];
	(tm) =	ssettm $0x1  }
0x91: {  	s18 =	sld [smem:$0x3FFB];
	_ =	sdelay $0x3  }
0x92: {  	_ =	strace s18  }
0x93: {  	s3 =	sld [smem:$0x3FFC];
	_ =	sdelay $0x3  }
0x94: {  	_ =	strace s3  }
0x95: {  	s3 =	sld [smem:$0x3FFD];
	_ =	sdelay $0x3  }
0x96: {  	_ =	strace s3  }
0x97: {  	_ =	strace $0x8FFFFFFF  }
0x98: {  	s19 =	sld [smem:$0x3FDB];
	_ =	sdelay $0x1  }
0x99: {  	s4 =	simm.s32 $_scs_section_size  }
0x9a: {  	s5 =	simm.s32 $_size__tile_overlayer_lowered;
	s6 =	simm.s32 $_tile_overlayer_lowered  }
0x9b: {  	s22 =	simm.s32 $0x1BFF;
	s21 =	sshll.u32 s6, $0x1;
	s3 =	sadd.s32 s4, s19  }
0x9c: {  	s7 =	simm.s32 $0x0;
	s20 =	sshll.u32 s5, $0x1;
	s5 =	sadd.s32 s21, s3  }
0x9d: {  	[timem:s7], [sflag:s22] =	dma.local [hbm:s5], s20  }
0x9e: {  	_ =	swait.ge [sflag:s22], s20  }
0x9f: {  	s4 =	ssub.s32 $0x0, s20;
	[sflag:s22] =	ssyncset.done $0x0  }
0xa0: {  	[sflag:s22] =	ssyncadd.s32 s4;
	_ =	sdelay $0x1  }
0xa1: {  	s23 =	simm.s32 $0x1B8B  }
0xa2: {  	_ =	swait.ge [sflag:s23], $0x1  }
0xa3: {  	[sflag:s23] =	ssyncset.done $0x0  }
0xa4: {  	s25 =	simm.s32 $0x1B8E;
	s24 =	sld [smem:$0x3FFE];
	[sflag:s23] =	ssyncadd.s32 $0xFFFFFFFF  }
0xa5: {  	s26 =	simm.s32 $execute0_lowered;
	[smem:$0x3FD2] =	sst s25  }
0xa6: {  	s5 =	sshll.u32 s26, $0x1;
	_ =	strace $0x80000049;
	[dreg:$0x1] =	wrdreg $0xFFFFFFFF  }
0xa7: {  	s28 =	simm.s32 $_size_execute0_lowered;
	s3 =	sadd.s32 s3, s5;
	[dreg:$0x0] =	wrdreg $0x0  }
0xa8: {  	s5 =	sshll.u32 s28, $0x1;
	[dreg:$0x2] =	wrdreg s3  }
0xa9: {  	[dreg:$0x3] =	wrdreg s5  }
0xaa: {  	[dreg:$0x4] =	wrdreg $0xC0  }
0xab: {  	_ =	task [dreg:s7], $0x5FFFF  }
0xac: {  	[dreg:$0x1] =	wrdreg $0xFFFFFFFF  }
0xad: {  	[dreg:$0x0] =	wrdreg $0x60  }
0xae: {  	[dreg:$0x2] =	wrdreg s24  }
0xaf: {  	[dreg:$0x3] =	wrdreg s2  }
0xb0: {  	[dreg:$0x4] =	wrdreg $0xB8500  }
0xb1: {  	[dreg:$0x5] =	wrdreg $0x9  }
0xb2: {  	_ =	task.clear_ibuf [dreg:s7], $0x6FFFF;
	_ =	strace $0x90000049  }
0xb3: {  	s29 =	simm.s32 $0x9;
	_ =	strace $0x8000004B  }
0xb4: {  	_ =	swait.ge [sflag:s29], $0x1  }
0xb5: {  	[sflag:s29] =	ssyncadd.s32 $0xFFFFFFFF  }
0xb6: {  	_ =	strace $0x9000004B  }
0xb7: {  	_ =	sfence  }
0xb8: {  	s30 =	sld [smem:$0x0];
	_ =	sdelay $0x2  }
0xb9: {  	s31 =	sshll.u32 s1, $0xD;
	s1 =	sshrl.u32 s1, $0x2  }
0xba: {  	s3 =	sand.u32 $0x4000, s31;
	s1 =	sadd.s32 s1, s30  }
0xbb: {  	s0 =	sor.u32 s3, s0;
	s1 =	sshll.u32 s1, $0x11  }
0xbc: {  	s0 =	sor.u32 s1, s0  }
0xbd: {  	s0 =	sadd.s32 $0x8F2B, s0  }
0xbe: {  	[sflag:s0] =	ssyncadd.remote.s32 $0x1  }
0xbf: {  	_ =	sfence.sel $0xFFFF  }
0xc0: {  	[dreg:$0x0] =	wrdreg $0xFFFFFFFF;
	(pc) =	sbr.abs _section_cstart, $3  }
0xc1: {  	[dreg:$0x1] =	wrdreg $0xFFFFFFFF  }
0xc2: {  	_ =	task.clear_ibuf [dreg:s7], $0x2FFFF;
	_ =	strace $0x9FFFFFFF  }
0xc3: {  	(tm) =	ssettm $0x7FFFFFFF  }
tec
execute0_lowered:
.L_overlay_start_1:
0x0: {  	(tag) =	ssettag $0x1  }
0x1: {  	s0 =	rddreg [dreg:$0x0]  }
0x2: {  	s2 =	rddreg [dreg:$0x1]  }
0x3: {  	s1 =	srdreg.scid;
	s8 =	stileid.u32  }
0x4: {  	s3 =	rddreg [dreg:$0x2];
	s4 =	simm.s32 $0x0;
	s28 =	simm.s32 $0x1000  }
0x5: {  	s29 =	simm.s32 $0x5000;
	s30 =	simm.s32 $0x2;
	s31 =	simm.s32 $0x3000  }
0x6: {  	s11 =	simm.s32 $0x6;
	s1 =	sand.u32 $0x1, s1;
	s5 =	sshll.u32 s8, $0x1  }
0x7: {  	[smem:$0x7FF] =	sst s4;
	s9 =	sadd.s32 $0x1F6000, s0;
	s7 =	smul.u32 $0xA1A0, s8  }
0x8: {  	s10 =	sadd.s32 $0x1E00, s0;
	s19 =	smul.u32 $0x10010, s8;
	s24 =	sshll.u32 s8, $0x6  }
0x9: {  	s8 =	simm.s32 $0x0;
	_ =	strace $0x8000004A;
	[dreg:$0x5] =	wrdreg s10  }
0xa: {  	s5 =	sor.u32 s1, s5;
	s1 =	ssub.s32 $0x2, s1;
	[dreg:$0x4] =	wrdreg s9  }
0xb: {  	s6 =	sshll.u32 s5, $0xE;
	s12 =	sshrl.u32 s1, $0x1;
	s13 =	sshll.u32 s5, $0x10  }
0xc: {  	s16 =	sadd.s32 s7, s3;
	s17 =	sshrl.u32 s7, $0x3;
	[dreg:$0x8] =	wrdreg s19  }
0xd: {  	s22 =	sadd.s32 s19, s3;
	s6 =	sadd.s32 s6, s0;
	s0 =	sadd.s32 $0x1C00, s0  }
0xe: {  	s7 =	simm.s32 $0x4;
	s5 =	sadd.s32 s9, s17;
	[dreg:$0x6] =	wrdreg s0  }
0xf: {  	s23 =	sor.u32 $0x400, s13;
	s25 =	sshrl.u32 s16, $0x3;
	[dreg:$0x9] =	wrdreg s5  }
0x10: {  	s26 =	sshrl.u32 s22, $0x3;
	s17 =	simm.s32 $0xB400;
	[dreg:$0xc] =	wrdreg s23  }
0x11: {  	s0 =	ssub.s32 s1, s12;
	s18 =	sadd.s32 $0x176000, s6;
	[dreg:$0xf] =	wrdreg s25  }
0x12: {  	s20 =	sadd.s32 $0x176100, s6;
	s21 =	sadd.s32 $0x176200, s6;
	[dreg:$0x10] =	wrdreg s26  }
0x13: {  	s14 =	sadd.s32 $0x176300, s6;
	s15 =	sadd.s32 $0x176400, s6;
	[dreg:$0x7] =	wrdreg s18  }
0x14: {  	s26 =	simm.s32 $0x2000;
	s1 =	simm.s32 $0x7000;
	[dreg:$0xa] =	wrdreg s20  }
0x15: {  	s6 =	simm.s32 $0xB000;
	[dreg:$0xb] =	wrdreg s21;
	s0 =	smax.u32 s0, $0x1  }
0x16: {  	s20 =	smov.u32 s13;
	[dreg:$0xd] =	wrdreg s0;
	s0 =	sor.u32 $0x1C07, s24  }
0x17: {  	s24 =	simm.s32 $0x1;
	[dreg:$0xe] =	wrdreg s0;
	s0 =	simm.s32 $0x3  }
.LBB2_1:
0x18: {  	[dreg:$0x11] =	wrdreg s8  }
0x19: {  	s5 =	rddreg [dreg:$0x5];
	s19 =	simm.s32 $0xB800;
	s21 =	simm.s32 $0x7  }
0x1a: {  	[tilespmem:s19], [sflag:$0x7] =	stream.linear.gather [hbm4b:s5+s4], $0x10, $0x38;
	[tilespmem:$0x1B860] =	vst v63  }
0x1b: {  	_ =	swait.ge [sflag:s21], $0x10  }
0x1c: {  	[sflag:s21] =	ssyncset.done $0x0  }
0x1d: {  	s9 =	simm.s32 $0xB810;
	s22 =	rddreg [dreg:$0x6];
	[sflag:s21] =	ssyncadd.s32 $0xFFFFFFF0  }
0x1e: {  	[tilespmem:s9], [sflag:$0x7] =	stream.linear.gather [hbm4b:s22+s4], $0x40, $0x38;
	[tilespmem:$0x1B860] =	vst v63  }
0x1f: {  	_ =	swait.ge [sflag:s21], $0x40  }
0x20: {  	s23 =	rddreg [dreg:$0x9]  }
0x21: {  	[sflag:s21] =	ssyncset.done $0x0;
	s25 =	rddreg [dreg:$0xe]  }
0x22: {  	s10 =	rddreg [dreg:$0xf];
	[sflag:s21] =	ssyncadd.s32 $0xFFFFFFC0  }
0x23: {  	[spmem:s10], [sflag:s25] =	dma.local [hbm:s23], $0x1434  }
0x24: {  	_ =	swait.ge [sflag:s21], $0x1434  }
0x25: {  	[sflag:s21] =	ssyncset.done $0x0  }
0x26: {  	[sflag:s21] =	ssyncadd.s32 $0xFFFFEBCC  }
0x27: {  	s10 =	simm.s32 $0x0;
	[bflag:$0x0] =	sbarrier.arrive $0xFFFF  }
.LBB2_2:
0x28: {  	v1 =	vmov s10;
	_ =	sdelay $0x1  }
0x29: {  	v2 =	vor.u32 $0x10, v1  }
0x2a: {  	v3 =	vor.u32 $0x20, v1  }
0x2b: {  	s5 =	simm.s32 $0xB800;
	v4 =	vor.u32 $0x30, v1  }
0x2c: {  	s21 =	simm.s32 $0xB810;
	v0 =	vld.idx.msk [tilespmem:v1+s5+$0x0], $0xffff  }
0x2d: {  	v1 =	vld.idx.msk [tilespmem:v1+s21+$0x0], $0xffff  }
0x2e: {  	v2 =	vld.idx.msk [tilespmem:v2+s21+$0x0], $0xffff  }
0x2f: {  	s8 =	rddreg [dreg:$0x7];
	s5 =	simm.s32 $0x0;
	v3 =	vld.idx.msk [tilespmem:v3+s21+$0x0], $0xffff  }
0x30: {  	v4 =	vld.idx.msk [tilespmem:v4+s21+$0x0], $0xffff;
	[tilespmem:s5], [sflag:$0x1] =	stream.linear.gather [hbm4b:s8+s5], $0x800, $0x38  }
0x31: {  	s22 =	rddreg [dreg:$0xa];
	s9 =	simm.s32 $0x800  }
0x32: {  	[tilespmem:s9], [sflag:$0x2] =	stream.linear.gather [hbm4b:s22+s5], $0x800, $0x38;
	[tilespmem:$0x1B860] =	vst v63  }
0x33: {  	_ =	swait.ge [sflag:s24], $0x800  }
0x34: {  	s23 =	sand.u32 $0x600, s5;
	s25 =	sand.u32 $0x70, s5;
	[sflag:s24] =	ssyncset.done $0x0  }
0x35: {  	s8 =	sor.u32 s25, s23;
	[sflag:s24] =	ssyncadd.s32 $0xFFFFF800  }
0x36: {  	v5 =	vld [tilespmem:s8+$0x100]  }
0x37: {  	v6 =	vld [tilespmem:s8+$0x80]  }
0x38: {  	v7 =	vld [tilespmem:s8+$0x0];
	_ =	sdelay $0x3  }
0x39: {  	v5 =	vmul.f32 v5, v0  }
0x3a: {  	v6 =	vmul.f32 v6, v0;
	v7 =	vmul.f32 v7, v0  }
0x3b: {  	v5 =	vadd.f32 $5.000000000e-01, v5  }
0x3c: {  	v6 =	vadd.f32 $5.000000000e-01, v6;
	v11 =	vadd.f32 $5.000000000e-01, v7  }
0x3d: {  	v7 =	vtrunc.f32 v5  }
0x3e: {  	v8 =	vtrunc.f32 v6;
	v9 =	vtrunc.f32 v11  }
0x3f: {  	v7 =	vcvt.f32.s32 v7;
	v8 =	vcvt.f32.s32 v8  }
0x40: {  	v9 =	vcvt.f32.s32 v9  }
0x41: {  	v10 =	vcvt.s32.f32 v7;
	v13 =	vmul.u32 v8, v1;
	v12 =	vmul.u32 v7, v2  }
0x42: {  	v15 =	vcvt.s32.f32 v8;
	v17 =	vcvt.s32.f32 v9;
	v7 =	vadd.s32 v9, v4  }
0x43: {  	v20 =	vadd.s32 $0x1, v7;
	v14 =	vsub.f32 v5, v10;
	v5 =	vadd.s32 v1, v13  }
0x44: {  	v8 =	vadd.s32 v13, v12;
	v19 =	vadd.s32 v2, v12;
	v18 =	vadd.s32 v12, v5  }
0x45: {  	v10 =	vadd.s32 v20, v8;
	v12 =	vsub.f32 v11, v17;
	v13 =	vadd.s32 v13, v19  }
0x46: {  	v21 =	vadd.s32 v5, v19;
	v17 =	vsub.f32 v6, v15;
	v16 =	vsub.f32 $1.000000000e+00, v14  }
0x47: {  	v9 =	vadd.s32 v7, v18;
	v19 =	vadd.s32 v20, v18;
	v11 =	vadd.s32 v7, v13  }
0x48: {  	v5 =	vadd.s32 v20, v13;
	v15 =	vadd.s32 v7, v21;
	v22 =	vsub.s32 v19, v3  }
0x49: {  	v13 =	vadd.s32 v20, v21;
	v6 =	vsub.s32 v5, v3;
	vm0 =	vlt.s32 v22, v4  }
0x4a: {  	s18 =	simm.s32 $0x10;
	s8 =	simm.s32 $0x0;
	v18 =	vsub.f32 $1.000000000e+00, v17;
	v19 =	vsel vm0, v19, v22;
	vm0 =	vlt.s32 v6, v4  }
.LBB2_3:
0x4b: {  	p0 =	sne.s32 s18, $0x1F0  }
0x4c: {  	v20 =	vmul.f32 v16, v18;
	v21 =	vshll.u32 v19, $0x1;
	v19 =	vand.u32 $0x7F, v19;
	s5 =	sadd.s32 $0x40, s5;
	s9 =	smov.u32 s18;
	s18 =	sadd.s32 $0x10, s18  }
0x4d: {  	v22 =	vsub.f32 $1.000000000e+00, v12;
	v23 =	vmul.f32 v14, v17;
	v21 =	vand.u32 $0xFFFFFF00, v21  }
0x4e: {  	v16 =	vmul.f32 v16, v17;
	v14 =	vmul.f32 v14, v18;
	s12 =	sshra.s32 s8, $0x2;
	s8 =	smov.u32 s5;
	v17 =	vor.u32 v19, v21  }
0x4f: {  	v18 =	vmul.f32 v23, v22;
	v19 =	vmul.f32 v23, v12;
	[tilespmem:s12+$0x1600] =	vst v17;
	v17 =	vor.u32 $0x80, v17  }
0x50: {  	v21 =	vmul.f32 v20, v22;
	v23 =	vsub.s32 v15, v3;
	[tilespmem:s12+$0x2600] =	vst v17;
	v17 =	vmul.f32 v14, v22  }
0x51: {  	vm1 =	vlt.s32 v23, v4;
	v22 =	vmul.f32 v16, v22;
	v16 =	vmul.f32 v16, v12;
	[tilespmem:s12+$0x9C00] =	vst v18  }
0x52: {  	v14 =	vmul.f32 v14, v12;
	v15 =	vsel vm1, v15, v23;
	v18 =	vsub.s32 v11, v3;
	[tilespmem:s12+$0x9800] =	vst v17  }
0x53: {  	v12 =	vmul.f32 v20, v12;
	vm1 =	vlt.s32 v18, v4;
	v17 =	vshll.u32 v15, $0x1;
	[tilespmem:s12+$0x9E00] =	vst v19  }
0x54: {  	v15 =	vand.u32 $0x7F, v15;
	v17 =	vand.u32 $0xFFFFFF00, v17;
	v19 =	vsub.s32 v13, v3;
	[tilespmem:s12+$0x9400] =	vst v22  }
0x55: {  	v11 =	vsel vm1, v11, v18;
	v15 =	vor.u32 v15, v17;
	vm1 =	vlt.s32 v19, v4;
	[tilespmem:s12+$0x9000] =	vst v21  }
0x56: {  	v17 =	vor.u32 $0x80, v15;
	v13 =	vsel vm1, v13, v19;
	[tilespmem:s12+$0x9600] =	vst v16;
	v16 =	vshll.u32 v11, $0x1  }
0x57: {  	v11 =	vand.u32 $0x7F, v11;
	v16 =	vand.u32 $0xFFFFFF00, v16;
	[tilespmem:s12+$0x9A00] =	vst v14;
	v14 =	vshll.u32 v13, $0x1  }
0x58: {  	v13 =	vand.u32 $0x7F, v13;
	v11 =	vor.u32 v11, v16;
	[tilespmem:s12+$0x2C00] =	vst v17;
	v14 =	vand.u32 $0xFFFFFF00, v14  }
0x59: {  	v16 =	vsub.s32 v10, v3;
	v17 =	vor.u32 $0x80, v11;
	[tilespmem:s12+$0x1C00] =	vst v15;
	v13 =	vor.u32 v13, v14  }
0x5a: {  	vm1 =	vlt.s32 v16, v4;
	v14 =	vsub.s32 v9, v3;
	[tilespmem:s12+$0x1E00] =	vst v13;
	v13 =	vor.u32 $0x80, v13  }
0x5b: {  	v7 =	vadd.s32 v7, v8;
	v8 =	vsel vm1, v10, v16;
	vm1 =	vlt.s32 v14, v4;
	[tilespmem:s12+$0x2E00] =	vst v13  }
0x5c: {  	v10 =	vsub.s32 v7, v3;
	v13 =	vshll.u32 v8, $0x1;
	v9 =	vsel vm1, v9, v14;
	[tilespmem:s12+$0x2800] =	vst v17  }
0x5d: {  	v8 =	vand.u32 $0x7F, v8;
	v13 =	vand.u32 $0xFFFFFF00, v13;
	v14 =	vshll.u32 v9, $0x1;
	[tilespmem:s12+$0x1800] =	vst v11  }
0x5e: {  	v9 =	vand.u32 $0x7F, v9;
	v8 =	vor.u32 v8, v13;
	v11 =	vand.u32 $0xFFFFFF00, v14;
	[tilespmem:s12+$0x9200] =	vst v12  }
0x5f: {  	vm1 =	vlt.s32 v10, v4;
	v9 =	vor.u32 v9, v11;
	[tilespmem:s12+$0x1200] =	vst v8;
	v8 =	vor.u32 $0x80, v8  }
0x60: {  	v7 =	vsel vm1, v7, v10;
	[tilespmem:s12+$0x2200] =	vst v8;
	v8 =	vor.u32 $0x80, v9  }
0x61: {  	v10 =	vshll.u32 v7, $0x1;
	[tilespmem:s12+$0x2400] =	vst v8  }
0x62: {  	v7 =	vand.u32 $0x7F, v7;
	v8 =	vand.u32 $0xFFFFFF00, v10;
	[tilespmem:s12+$0x1400] =	vst v9  }
0x63: {  	v5 =	vsel vm0, v5, v6;
	v7 =	vor.u32 v7, v8  }
0x64: {  	v6 =	vor.u32 $0x80, v7;
	[tilespmem:s12+$0x1000] =	vst v7;
	v7 =	vshll.u32 v5, $0x1  }
0x65: {  	v5 =	vand.u32 $0x7F, v5;
	[tilespmem:s12+$0x2000] =	vst v6;
	v6 =	vand.u32 $0xFFFFFF00, v7  }
0x66: {  	s13 =	sand.u32 $0x600, s5;
	s9 =	sand.u32 $0x70, s9;
	v5 =	vor.u32 v5, v6  }
0x67: {  	s9 =	sor.u32 s9, s13;
	[tilespmem:s12+$0x1A00] =	vst v5;
	v5 =	vor.u32 $0x80, v5  }
0x68: {  	[tilespmem:s12+$0x2A00] =	vst v5  }
0x69: {  	v5 =	vld [tilespmem:s9+$0x100]  }
0x6a: {  	v6 =	vld [tilespmem:s9+$0x80]  }
0x6b: {  	v7 =	vld [tilespmem:s9+$0x0];
	_ =	sdelay $0x2  }
0x6c: {  	v5 =	vmul.f32 v5, v0  }
0x6d: {  	v6 =	vmul.f32 v6, v0  }
0x6e: {  	v7 =	vmul.f32 v7, v0;
	v5 =	vadd.f32 $5.000000000e-01, v5  }
0x6f: {  	v6 =	vadd.f32 $5.000000000e-01, v6  }
0x70: {  	v11 =	vadd.f32 $5.000000000e-01, v7;
	v7 =	vtrunc.f32 v5  }
0x71: {  	v8 =	vtrunc.f32 v6;
	v7 =	vcvt.f32.s32 v7  }
0x72: {  	v9 =	vtrunc.f32 v11;
	v8 =	vcvt.f32.s32 v8  }
0x73: {  	v9 =	vcvt.f32.s32 v9;
	v10 =	vcvt.s32.f32 v7  }
0x74: {  	v12 =	vmul.u32 v7, v2;
	v13 =	vcvt.s32.f32 v8;
	v15 =	vmul.u32 v8, v1  }
0x75: {  	v17 =	vcvt.s32.f32 v9;
	v14 =	vsub.f32 v5, v10  }
0x76: {  	v7 =	vadd.s32 v9, v4;
	v5 =	vadd.s32 v1, v15;
	v8 =	vadd.s32 v15, v12  }
0x77: {  	v20 =	vadd.s32 $0x1, v7;
	v18 =	vadd.s32 v12, v5;
	v16 =	vsub.f32 $1.000000000e+00, v14  }
0x78: {  	v19 =	vadd.s32 v2, v12;
	v10 =	vadd.s32 v20, v8;
	v9 =	vadd.s32 v7, v18  }
.Ltmp0:
0x79: {  	v15 =	vadd.s32 v15, v19;
	v12 =	vsub.f32 v11, v17;
	v21 =	vadd.s32 v5, v19;
	(pc) =	sbr.rel @p0 .LBB2_3-.Ltmp0, $4  }
0x7a: {  	v17 =	vsub.f32 v6, v13;
	v11 =	vadd.s32 v7, v15;
	v13 =	vadd.s32 v20, v18  }
0x7b: {  	v5 =	vadd.s32 v20, v15;
	v15 =	vadd.s32 v7, v21;
	v19 =	vsub.s32 v13, v3  }
0x7c: {  	v6 =	vsub.s32 v5, v3;
	v18 =	vsub.f32 $1.000000000e+00, v17;
	vm0 =	vlt.s32 v19, v4  }
0x7d: {  	v19 =	vsel vm0, v13, v19;
	vm0 =	vlt.s32 v6, v4;
	v13 =	vadd.s32 v20, v21  }
0x7e: {  	v20 =	vshll.u32 v19, $0x1;
	v21 =	vmul.f32 v16, v18  }
0x7f: {  	v38 =	vand.u32 $0x7F, v19;
	v22 =	vsub.f32 $1.000000000e+00, v12;
	v23 =	vmul.f32 v14, v17  }
0x80: {  	v39 =	vmul.f32 v16, v17;
	v40 =	vmul.f32 v14, v18;
	v20 =	vand.u32 $0xFFFFFF00, v20  }
0x81: {  	s5 =	sshra.s32 s8, $0x2;
	v44 =	vsub.s32 v15, v3;
	v47 =	vsub.s32 v11, v3;
	v19 =	vor.u32 v38, v20  }
0x82: {  	v50 =	vsub.s32 v13, v3;
	v42 =	vmul.f32 v23, v22;
	v41 =	vor.u32 $0x80, v19;
	[tilespmem:s5+$0x1600] =	vst v19  }
0x83: {  	v55 =	vsub.s32 v10, v3;
	v57 =	vsub.s32 v9, v3;
	v46 =	vmul.f32 v40, v22;
	[tilespmem:s5+$0x2600] =	vst v41  }
0x84: {  	v7 =	vadd.s32 v7, v8;
	vm1 =	vlt.s32 v44, v4;
	v43 =	vmul.f32 v23, v12;
	[tilespmem:s5+$0x9C00] =	vst v42  }
0x85: {  	vm11 =	vlt.s32 v47, v4;
	v45 =	vmul.f32 v21, v22;
	v22 =	vmul.f32 v39, v22;
	[tilespmem:s5+$0x9800] =	vst v46  }
0x86: {  	vm12 =	vlt.s32 v50, v4;
	vm13 =	vlt.s32 v55, v4;
	v16 =	vmul.f32 v39, v12;
	[tilespmem:s5+$0x9E00] =	vst v43  }
0x87: {  	v15 =	vsel vm1, v15, v44;
	v14 =	vmul.f32 v40, v12;
	v49 =	vmul.f32 v21, v12;
	[tilespmem:s5+$0x9400] =	vst v22  }
0x88: {  	v11 =	vsel vm11, v11, v47;
	v13 =	vsel vm12, v13, v50;
	v10 =	vsel vm13, v10, v55;
	[tilespmem:s5+$0x9000] =	vst v45  }
0x89: {  	v48 =	vshll.u32 v15, $0x1;
	v15 =	vand.u32 $0x7F, v15;
	v51 =	vshll.u32 v11, $0x1;
	[tilespmem:s5+$0x9600] =	vst v16  }
0x8a: {  	v11 =	vand.u32 $0x7F, v11;
	v54 =	vshll.u32 v13, $0x1;
	v17 =	vand.u32 $0xFFFFFF00, v48;
	[tilespmem:s5+$0x9A00] =	vst v14  }
0x8b: {  	v13 =	vand.u32 $0x7F, v13;
	v14 =	vand.u32 $0xFFFFFF00, v54;
	[tilespmem:s5+$0x9200] =	vst v49;
	v15 =	vor.u32 v15, v17  }
0x8c: {  	v58 =	vshll.u32 v10, $0x1;
	v52 =	vand.u32 $0xFFFFFF00, v51;
	v13 =	vor.u32 v13, v14;
	[tilespmem:s5+$0x1C00] =	vst v15  }
0x8d: {  	v10 =	vand.u32 $0x7F, v10;
	v8 =	vand.u32 $0xFFFFFF00, v58;
	v11 =	vor.u32 v11, v52;
	[tilespmem:s5+$0x1E00] =	vst v13  }
0x8e: {  	v5 =	vsel vm0, v5, v6;
	v59 =	vsub.s32 v7, v3;
	v8 =	vor.u32 v10, v8;
	[tilespmem:s5+$0x1800] =	vst v11  }
0x8f: {  	vm14 =	vlt.s32 v57, v4;
	vm15 =	vlt.s32 v59, v4;
	v53 =	vor.u32 $0x80, v15;
	[tilespmem:s5+$0x1200] =	vst v8  }
0x90: {  	v9 =	vsel vm14, v9, v57;
	v7 =	vsel vm15, v7, v59;
	v13 =	vor.u32 $0x80, v13;
	[tilespmem:s5+$0x2C00] =	vst v53  }
0x91: {  	v62 =	vshll.u32 v7, $0x1;
	v7 =	vand.u32 $0x7F, v7;
	v56 =	vor.u32 $0x80, v11;
	[tilespmem:s5+$0x2E00] =	vst v13  }
0x92: {  	v14 =	vshll.u32 v9, $0x1;
	v63 =	vand.u32 $0xFFFFFF00, v62;
	v8 =	vor.u32 $0x80, v8;
	[tilespmem:s5+$0x2800] =	vst v56  }
0x93: {  	v9 =	vand.u32 $0x7F, v9;
	v60 =	vand.u32 $0xFFFFFF00, v14;
	v6 =	vor.u32 v7, v63;
	[tilespmem:s5+$0x2200] =	vst v8  }
0x94: {  	v9 =	vor.u32 v9, v60;
	[tilespmem:s5+$0x1000] =	vst v6  }
0x95: {  	v7 =	vshll.u32 v5, $0x1;
	v6 =	vor.u32 $0x80, v6;
	[tilespmem:s5+$0x1400] =	vst v9  }
0x96: {  	v5 =	vand.u32 $0x7F, v5;
	v7 =	vand.u32 $0xFFFFFF00, v7;
	v61 =	vor.u32 $0x80, v9;
	[tilespmem:s5+$0x2000] =	vst v6  }
0x97: {  	v5 =	vor.u32 v5, v7;
	[tilespmem:s5+$0x2400] =	vst v61  }
0x98: {  	[tilespmem:s5+$0x1A00] =	vst v5;
	v5 =	vor.u32 $0x80, v5  }
0x99: {  	s23 =	rddreg [dreg:$0xb];
	[tilespmem:s5+$0x2A00] =	vst v5  }
0x9a: {  	[tilespmem:s29], [sflag:$0x3] =	stream.indirect.gather [spmem:s3], $0x1, s28, s26, $0xb8;
	[tilespmem:$0x1B860] =	vst v63  }
0x9b: {  	s25 =	sshll.u32 s10, $0x15;
	s9 =	rddreg [dreg:$0xc];
	s5 =	simm.s32 $0x0  }
0x9c: {  	[tilespmem:s5], [sflag:$0x1] =	stream.linear.gather [hbm4b:s23+s5], $0x800, $0x38;
	[tilespmem:$0x1B860] =	vst v63  }
0x9d: {  	s18 =	simm.s32 $0x0;
	s23 =	sor.u32 s25, s20;
	s25 =	sor.u32 s25, s9  }
.LBB2_5:
0x9e: {  	_ =	swait.ge [sflag:s30], $0x800  }
0x9f: {  	s8 =	sand.u32 $0x600, s5;
	s9 =	sand.u32 $0x70, s5;
	[sflag:s30] =	ssyncset.done $0x0  }
0xa0: {  	s8 =	sor.u32 s9, s8;
	[sflag:s30] =	ssyncadd.s32 $0xFFFFF800  }
0xa1: {  	v5 =	vld [tilespmem:s8+$0x900]  }
0xa2: {  	v6 =	vld [tilespmem:s8+$0x880]  }
0xa3: {  	v7 =	vld [tilespmem:s8+$0x800];
	_ =	sdelay $0x3  }
0xa4: {  	v5 =	vmul.f32 v5, v0  }
0xa5: {  	v6 =	vmul.f32 v6, v0;
	v7 =	vmul.f32 v7, v0  }
0xa6: {  	v5 =	vadd.f32 $5.000000000e-01, v5  }
0xa7: {  	v6 =	vadd.f32 $5.000000000e-01, v6;
	v11 =	vadd.f32 $5.000000000e-01, v7  }
0xa8: {  	v7 =	vtrunc.f32 v5  }
0xa9: {  	v8 =	vtrunc.f32 v6;
	v9 =	vtrunc.f32 v11  }
0xaa: {  	v7 =	vcvt.f32.s32 v7;
	v8 =	vcvt.f32.s32 v8  }
0xab: {  	v9 =	vcvt.f32.s32 v9  }
0xac: {  	v10 =	vcvt.s32.f32 v7;
	v13 =	vmul.u32 v8, v1;
	v12 =	vmul.u32 v7, v2  }
0xad: {  	v15 =	vcvt.s32.f32 v8;
	v17 =	vcvt.s32.f32 v9;
	v7 =	vadd.s32 v9, v4  }
0xae: {  	v20 =	vadd.s32 $0x1, v7;
	v14 =	vsub.f32 v5, v10;
	v5 =	vadd.s32 v1, v13  }
0xaf: {  	v8 =	vadd.s32 v13, v12;
	v19 =	vadd.s32 v2, v12;
	v18 =	vadd.s32 v12, v5  }
0xb0: {  	v10 =	vadd.s32 v20, v8;
	v12 =	vsub.f32 v11, v17;
	v13 =	vadd.s32 v13, v19  }
0xb1: {  	v21 =	vadd.s32 v5, v19;
	v17 =	vsub.f32 v6, v15;
	v16 =	vsub.f32 $1.000000000e+00, v14  }
0xb2: {  	v9 =	vadd.s32 v7, v18;
	v19 =	vadd.s32 v20, v18;
	v11 =	vadd.s32 v7, v13  }
0xb3: {  	v5 =	vadd.s32 v20, v13;
	v15 =	vadd.s32 v7, v21;
	v22 =	vsub.s32 v19, v3  }
0xb4: {  	v13 =	vadd.s32 v20, v21;
	v6 =	vsub.s32 v5, v3;
	vm0 =	vlt.s32 v22, v4  }
0xb5: {  	s19 =	simm.s32 $0x10;
	s9 =	simm.s32 $0x0;
	s8 =	simm.s32 $0x0;
	v18 =	vsub.f32 $1.000000000e+00, v17;
	v19 =	vsel vm0, v19, v22;
	vm0 =	vlt.s32 v6, v4  }
.LBB2_6:
0xb6: {  	p0 =	sne.s32 s19, $0x1F0  }
0xb7: {  	v20 =	vmul.f32 v16, v18;
	v21 =	vshll.u32 v19, $0x1;
	v19 =	vand.u32 $0x7F, v19;
	s9 =	sadd.s32 $0x40, s9;
	s12 =	smov.u32 s19;
	s19 =	sadd.s32 $0x10, s19  }
0xb8: {  	v22 =	vsub.f32 $1.000000000e+00, v12;
	v23 =	vmul.f32 v14, v17;
	v21 =	vand.u32 $0xFFFFFF00, v21  }
0xb9: {  	v16 =	vmul.f32 v16, v17;
	v14 =	vmul.f32 v14, v18;
	s13 =	sshra.s32 s8, $0x2;
	s8 =	smov.u32 s9;
	v17 =	vor.u32 v19, v21  }
0xba: {  	v18 =	vmul.f32 v23, v22;
	v19 =	vmul.f32 v23, v12;
	[tilespmem:s13+$0x3600] =	vst v17;
	v17 =	vor.u32 $0x80, v17  }
0xbb: {  	v21 =	vmul.f32 v20, v22;
	v23 =	vsub.s32 v15, v3;
	[tilespmem:s13+$0x4600] =	vst v17;
	v17 =	vmul.f32 v14, v22  }
0xbc: {  	vm1 =	vlt.s32 v23, v4;
	v22 =	vmul.f32 v16, v22;
	v16 =	vmul.f32 v16, v12;
	[tilespmem:s13+$0xAC00] =	vst v18  }
0xbd: {  	v14 =	vmul.f32 v14, v12;
	v15 =	vsel vm1, v15, v23;
	v18 =	vsub.s32 v11, v3;
	[tilespmem:s13+$0xA800] =	vst v17  }
0xbe: {  	v12 =	vmul.f32 v20, v12;
	vm1 =	vlt.s32 v18, v4;
	v17 =	vshll.u32 v15, $0x1;
	[tilespmem:s13+$0xAE00] =	vst v19  }
0xbf: {  	v15 =	vand.u32 $0x7F, v15;
	v17 =	vand.u32 $0xFFFFFF00, v17;
	v19 =	vsub.s32 v13, v3;
	[tilespmem:s13+$0xA400] =	vst v22  }
0xc0: {  	v11 =	vsel vm1, v11, v18;
	v15 =	vor.u32 v15, v17;
	vm1 =	vlt.s32 v19, v4;
	[tilespmem:s13+$0xA000] =	vst v21  }
0xc1: {  	v17 =	vor.u32 $0x80, v15;
	v13 =	vsel vm1, v13, v19;
	[tilespmem:s13+$0xA600] =	vst v16;
	v16 =	vshll.u32 v11, $0x1  }
0xc2: {  	v11 =	vand.u32 $0x7F, v11;
	v16 =	vand.u32 $0xFFFFFF00, v16;
	[tilespmem:s13+$0xAA00] =	vst v14;
	v14 =	vshll.u32 v13, $0x1  }
0xc3: {  	v13 =	vand.u32 $0x7F, v13;
	v11 =	vor.u32 v11, v16;
	[tilespmem:s13+$0x4C00] =	vst v17;
	v14 =	vand.u32 $0xFFFFFF00, v14  }
0xc4: {  	v16 =	vsub.s32 v10, v3;
	v17 =	vor.u32 $0x80, v11;
	[tilespmem:s13+$0x3C00] =	vst v15;
	v13 =	vor.u32 v13, v14  }
0xc5: {  	vm1 =	vlt.s32 v16, v4;
	v14 =	vsub.s32 v9, v3;
	[tilespmem:s13+$0x3E00] =	vst v13;
	v13 =	vor.u32 $0x80, v13  }
0xc6: {  	v7 =	vadd.s32 v7, v8;
	v8 =	vsel vm1, v10, v16;
	vm1 =	vlt.s32 v14, v4;
	[tilespmem:s13+$0x4E00] =	vst v13  }
0xc7: {  	v10 =	vsub.s32 v7, v3;
	v13 =	vshll.u32 v8, $0x1;
	v9 =	vsel vm1, v9, v14;
	[tilespmem:s13+$0x4800] =	vst v17  }
0xc8: {  	v8 =	vand.u32 $0x7F, v8;
	v13 =	vand.u32 $0xFFFFFF00, v13;
	v14 =	vshll.u32 v9, $0x1;
	[tilespmem:s13+$0x3800] =	vst v11  }
0xc9: {  	v9 =	vand.u32 $0x7F, v9;
	v8 =	vor.u32 v8, v13;
	v11 =	vand.u32 $0xFFFFFF00, v14;
	[tilespmem:s13+$0xA200] =	vst v12  }
0xca: {  	vm1 =	vlt.s32 v10, v4;
	v9 =	vor.u32 v9, v11;
	[tilespmem:s13+$0x3200] =	vst v8;
	v8 =	vor.u32 $0x80, v8  }
0xcb: {  	v7 =	vsel vm1, v7, v10;
	[tilespmem:s13+$0x4200] =	vst v8;
	v8 =	vor.u32 $0x80, v9  }
0xcc: {  	v10 =	vshll.u32 v7, $0x1;
	[tilespmem:s13+$0x4400] =	vst v8  }
0xcd: {  	v7 =	vand.u32 $0x7F, v7;
	v8 =	vand.u32 $0xFFFFFF00, v10;
	[tilespmem:s13+$0x3400] =	vst v9  }
0xce: {  	v5 =	vsel vm0, v5, v6;
	v7 =	vor.u32 v7, v8  }
0xcf: {  	v6 =	vor.u32 $0x80, v7;
	[tilespmem:s13+$0x3000] =	vst v7;
	v7 =	vshll.u32 v5, $0x1  }
0xd0: {  	v5 =	vand.u32 $0x7F, v5;
	[tilespmem:s13+$0x4000] =	vst v6;
	v6 =	vand.u32 $0xFFFFFF00, v7  }
0xd1: {  	s21 =	sand.u32 $0x600, s9;
	s12 =	sand.u32 $0x70, s12;
	v5 =	vor.u32 v5, v6  }
0xd2: {  	s12 =	sor.u32 s12, s21;
	[tilespmem:s13+$0x3A00] =	vst v5;
	v5 =	vor.u32 $0x80, v5  }
0xd3: {  	[tilespmem:s13+$0x4A00] =	vst v5  }
0xd4: {  	v5 =	vld [tilespmem:s12+$0x900]  }
0xd5: {  	v6 =	vld [tilespmem:s12+$0x880]  }
0xd6: {  	v7 =	vld [tilespmem:s12+$0x800];
	_ =	sdelay $0x2  }
0xd7: {  	v5 =	vmul.f32 v5, v0  }
0xd8: {  	v6 =	vmul.f32 v6, v0  }
0xd9: {  	v7 =	vmul.f32 v7, v0;
	v5 =	vadd.f32 $5.000000000e-01, v5  }
0xda: {  	v6 =	vadd.f32 $5.000000000e-01, v6  }
0xdb: {  	v11 =	vadd.f32 $5.000000000e-01, v7;
	v7 =	vtrunc.f32 v5  }
0xdc: {  	v8 =	vtrunc.f32 v6;
	v7 =	vcvt.f32.s32 v7  }
0xdd: {  	v9 =	vtrunc.f32 v11;
	v8 =	vcvt.f32.s32 v8  }
0xde: {  	v9 =	vcvt.f32.s32 v9;
	v10 =	vcvt.s32.f32 v7  }
0xdf: {  	v12 =	vmul.u32 v7, v2;
	v13 =	vcvt.s32.f32 v8;
	v15 =	vmul.u32 v8, v1  }
0xe0: {  	v17 =	vcvt.s32.f32 v9;
	v14 =	vsub.f32 v5, v10  }
0xe1: {  	v7 =	vadd.s32 v9, v4;
	v5 =	vadd.s32 v1, v15;
	v8 =	vadd.s32 v15, v12  }
0xe2: {  	v20 =	vadd.s32 $0x1, v7;
	v18 =	vadd.s32 v12, v5;
	v16 =	vsub.f32 $1.000000000e+00, v14  }
0xe3: {  	v19 =	vadd.s32 v2, v12;
	v10 =	vadd.s32 v20, v8;
	v9 =	vadd.s32 v7, v18  }
.Ltmp1:
0xe4: {  	v15 =	vadd.s32 v15, v19;
	v12 =	vsub.f32 v11, v17;
	v21 =	vadd.s32 v5, v19;
	(pc) =	sbr.rel @p0 .LBB2_6-.Ltmp1, $4  }
0xe5: {  	v17 =	vsub.f32 v6, v13;
	v11 =	vadd.s32 v7, v15;
	v13 =	vadd.s32 v20, v18  }
0xe6: {  	v5 =	vadd.s32 v20, v15;
	v15 =	vadd.s32 v7, v21;
	v19 =	vsub.s32 v13, v3  }
0xe7: {  	v6 =	vsub.s32 v5, v3;
	v18 =	vsub.f32 $1.000000000e+00, v17;
	vm0 =	vlt.s32 v19, v4  }
0xe8: {  	v19 =	vsel vm0, v13, v19;
	vm0 =	vlt.s32 v6, v4;
	v13 =	vadd.s32 v20, v21  }
0xe9: {  	v20 =	vshll.u32 v19, $0x1;
	v21 =	vmul.f32 v16, v18  }
0xea: {  	v54 =	vand.u32 $0x7F, v19;
	v22 =	vsub.f32 $1.000000000e+00, v12;
	v23 =	vmul.f32 v14, v17  }
0xeb: {  	v55 =	vmul.f32 v16, v17;
	v56 =	vmul.f32 v14, v18;
	v20 =	vand.u32 $0xFFFFFF00, v20  }
0xec: {  	s8 =	sshra.s32 s8, $0x2;
	v60 =	vsub.s32 v15, v3;
	v63 =	vsub.s32 v11, v3;
	v19 =	vor.u32 v54, v20  }
0xed: {  	v26 =	vsub.s32 v13, v3;
	v58 =	vmul.f32 v23, v22;
	v57 =	vor.u32 $0x80, v19;
	[tilespmem:s8+$0x3600] =	vst v19  }
0xee: {  	v31 =	vsub.s32 v10, v3;
	v33 =	vsub.s32 v9, v3;
	v62 =	vmul.f32 v56, v22;
	[tilespmem:s8+$0x4600] =	vst v57  }
0xef: {  	v7 =	vadd.s32 v7, v8;
	vm1 =	vlt.s32 v60, v4;
	v59 =	vmul.f32 v23, v12;
	[tilespmem:s8+$0xAC00] =	vst v58  }
0xf0: {  	vm11 =	vlt.s32 v63, v4;
	v61 =	vmul.f32 v21, v22;
	v22 =	vmul.f32 v55, v22;
	[tilespmem:s8+$0xA800] =	vst v62  }
0xf1: {  	vm12 =	vlt.s32 v26, v4;
	vm13 =	vlt.s32 v31, v4;
	v16 =	vmul.f32 v55, v12;
	[tilespmem:s8+$0xAE00] =	vst v59  }
0xf2: {  	v15 =	vsel vm1, v15, v60;
	v14 =	vmul.f32 v56, v12;
	v25 =	vmul.f32 v21, v12;
	[tilespmem:s8+$0xA400] =	vst v22  }
0xf3: {  	v11 =	vsel vm11, v11, v63;
	v13 =	vsel vm12, v13, v26;
	v10 =	vsel vm13, v10, v31;
	[tilespmem:s8+$0xA000] =	vst v61  }
0xf4: {  	v24 =	vshll.u32 v15, $0x1;
	v15 =	vand.u32 $0x7F, v15;
	v27 =	vshll.u32 v11, $0x1;
	[tilespmem:s8+$0xA600] =	vst v16  }
0xf5: {  	v11 =	vand.u32 $0x7F, v11;
	v30 =	vshll.u32 v13, $0x1;
	v17 =	vand.u32 $0xFFFFFF00, v24;
	[tilespmem:s8+$0xAA00] =	vst v14  }
0xf6: {  	v13 =	vand.u32 $0x7F, v13;
	v14 =	vand.u32 $0xFFFFFF00, v30;
	[tilespmem:s8+$0xA200] =	vst v25;
	v15 =	vor.u32 v15, v17  }
0xf7: {  	v8 =	vshll.u32 v10, $0x1;
	v28 =	vand.u32 $0xFFFFFF00, v27;
	v13 =	vor.u32 v13, v14;
	[tilespmem:s8+$0x3C00] =	vst v15  }
0xf8: {  	v10 =	vand.u32 $0x7F, v10;
	v8 =	vand.u32 $0xFFFFFF00, v8;
	v11 =	vor.u32 v11, v28;
	[tilespmem:s8+$0x3E00] =	vst v13  }
0xf9: {  	vm14 =	vlt.s32 v33, v4;
	v8 =	vor.u32 v10, v8;
	[tilespmem:s8+$0x3800] =	vst v11  }
0xfa: {  	v34 =	vsub.s32 v7, v3;
	v9 =	vsel vm14, v9, v33;
	v29 =	vor.u32 $0x80, v15;
	[tilespmem:s8+$0x3200] =	vst v8  }
0xfb: {  	vm15 =	vlt.s32 v34, v4;
	v14 =	vshll.u32 v9, $0x1;
	v13 =	vor.u32 $0x80, v13;
	[tilespmem:s8+$0x4C00] =	vst v29  }
0xfc: {  	v9 =	vand.u32 $0x7F, v9;
	v32 =	vor.u32 $0x80, v11;
	v35 =	vand.u32 $0xFFFFFF00, v14;
	[tilespmem:s8+$0x4E00] =	vst v13  }
0xfd: {  	v7 =	vsel vm15, v7, v34;
	v8 =	vor.u32 $0x80, v8;
	[tilespmem:s8+$0x4800] =	vst v32;
	v9 =	vor.u32 v9, v35  }
0xfe: {  	v36 =	vshll.u32 v7, $0x1;
	[tilespmem:s8+$0x4200] =	vst v8;
	v8 =	vor.u32 $0x80, v9  }
0xff: {  	v5 =	vsel vm0, v5, v6;
	v7 =	vand.u32 $0x7F, v7;
	[tilespmem:s8+$0x4400] =	vst v8;
	v8 =	vand.u32 $0xFFFFFF00, v36  }
0x100: {  	[tilespmem:s8+$0x3400] =	vst v9;
	v6 =	vor.u32 v7, v8;
	v7 =	vshll.u32 v5, $0x1  }
0x101: {  	v5 =	vand.u32 $0x7F, v5;
	[tilespmem:s8+$0x3000] =	vst v6;
	v6 =	vor.u32 $0x80, v6;
	v7 =	vand.u32 $0xFFFFFF00, v7  }
0x102: {  	[tilespmem:s8+$0x4000] =	vst v6;
	v5 =	vor.u32 v5, v7  }
0x103: {  	[tilespmem:s8+$0x3A00] =	vst v5;
	v5 =	vor.u32 $0x80, v5  }
0x104: {  	s22 =	sshll.u32 s18, $0x9;
	p1 =	seq.s32 s18, $0x1F;
	[tilespmem:s8+$0x4A00] =	vst v5  }
0x105: {  	[tilespmem:s1], [sflag:$0x4] =	stream.indirect.gather [spmem:s3], $0x1, s31, s26, $0xb8;
	[tilespmem:$0x1B860] =	vst v63  }
0x106: {  	s9 =	simm.s32 @!p1 $0x0;
	s12 =	simm.s32 @!p1 $0x800;
	s8 =	sadd.s32 @!p1 s22, s14  }
0x107: {  	[tilespmem:s12], [sflag:$0x2] =	stream.linear.gather @!p1 [hbm4b:s8+s9], $0x800, $0x38;
	[tilespmem:$0x1B860] =	vst v63  }
0x108: {  	_ =	swait.ge [sflag:s0], $0x2000  }
0x109: {  	p0 =	seq.s32 s18, $0x0;
	[sflag:s0] =	ssyncset.done $0x0  }
0x10a: {  	s8 =	simm.s32 @!p0 $0x5;
	[sflag:s0] =	ssyncadd.s32 $0xFFFFE000  }
0x10b: {  	_ =	swait.ge @!p0 [sflag:s8], $0x400  }
0x10c: {  	[sflag:s8] =	ssyncset.done @!p0 $0x0  }
0x10d: {  	[sflag:s8] =	ssyncadd.s32 @!p0 $0xFFFFFC00;
	s8 =	simm.s32 $0x6000  }
0x10e: {  	s9 =	simm.s32 $0x9800;
	v5 =	vld [tilespmem:s8+$0xFFFFF000]  }
0x10f: {  	v6 =	vld [tilespmem:s9+$0xFFFFFE00]  }
0x110: {  	v7 =	vld [tilespmem:s8+$0x600]  }
0x111: {  	v8 =	vld [tilespmem:s8+$0x400]  }
0x112: {  	v37 =	vld [tilespmem:s9+$0xFFFFFC00]  }
0x113: {  	v38 =	vld [tilespmem:s9+$0xFFFFFA00]  }
0x114: {  	v39 =	vld [tilespmem:s8+$0x200]  }
0x115: {  	v40 =	vld [tilespmem:s9+$0xFFFFF800]  }
0x116: {  	v41 =	vld [tilespmem:s8+$0x0]  }
0x117: {  	v42 =	vld [tilespmem:s8+$0xFFFFFE00]  }
0x118: {  	v43 =	vld [tilespmem:s8+$0xFFFFF200]  }
0x119: {  	v44 =	vld [tilespmem:s8+$0xFFFFFC00]  }
0x11a: {  	v45 =	vld [tilespmem:s8+$0xFFFFF400]  }
0x11b: {  	v46 =	vld [tilespmem:s8+$0xFFFFFA00];
	v5 =	vmul.f32 v5, v40  }
0x11c: {  	v47 =	vld [tilespmem:s8+$0xFFFFF600];
	v12 =	vmul.f32 v41, v40  }
0x11d: {  	v48 =	vld [tilespmem:s8+$0xFFFFF800];
	v15 =	vmul.f32 v43, v38;
	v5 =	vadd.f32 $0.0e+00, v5  }
0x11e: {  	v50 =	vld [tilespmem:s9+$0x0];
	v10 =	vmul.f32 v39, v38;
	v49 =	vadd.f32 $0.0e+00, v12  }
0x11f: {  	v52 =	vld [tilespmem:s8+$0x800];
	v51 =	vmul.f32 v45, v37;
	v5 =	vadd.f32 v15, v5  }
0x120: {  	v54 =	vld [tilespmem:s9+$0x200];
	v8 =	vmul.f32 v8, v37;
	v53 =	vadd.f32 v10, v49  }
0x121: {  	v56 =	vld [tilespmem:s8+$0xA00];
	v55 =	vmul.f32 v47, v6;
	v5 =	vadd.f32 v51, v5  }
0x122: {  	v6 =	vmul.f32 v7, v6;
	v7 =	vadd.f32 v8, v53;
	v8 =	vld [tilespmem:s9+$0x400]  }
0x123: {  	v58 =	vld [tilespmem:s8+$0xC00];
	v57 =	vmul.f32 v48, v50;
	v5 =	vadd.f32 v55, v5  }
0x124: {  	v59 =	vld [tilespmem:s9+$0x600];
	v6 =	vadd.f32 v6, v7;
	v7 =	vmul.f32 v52, v50  }
0x125: {  	v61 =	vld [tilespmem:s8+$0xE00];
	v60 =	vmul.f32 v46, v54;
	v5 =	vadd.f32 v57, v5  }
0x126: {  	v6 =	vadd.f32 v7, v6;
	v7 =	vmul.f32 v56, v54  }
0x127: {  	v62 =	vmul.f32 v44, v8;
	v5 =	vadd.f32 v60, v5  }
0x128: {  	v6 =	vadd.f32 v7, v6;
	v7 =	vmul.f32 v58, v8  }
0x129: {  	v8 =	vmul.f32 v42, v59;
	v5 =	vadd.f32 v62, v5  }
0x12a: {  	s12 =	simm.s32 $0x0;
	v63 =	vmul.f32 v61, v59;
	v7 =	vadd.f32 v7, v6  }
0x12b: {  	s19 =	sand.u32 $0x300, s12;
	s21 =	sand.u32 $0x70, s12;
	v6 =	vadd.f32 v8, v5  }
0x12c: {  	s13 =	simm.s32 $0x10;
	s19 =	sor.u32 s21, s19;
	v5 =	vadd.f32 v63, v7  }
.LBB2_8:
0x12d: {  	[tilespmem:s19+$0xB000] =	vst v6;
	s12 =	sadd.s32 $0x20, s12;
	s8 =	sadd.s32 $0x10, s8;
	s9 =	sadd.s32 $0x10, s9  }
0x12e: {  	p2 =	sne.s32 s13, $0x1F0;
	[tilespmem:s19+$0xB080] =	vst v5;
	s19 =	smov.u32 s13;
	s13 =	sadd.s32 $0x10, s13  }
0x12f: {  	v5 =	vld [tilespmem:s8+$0xFFFFF000]  }
0x130: {  	v6 =	vld [tilespmem:s9+$0xFFFFFE00]  }
0x131: {  	v7 =	vld [tilespmem:s8+$0x600]  }
0x132: {  	v8 =	vld [tilespmem:s8+$0x400]  }
0x133: {  	v9 =	vld [tilespmem:s9+$0xFFFFFC00]  }
0x134: {  	v10 =	vld [tilespmem:s9+$0xFFFFFA00]  }
0x135: {  	v11 =	vld [tilespmem:s8+$0x200]  }
0x136: {  	v12 =	vld [tilespmem:s9+$0xFFFFF800]  }
0x137: {  	v13 =	vld [tilespmem:s8+$0x0]  }
0x138: {  	v8 =	vmul.f32 v8, v9;
	v14 =	vld [tilespmem:s8+$0xFFFFFE00]  }
0x139: {  	v15 =	vld [tilespmem:s8+$0xFFFFF200]  }
0x13a: {  	v7 =	vmul.f32 v7, v6;
	v11 =	vmul.f32 v11, v10;
	v16 =	vld [tilespmem:s8+$0xFFFFFC00]  }
0x13b: {  	v17 =	vld [tilespmem:s8+$0xFFFFF400]  }
0x13c: {  	v5 =	vmul.f32 v5, v12;
	v12 =	vmul.f32 v13, v12;
	v13 =	vld [tilespmem:s8+$0xFFFFFA00]  }
0x13d: {  	v18 =	vld [tilespmem:s8+$0xFFFFF600]  }
0x13e: {  	v5 =	vadd.f32 $0.0e+00, v5;
	v12 =	vadd.f32 $0.0e+00, v12;
	v10 =	vmul.f32 v15, v10;
	v15 =	vld [tilespmem:s8+$0xFFFFF800]  }
0x13f: {  	v19 =	vld [tilespmem:s9+$0x0]  }
0x140: {  	v5 =	vadd.f32 v10, v5;
	v10 =	vadd.f32 v11, v12;
	v9 =	vmul.f32 v17, v9;
	v11 =	vld [tilespmem:s8+$0x800]  }
0x141: {  	v12 =	vld [tilespmem:s9+$0x200]  }
0x142: {  	v5 =	vadd.f32 v9, v5;
	v8 =	vadd.f32 v8, v10;
	v6 =	vmul.f32 v18, v6;
	v9 =	vld [tilespmem:s8+$0xA00]  }
0x143: {  	v10 =	vld [tilespmem:s9+$0x400]  }
0x144: {  	v5 =	vadd.f32 v6, v5;
	v6 =	vadd.f32 v7, v8;
	v7 =	vmul.f32 v15, v19;
	v8 =	vld [tilespmem:s8+$0xC00]  }
0x145: {  	v11 =	vmul.f32 v11, v19;
	v15 =	vld [tilespmem:s9+$0x600]  }
0x146: {  	v5 =	vadd.f32 v7, v5;
	v7 =	vmul.f32 v13, v12;
	v13 =	vld [tilespmem:s8+$0xE00]  }
0x147: {  	v6 =	vadd.f32 v11, v6;
	v9 =	vmul.f32 v9, v12  }
0x148: {  	v5 =	vadd.f32 v7, v5;
	v7 =	vmul.f32 v16, v10  }
.Ltmp2:
0x149: {  	v6 =	vadd.f32 v9, v6;
	v8 =	vmul.f32 v8, v10;
	(pc) =	sbr.rel @p2 .LBB2_8-.Ltmp2, $4  }
0x14a: {  	v5 =	vadd.f32 v7, v5;
	v7 =	vmul.f32 v14, v15  }
0x14b: {  	v8 =	vadd.f32 v8, v6;
	v9 =	vmul.f32 v13, v15  }
0x14c: {  	s21 =	sand.u32 $0x300, s12;
	s19 =	sand.u32 $0x70, s19;
	v6 =	vadd.f32 v7, v5  }
0x14d: {  	s19 =	sor.u32 s19, s21;
	v5 =	vadd.f32 v9, v8  }
.Ltmp3:
0x14e: {  	s21 =	sshll.u32 s18, $0xB;
	(pc) =	sbr.rel @p1 .LBB2_13-.Ltmp3, $4  }
0x14f: {  	s8 =	sadd.s32 s23, s21  }
0x150: {  	[tilespmem:s19+$0xB000] =	vst v6;
	s8 =	sshrl.u32 s8, $0x3  }
0x151: {  	[tilespmem:s19+$0xB080] =	vst v5;
	s8 =	sadd.s32 s2, s8  }
0x152: {  	[hbm4b:s8+s4] =	stream.linear.scatter [tilespmem:s6], [sflag:$0x5], $0x400, $0x38;
	[tilespmem:$0x1B860] =	vst v63  }
0x153: {  	_ =	swait.ge [sflag:s24], $0x800;
	s19 =	simm.s32 $0x0  }
0x154: {  	[sflag:s24] =	ssyncset.done $0x0;
	s8 =	sand.u32 $0x600, s19;
	s9 =	sand.u32 $0x70, s19  }
0x155: {  	[sflag:s24] =	ssyncadd.s32 $0xFFFFF800;
	s8 =	sor.u32 s9, s8  }
0x156: {  	v5 =	vld [tilespmem:s8+$0x100]  }
0x157: {  	v6 =	vld [tilespmem:s8+$0x80]  }
0x158: {  	v7 =	vld [tilespmem:s8+$0x0];
	_ =	sdelay $0x3  }
0x159: {  	v5 =	vmul.f32 v5, v0  }
0x15a: {  	v6 =	vmul.f32 v6, v0;
	v7 =	vmul.f32 v7, v0  }
0x15b: {  	v5 =	vadd.f32 $5.000000000e-01, v5  }
0x15c: {  	v6 =	vadd.f32 $5.000000000e-01, v6;
	v11 =	vadd.f32 $5.000000000e-01, v7  }
0x15d: {  	v7 =	vtrunc.f32 v5  }
0x15e: {  	v8 =	vtrunc.f32 v6;
	v9 =	vtrunc.f32 v11  }
0x15f: {  	v7 =	vcvt.f32.s32 v7;
	v8 =	vcvt.f32.s32 v8  }
0x160: {  	v9 =	vcvt.f32.s32 v9  }
0x161: {  	v10 =	vcvt.s32.f32 v7;
	v13 =	vmul.u32 v8, v1;
	v12 =	vmul.u32 v7, v2  }
0x162: {  	v15 =	vcvt.s32.f32 v8;
	v17 =	vcvt.s32.f32 v9;
	v7 =	vadd.s32 v9, v4  }
0x163: {  	v20 =	vadd.s32 $0x1, v7;
	v14 =	vsub.f32 v5, v10;
	v5 =	vadd.s32 v1, v13  }
0x164: {  	v8 =	vadd.s32 v13, v12;
	v19 =	vadd.s32 v2, v12;
	v18 =	vadd.s32 v12, v5  }
0x165: {  	v10 =	vadd.s32 v20, v8;
	v12 =	vsub.f32 v11, v17;
	v13 =	vadd.s32 v13, v19  }
0x166: {  	v21 =	vadd.s32 v5, v19;
	v17 =	vsub.f32 v6, v15;
	v16 =	vsub.f32 $1.000000000e+00, v14  }
0x167: {  	v9 =	vadd.s32 v7, v18;
	v19 =	vadd.s32 v20, v18;
	v11 =	vadd.s32 v7, v13  }
0x168: {  	v5 =	vadd.s32 v20, v13;
	v15 =	vadd.s32 v7, v21;
	v22 =	vsub.s32 v19, v3  }
0x169: {  	v13 =	vadd.s32 v20, v21;
	v6 =	vsub.s32 v5, v3;
	vm0 =	vlt.s32 v22, v4  }
0x16a: {  	s9 =	simm.s32 $0x10;
	s8 =	simm.s32 $0x0;
	v18 =	vsub.f32 $1.000000000e+00, v17;
	v19 =	vsel vm0, v19, v22;
	vm0 =	vlt.s32 v6, v4  }
.LBB2_11:
0x16b: {  	p1 =	sne.s32 s9, $0x1F0  }
0x16c: {  	v20 =	vmul.f32 v16, v18;
	v21 =	vshll.u32 v19, $0x1;
	v19 =	vand.u32 $0x7F, v19;
	s19 =	sadd.s32 $0x40, s19;
	s12 =	smov.u32 s9;
	s9 =	sadd.s32 $0x10, s9  }
0x16d: {  	v22 =	vsub.f32 $1.000000000e+00, v12;
	v23 =	vmul.f32 v14, v17;
	v21 =	vand.u32 $0xFFFFFF00, v21  }
0x16e: {  	v16 =	vmul.f32 v16, v17;
	v14 =	vmul.f32 v14, v18;
	s13 =	sshra.s32 s8, $0x2;
	s8 =	smov.u32 s19;
	v17 =	vor.u32 v19, v21  }
0x16f: {  	v18 =	vmul.f32 v23, v22;
	v19 =	vmul.f32 v23, v12;
	[tilespmem:s13+$0x1600] =	vst v17;
	v17 =	vor.u32 $0x80, v17  }
0x170: {  	v21 =	vmul.f32 v20, v22;
	v23 =	vsub.s32 v15, v3;
	[tilespmem:s13+$0x2600] =	vst v17;
	v17 =	vmul.f32 v14, v22  }
0x171: {  	vm1 =	vlt.s32 v23, v4;
	v22 =	vmul.f32 v16, v22;
	v16 =	vmul.f32 v16, v12;
	[tilespmem:s13+$0x9C00] =	vst v18  }
0x172: {  	v14 =	vmul.f32 v14, v12;
	v15 =	vsel vm1, v15, v23;
	v18 =	vsub.s32 v11, v3;
	[tilespmem:s13+$0x9800] =	vst v17  }
0x173: {  	v12 =	vmul.f32 v20, v12;
	vm1 =	vlt.s32 v18, v4;
	v17 =	vshll.u32 v15, $0x1;
	[tilespmem:s13+$0x9E00] =	vst v19  }
0x174: {  	v15 =	vand.u32 $0x7F, v15;
	v17 =	vand.u32 $0xFFFFFF00, v17;
	v19 =	vsub.s32 v13, v3;
	[tilespmem:s13+$0x9400] =	vst v22  }
0x175: {  	v11 =	vsel vm1, v11, v18;
	v15 =	vor.u32 v15, v17;
	vm1 =	vlt.s32 v19, v4;
	[tilespmem:s13+$0x9000] =	vst v21  }
0x176: {  	v17 =	vor.u32 $0x80, v15;
	v13 =	vsel vm1, v13, v19;
	[tilespmem:s13+$0x9600] =	vst v16;
	v16 =	vshll.u32 v11, $0x1  }
0x177: {  	v11 =	vand.u32 $0x7F, v11;
	v16 =	vand.u32 $0xFFFFFF00, v16;
	[tilespmem:s13+$0x9A00] =	vst v14;
	v14 =	vshll.u32 v13, $0x1  }
0x178: {  	v13 =	vand.u32 $0x7F, v13;
	v11 =	vor.u32 v11, v16;
	[tilespmem:s13+$0x2C00] =	vst v17;
	v14 =	vand.u32 $0xFFFFFF00, v14  }
0x179: {  	v16 =	vsub.s32 v10, v3;
	v17 =	vor.u32 $0x80, v11;
	[tilespmem:s13+$0x1C00] =	vst v15;
	v13 =	vor.u32 v13, v14  }
0x17a: {  	vm1 =	vlt.s32 v16, v4;
	v14 =	vsub.s32 v9, v3;
	[tilespmem:s13+$0x1E00] =	vst v13;
	v13 =	vor.u32 $0x80, v13  }
0x17b: {  	v7 =	vadd.s32 v7, v8;
	v8 =	vsel vm1, v10, v16;
	vm1 =	vlt.s32 v14, v4;
	[tilespmem:s13+$0x2E00] =	vst v13  }
0x17c: {  	v10 =	vsub.s32 v7, v3;
	v13 =	vshll.u32 v8, $0x1;
	v9 =	vsel vm1, v9, v14;
	[tilespmem:s13+$0x2800] =	vst v17  }
0x17d: {  	v8 =	vand.u32 $0x7F, v8;
	v13 =	vand.u32 $0xFFFFFF00, v13;
	v14 =	vshll.u32 v9, $0x1;
	[tilespmem:s13+$0x1800] =	vst v11  }
0x17e: {  	v9 =	vand.u32 $0x7F, v9;
	v8 =	vor.u32 v8, v13;
	v11 =	vand.u32 $0xFFFFFF00, v14;
	[tilespmem:s13+$0x9200] =	vst v12  }
0x17f: {  	vm1 =	vlt.s32 v10, v4;
	v9 =	vor.u32 v9, v11;
	[tilespmem:s13+$0x1200] =	vst v8;
	v8 =	vor.u32 $0x80, v8  }
0x180: {  	v7 =	vsel vm1, v7, v10;
	[tilespmem:s13+$0x2200] =	vst v8;
	v8 =	vor.u32 $0x80, v9  }
0x181: {  	v10 =	vshll.u32 v7, $0x1;
	[tilespmem:s13+$0x2400] =	vst v8  }
0x182: {  	v7 =	vand.u32 $0x7F, v7;
	v8 =	vand.u32 $0xFFFFFF00, v10;
	[tilespmem:s13+$0x1400] =	vst v9  }
0x183: {  	v5 =	vsel vm0, v5, v6;
	v7 =	vor.u32 v7, v8  }
0x184: {  	v6 =	vor.u32 $0x80, v7;
	[tilespmem:s13+$0x1000] =	vst v7;
	v7 =	vshll.u32 v5, $0x1  }
0x185: {  	v5 =	vand.u32 $0x7F, v5;
	[tilespmem:s13+$0x2000] =	vst v6;
	v6 =	vand.u32 $0xFFFFFF00, v7  }
0x186: {  	s16 =	sand.u32 $0x600, s19;
	s12 =	sand.u32 $0x70, s12;
	v5 =	vor.u32 v5, v6  }
0x187: {  	s12 =	sor.u32 s12, s16;
	[tilespmem:s13+$0x1A00] =	vst v5;
	v5 =	vor.u32 $0x80, v5  }
0x188: {  	[tilespmem:s13+$0x2A00] =	vst v5  }
0x189: {  	v5 =	vld [tilespmem:s12+$0x100]  }
0x18a: {  	v6 =	vld [tilespmem:s12+$0x80]  }
0x18b: {  	v7 =	vld [tilespmem:s12+$0x0];
	_ =	sdelay $0x2  }
0x18c: {  	v5 =	vmul.f32 v5, v0  }
0x18d: {  	v6 =	vmul.f32 v6, v0  }
0x18e: {  	v7 =	vmul.f32 v7, v0;
	v5 =	vadd.f32 $5.000000000e-01, v5  }
0x18f: {  	v6 =	vadd.f32 $5.000000000e-01, v6  }
0x190: {  	v11 =	vadd.f32 $5.000000000e-01, v7;
	v7 =	vtrunc.f32 v5  }
0x191: {  	v8 =	vtrunc.f32 v6;
	v7 =	vcvt.f32.s32 v7  }
0x192: {  	v9 =	vtrunc.f32 v11;
	v8 =	vcvt.f32.s32 v8  }
0x193: {  	v9 =	vcvt.f32.s32 v9;
	v10 =	vcvt.s32.f32 v7  }
0x194: {  	v12 =	vmul.u32 v7, v2;
	v13 =	vcvt.s32.f32 v8;
	v15 =	vmul.u32 v8, v1  }
0x195: {  	v17 =	vcvt.s32.f32 v9;
	v14 =	vsub.f32 v5, v10  }
0x196: {  	v7 =	vadd.s32 v9, v4;
	v5 =	vadd.s32 v1, v15;
	v8 =	vadd.s32 v15, v12  }
0x197: {  	v20 =	vadd.s32 $0x1, v7;
	v18 =	vadd.s32 v12, v5;
	v16 =	vsub.f32 $1.000000000e+00, v14  }
0x198: {  	v19 =	vadd.s32 v2, v12;
	v10 =	vadd.s32 v20, v8;
	v9 =	vadd.s32 v7, v18  }
.Ltmp4:
0x199: {  	v15 =	vadd.s32 v15, v19;
	v12 =	vsub.f32 v11, v17;
	v21 =	vadd.s32 v5, v19;
	(pc) =	sbr.rel @p1 .LBB2_11-.Ltmp4, $4  }
0x19a: {  	v17 =	vsub.f32 v6, v13;
	v11 =	vadd.s32 v7, v15;
	v13 =	vadd.s32 v20, v18  }
0x19b: {  	v5 =	vadd.s32 v20, v15;
	v15 =	vadd.s32 v7, v21;
	v19 =	vsub.s32 v13, v3  }
0x19c: {  	v6 =	vsub.s32 v5, v3;
	v18 =	vsub.f32 $1.000000000e+00, v17;
	vm0 =	vlt.s32 v19, v4  }
0x19d: {  	v19 =	vsel vm0, v13, v19;
	vm0 =	vlt.s32 v6, v4;
	v13 =	vadd.s32 v20, v21  }
0x19e: {  	v20 =	vshll.u32 v19, $0x1;
	v21 =	vmul.f32 v16, v18  }
0x19f: {  	v38 =	vand.u32 $0x7F, v19;
	v22 =	vsub.f32 $1.000000000e+00, v12;
	v23 =	vmul.f32 v14, v17  }
0x1a0: {  	v39 =	vmul.f32 v16, v17;
	v40 =	vmul.f32 v14, v18;
	v20 =	vand.u32 $0xFFFFFF00, v20  }
0x1a1: {  	s8 =	sshra.s32 s8, $0x2;
	v44 =	vsub.s32 v15, v3;
	v47 =	vsub.s32 v11, v3;
	v19 =	vor.u32 v38, v20  }
0x1a2: {  	v50 =	vsub.s32 v13, v3;
	v42 =	vmul.f32 v23, v22;
	v41 =	vor.u32 $0x80, v19;
	[tilespmem:s8+$0x1600] =	vst v19  }
0x1a3: {  	v55 =	vsub.s32 v10, v3;
	v57 =	vsub.s32 v9, v3;
	v46 =	vmul.f32 v40, v22;
	[tilespmem:s8+$0x2600] =	vst v41  }
0x1a4: {  	v7 =	vadd.s32 v7, v8;
	vm1 =	vlt.s32 v44, v4;
	v43 =	vmul.f32 v23, v12;
	[tilespmem:s8+$0x9C00] =	vst v42  }
0x1a5: {  	vm11 =	vlt.s32 v47, v4;
	v45 =	vmul.f32 v21, v22;
	v22 =	vmul.f32 v39, v22;
	[tilespmem:s8+$0x9800] =	vst v46  }
0x1a6: {  	vm12 =	vlt.s32 v50, v4;
	vm13 =	vlt.s32 v55, v4;
	v16 =	vmul.f32 v39, v12;
	[tilespmem:s8+$0x9E00] =	vst v43  }
0x1a7: {  	v15 =	vsel vm1, v15, v44;
	v14 =	vmul.f32 v40, v12;
	v49 =	vmul.f32 v21, v12;
	[tilespmem:s8+$0x9400] =	vst v22  }
0x1a8: {  	v11 =	vsel vm11, v11, v47;
	v13 =	vsel vm12, v13, v50;
	v10 =	vsel vm13, v10, v55;
	[tilespmem:s8+$0x9000] =	vst v45  }
0x1a9: {  	v48 =	vshll.u32 v15, $0x1;
	v15 =	vand.u32 $0x7F, v15;
	v51 =	vshll.u32 v11, $0x1;
	[tilespmem:s8+$0x9600] =	vst v16  }
0x1aa: {  	v11 =	vand.u32 $0x7F, v11;
	v54 =	vshll.u32 v13, $0x1;
	v17 =	vand.u32 $0xFFFFFF00, v48;
	[tilespmem:s8+$0x9A00] =	vst v14  }
0x1ab: {  	v13 =	vand.u32 $0x7F, v13;
	v14 =	vand.u32 $0xFFFFFF00, v54;
	[tilespmem:s8+$0x9200] =	vst v49;
	v15 =	vor.u32 v15, v17  }
0x1ac: {  	v58 =	vshll.u32 v10, $0x1;
	v52 =	vand.u32 $0xFFFFFF00, v51;
	v13 =	vor.u32 v13, v14;
	[tilespmem:s8+$0x1C00] =	vst v15  }
0x1ad: {  	v10 =	vand.u32 $0x7F, v10;
	v8 =	vand.u32 $0xFFFFFF00, v58;
	v11 =	vor.u32 v11, v52;
	[tilespmem:s8+$0x1E00] =	vst v13  }
0x1ae: {  	v5 =	vsel vm0, v5, v6;
	v59 =	vsub.s32 v7, v3;
	v8 =	vor.u32 v10, v8;
	[tilespmem:s8+$0x1800] =	vst v11  }
0x1af: {  	vm14 =	vlt.s32 v57, v4;
	vm15 =	vlt.s32 v59, v4;
	v53 =	vor.u32 $0x80, v15;
	[tilespmem:s8+$0x1200] =	vst v8  }
0x1b0: {  	v9 =	vsel vm14, v9, v57;
	v7 =	vsel vm15, v7, v59;
	v13 =	vor.u32 $0x80, v13;
	[tilespmem:s8+$0x2C00] =	vst v53  }
0x1b1: {  	v62 =	vshll.u32 v7, $0x1;
	v7 =	vand.u32 $0x7F, v7;
	v56 =	vor.u32 $0x80, v11;
	[tilespmem:s8+$0x2E00] =	vst v13  }
0x1b2: {  	v14 =	vshll.u32 v9, $0x1;
	v63 =	vand.u32 $0xFFFFFF00, v62;
	v8 =	vor.u32 $0x80, v8;
	[tilespmem:s8+$0x2800] =	vst v56  }
0x1b3: {  	v9 =	vand.u32 $0x7F, v9;
	v60 =	vand.u32 $0xFFFFFF00, v14;
	v6 =	vor.u32 v7, v63;
	[tilespmem:s8+$0x2200] =	vst v8  }
0x1b4: {  	v9 =	vor.u32 v9, v60;
	[tilespmem:s8+$0x1000] =	vst v6  }
0x1b5: {  	p1 =	slt.u32 s18, $0x1E;
	v7 =	vshll.u32 v5, $0x1;
	v6 =	vor.u32 $0x80, v6;
	[tilespmem:s8+$0x1400] =	vst v9  }
.Ltmp5:
0x1b6: {  	v5 =	vand.u32 $0x7F, v5;
	v7 =	vand.u32 $0xFFFFFF00, v7;
	v61 =	vor.u32 $0x80, v9;
	[tilespmem:s8+$0x2000] =	vst v6;
	(pc) =	sbr.rel @!p1 .LBB2_13-.Ltmp5, $4  }
0x1b7: {  	v5 =	vor.u32 v5, v7;
	[tilespmem:s8+$0x2400] =	vst v61  }
0x1b8: {  	[tilespmem:s8+$0x1A00] =	vst v5;
	v5 =	vor.u32 $0x80, v5  }
0x1b9: {  	[tilespmem:s8+$0x2A00] =	vst v5  }
0x1ba: {  	[tilespmem:s29], [sflag:$0x3] =	stream.indirect.gather [spmem:s3], $0x1, s28, s26, $0xb8;
	[tilespmem:$0x1B860] =	vst v63  }
0x1bb: {  	s8 =	sadd.s32 s22, s15  }
0x1bc: {  	[tilespmem:s4], [sflag:$0x1] =	stream.linear.gather [hbm4b:s8+s4], $0x800, $0x38;
	[tilespmem:$0x1B860] =	vst v63  }
.Ltmp6:
0x1bd: {  	_ = 	snop;
	(pc) =	sbr.rel @!p0 .LBB2_15-.Ltmp6, $4  }
.Ltmp7:
0x1be: {  	_ = 	snop;
	(pc) =	sbr.rel @p0 .LBB2_16-.Ltmp7, $4  }
0x1bf: {  	_ =	swait.ge [sflag:s7], $0x2000  }
0x1c0: {  	[sflag:s7] =	ssyncset.done $0x0  }
0x1c1: {  	[sflag:s7] =	ssyncadd.s32 $0xFFFFE000  }
0x1c2: {  	_ = 	snop  }
.LBB2_13:
0x1c3: {  	_ =	swait.ge [sflag:s7], $0x2000  }
0x1c4: {  	[sflag:s7] =	ssyncset.done $0x0  }
0x1c5: {  	[sflag:s7] =	ssyncadd.s32 $0xFFFFE000  }
.LBB2_15:
0x1c6: {  	_ =	swait.ge [sflag:s11], $0x400  }
0x1c7: {  	[sflag:s11] =	ssyncset.done $0x0  }
0x1c8: {  	[sflag:s11] =	ssyncadd.s32 $0xFFFFFC00  }
.LBB2_16:
0x1c9: {  	s8 =	simm.s32 $0x8000  }
0x1ca: {  	s9 =	simm.s32 $0xA800;
	v5 =	vld [tilespmem:s8+$0xFFFFF000]  }
0x1cb: {  	v6 =	vld [tilespmem:s9+$0xFFFFFE00]  }
0x1cc: {  	v7 =	vld [tilespmem:s8+$0x600]  }
0x1cd: {  	v8 =	vld [tilespmem:s8+$0x400]  }
0x1ce: {  	v9 =	vld [tilespmem:s9+$0xFFFFFC00]  }
0x1cf: {  	v10 =	vld [tilespmem:s9+$0xFFFFFA00]  }
0x1d0: {  	v11 =	vld [tilespmem:s8+$0x200]  }
0x1d1: {  	v12 =	vld [tilespmem:s9+$0xFFFFF800]  }
0x1d2: {  	v13 =	vld [tilespmem:s8+$0x0]  }
0x1d3: {  	v14 =	vld [tilespmem:s8+$0xFFFFFE00]  }
0x1d4: {  	v15 =	vld [tilespmem:s8+$0xFFFFF200]  }
0x1d5: {  	v16 =	vld [tilespmem:s8+$0xFFFFFC00]  }
0x1d6: {  	v17 =	vld [tilespmem:s8+$0xFFFFF400]  }
0x1d7: {  	v18 =	vld [tilespmem:s8+$0xFFFFFA00];
	v5 =	vmul.f32 v5, v12  }
0x1d8: {  	v48 =	vld [tilespmem:s8+$0xFFFFF600];
	v12 =	vmul.f32 v13, v12  }
0x1d9: {  	v19 =	vld [tilespmem:s8+$0xFFFFF800];
	v15 =	vmul.f32 v15, v10;
	v5 =	vadd.f32 $0.0e+00, v5  }
0x1da: {  	v50 =	vld [tilespmem:s9+$0x0];
	v10 =	vmul.f32 v11, v10;
	v49 =	vadd.f32 $0.0e+00, v12  }
0x1db: {  	v52 =	vld [tilespmem:s8+$0x800];
	v51 =	vmul.f32 v17, v9;
	v5 =	vadd.f32 v15, v5  }
0x1dc: {  	v54 =	vld [tilespmem:s9+$0x200];
	v8 =	vmul.f32 v8, v9;
	v53 =	vadd.f32 v10, v49  }
0x1dd: {  	v56 =	vld [tilespmem:s8+$0xA00];
	v55 =	vmul.f32 v48, v6;
	v5 =	vadd.f32 v51, v5  }
0x1de: {  	v6 =	vmul.f32 v7, v6;
	v7 =	vadd.f32 v8, v53;
	v8 =	vld [tilespmem:s9+$0x400]  }
0x1df: {  	v58 =	vld [tilespmem:s8+$0xC00];
	v57 =	vmul.f32 v19, v50;
	v5 =	vadd.f32 v55, v5  }
0x1e0: {  	v59 =	vld [tilespmem:s9+$0x600];
	v6 =	vadd.f32 v6, v7;
	v7 =	vmul.f32 v52, v50  }
0x1e1: {  	v61 =	vld [tilespmem:s8+$0xE00];
	v60 =	vmul.f32 v18, v54;
	v5 =	vadd.f32 v57, v5  }
0x1e2: {  	v6 =	vadd.f32 v7, v6;
	v7 =	vmul.f32 v56, v54  }
0x1e3: {  	v62 =	vmul.f32 v16, v8;
	v5 =	vadd.f32 v60, v5  }
0x1e4: {  	v6 =	vadd.f32 v7, v6;
	v7 =	vmul.f32 v58, v8  }
0x1e5: {  	v8 =	vmul.f32 v14, v59;
	v5 =	vadd.f32 v62, v5  }
0x1e6: {  	s12 =	simm.s32 $0x0;
	v63 =	vmul.f32 v61, v59;
	v7 =	vadd.f32 v7, v6  }
0x1e7: {  	s16 =	sand.u32 $0x300, s12;
	s19 =	sand.u32 $0x70, s12;
	v6 =	vadd.f32 v8, v5  }
0x1e8: {  	s13 =	simm.s32 $0x10;
	s19 =	sor.u32 s19, s16;
	v5 =	vadd.f32 v63, v7  }
.LBB2_17:
0x1e9: {  	[tilespmem:s19+$0xB400] =	vst v6;
	s12 =	sadd.s32 $0x20, s12;
	s8 =	sadd.s32 $0x10, s8;
	s9 =	sadd.s32 $0x10, s9  }
0x1ea: {  	p0 =	sne.s32 s13, $0x1F0;
	[tilespmem:s19+$0xB480] =	vst v5;
	s19 =	smov.u32 s13;
	s13 =	sadd.s32 $0x10, s13  }
0x1eb: {  	v5 =	vld [tilespmem:s8+$0xFFFFF000]  }
0x1ec: {  	v6 =	vld [tilespmem:s9+$0xFFFFFE00]  }
0x1ed: {  	v7 =	vld [tilespmem:s8+$0x600]  }
0x1ee: {  	v8 =	vld [tilespmem:s8+$0x400]  }
0x1ef: {  	v9 =	vld [tilespmem:s9+$0xFFFFFC00]  }
0x1f0: {  	v10 =	vld [tilespmem:s9+$0xFFFFFA00]  }
0x1f1: {  	v11 =	vld [tilespmem:s8+$0x200]  }
0x1f2: {  	v12 =	vld [tilespmem:s9+$0xFFFFF800]  }
0x1f3: {  	v13 =	vld [tilespmem:s8+$0x0]  }
0x1f4: {  	v8 =	vmul.f32 v8, v9;
	v14 =	vld [tilespmem:s8+$0xFFFFFE00]  }
0x1f5: {  	v15 =	vld [tilespmem:s8+$0xFFFFF200]  }
0x1f6: {  	v7 =	vmul.f32 v7, v6;
	v11 =	vmul.f32 v11, v10;
	v16 =	vld [tilespmem:s8+$0xFFFFFC00]  }
0x1f7: {  	v17 =	vld [tilespmem:s8+$0xFFFFF400]  }
0x1f8: {  	v5 =	vmul.f32 v5, v12;
	v12 =	vmul.f32 v13, v12;
	v13 =	vld [tilespmem:s8+$0xFFFFFA00]  }
0x1f9: {  	v18 =	vld [tilespmem:s8+$0xFFFFF600]  }
0x1fa: {  	v5 =	vadd.f32 $0.0e+00, v5;
	v12 =	vadd.f32 $0.0e+00, v12;
	v10 =	vmul.f32 v15, v10;
	v15 =	vld [tilespmem:s8+$0xFFFFF800]  }
0x1fb: {  	v19 =	vld [tilespmem:s9+$0x0]  }
0x1fc: {  	v5 =	vadd.f32 v10, v5;
	v10 =	vadd.f32 v11, v12;
	v9 =	vmul.f32 v17, v9;
	v11 =	vld [tilespmem:s8+$0x800]  }
0x1fd: {  	v12 =	vld [tilespmem:s9+$0x200]  }
0x1fe: {  	v5 =	vadd.f32 v9, v5;
	v8 =	vadd.f32 v8, v10;
	v6 =	vmul.f32 v18, v6;
	v9 =	vld [tilespmem:s8+$0xA00]  }
0x1ff: {  	v10 =	vld [tilespmem:s9+$0x400]  }
0x200: {  	v5 =	vadd.f32 v6, v5;
	v6 =	vadd.f32 v7, v8;
	v7 =	vmul.f32 v15, v19;
	v8 =	vld [tilespmem:s8+$0xC00]  }
0x201: {  	v11 =	vmul.f32 v11, v19;
	v15 =	vld [tilespmem:s9+$0x600]  }
0x202: {  	v5 =	vadd.f32 v7, v5;
	v7 =	vmul.f32 v13, v12;
	v13 =	vld [tilespmem:s8+$0xE00]  }
0x203: {  	v6 =	vadd.f32 v11, v6;
	v9 =	vmul.f32 v9, v12  }
0x204: {  	v5 =	vadd.f32 v7, v5;
	v7 =	vmul.f32 v16, v10  }
.Ltmp8:
0x205: {  	v6 =	vadd.f32 v9, v6;
	v8 =	vmul.f32 v8, v10;
	(pc) =	sbr.rel @p0 .LBB2_17-.Ltmp8, $4  }
0x206: {  	v5 =	vadd.f32 v7, v5;
	v7 =	vmul.f32 v14, v15  }
0x207: {  	v8 =	vadd.f32 v8, v6;
	v9 =	vmul.f32 v13, v15  }
0x208: {  	s16 =	sand.u32 $0x300, s12;
	s19 =	sand.u32 $0x70, s19;
	v6 =	vadd.f32 v7, v5  }
0x209: {  	s19 =	sor.u32 s19, s16;
	v5 =	vadd.f32 v9, v8  }
0x20a: {  	s18 =	sadd.s32 $0x1, s18  }
0x20b: {  	p0 =	sne.s32 s18, $0x20  }
.Ltmp9:
0x20c: {  	_ = 	snop;
	(pc) =	sbr.rel @p0 .LBB2_5-.Ltmp9, $4  }
0x20d: {  	s8 =	sadd.s32 s25, s21  }
0x20e: {  	[tilespmem:s19+$0xB400] =	vst v6;
	s8 =	sshrl.u32 s8, $0x3  }
0x20f: {  	[tilespmem:s19+$0xB480] =	vst v5;
	s8 =	sadd.s32 s2, s8  }
0x210: {  	[hbm4b:s8+s4] =	stream.linear.scatter [tilespmem:s17], [sflag:$0x6], $0x400, $0x38;
	[tilespmem:$0x1B860] =	vst v63  }
0x211: {  	s5 =	simm.s32 $0x5;
	s10 =	sadd.s32 $0x1, s10  }
0x212: {  	_ =	swait.ge [sflag:s5], $0x400;
	p0 =	sne.s32 s10, $0x5  }
.Ltmp10:
0x213: {  	[sflag:s5] =	ssyncset.done $0x0;
	(pc) =	sbr.rel @p0 .LBB2_2-.Ltmp10, $4  }
0x214: {  	[sflag:s5] =	ssyncadd.s32 $0xFFFFFC00  }
0x215: {  	_ =	swait.ge [sflag:s11], $0x400  }
0x216: {  	[sflag:s11] =	ssyncset.done $0x0  }
0x217: {  	[sflag:s11] =	ssyncadd.s32 $0xFFFFFC00  }
.LBB2_20:
0x218: {  	s8 =	sshll.u32 s5, $0x14  }
0x219: {  	s9 =	rddreg [dreg:$0x8];
	[bflag:$0x0] =	sbarrier.arrive $0xFFFF;
	s8 =	sadd.s32 $0xFFBA1900, s8  }
0x21a: {  	s10 =	rddreg [dreg:$0x4];
	s9 =	sadd.s32 s9, s8  }
0x21b: {  	s25 =	rddreg [dreg:$0xe];
	s9 =	sshrl.u32 s9, $0x3  }
0x21c: {  	s13 =	simm.s32 $0x7;
	s12 =	rddreg [dreg:$0x10];
	s9 =	sadd.s32 s10, s9  }
0x21d: {  	[spmem:s12], [sflag:s25] =	dma.local [hbm:s9], $0x2002  }
0x21e: {  	v0 =	vmov s5;
	_ =	swait.ge [sflag:s13], $0x2002  }
0x21f: {  	[sflag:s13] =	ssyncset.done $0x0  }
0x220: {  	[sflag:s13] =	ssyncadd.s32 $0xFFFFDFFE  }
0x221: {  	[bflag:$0x0] =	sbarrier.arrive $0xFFFF  }
0x222: {  	s16 =	simm.s32 $0xB800;
	s10 =	simm.s32 $0x0;
	s18 =	rddreg [dreg:$0x7]  }
0x223: {  	v0 =	vld.idx.msk [tilespmem:v0+s16+$0x0], $0xffff;
	[tilespmem:s10], [sflag:$0x1] =	stream.linear.gather [hbm4b:s18+s10], $0x800, $0x38  }
0x224: {  	s21 =	simm.s32 $0x800;
	s19 =	rddreg [dreg:$0xa]  }
0x225: {  	[tilespmem:s21], [sflag:$0x2] =	stream.linear.gather [hbm4b:s19+s10], $0x800, $0x38;
	[tilespmem:$0x1B860] =	vst v63  }
0x226: {  	_ =	swait.ge [sflag:s24], $0x800  }
0x227: {  	s22 =	sand.u32 $0x600, s10;
	s23 =	sand.u32 $0x70, s10;
	[sflag:s24] =	ssyncset.done $0x0  }
0x228: {  	s9 =	sor.u32 s23, s22;
	[sflag:s24] =	ssyncadd.s32 $0xFFFFF800  }
0x229: {  	v1 =	vld [tilespmem:s9+$0x100]  }
0x22a: {  	v2 =	vld [tilespmem:s9+$0x0]  }
0x22b: {  	v3 =	vld [tilespmem:s9+$0x80];
	_ =	sdelay $0x2  }
0x22c: {  	v1 =	vmul.f32 v1, v0  }
0x22d: {  	v2 =	vmul.f32 v2, v0  }
0x22e: {  	v3 =	vmul.f32 v3, v0;
	v10 =	vadd.f32 $5.000000000e-01, v1  }
0x22f: {  	v6 =	vadd.f32 $5.000000000e-01, v2  }
0x230: {  	v9 =	vadd.f32 $5.000000000e-01, v3;
	v1 =	vtrunc.f32 v10  }
0x231: {  	s25 =	sshll.u32 s5, $0x13;
	v2 =	vtrunc.f32 v6;
	v4 =	vcvt.f32.s32 v1  }
0x232: {  	s9 =	sadd.s32 $0xFFDD0CC8, s25;
	v3 =	vcvt.f32.s32 v2;
	v2 =	vtrunc.f32 v9  }
0x233: {  	v1 =	vmov s9;
	v5 =	vcvt.f32.s32 v2  }
0x234: {  	v2 =	vmov s8;
	v7 =	vcvt.s32.f32 v3;
	v8 =	vmul.u32 $0x30025795, v4  }
0x235: {  	v12 =	vcvt.s32.f32 v4;
	v11 =	vcvt.s32.f32 v5;
	v5 =	vmul.u32 $0x9E3779B1, v5  }
0x236: {  	v4 =	vadd.s32 $0x1, v3;
	v7 =	vsub.f32 v6, v7;
	v6 =	vadd.s32 $0x30025795, v8  }
0x237: {  	s18 =	simm.s32 $0x0;
	s8 =	simm.s32 $0x10;
	v10 =	vsub.f32 v10, v12;
	v9 =	vsub.f32 v9, v11;
	v11 =	vxor.u32 v5, v8  }
.LBB2_21:
0x238: {  	p0 =	sne.s32 s8, $0x1F0  }
0x239: {  	v12 =	vadd.s32 $0x9E3779B1, v5;
	v13 =	vsub.f32 $1.000000000e+00, v7;
	v14 =	vxor.u32 v3, v11;
	s10 =	sadd.s32 $0x40, s10;
	s12 =	smov.u32 s8;
	s8 =	sadd.s32 $0x10, s8  }
0x23a: {  	v11 =	vxor.u32 v4, v11;
	v15 =	vsub.f32 $1.000000000e+00, v9;
	v16 =	vsub.f32 $1.000000000e+00, v10  }
0x23b: {  	v8 =	vxor.u32 v8, v12;
	v17 =	vmul.f32 v10, v9;
	v14 =	vand.u32 $0x7FFFF, v14  }
0x23c: {  	v11 =	vand.u32 $0x7FFFF, v11;
	v18 =	vmul.f32 v16, v15;
	v10 =	vmul.f32 v10, v15  }
0x23d: {  	v9 =	vmul.f32 v16, v9;
	v15 =	vxor.u32 v3, v8;
	v16 =	vmul.f32 v17, v13  }
0x23e: {  	s9 =	sshra.s32 s18, $0x2;
	s18 =	smov.u32 s10;
	v11 =	vadd.s32 v1, v11;
	v19 =	vmul.f32 v18, v13;
	v18 =	vmul.f32 v18, v7  }
0x23f: {  	v20 =	vshll.u32 v11, $0x1;
	v21 =	vmul.f32 v10, v13;
	v10 =	vmul.f32 v10, v7;
	[tilespmem:s9+$0x9C00] =	vst v16  }
0x240: {  	v13 =	vmul.f32 v9, v13;
	v9 =	vmul.f32 v9, v7;
	v16 =	vand.u32 $0xFFFFFF00, v20  }
0x241: {  	v8 =	vxor.u32 v4, v8;
	v15 =	vand.u32 $0x7FFFF, v15;
	v7 =	vmul.f32 v17, v7;
	[tilespmem:s9+$0x9A00] =	vst v10  }
0x242: {  	v8 =	vand.u32 $0x7FFFF, v8;
	v10 =	vxor.u32 v12, v6;
	v12 =	vadd.s32 v1, v15;
	[tilespmem:s9+$0x9400] =	vst v13  }
0x243: {  	v8 =	vadd.s32 v1, v8;
	v13 =	vshll.u32 v12, $0x1;
	v15 =	vxor.u32 v3, v10;
	[tilespmem:s9+$0x9000] =	vst v19  }
0x244: {  	v11 =	vand.u32 $0x7F, v11;
	v12 =	vand.u32 $0x7F, v12;
	v13 =	vand.u32 $0xFFFFFF00, v13;
	[tilespmem:s9+$0x9600] =	vst v9  }
0x245: {  	v9 =	vor.u32 v11, v16;
	v11 =	vor.u32 v12, v13;
	v12 =	vshll.u32 v8, $0x1  }
0x246: {  	v9 =	vsub.s32 v9, v2;
	v11 =	vsub.s32 v11, v2;
	v12 =	vand.u32 $0xFFFFFF00, v12;
	[tilespmem:s9+$0x9800] =	vst v21  }
0x247: {  	v13 =	vadd.s32 v1, v14;
	v14 =	vor.u32 $0x80, v9;
	v16 =	vor.u32 $0x80, v11;
	[tilespmem:s9+$0x9200] =	vst v18  }
0x248: {  	v10 =	vxor.u32 v4, v10;
	v15 =	vand.u32 $0x7FFFF, v15;
	v17 =	vshll.u32 v13, $0x1;
	[tilespmem:s9+$0x9E00] =	vst v7  }
0x249: {  	v10 =	vand.u32 $0x7FFFF, v10;
	v7 =	vand.u32 $0xFFFFFF00, v17;
	[tilespmem:s9+$0x2200] =	vst v14;
	v14 =	vadd.s32 v1, v15  }
0x24a: {  	v10 =	vadd.s32 v1, v10;
	v13 =	vand.u32 $0x7F, v13;
	[tilespmem:s9+$0x1200] =	vst v9;
	v9 =	vshll.u32 v14, $0x1  }
0x24b: {  	v15 =	vshll.u32 v10, $0x1;
	v14 =	vand.u32 $0x7F, v14;
	[tilespmem:s9+$0x2400] =	vst v16;
	v9 =	vand.u32 $0xFFFFFF00, v9  }
0x24c: {  	v10 =	vand.u32 $0x7F, v10;
	[tilespmem:s9+$0x1400] =	vst v11;
	v9 =	vor.u32 v14, v9;
	v11 =	vand.u32 $0xFFFFFF00, v15  }
0x24d: {  	v7 =	vor.u32 v13, v7;
	v9 =	vsub.s32 v9, v2;
	v10 =	vor.u32 v10, v11  }
0x24e: {  	v7 =	vsub.s32 v7, v2;
	[tilespmem:s9+$0x1C00] =	vst v9;
	v9 =	vor.u32 $0x80, v9;
	v10 =	vsub.s32 v10, v2  }
0x24f: {  	v5 =	vxor.u32 v5, v6;
	v6 =	vor.u32 $0x80, v7;
	[tilespmem:s9+$0x1E00] =	vst v10;
	v10 =	vor.u32 $0x80, v10  }
0x250: {  	v3 =	vxor.u32 v3, v5;
	v4 =	vxor.u32 v4, v5;
	[tilespmem:s9+$0x2E00] =	vst v10  }
0x251: {  	v3 =	vand.u32 $0x7FFFF, v3;
	v4 =	vand.u32 $0x7FFFF, v4;
	[tilespmem:s9+$0x2C00] =	vst v9  }
0x252: {  	v5 =	vand.u32 $0x7F, v8;
	v3 =	vadd.s32 v1, v3;
	v4 =	vadd.s32 v1, v4;
	[tilespmem:s9+$0x2000] =	vst v6  }
0x253: {  	s13 =	sand.u32 $0x600, s10;
	s12 =	sand.u32 $0x70, s12;
	v5 =	vor.u32 v5, v12;
	v6 =	vshll.u32 v3, $0x1;
	v3 =	vand.u32 $0x7F, v3;
	[tilespmem:s9+$0x1000] =	vst v7  }
0x254: {  	s12 =	sor.u32 s12, s13;
	v5 =	vsub.s32 v5, v2;
	v6 =	vand.u32 $0xFFFFFF00, v6;
	v7 =	vand.u32 $0x7F, v4  }
0x255: {  	v4 =	vshll.u32 v4, $0x1;
	v3 =	vor.u32 v3, v6;
	[tilespmem:s9+$0x1600] =	vst v5;
	v5 =	vor.u32 $0x80, v5  }
0x256: {  	v4 =	vand.u32 $0xFFFFFF00, v4;
	v3 =	vsub.s32 v3, v2;
	[tilespmem:s9+$0x2600] =	vst v5  }
0x257: {  	v4 =	vor.u32 v7, v4;
	[tilespmem:s9+$0x1800] =	vst v3;
	v3 =	vor.u32 $0x80, v3  }
0x258: {  	[tilespmem:s9+$0x2800] =	vst v3;
	v3 =	vsub.s32 v4, v2  }
0x259: {  	[tilespmem:s9+$0x1A00] =	vst v3;
	v3 =	vor.u32 $0x80, v3  }
0x25a: {  	[tilespmem:s9+$0x2A00] =	vst v3  }
0x25b: {  	v3 =	vld [tilespmem:s12+$0x0]  }
0x25c: {  	v4 =	vld [tilespmem:s12+$0x100]  }
0x25d: {  	v5 =	vld [tilespmem:s12+$0x80];
	_ =	sdelay $0x3  }
0x25e: {  	v4 =	vmul.f32 v4, v0  }
0x25f: {  	v3 =	vmul.f32 v3, v0;
	v5 =	vmul.f32 v5, v0  }
0x260: {  	v10 =	vadd.f32 $5.000000000e-01, v4  }
0x261: {  	v6 =	vadd.f32 $5.000000000e-01, v3;
	v9 =	vadd.f32 $5.000000000e-01, v5  }
0x262: {  	v3 =	vtrunc.f32 v10  }
0x263: {  	v4 =	vtrunc.f32 v6;
	v5 =	vcvt.f32.s32 v3  }
0x264: {  	v3 =	vcvt.f32.s32 v4;
	v4 =	vtrunc.f32 v9  }
.Ltmp11:
0x265: {  	v7 =	vcvt.f32.s32 v4;
	(pc) =	sbr.rel @p0 .LBB2_21-.Ltmp11, $4  }
0x266: {  	v11 =	vcvt.s32.f32 v3;
	v4 =	vadd.s32 $0x1, v3;
	v8 =	vmul.u32 $0x30025795, v5  }
0x267: {  	v13 =	vcvt.s32.f32 v5;
	v12 =	vcvt.s32.f32 v7;
	v5 =	vmul.u32 $0x9E3779B1, v7  }
0x268: {  	v7 =	vsub.f32 v6, v11;
	v6 =	vadd.s32 $0x30025795, v8  }
0x269: {  	v10 =	vsub.f32 v10, v13;
	v9 =	vsub.f32 v9, v12;
	v11 =	vxor.u32 v5, v8  }
0x26a: {  	v12 =	vadd.s32 $0x9E3779B1, v5;
	v13 =	vsub.f32 $1.000000000e+00, v7  }
0x26b: {  	v14 =	vxor.u32 v3, v11;
	v32 =	vxor.u32 v4, v11;
	v55 =	vxor.u32 v5, v6  }
0x26c: {  	v15 =	vsub.f32 $1.000000000e+00, v9;
	v16 =	vsub.f32 $1.000000000e+00, v10;
	v8 =	vxor.u32 v8, v12  }
0x26d: {  	v17 =	vmul.f32 v10, v9;
	v14 =	vand.u32 $0x7FFFF, v14;
	v11 =	vand.u32 $0x7FFFF, v32  }
0x26e: {  	v12 =	vxor.u32 v12, v6;
	v59 =	vxor.u32 v4, v55;
	v35 =	vxor.u32 v3, v8  }
0x26f: {  	v11 =	vadd.s32 v1, v11;
	v8 =	vxor.u32 v4, v8;
	v39 =	vxor.u32 v3, v12  }
0x270: {  	v44 =	vadd.s32 v1, v14;
	v12 =	vxor.u32 v4, v12;
	v18 =	vmul.f32 v16, v15  }
0x271: {  	v3 =	vxor.u32 v3, v55;
	v33 =	vmul.f32 v10, v15;
	v34 =	vmul.f32 v16, v9  }
0x272: {  	v36 =	vmul.f32 v17, v13;
	v20 =	vshll.u32 v11, $0x1;
	v15 =	vand.u32 $0x7FFFF, v35  }
0x273: {  	s8 =	sshra.s32 s18, $0x2;
	v37 =	vmul.f32 v17, v7;
	v8 =	vand.u32 $0x7FFFF, v8;
	v11 =	vand.u32 $0x7F, v11  }
0x274: {  	v16 =	vand.u32 $0x7FFFF, v39;
	v19 =	vmul.f32 v18, v13;
	v10 =	vmul.f32 v33, v7;
	[tilespmem:s8+$0x9C00] =	vst v36  }
0x275: {  	v3 =	vand.u32 $0x7FFFF, v3;
	v21 =	vmul.f32 v33, v13;
	v13 =	vmul.f32 v34, v13;
	[tilespmem:s8+$0x9E00] =	vst v37  }
0x276: {  	v20 =	vand.u32 $0xFFFFFF00, v20;
	v15 =	vadd.s32 v1, v15;
	v8 =	vadd.s32 v1, v8;
	[tilespmem:s8+$0x9A00] =	vst v10  }
0x277: {  	v16 =	vadd.s32 v1, v16;
	v3 =	vadd.s32 v1, v3;
	v9 =	vmul.f32 v34, v7;
	[tilespmem:s8+$0x9400] =	vst v13  }
0x278: {  	v18 =	vmul.f32 v18, v7;
	v38 =	vshll.u32 v15, $0x1;
	v40 =	vand.u32 $0x7F, v15;
	[tilespmem:s8+$0x9000] =	vst v19  }
0x279: {  	v11 =	vor.u32 v11, v20;
	v41 =	vshll.u32 v8, $0x1;
	v49 =	vshll.u32 v16, $0x1;
	[tilespmem:s8+$0x9600] =	vst v9  }
0x27a: {  	v51 =	vand.u32 $0x7F, v16;
	v60 =	vand.u32 $0x7F, v8;
	v61 =	vshll.u32 v3, $0x1;
	[tilespmem:s8+$0x9800] =	vst v21  }
0x27b: {  	v3 =	vand.u32 $0x7F, v3;
	v42 =	vsub.s32 v11, v2;
	v50 =	vand.u32 $0xFFFFFF00, v49;
	[tilespmem:s8+$0x9200] =	vst v18  }
0x27c: {  	v43 =	vand.u32 $0xFFFFFF00, v41;
	v45 =	vor.u32 $0x80, v42;
	[tilespmem:s8+$0x1200] =	vst v42;
	v9 =	vor.u32 v51, v50  }
0x27d: {  	v6 =	vand.u32 $0xFFFFFF00, v61;
	v5 =	vor.u32 v60, v43;
	[tilespmem:s8+$0x2200] =	vst v45;
	v9 =	vsub.s32 v9, v2  }
0x27e: {  	v10 =	vand.u32 $0xFFFFFF00, v38;
	v3 =	vor.u32 v3, v6;
	v5 =	vsub.s32 v5, v2;
	[tilespmem:s8+$0x1C00] =	vst v9  }
0x27f: {  	v47 =	vshll.u32 v44, $0x1;
	v10 =	vor.u32 v40, v10;
	v3 =	vsub.s32 v3, v2;
	[tilespmem:s8+$0x1600] =	vst v5  }
0x280: {  	v48 =	vand.u32 $0xFFFFFF00, v47;
	v13 =	vand.u32 $0x7F, v44;
	v10 =	vsub.s32 v10, v2;
	[tilespmem:s8+$0x1800] =	vst v3  }
0x281: {  	v12 =	vand.u32 $0x7FFFF, v12;
	v7 =	vor.u32 v13, v48;
	v56 =	vor.u32 $0x80, v9;
	[tilespmem:s8+$0x1400] =	vst v10  }
0x282: {  	v4 =	vand.u32 $0x7FFFF, v59;
	v12 =	vadd.s32 v1, v12;
	v7 =	vsub.s32 v7, v2;
	[tilespmem:s8+$0x2C00] =	vst v56  }
0x283: {  	v4 =	vadd.s32 v1, v4;
	v52 =	vshll.u32 v12, $0x1;
	v5 =	vor.u32 $0x80, v5;
	[tilespmem:s8+$0x1000] =	vst v7  }
0x284: {  	v12 =	vand.u32 $0x7F, v12;
	v53 =	vand.u32 $0xFFFFFF00, v52;
	v3 =	vor.u32 $0x80, v3;
	[tilespmem:s8+$0x2600] =	vst v5  }
0x285: {  	v62 =	vshll.u32 v4, $0x1;
	v54 =	vor.u32 v12, v53;
	v46 =	vor.u32 $0x80, v10;
	[tilespmem:s8+$0x2800] =	vst v3  }
0x286: {  	v4 =	vand.u32 $0x7F, v4;
	v63 =	vand.u32 $0xFFFFFF00, v62;
	v10 =	vsub.s32 v54, v2;
	[tilespmem:s8+$0x2400] =	vst v46  }
0x287: {  	v4 =	vor.u32 v4, v63;
	v58 =	vor.u32 $0x80, v7;
	[tilespmem:s8+$0x1E00] =	vst v10  }
0x288: {  	v3 =	vsub.s32 v4, v2;
	[tilespmem:s8+$0x2000] =	vst v58  }
0x289: {  	v57 =	vor.u32 $0x80, v10;
	[tilespmem:s8+$0x1A00] =	vst v3  }
0x28a: {  	v3 =	vor.u32 $0x80, v3;
	[tilespmem:s8+$0x2E00] =	vst v57  }
0x28b: {  	s23 =	rddreg [dreg:$0xb];
	[tilespmem:s8+$0x2A00] =	vst v3  }
0x28c: {  	[tilespmem:s29], [sflag:$0x3] =	stream.indirect.gather [spmem:s3], $0x1, s28, s26, $0xb8;
	[tilespmem:$0x1B860] =	vst v63  }
0x28d: {  	s10 =	simm.s32 $0x0;
	s25 =	sshll.u32 s5, $0x15;
	s9 =	rddreg [dreg:$0xc]  }
0x28e: {  	[tilespmem:s10], [sflag:$0x1] =	stream.linear.gather [hbm4b:s23+s10], $0x800, $0x38;
	[tilespmem:$0x1B860] =	vst v63  }
0x28f: {  	s18 =	sor.u32 s25, s20;
	s23 =	sor.u32 s25, s9;
	s25 =	simm.s32 $0x0  }
.LBB2_23:
0x290: {  	_ =	swait.ge [sflag:s30], $0x800  }
0x291: {  	s8 =	sand.u32 $0x600, s10;
	s9 =	sand.u32 $0x70, s10;
	[sflag:s30] =	ssyncset.done $0x0  }
0x292: {  	s8 =	sor.u32 s9, s8;
	[sflag:s30] =	ssyncadd.s32 $0xFFFFF800  }
0x293: {  	v3 =	vld [tilespmem:s8+$0x900]  }
0x294: {  	v4 =	vld [tilespmem:s8+$0x800]  }
0x295: {  	v5 =	vld [tilespmem:s8+$0x880];
	_ =	sdelay $0x2  }
0x296: {  	v3 =	vmul.f32 v3, v0  }
0x297: {  	v4 =	vmul.f32 v4, v0  }
0x298: {  	v5 =	vmul.f32 v5, v0;
	v10 =	vadd.f32 $5.000000000e-01, v3  }
0x299: {  	v6 =	vadd.f32 $5.000000000e-01, v4  }
0x29a: {  	v9 =	vadd.f32 $5.000000000e-01, v5;
	v3 =	vtrunc.f32 v10  }
0x29b: {  	v4 =	vtrunc.f32 v6;
	v5 =	vcvt.f32.s32 v3  }
0x29c: {  	v3 =	vcvt.f32.s32 v4;
	v4 =	vtrunc.f32 v9  }
0x29d: {  	v4 =	vcvt.f32.s32 v4  }
0x29e: {  	v7 =	vcvt.s32.f32 v3;
	v8 =	vmul.u32 $0x30025795, v5  }
0x29f: {  	v12 =	vcvt.s32.f32 v5;
	v11 =	vcvt.s32.f32 v4;
	v5 =	vmul.u32 $0x9E3779B1, v4  }
0x2a0: {  	v4 =	vadd.s32 $0x1, v3;
	v7 =	vsub.f32 v6, v7;
	v6 =	vadd.s32 $0x30025795, v8  }
0x2a1: {  	s19 =	simm.s32 $0x0;
	s9 =	simm.s32 $0x0;
	s8 =	simm.s32 $0x10;
	v10 =	vsub.f32 v10, v12;
	v9 =	vsub.f32 v9, v11;
	v11 =	vxor.u32 v5, v8  }
.LBB2_24:
0x2a2: {  	p0 =	sne.s32 s8, $0x1F0  }
0x2a3: {  	v12 =	vadd.s32 $0x9E3779B1, v5;
	v13 =	vsub.f32 $1.000000000e+00, v7;
	v14 =	vxor.u32 v3, v11;
	s9 =	sadd.s32 $0x40, s9;
	s12 =	smov.u32 s8;
	s8 =	sadd.s32 $0x10, s8  }
0x2a4: {  	v11 =	vxor.u32 v4, v11;
	v15 =	vsub.f32 $1.000000000e+00, v9;
	v16 =	vsub.f32 $1.000000000e+00, v10  }
0x2a5: {  	v8 =	vxor.u32 v8, v12;
	v17 =	vmul.f32 v10, v9;
	v14 =	vand.u32 $0x7FFFF, v14  }
0x2a6: {  	v11 =	vand.u32 $0x7FFFF, v11;
	v18 =	vmul.f32 v16, v15;
	v10 =	vmul.f32 v10, v15  }
0x2a7: {  	v9 =	vmul.f32 v16, v9;
	v15 =	vxor.u32 v3, v8;
	v16 =	vmul.f32 v17, v13  }
0x2a8: {  	s21 =	sshra.s32 s19, $0x2;
	s19 =	smov.u32 s9;
	v11 =	vadd.s32 v1, v11;
	v19 =	vmul.f32 v18, v13;
	v18 =	vmul.f32 v18, v7  }
0x2a9: {  	v20 =	vshll.u32 v11, $0x1;
	v21 =	vmul.f32 v10, v13;
	v10 =	vmul.f32 v10, v7;
	[tilespmem:s21+$0xAC00] =	vst v16  }
0x2aa: {  	v13 =	vmul.f32 v9, v13;
	v9 =	vmul.f32 v9, v7;
	v16 =	vand.u32 $0xFFFFFF00, v20  }
0x2ab: {  	v8 =	vxor.u32 v4, v8;
	v15 =	vand.u32 $0x7FFFF, v15;
	v7 =	vmul.f32 v17, v7;
	[tilespmem:s21+$0xAA00] =	vst v10  }
0x2ac: {  	v8 =	vand.u32 $0x7FFFF, v8;
	v10 =	vxor.u32 v12, v6;
	v12 =	vadd.s32 v1, v15;
	[tilespmem:s21+$0xA400] =	vst v13  }
0x2ad: {  	v8 =	vadd.s32 v1, v8;
	v13 =	vshll.u32 v12, $0x1;
	v15 =	vxor.u32 v3, v10;
	[tilespmem:s21+$0xA000] =	vst v19  }
0x2ae: {  	v11 =	vand.u32 $0x7F, v11;
	v12 =	vand.u32 $0x7F, v12;
	v13 =	vand.u32 $0xFFFFFF00, v13;
	[tilespmem:s21+$0xA600] =	vst v9  }
0x2af: {  	v9 =	vor.u32 v11, v16;
	v11 =	vor.u32 v12, v13;
	v12 =	vshll.u32 v8, $0x1  }
0x2b0: {  	v9 =	vsub.s32 v9, v2;
	v11 =	vsub.s32 v11, v2;
	v12 =	vand.u32 $0xFFFFFF00, v12;
	[tilespmem:s21+$0xA800] =	vst v21  }
0x2b1: {  	v13 =	vadd.s32 v1, v14;
	v14 =	vor.u32 $0x80, v9;
	v16 =	vor.u32 $0x80, v11;
	[tilespmem:s21+$0xA200] =	vst v18  }
0x2b2: {  	v10 =	vxor.u32 v4, v10;
	v15 =	vand.u32 $0x7FFFF, v15;
	v17 =	vshll.u32 v13, $0x1;
	[tilespmem:s21+$0xAE00] =	vst v7  }
0x2b3: {  	v10 =	vand.u32 $0x7FFFF, v10;
	v7 =	vand.u32 $0xFFFFFF00, v17;
	[tilespmem:s21+$0x4200] =	vst v14;
	v14 =	vadd.s32 v1, v15  }
0x2b4: {  	v10 =	vadd.s32 v1, v10;
	v13 =	vand.u32 $0x7F, v13;
	[tilespmem:s21+$0x3200] =	vst v9;
	v9 =	vshll.u32 v14, $0x1  }
0x2b5: {  	v15 =	vshll.u32 v10, $0x1;
	v14 =	vand.u32 $0x7F, v14;
	[tilespmem:s21+$0x4400] =	vst v16;
	v9 =	vand.u32 $0xFFFFFF00, v9  }
0x2b6: {  	v10 =	vand.u32 $0x7F, v10;
	[tilespmem:s21+$0x3400] =	vst v11;
	v9 =	vor.u32 v14, v9;
	v11 =	vand.u32 $0xFFFFFF00, v15  }
0x2b7: {  	v7 =	vor.u32 v13, v7;
	v9 =	vsub.s32 v9, v2;
	v10 =	vor.u32 v10, v11  }
0x2b8: {  	v7 =	vsub.s32 v7, v2;
	[tilespmem:s21+$0x3C00] =	vst v9;
	v9 =	vor.u32 $0x80, v9;
	v10 =	vsub.s32 v10, v2  }
0x2b9: {  	v5 =	vxor.u32 v5, v6;
	v6 =	vor.u32 $0x80, v7;
	[tilespmem:s21+$0x3E00] =	vst v10;
	v10 =	vor.u32 $0x80, v10  }
0x2ba: {  	v3 =	vxor.u32 v3, v5;
	v4 =	vxor.u32 v4, v5;
	[tilespmem:s21+$0x4E00] =	vst v10  }
0x2bb: {  	v3 =	vand.u32 $0x7FFFF, v3;
	v4 =	vand.u32 $0x7FFFF, v4;
	[tilespmem:s21+$0x4C00] =	vst v9  }
0x2bc: {  	v5 =	vand.u32 $0x7F, v8;
	v3 =	vadd.s32 v1, v3;
	v4 =	vadd.s32 v1, v4;
	[tilespmem:s21+$0x4000] =	vst v6  }
0x2bd: {  	s13 =	sand.u32 $0x600, s9;
	s12 =	sand.u32 $0x70, s12;
	v5 =	vor.u32 v5, v12;
	v6 =	vshll.u32 v3, $0x1;
	v3 =	vand.u32 $0x7F, v3;
	[tilespmem:s21+$0x3000] =	vst v7  }
0x2be: {  	s12 =	sor.u32 s12, s13;
	v5 =	vsub.s32 v5, v2;
	v6 =	vand.u32 $0xFFFFFF00, v6;
	v7 =	vand.u32 $0x7F, v4  }
0x2bf: {  	v4 =	vshll.u32 v4, $0x1;
	v3 =	vor.u32 v3, v6;
	[tilespmem:s21+$0x3600] =	vst v5;
	v5 =	vor.u32 $0x80, v5  }
0x2c0: {  	v4 =	vand.u32 $0xFFFFFF00, v4;
	v3 =	vsub.s32 v3, v2;
	[tilespmem:s21+$0x4600] =	vst v5  }
0x2c1: {  	v4 =	vor.u32 v7, v4;
	[tilespmem:s21+$0x3800] =	vst v3;
	v3 =	vor.u32 $0x80, v3  }
0x2c2: {  	[tilespmem:s21+$0x4800] =	vst v3;
	v3 =	vsub.s32 v4, v2  }
0x2c3: {  	[tilespmem:s21+$0x3A00] =	vst v3;
	v3 =	vor.u32 $0x80, v3  }
0x2c4: {  	[tilespmem:s21+$0x4A00] =	vst v3  }
0x2c5: {  	v3 =	vld [tilespmem:s12+$0x800]  }
0x2c6: {  	v4 =	vld [tilespmem:s12+$0x900]  }
0x2c7: {  	v5 =	vld [tilespmem:s12+$0x880];
	_ =	sdelay $0x3  }
0x2c8: {  	v4 =	vmul.f32 v4, v0  }
0x2c9: {  	v3 =	vmul.f32 v3, v0;
	v5 =	vmul.f32 v5, v0  }
0x2ca: {  	v10 =	vadd.f32 $5.000000000e-01, v4  }
0x2cb: {  	v6 =	vadd.f32 $5.000000000e-01, v3;
	v9 =	vadd.f32 $5.000000000e-01, v5  }
0x2cc: {  	v3 =	vtrunc.f32 v10  }
0x2cd: {  	v4 =	vtrunc.f32 v6;
	v5 =	vcvt.f32.s32 v3  }
0x2ce: {  	v3 =	vcvt.f32.s32 v4;
	v4 =	vtrunc.f32 v9  }
.Ltmp12:
0x2cf: {  	v7 =	vcvt.f32.s32 v4;
	(pc) =	sbr.rel @p0 .LBB2_24-.Ltmp12, $4  }
0x2d0: {  	v11 =	vcvt.s32.f32 v3;
	v4 =	vadd.s32 $0x1, v3;
	v8 =	vmul.u32 $0x30025795, v5  }
0x2d1: {  	v13 =	vcvt.s32.f32 v5;
	v12 =	vcvt.s32.f32 v7;
	v5 =	vmul.u32 $0x9E3779B1, v7  }
0x2d2: {  	v7 =	vsub.f32 v6, v11;
	v6 =	vadd.s32 $0x30025795, v8  }
0x2d3: {  	v10 =	vsub.f32 v10, v13;
	v9 =	vsub.f32 v9, v12;
	v11 =	vxor.u32 v5, v8  }
0x2d4: {  	v12 =	vadd.s32 $0x9E3779B1, v5;
	v13 =	vsub.f32 $1.000000000e+00, v7;
	v14 =	vxor.u32 v3, v11  }
0x2d5: {  	v60 =	vxor.u32 v4, v11;
	v5 =	vxor.u32 v5, v6;
	v15 =	vsub.f32 $1.000000000e+00, v9  }
0x2d6: {  	v16 =	vsub.f32 $1.000000000e+00, v10;
	v8 =	vxor.u32 v8, v12;
	v17 =	vmul.f32 v10, v9  }
0x2d7: {  	v14 =	vand.u32 $0x7FFFF, v14;
	v11 =	vand.u32 $0x7FFFF, v60;
	v12 =	vxor.u32 v12, v6  }
0x2d8: {  	v63 =	vxor.u32 v3, v8;
	v11 =	vadd.s32 v1, v11;
	v8 =	vxor.u32 v4, v8  }
0x2d9: {  	v26 =	vxor.u32 v3, v12;
	v31 =	vadd.s32 v1, v14;
	v12 =	vxor.u32 v4, v12  }
0x2da: {  	v3 =	vxor.u32 v3, v5;
	v18 =	vmul.f32 v16, v15;
	v61 =	vmul.f32 v10, v15  }
0x2db: {  	v4 =	vxor.u32 v4, v5;
	v62 =	vmul.f32 v16, v9;
	v24 =	vmul.f32 v17, v13  }
0x2dc: {  	s8 =	sshra.s32 s19, $0x2;
	v20 =	vshll.u32 v11, $0x1;
	v19 =	vmul.f32 v18, v13;
	v10 =	vmul.f32 v61, v7  }
0x2dd: {  	v15 =	vand.u32 $0x7FFFF, v63;
	v21 =	vmul.f32 v61, v13;
	v13 =	vmul.f32 v62, v13;
	[tilespmem:s8+$0xAC00] =	vst v24  }
0x2de: {  	v8 =	vand.u32 $0x7FFFF, v8;
	v11 =	vand.u32 $0x7F, v11;
	v34 =	vshll.u32 v31, $0x1;
	[tilespmem:s8+$0xAA00] =	vst v10  }
0x2df: {  	v16 =	vand.u32 $0x7FFFF, v26;
	v12 =	vand.u32 $0x7FFFF, v12;
	v9 =	vmul.f32 v62, v7;
	[tilespmem:s8+$0xA400] =	vst v13  }
0x2e0: {  	v20 =	vand.u32 $0xFFFFFF00, v20;
	v15 =	vadd.s32 v1, v15;
	v8 =	vadd.s32 v1, v8;
	[tilespmem:s8+$0xA000] =	vst v19  }
0x2e1: {  	v16 =	vadd.s32 v1, v16;
	v18 =	vmul.f32 v18, v7;
	v7 =	vmul.f32 v17, v7;
	[tilespmem:s8+$0xA600] =	vst v9  }
0x2e2: {  	v25 =	vshll.u32 v15, $0x1;
	v27 =	vand.u32 $0x7F, v15;
	v11 =	vor.u32 v11, v20;
	[tilespmem:s8+$0xA800] =	vst v21  }
0x2e3: {  	v28 =	vshll.u32 v8, $0x1;
	v35 =	vshll.u32 v16, $0x1;
	v37 =	vand.u32 $0x7F, v16;
	[tilespmem:s8+$0xA200] =	vst v18  }
0x2e4: {  	v5 =	vand.u32 $0x7F, v8;
	v29 =	vsub.s32 v11, v2;
	v36 =	vand.u32 $0xFFFFFF00, v35;
	[tilespmem:s8+$0xAE00] =	vst v7  }
0x2e5: {  	v30 =	vand.u32 $0xFFFFFF00, v28;
	v32 =	vor.u32 $0x80, v29;
	[tilespmem:s8+$0x3200] =	vst v29;
	v9 =	vor.u32 v37, v36  }
0x2e6: {  	v10 =	vand.u32 $0xFFFFFF00, v25;
	v5 =	vor.u32 v5, v30;
	[tilespmem:s8+$0x4200] =	vst v32;
	v9 =	vsub.s32 v9, v2  }
0x2e7: {  	v3 =	vand.u32 $0x7FFFF, v3;
	v10 =	vor.u32 v27, v10;
	v5 =	vsub.s32 v5, v2;
	[tilespmem:s8+$0x3C00] =	vst v9  }
0x2e8: {  	v7 =	vand.u32 $0xFFFFFF00, v34;
	v13 =	vand.u32 $0x7F, v31;
	v10 =	vsub.s32 v10, v2;
	[tilespmem:s8+$0x3600] =	vst v5  }
0x2e9: {  	v12 =	vadd.s32 v1, v12;
	v7 =	vor.u32 v13, v7;
	v6 =	vor.u32 $0x80, v9;
	[tilespmem:s8+$0x3400] =	vst v10  }
0x2ea: {  	v4 =	vand.u32 $0x7FFFF, v4;
	v38 =	vshll.u32 v12, $0x1;
	v7 =	vsub.s32 v7, v2;
	[tilespmem:s8+$0x4C00] =	vst v6  }
0x2eb: {  	v12 =	vand.u32 $0x7F, v12;
	v39 =	vand.u32 $0xFFFFFF00, v38;
	v5 =	vor.u32 $0x80, v5;
	[tilespmem:s8+$0x3000] =	vst v7  }
0x2ec: {  	v3 =	vadd.s32 v1, v3;
	v40 =	vor.u32 v12, v39;
	v33 =	vor.u32 $0x80, v10;
	[tilespmem:s8+$0x4600] =	vst v5  }
0x2ed: {  	v4 =	vadd.s32 v1, v4;
	v10 =	vsub.s32 v40, v2;
	v6 =	vshll.u32 v3, $0x1;
	[tilespmem:s8+$0x4400] =	vst v33  }
0x2ee: {  	v42 =	vor.u32 $0x80, v7;
	v3 =	vand.u32 $0x7F, v3;
	[tilespmem:s8+$0x3E00] =	vst v10;
	v6 =	vand.u32 $0xFFFFFF00, v6  }
0x2ef: {  	v41 =	vor.u32 $0x80, v10;
	[tilespmem:s8+$0x4000] =	vst v42;
	v3 =	vor.u32 v3, v6;
	v6 =	vshll.u32 v4, $0x1  }
0x2f0: {  	[tilespmem:s8+$0x4E00] =	vst v41;
	v4 =	vand.u32 $0x7F, v4;
	v3 =	vsub.s32 v3, v2;
	v5 =	vand.u32 $0xFFFFFF00, v6  }
0x2f1: {  	[tilespmem:s8+$0x3800] =	vst v3;
	v3 =	vor.u32 $0x80, v3;
	v4 =	vor.u32 v4, v5  }
0x2f2: {  	[tilespmem:s8+$0x4800] =	vst v3;
	v3 =	vsub.s32 v4, v2  }
0x2f3: {  	[tilespmem:s8+$0x3A00] =	vst v3;
	v3 =	vor.u32 $0x80, v3  }
0x2f4: {  	s22 =	sshll.u32 s25, $0x9;
	p1 =	seq.s32 s25, $0x1F;
	[tilespmem:s8+$0x4A00] =	vst v3  }
0x2f5: {  	[tilespmem:s1], [sflag:$0x4] =	stream.indirect.gather [spmem:s3], $0x1, s31, s26, $0xb8;
	[tilespmem:$0x1B860] =	vst v63  }
0x2f6: {  	s9 =	simm.s32 @!p1 $0x0;
	s12 =	simm.s32 @!p1 $0x800;
	s8 =	sadd.s32 @!p1 s22, s14  }
0x2f7: {  	[tilespmem:s12], [sflag:$0x2] =	stream.linear.gather @!p1 [hbm4b:s8+s9], $0x800, $0x38;
	[tilespmem:$0x1B860] =	vst v63  }
0x2f8: {  	_ =	swait.ge [sflag:s0], $0x2000  }
0x2f9: {  	p0 =	seq.s32 s25, $0x0;
	[sflag:s0] =	ssyncset.done $0x0  }
0x2fa: {  	s8 =	simm.s32 @!p0 $0x5;
	[sflag:s0] =	ssyncadd.s32 $0xFFFFE000  }
0x2fb: {  	_ =	swait.ge @!p0 [sflag:s8], $0x400  }
0x2fc: {  	[sflag:s8] =	ssyncset.done @!p0 $0x0  }
0x2fd: {  	[sflag:s8] =	ssyncadd.s32 @!p0 $0xFFFFFC00;
	s8 =	simm.s32 $0x6000  }
0x2fe: {  	s9 =	simm.s32 $0x9800;
	v3 =	vld [tilespmem:s8+$0xFFFFF000]  }
0x2ff: {  	v4 =	vld [tilespmem:s9+$0xFFFFFE00]  }
0x300: {  	v5 =	vld [tilespmem:s8+$0x600]  }
0x301: {  	v6 =	vld [tilespmem:s8+$0x400]  }
0x302: {  	v7 =	vld [tilespmem:s9+$0xFFFFFC00]  }
0x303: {  	v43 =	vld [tilespmem:s9+$0xFFFFFA00]  }
0x304: {  	v44 =	vld [tilespmem:s8+$0x200]  }
0x305: {  	v45 =	vld [tilespmem:s9+$0xFFFFF800]  }
0x306: {  	v46 =	vld [tilespmem:s8+$0x0]  }
0x307: {  	v47 =	vld [tilespmem:s8+$0xFFFFFE00]  }
0x308: {  	v48 =	vld [tilespmem:s8+$0xFFFFF200]  }
0x309: {  	v49 =	vld [tilespmem:s8+$0xFFFFFC00]  }
0x30a: {  	v50 =	vld [tilespmem:s8+$0xFFFFF400]  }
0x30b: {  	v51 =	vld [tilespmem:s8+$0xFFFFFA00];
	v3 =	vmul.f32 v3, v45  }
0x30c: {  	v52 =	vld [tilespmem:s8+$0xFFFFF600];
	v10 =	vmul.f32 v46, v45  }
0x30d: {  	v53 =	vld [tilespmem:s8+$0xFFFFF800];
	v13 =	vmul.f32 v48, v43;
	v3 =	vadd.f32 $0.0e+00, v3  }
0x30e: {  	v55 =	vld [tilespmem:s9+$0x0];
	v8 =	vmul.f32 v44, v43;
	v54 =	vadd.f32 $0.0e+00, v10  }
0x30f: {  	v57 =	vld [tilespmem:s8+$0x800];
	v56 =	vmul.f32 v50, v7;
	v3 =	vadd.f32 v13, v3  }
0x310: {  	v58 =	vld [tilespmem:s9+$0x200];
	v6 =	vmul.f32 v6, v7;
	v7 =	vadd.f32 v8, v54  }
0x311: {  	v60 =	vld [tilespmem:s8+$0xA00];
	v59 =	vmul.f32 v52, v4;
	v3 =	vadd.f32 v56, v3  }
0x312: {  	v4 =	vmul.f32 v5, v4;
	v5 =	vadd.f32 v6, v7;
	v6 =	vld [tilespmem:s9+$0x400]  }
0x313: {  	v61 =	vld [tilespmem:s8+$0xC00];
	v7 =	vmul.f32 v53, v55;
	v3 =	vadd.f32 v59, v3  }
0x314: {  	v62 =	vld [tilespmem:s9+$0x600];
	v4 =	vadd.f32 v4, v5;
	v5 =	vmul.f32 v57, v55  }
0x315: {  	v63 =	vld [tilespmem:s8+$0xE00];
	v3 =	vadd.f32 v7, v3;
	v7 =	vmul.f32 v51, v58  }
0x316: {  	v4 =	vadd.f32 v5, v4;
	v5 =	vmul.f32 v60, v58  }
0x317: {  	v3 =	vadd.f32 v7, v3;
	v7 =	vmul.f32 v49, v6  }
0x318: {  	v4 =	vadd.f32 v5, v4;
	v5 =	vmul.f32 v61, v6  }
0x319: {  	v6 =	vmul.f32 v47, v62;
	v3 =	vadd.f32 v7, v3  }
0x31a: {  	s12 =	simm.s32 $0x0;
	v5 =	vadd.f32 v5, v4;
	v7 =	vmul.f32 v63, v62  }
0x31b: {  	s16 =	sand.u32 $0x300, s12;
	s21 =	sand.u32 $0x70, s12;
	v4 =	vadd.f32 v6, v3  }
0x31c: {  	s13 =	simm.s32 $0x10;
	s19 =	sor.u32 s21, s16;
	v3 =	vadd.f32 v7, v5  }
.LBB2_26:
0x31d: {  	[tilespmem:s19+$0xB000] =	vst v4;
	s12 =	sadd.s32 $0x20, s12;
	s8 =	sadd.s32 $0x10, s8;
	s9 =	sadd.s32 $0x10, s9  }
0x31e: {  	p2 =	sne.s32 s13, $0x1F0;
	[tilespmem:s19+$0xB080] =	vst v3;
	s19 =	smov.u32 s13;
	s13 =	sadd.s32 $0x10, s13  }
0x31f: {  	v3 =	vld [tilespmem:s8+$0xFFFFF000]  }
0x320: {  	v4 =	vld [tilespmem:s9+$0xFFFFFE00]  }
0x321: {  	v5 =	vld [tilespmem:s8+$0x600]  }
0x322: {  	v6 =	vld [tilespmem:s8+$0x400]  }
0x323: {  	v7 =	vld [tilespmem:s9+$0xFFFFFC00]  }
0x324: {  	v8 =	vld [tilespmem:s9+$0xFFFFFA00]  }
0x325: {  	v9 =	vld [tilespmem:s8+$0x200]  }
0x326: {  	v10 =	vld [tilespmem:s9+$0xFFFFF800]  }
0x327: {  	v11 =	vld [tilespmem:s8+$0x0]  }
0x328: {  	v6 =	vmul.f32 v6, v7;
	v12 =	vld [tilespmem:s8+$0xFFFFFE00]  }
0x329: {  	v13 =	vld [tilespmem:s8+$0xFFFFF200]  }
0x32a: {  	v5 =	vmul.f32 v5, v4;
	v9 =	vmul.f32 v9, v8;
	v14 =	vld [tilespmem:s8+$0xFFFFFC00]  }
0x32b: {  	v15 =	vld [tilespmem:s8+$0xFFFFF400]  }
0x32c: {  	v3 =	vmul.f32 v3, v10;
	v10 =	vmul.f32 v11, v10;
	v11 =	vld [tilespmem:s8+$0xFFFFFA00]  }
0x32d: {  	v16 =	vld [tilespmem:s8+$0xFFFFF600]  }
0x32e: {  	v3 =	vadd.f32 $0.0e+00, v3;
	v10 =	vadd.f32 $0.0e+00, v10;
	v8 =	vmul.f32 v13, v8;
	v13 =	vld [tilespmem:s8+$0xFFFFF800]  }
0x32f: {  	v17 =	vld [tilespmem:s9+$0x0]  }
0x330: {  	v3 =	vadd.f32 v8, v3;
	v8 =	vadd.f32 v9, v10;
	v7 =	vmul.f32 v15, v7;
	v9 =	vld [tilespmem:s8+$0x800]  }
0x331: {  	v10 =	vld [tilespmem:s9+$0x200]  }
0x332: {  	v3 =	vadd.f32 v7, v3;
	v6 =	vadd.f32 v6, v8;
	v4 =	vmul.f32 v16, v4;
	v7 =	vld [tilespmem:s8+$0xA00]  }
0x333: {  	v8 =	vld [tilespmem:s9+$0x400]  }
0x334: {  	v3 =	vadd.f32 v4, v3;
	v4 =	vadd.f32 v5, v6;
	v5 =	vmul.f32 v13, v17;
	v6 =	vld [tilespmem:s8+$0xC00]  }
0x335: {  	v9 =	vmul.f32 v9, v17;
	v13 =	vld [tilespmem:s9+$0x600]  }
0x336: {  	v3 =	vadd.f32 v5, v3;
	v5 =	vmul.f32 v11, v10;
	v11 =	vld [tilespmem:s8+$0xE00]  }
0x337: {  	v4 =	vadd.f32 v9, v4;
	v7 =	vmul.f32 v7, v10  }
0x338: {  	v3 =	vadd.f32 v5, v3;
	v5 =	vmul.f32 v14, v8  }
.Ltmp13:
0x339: {  	v4 =	vadd.f32 v7, v4;
	v6 =	vmul.f32 v6, v8;
	(pc) =	sbr.rel @p2 .LBB2_26-.Ltmp13, $4  }
0x33a: {  	v3 =	vadd.f32 v5, v3;
	v5 =	vmul.f32 v12, v13  }
0x33b: {  	v6 =	vadd.f32 v6, v4;
	v7 =	vmul.f32 v11, v13  }
0x33c: {  	s16 =	sand.u32 $0x300, s12;
	s19 =	sand.u32 $0x70, s19;
	v4 =	vadd.f32 v5, v3  }
0x33d: {  	s19 =	sor.u32 s19, s16;
	v3 =	vadd.f32 v7, v6  }
.Ltmp14:
0x33e: {  	s21 =	sshll.u32 s25, $0xB;
	(pc) =	sbr.rel @p1 .LBB2_31-.Ltmp14, $4  }
0x33f: {  	s8 =	sadd.s32 s18, s21  }
0x340: {  	[tilespmem:s19+$0xB000] =	vst v4;
	s8 =	sshrl.u32 s8, $0x3  }
0x341: {  	[tilespmem:s19+$0xB080] =	vst v3;
	s8 =	sadd.s32 s2, s8  }
0x342: {  	[hbm4b:s8+s4] =	stream.linear.scatter [tilespmem:s6], [sflag:$0x5], $0x400, $0x38;
	[tilespmem:$0x1B860] =	vst v63  }
0x343: {  	_ =	swait.ge [sflag:s24], $0x800;
	s19 =	simm.s32 $0x0  }
0x344: {  	[sflag:s24] =	ssyncset.done $0x0;
	s8 =	sand.u32 $0x600, s19;
	s9 =	sand.u32 $0x70, s19  }
0x345: {  	[sflag:s24] =	ssyncadd.s32 $0xFFFFF800;
	s8 =	sor.u32 s9, s8  }
0x346: {  	v3 =	vld [tilespmem:s8+$0x100]  }
0x347: {  	v4 =	vld [tilespmem:s8+$0x0]  }
0x348: {  	v5 =	vld [tilespmem:s8+$0x80];
	_ =	sdelay $0x2  }
0x349: {  	v3 =	vmul.f32 v3, v0  }
0x34a: {  	v4 =	vmul.f32 v4, v0  }
0x34b: {  	v5 =	vmul.f32 v5, v0;
	v10 =	vadd.f32 $5.000000000e-01, v3  }
0x34c: {  	v6 =	vadd.f32 $5.000000000e-01, v4  }
0x34d: {  	v9 =	vadd.f32 $5.000000000e-01, v5;
	v3 =	vtrunc.f32 v10  }
0x34e: {  	v4 =	vtrunc.f32 v6;
	v5 =	vcvt.f32.s32 v3  }
0x34f: {  	v3 =	vcvt.f32.s32 v4;
	v4 =	vtrunc.f32 v9  }
0x350: {  	v4 =	vcvt.f32.s32 v4  }
0x351: {  	v7 =	vcvt.s32.f32 v3;
	v8 =	vmul.u32 $0x30025795, v5  }
0x352: {  	v12 =	vcvt.s32.f32 v5;
	v11 =	vcvt.s32.f32 v4;
	v5 =	vmul.u32 $0x9E3779B1, v4  }
0x353: {  	v4 =	vadd.s32 $0x1, v3;
	v7 =	vsub.f32 v6, v7;
	v6 =	vadd.s32 $0x30025795, v8  }
0x354: {  	s9 =	simm.s32 $0x10;
	s8 =	simm.s32 $0x0;
	v10 =	vsub.f32 v10, v12;
	v9 =	vsub.f32 v9, v11;
	v11 =	vxor.u32 v5, v8  }
.LBB2_29:
0x355: {  	p1 =	sne.s32 s9, $0x1F0  }
0x356: {  	v12 =	vadd.s32 $0x9E3779B1, v5;
	v13 =	vsub.f32 $1.000000000e+00, v7;
	v14 =	vxor.u32 v3, v11;
	s19 =	sadd.s32 $0x40, s19;
	s13 =	smov.u32 s9;
	s9 =	sadd.s32 $0x10, s9  }
0x357: {  	v11 =	vxor.u32 v4, v11;
	v15 =	vsub.f32 $1.000000000e+00, v9;
	v16 =	vsub.f32 $1.000000000e+00, v10  }
0x358: {  	v8 =	vxor.u32 v8, v12;
	v17 =	vmul.f32 v10, v9;
	v14 =	vand.u32 $0x7FFFF, v14  }
0x359: {  	v11 =	vand.u32 $0x7FFFF, v11;
	v18 =	vmul.f32 v16, v15;
	v10 =	vmul.f32 v10, v15  }
0x35a: {  	v9 =	vmul.f32 v16, v9;
	v15 =	vxor.u32 v3, v8;
	v16 =	vmul.f32 v17, v13  }
0x35b: {  	s12 =	sshra.s32 s8, $0x2;
	s8 =	smov.u32 s19;
	v11 =	vadd.s32 v1, v11;
	v19 =	vmul.f32 v18, v13;
	v18 =	vmul.f32 v18, v7  }
0x35c: {  	v20 =	vshll.u32 v11, $0x1;
	v21 =	vmul.f32 v10, v13;
	v10 =	vmul.f32 v10, v7;
	[tilespmem:s12+$0x9C00] =	vst v16  }
0x35d: {  	v13 =	vmul.f32 v9, v13;
	v9 =	vmul.f32 v9, v7;
	v16 =	vand.u32 $0xFFFFFF00, v20  }
0x35e: {  	v8 =	vxor.u32 v4, v8;
	v15 =	vand.u32 $0x7FFFF, v15;
	v7 =	vmul.f32 v17, v7;
	[tilespmem:s12+$0x9A00] =	vst v10  }
0x35f: {  	v8 =	vand.u32 $0x7FFFF, v8;
	v10 =	vxor.u32 v12, v6;
	v12 =	vadd.s32 v1, v15;
	[tilespmem:s12+$0x9400] =	vst v13  }
0x360: {  	v8 =	vadd.s32 v1, v8;
	v13 =	vshll.u32 v12, $0x1;
	v15 =	vxor.u32 v3, v10;
	[tilespmem:s12+$0x9000] =	vst v19  }
0x361: {  	v11 =	vand.u32 $0x7F, v11;
	v12 =	vand.u32 $0x7F, v12;
	v13 =	vand.u32 $0xFFFFFF00, v13;
	[tilespmem:s12+$0x9600] =	vst v9  }
0x362: {  	v9 =	vor.u32 v11, v16;
	v11 =	vor.u32 v12, v13;
	v12 =	vshll.u32 v8, $0x1  }
0x363: {  	v9 =	vsub.s32 v9, v2;
	v11 =	vsub.s32 v11, v2;
	v12 =	vand.u32 $0xFFFFFF00, v12;
	[tilespmem:s12+$0x9800] =	vst v21  }
0x364: {  	v13 =	vadd.s32 v1, v14;
	v14 =	vor.u32 $0x80, v9;
	v16 =	vor.u32 $0x80, v11;
	[tilespmem:s12+$0x9200] =	vst v18  }
0x365: {  	v10 =	vxor.u32 v4, v10;
	v15 =	vand.u32 $0x7FFFF, v15;
	v17 =	vshll.u32 v13, $0x1;
	[tilespmem:s12+$0x9E00] =	vst v7  }
0x366: {  	v10 =	vand.u32 $0x7FFFF, v10;
	v7 =	vand.u32 $0xFFFFFF00, v17;
	[tilespmem:s12+$0x2200] =	vst v14;
	v14 =	vadd.s32 v1, v15  }
0x367: {  	v10 =	vadd.s32 v1, v10;
	v13 =	vand.u32 $0x7F, v13;
	[tilespmem:s12+$0x1200] =	vst v9;
	v9 =	vshll.u32 v14, $0x1  }
0x368: {  	v15 =	vshll.u32 v10, $0x1;
	v14 =	vand.u32 $0x7F, v14;
	[tilespmem:s12+$0x2400] =	vst v16;
	v9 =	vand.u32 $0xFFFFFF00, v9  }
0x369: {  	v10 =	vand.u32 $0x7F, v10;
	[tilespmem:s12+$0x1400] =	vst v11;
	v9 =	vor.u32 v14, v9;
	v11 =	vand.u32 $0xFFFFFF00, v15  }
0x36a: {  	v7 =	vor.u32 v13, v7;
	v9 =	vsub.s32 v9, v2;
	v10 =	vor.u32 v10, v11  }
0x36b: {  	v7 =	vsub.s32 v7, v2;
	[tilespmem:s12+$0x1C00] =	vst v9;
	v9 =	vor.u32 $0x80, v9;
	v10 =	vsub.s32 v10, v2  }
0x36c: {  	v5 =	vxor.u32 v5, v6;
	v6 =	vor.u32 $0x80, v7;
	[tilespmem:s12+$0x1E00] =	vst v10;
	v10 =	vor.u32 $0x80, v10  }
0x36d: {  	v3 =	vxor.u32 v3, v5;
	v4 =	vxor.u32 v4, v5;
	[tilespmem:s12+$0x2E00] =	vst v10  }
0x36e: {  	v3 =	vand.u32 $0x7FFFF, v3;
	v4 =	vand.u32 $0x7FFFF, v4;
	[tilespmem:s12+$0x2C00] =	vst v9  }
0x36f: {  	v5 =	vand.u32 $0x7F, v8;
	v3 =	vadd.s32 v1, v3;
	v4 =	vadd.s32 v1, v4;
	[tilespmem:s12+$0x2000] =	vst v6  }
0x370: {  	s16 =	sand.u32 $0x600, s19;
	s13 =	sand.u32 $0x70, s13;
	v5 =	vor.u32 v5, v12;
	v6 =	vshll.u32 v3, $0x1;
	v3 =	vand.u32 $0x7F, v3;
	[tilespmem:s12+$0x1000] =	vst v7  }
0x371: {  	s13 =	sor.u32 s13, s16;
	v5 =	vsub.s32 v5, v2;
	v6 =	vand.u32 $0xFFFFFF00, v6;
	v7 =	vand.u32 $0x7F, v4  }
0x372: {  	v4 =	vshll.u32 v4, $0x1;
	v3 =	vor.u32 v3, v6;
	[tilespmem:s12+$0x1600] =	vst v5;
	v5 =	vor.u32 $0x80, v5  }
0x373: {  	v4 =	vand.u32 $0xFFFFFF00, v4;
	v3 =	vsub.s32 v3, v2;
	[tilespmem:s12+$0x2600] =	vst v5  }
0x374: {  	v4 =	vor.u32 v7, v4;
	[tilespmem:s12+$0x1800] =	vst v3;
	v3 =	vor.u32 $0x80, v3  }
0x375: {  	[tilespmem:s12+$0x2800] =	vst v3;
	v3 =	vsub.s32 v4, v2  }
0x376: {  	[tilespmem:s12+$0x1A00] =	vst v3;
	v3 =	vor.u32 $0x80, v3  }
0x377: {  	[tilespmem:s12+$0x2A00] =	vst v3  }
0x378: {  	v3 =	vld [tilespmem:s13+$0x0]  }
0x379: {  	v4 =	vld [tilespmem:s13+$0x100]  }
0x37a: {  	v5 =	vld [tilespmem:s13+$0x80];
	_ =	sdelay $0x3  }
0x37b: {  	v4 =	vmul.f32 v4, v0  }
0x37c: {  	v3 =	vmul.f32 v3, v0;
	v5 =	vmul.f32 v5, v0  }
0x37d: {  	v10 =	vadd.f32 $5.000000000e-01, v4  }
0x37e: {  	v6 =	vadd.f32 $5.000000000e-01, v3;
	v9 =	vadd.f32 $5.000000000e-01, v5  }
0x37f: {  	v3 =	vtrunc.f32 v10  }
0x380: {  	v4 =	vtrunc.f32 v6;
	v5 =	vcvt.f32.s32 v3  }
0x381: {  	v3 =	vcvt.f32.s32 v4;
	v4 =	vtrunc.f32 v9  }
.Ltmp15:
0x382: {  	v7 =	vcvt.f32.s32 v4;
	(pc) =	sbr.rel @p1 .LBB2_29-.Ltmp15, $4  }
0x383: {  	v11 =	vcvt.s32.f32 v3;
	v4 =	vadd.s32 $0x1, v3;
	v8 =	vmul.u32 $0x30025795, v5  }
0x384: {  	v13 =	vcvt.s32.f32 v5;
	v12 =	vcvt.s32.f32 v7;
	v5 =	vmul.u32 $0x9E3779B1, v7  }
0x385: {  	v7 =	vsub.f32 v6, v11;
	v6 =	vadd.s32 $0x30025795, v8  }
0x386: {  	v10 =	vsub.f32 v10, v13;
	v9 =	vsub.f32 v9, v12;
	v11 =	vxor.u32 v5, v8  }
0x387: {  	v12 =	vadd.s32 $0x9E3779B1, v5;
	v13 =	vsub.f32 $1.000000000e+00, v7  }
0x388: {  	v14 =	vxor.u32 v3, v11;
	v32 =	vxor.u32 v4, v11;
	v55 =	vxor.u32 v5, v6  }
0x389: {  	v15 =	vsub.f32 $1.000000000e+00, v9;
	v16 =	vsub.f32 $1.000000000e+00, v10;
	v8 =	vxor.u32 v8, v12  }
0x38a: {  	v17 =	vmul.f32 v10, v9;
	v14 =	vand.u32 $0x7FFFF, v14;
	v11 =	vand.u32 $0x7FFFF, v32  }
0x38b: {  	v12 =	vxor.u32 v12, v6;
	v59 =	vxor.u32 v4, v55;
	v35 =	vxor.u32 v3, v8  }
0x38c: {  	v11 =	vadd.s32 v1, v11;
	v8 =	vxor.u32 v4, v8;
	v39 =	vxor.u32 v3, v12  }
0x38d: {  	v44 =	vadd.s32 v1, v14;
	v12 =	vxor.u32 v4, v12;
	v18 =	vmul.f32 v16, v15  }
0x38e: {  	v3 =	vxor.u32 v3, v55;
	v33 =	vmul.f32 v10, v15;
	v34 =	vmul.f32 v16, v9  }
0x38f: {  	v36 =	vmul.f32 v17, v13;
	v20 =	vshll.u32 v11, $0x1;
	v15 =	vand.u32 $0x7FFFF, v35  }
0x390: {  	s8 =	sshra.s32 s8, $0x2;
	v37 =	vmul.f32 v17, v7;
	v8 =	vand.u32 $0x7FFFF, v8;
	v11 =	vand.u32 $0x7F, v11  }
0x391: {  	v16 =	vand.u32 $0x7FFFF, v39;
	v19 =	vmul.f32 v18, v13;
	v10 =	vmul.f32 v33, v7;
	[tilespmem:s8+$0x9C00] =	vst v36  }
0x392: {  	v3 =	vand.u32 $0x7FFFF, v3;
	v21 =	vmul.f32 v33, v13;
	v13 =	vmul.f32 v34, v13;
	[tilespmem:s8+$0x9E00] =	vst v37  }
0x393: {  	v20 =	vand.u32 $0xFFFFFF00, v20;
	v15 =	vadd.s32 v1, v15;
	v8 =	vadd.s32 v1, v8;
	[tilespmem:s8+$0x9A00] =	vst v10  }
0x394: {  	v16 =	vadd.s32 v1, v16;
	v3 =	vadd.s32 v1, v3;
	v9 =	vmul.f32 v34, v7;
	[tilespmem:s8+$0x9400] =	vst v13  }
0x395: {  	v18 =	vmul.f32 v18, v7;
	v38 =	vshll.u32 v15, $0x1;
	v40 =	vand.u32 $0x7F, v15;
	[tilespmem:s8+$0x9000] =	vst v19  }
0x396: {  	v11 =	vor.u32 v11, v20;
	v41 =	vshll.u32 v8, $0x1;
	v49 =	vshll.u32 v16, $0x1;
	[tilespmem:s8+$0x9600] =	vst v9  }
0x397: {  	v51 =	vand.u32 $0x7F, v16;
	v60 =	vand.u32 $0x7F, v8;
	v61 =	vshll.u32 v3, $0x1;
	[tilespmem:s8+$0x9800] =	vst v21  }
0x398: {  	v3 =	vand.u32 $0x7F, v3;
	v42 =	vsub.s32 v11, v2;
	v50 =	vand.u32 $0xFFFFFF00, v49;
	[tilespmem:s8+$0x9200] =	vst v18  }
0x399: {  	v43 =	vand.u32 $0xFFFFFF00, v41;
	v45 =	vor.u32 $0x80, v42;
	[tilespmem:s8+$0x1200] =	vst v42;
	v9 =	vor.u32 v51, v50  }
0x39a: {  	v6 =	vand.u32 $0xFFFFFF00, v61;
	v5 =	vor.u32 v60, v43;
	[tilespmem:s8+$0x2200] =	vst v45;
	v9 =	vsub.s32 v9, v2  }
0x39b: {  	v10 =	vand.u32 $0xFFFFFF00, v38;
	v3 =	vor.u32 v3, v6;
	v5 =	vsub.s32 v5, v2;
	[tilespmem:s8+$0x1C00] =	vst v9  }
0x39c: {  	v47 =	vshll.u32 v44, $0x1;
	v10 =	vor.u32 v40, v10;
	v3 =	vsub.s32 v3, v2;
	[tilespmem:s8+$0x1600] =	vst v5  }
0x39d: {  	v48 =	vand.u32 $0xFFFFFF00, v47;
	v13 =	vand.u32 $0x7F, v44;
	v10 =	vsub.s32 v10, v2;
	[tilespmem:s8+$0x1800] =	vst v3  }
0x39e: {  	v12 =	vand.u32 $0x7FFFF, v12;
	v7 =	vor.u32 v13, v48;
	v56 =	vor.u32 $0x80, v9;
	[tilespmem:s8+$0x1400] =	vst v10  }
0x39f: {  	v4 =	vand.u32 $0x7FFFF, v59;
	v12 =	vadd.s32 v1, v12;
	v7 =	vsub.s32 v7, v2;
	[tilespmem:s8+$0x2C00] =	vst v56  }
0x3a0: {  	v4 =	vadd.s32 v1, v4;
	v52 =	vshll.u32 v12, $0x1;
	v5 =	vor.u32 $0x80, v5;
	[tilespmem:s8+$0x1000] =	vst v7  }
0x3a1: {  	v12 =	vand.u32 $0x7F, v12;
	v53 =	vand.u32 $0xFFFFFF00, v52;
	v3 =	vor.u32 $0x80, v3;
	[tilespmem:s8+$0x2600] =	vst v5  }
0x3a2: {  	v62 =	vshll.u32 v4, $0x1;
	v54 =	vor.u32 v12, v53;
	v46 =	vor.u32 $0x80, v10;
	[tilespmem:s8+$0x2800] =	vst v3  }
0x3a3: {  	v4 =	vand.u32 $0x7F, v4;
	v63 =	vand.u32 $0xFFFFFF00, v62;
	v10 =	vsub.s32 v54, v2;
	[tilespmem:s8+$0x2400] =	vst v46  }
0x3a4: {  	p1 =	slt.u32 s25, $0x1E;
	v4 =	vor.u32 v4, v63;
	v58 =	vor.u32 $0x80, v7;
	[tilespmem:s8+$0x1E00] =	vst v10  }
.Ltmp16:
0x3a5: {  	v3 =	vsub.s32 v4, v2;
	[tilespmem:s8+$0x2000] =	vst v58;
	(pc) =	sbr.rel @!p1 .LBB2_31-.Ltmp16, $4  }
0x3a6: {  	v57 =	vor.u32 $0x80, v10;
	[tilespmem:s8+$0x1A00] =	vst v3  }
0x3a7: {  	v3 =	vor.u32 $0x80, v3;
	[tilespmem:s8+$0x2E00] =	vst v57  }
0x3a8: {  	[tilespmem:s8+$0x2A00] =	vst v3  }
0x3a9: {  	[tilespmem:s29], [sflag:$0x3] =	stream.indirect.gather [spmem:s3], $0x1, s28, s26, $0xb8;
	[tilespmem:$0x1B860] =	vst v63  }
0x3aa: {  	s8 =	sadd.s32 s22, s15  }
0x3ab: {  	[tilespmem:s4], [sflag:$0x1] =	stream.linear.gather [hbm4b:s8+s4], $0x800, $0x38;
	[tilespmem:$0x1B860] =	vst v63  }
.Ltmp17:
0x3ac: {  	_ = 	snop;
	(pc) =	sbr.rel @!p0 .LBB2_33-.Ltmp17, $4  }
.Ltmp18:
0x3ad: {  	_ = 	snop;
	(pc) =	sbr.rel @p0 .LBB2_34-.Ltmp18, $4  }
0x3ae: {  	_ =	swait.ge [sflag:s7], $0x2000  }
0x3af: {  	[sflag:s7] =	ssyncset.done $0x0  }
0x3b0: {  	[sflag:s7] =	ssyncadd.s32 $0xFFFFE000  }
0x3b1: {  	_ = 	snop  }
.LBB2_31:
0x3b2: {  	_ =	swait.ge [sflag:s7], $0x2000  }
0x3b3: {  	[sflag:s7] =	ssyncset.done $0x0  }
0x3b4: {  	[sflag:s7] =	ssyncadd.s32 $0xFFFFE000  }
.LBB2_33:
0x3b5: {  	_ =	swait.ge [sflag:s11], $0x400  }
0x3b6: {  	[sflag:s11] =	ssyncset.done $0x0  }
0x3b7: {  	[sflag:s11] =	ssyncadd.s32 $0xFFFFFC00  }
.LBB2_34:
0x3b8: {  	s8 =	simm.s32 $0x8000  }
0x3b9: {  	s9 =	simm.s32 $0xA800;
	v3 =	vld [tilespmem:s8+$0xFFFFF000]  }
0x3ba: {  	v4 =	vld [tilespmem:s9+$0xFFFFFE00]  }
0x3bb: {  	v5 =	vld [tilespmem:s8+$0x600]  }
0x3bc: {  	v6 =	vld [tilespmem:s8+$0x400]  }
0x3bd: {  	v7 =	vld [tilespmem:s9+$0xFFFFFC00]  }
0x3be: {  	v8 =	vld [tilespmem:s9+$0xFFFFFA00]  }
0x3bf: {  	v9 =	vld [tilespmem:s8+$0x200]  }
0x3c0: {  	v10 =	vld [tilespmem:s9+$0xFFFFF800]  }
0x3c1: {  	v11 =	vld [tilespmem:s8+$0x0]  }
0x3c2: {  	v12 =	vld [tilespmem:s8+$0xFFFFFE00]  }
0x3c3: {  	v13 =	vld [tilespmem:s8+$0xFFFFF200]  }
0x3c4: {  	v14 =	vld [tilespmem:s8+$0xFFFFFC00]  }
0x3c5: {  	v15 =	vld [tilespmem:s8+$0xFFFFF400]  }
0x3c6: {  	v16 =	vld [tilespmem:s8+$0xFFFFFA00];
	v3 =	vmul.f32 v3, v10  }
0x3c7: {  	v53 =	vld [tilespmem:s8+$0xFFFFF600];
	v10 =	vmul.f32 v11, v10  }
0x3c8: {  	v17 =	vld [tilespmem:s8+$0xFFFFF800];
	v13 =	vmul.f32 v13, v8;
	v3 =	vadd.f32 $0.0e+00, v3  }
0x3c9: {  	v55 =	vld [tilespmem:s9+$0x0];
	v8 =	vmul.f32 v9, v8;
	v54 =	vadd.f32 $0.0e+00, v10  }
0x3ca: {  	v57 =	vld [tilespmem:s8+$0x800];
	v56 =	vmul.f32 v15, v7;
	v3 =	vadd.f32 v13, v3  }
0x3cb: {  	v58 =	vld [tilespmem:s9+$0x200];
	v6 =	vmul.f32 v6, v7;
	v7 =	vadd.f32 v8, v54  }
0x3cc: {  	v60 =	vld [tilespmem:s8+$0xA00];
	v59 =	vmul.f32 v53, v4;
	v3 =	vadd.f32 v56, v3  }
0x3cd: {  	v4 =	vmul.f32 v5, v4;
	v5 =	vadd.f32 v6, v7;
	v6 =	vld [tilespmem:s9+$0x400]  }
0x3ce: {  	v61 =	vld [tilespmem:s8+$0xC00];
	v7 =	vmul.f32 v17, v55;
	v3 =	vadd.f32 v59, v3  }
0x3cf: {  	v62 =	vld [tilespmem:s9+$0x600];
	v4 =	vadd.f32 v4, v5;
	v5 =	vmul.f32 v57, v55  }
0x3d0: {  	v63 =	vld [tilespmem:s8+$0xE00];
	v3 =	vadd.f32 v7, v3;
	v7 =	vmul.f32 v16, v58  }
0x3d1: {  	v4 =	vadd.f32 v5, v4;
	v5 =	vmul.f32 v60, v58  }
0x3d2: {  	v3 =	vadd.f32 v7, v3;
	v7 =	vmul.f32 v14, v6  }
0x3d3: {  	v4 =	vadd.f32 v5, v4;
	v5 =	vmul.f32 v61, v6  }
0x3d4: {  	v6 =	vmul.f32 v12, v62;
	v3 =	vadd.f32 v7, v3  }
0x3d5: {  	s12 =	simm.s32 $0x0;
	v5 =	vadd.f32 v5, v4;
	v7 =	vmul.f32 v63, v62  }
0x3d6: {  	s16 =	sand.u32 $0x300, s12;
	s19 =	sand.u32 $0x70, s12;
	v4 =	vadd.f32 v6, v3  }
0x3d7: {  	s13 =	simm.s32 $0x10;
	s19 =	sor.u32 s19, s16;
	v3 =	vadd.f32 v7, v5  }
.LBB2_35:
0x3d8: {  	[tilespmem:s19+$0xB400] =	vst v4;
	s12 =	sadd.s32 $0x20, s12;
	s8 =	sadd.s32 $0x10, s8;
	s9 =	sadd.s32 $0x10, s9  }
0x3d9: {  	p0 =	sne.s32 s13, $0x1F0;
	[tilespmem:s19+$0xB480] =	vst v3;
	s19 =	smov.u32 s13;
	s13 =	sadd.s32 $0x10, s13  }
0x3da: {  	v3 =	vld [tilespmem:s8+$0xFFFFF000]  }
0x3db: {  	v4 =	vld [tilespmem:s9+$0xFFFFFE00]  }
0x3dc: {  	v5 =	vld [tilespmem:s8+$0x600]  }
0x3dd: {  	v6 =	vld [tilespmem:s8+$0x400]  }
0x3de: {  	v7 =	vld [tilespmem:s9+$0xFFFFFC00]  }
0x3df: {  	v8 =	vld [tilespmem:s9+$0xFFFFFA00]  }
0x3e0: {  	v9 =	vld [tilespmem:s8+$0x200]  }
0x3e1: {  	v10 =	vld [tilespmem:s9+$0xFFFFF800]  }
0x3e2: {  	v11 =	vld [tilespmem:s8+$0x0]  }
0x3e3: {  	v6 =	vmul.f32 v6, v7;
	v12 =	vld [tilespmem:s8+$0xFFFFFE00]  }
0x3e4: {  	v13 =	vld [tilespmem:s8+$0xFFFFF200]  }
0x3e5: {  	v5 =	vmul.f32 v5, v4;
	v9 =	vmul.f32 v9, v8;
	v14 =	vld [tilespmem:s8+$0xFFFFFC00]  }
0x3e6: {  	v15 =	vld [tilespmem:s8+$0xFFFFF400]  }
0x3e7: {  	v3 =	vmul.f32 v3, v10;
	v10 =	vmul.f32 v11, v10;
	v11 =	vld [tilespmem:s8+$0xFFFFFA00]  }
0x3e8: {  	v16 =	vld [tilespmem:s8+$0xFFFFF600]  }
0x3e9: {  	v3 =	vadd.f32 $0.0e+00, v3;
	v10 =	vadd.f32 $0.0e+00, v10;
	v8 =	vmul.f32 v13, v8;
	v13 =	vld [tilespmem:s8+$0xFFFFF800]  }
0x3ea: {  	v17 =	vld [tilespmem:s9+$0x0]  }
0x3eb: {  	v3 =	vadd.f32 v8, v3;
	v8 =	vadd.f32 v9, v10;
	v7 =	vmul.f32 v15, v7;
	v9 =	vld [tilespmem:s8+$0x800]  }
0x3ec: {  	v10 =	vld [tilespmem:s9+$0x200]  }
0x3ed: {  	v3 =	vadd.f32 v7, v3;
	v6 =	vadd.f32 v6, v8;
	v4 =	vmul.f32 v16, v4;
	v7 =	vld [tilespmem:s8+$0xA00]  }
0x3ee: {  	v8 =	vld [tilespmem:s9+$0x400]  }
0x3ef: {  	v3 =	vadd.f32 v4, v3;
	v4 =	vadd.f32 v5, v6;
	v5 =	vmul.f32 v13, v17;
	v6 =	vld [tilespmem:s8+$0xC00]  }
0x3f0: {  	v9 =	vmul.f32 v9, v17;
	v13 =	vld [tilespmem:s9+$0x600]  }
0x3f1: {  	v3 =	vadd.f32 v5, v3;
	v5 =	vmul.f32 v11, v10;
	v11 =	vld [tilespmem:s8+$0xE00]  }
0x3f2: {  	v4 =	vadd.f32 v9, v4;
	v7 =	vmul.f32 v7, v10  }
0x3f3: {  	v3 =	vadd.f32 v5, v3;
	v5 =	vmul.f32 v14, v8  }
.Ltmp19:
0x3f4: {  	v4 =	vadd.f32 v7, v4;
	v6 =	vmul.f32 v6, v8;
	(pc) =	sbr.rel @p0 .LBB2_35-.Ltmp19, $4  }
0x3f5: {  	v3 =	vadd.f32 v5, v3;
	v5 =	vmul.f32 v12, v13  }
0x3f6: {  	v6 =	vadd.f32 v6, v4;
	v7 =	vmul.f32 v11, v13  }
0x3f7: {  	s16 =	sand.u32 $0x300, s12;
	s19 =	sand.u32 $0x70, s19;
	v4 =	vadd.f32 v5, v3  }
0x3f8: {  	s19 =	sor.u32 s19, s16;
	v3 =	vadd.f32 v7, v6  }
0x3f9: {  	s25 =	sadd.s32 $0x1, s25  }
0x3fa: {  	p0 =	sne.s32 s25, $0x20  }
.Ltmp20:
0x3fb: {  	_ = 	snop;
	(pc) =	sbr.rel @p0 .LBB2_23-.Ltmp20, $4  }
0x3fc: {  	s8 =	sadd.s32 s23, s21  }
0x3fd: {  	[tilespmem:s19+$0xB400] =	vst v4;
	s8 =	sshrl.u32 s8, $0x3  }
0x3fe: {  	[tilespmem:s19+$0xB480] =	vst v3;
	s8 =	sadd.s32 s2, s8  }
0x3ff: {  	[hbm4b:s8+s4] =	stream.linear.scatter [tilespmem:s17], [sflag:$0x6], $0x400, $0x38;
	[tilespmem:$0x1B860] =	vst v63  }
0x400: {  	s8 =	simm.s32 $0x5;
	s5 =	sadd.s32 $0x1, s5  }
0x401: {  	_ =	swait.ge [sflag:s8], $0x400;
	p0 =	sne.s32 s5, $0x10  }
.Ltmp21:
0x402: {  	[sflag:s8] =	ssyncset.done $0x0;
	(pc) =	sbr.rel @p0 .LBB2_20-.Ltmp21, $4  }
0x403: {  	[sflag:s8] =	ssyncadd.s32 $0xFFFFFC00  }
0x404: {  	_ =	swait.ge [sflag:s11], $0x400  }
0x405: {  	[sflag:s11] =	ssyncset.done $0x0  }
0x406: {  	[sflag:s11] =	ssyncadd.s32 $0xFFFFFC00  }
0x407: {  	s8 =	rddreg [dreg:$0x11]  }
0x408: {  	s5 =	rddreg [dreg:$0xd];
	s8 =	sadd.s32 $0x1, s8  }
0x409: {  	p0 =	sne.s32 s8, s5  }
.Ltmp22:
0x40a: {  	_ = 	snop;
	(pc) =	sbr.rel @p0 .LBB2_1-.Ltmp22, $1  }
0x40b: {  	_ =	sdelay $0x3  }
0x40c: {  	_ =	sfence.sel $0x180000  }
0x40d: {  	[bflag:$0x0] =	sbarrier.arrive $0xFFFF  }
0x40e: {  	_ =	strace $0x9000004A  }
0x40f: {  	s0 =	stileid.u32;
	[bflag:$0x2] =	sbarrier.arrive $0xFFFF  }
0x410: {  	p0 =	sne.s32 s0, $0x0;
	s0 =	rddreg [dreg:$0x3]  }
0x411: {  	s0 =	sadd.s32 @!p0 $0x100000, s0  }
0x412: {  	[sflag:s0] =	ssyncadd.tile.s32 @!p0 $0x1;
	_ =	shalt  }
.Lfunc_end2:
_tile_overlayer_lowered:
.L_overlay_start_2:
0x413: {  	(tag) =	ssettag $0x2  }
0x414: {  	s0 =	rddreg [dreg:$0x0];
	s2 =	stileid.u32  }
0x415: {  	s1 =	rddreg [dreg:$0x1];
	p0 =	sne.s32 s2, $0x0  }
0x416: {  	s3 =	rddreg [dreg:$0x2];
	[bflag:$0x3] =	sbarrier.arrive $0xFFFF;
	s2 =	simm.s32 @!p0 $0x1C07  }
0x417: {  	[timem:s3], [sflag:s2] =	dma.local @!p0 [hbm:s0], s1  }
0x418: {  	s0 =	simm.s32 @!p0 $0x7  }
0x419: {  	_ =	swait.ge @!p0 [sflag:s0], s1  }
0x41a: {  	s1 =	ssub.s32 @!p0 $0x0, s1;
	[sflag:s0] =	ssyncset.done @!p0 $0x0  }
0x41b: {  	[sflag:s0] =	ssyncadd.s32 @!p0 s1  }
0x41c: {  	[bflag:$0x3] =	sbarrier.arrive $0xFFFF  }
0x41d: {  	_ =	shalt  }

// kernel: sparse-core-data-format-call.cloned.1.call-start
scs
called_computation_lowered:
.L_overlay_start_0:
0x0: {  	s2 =	sld [smem:$0x3FD9]  }
0x1: {  	s3 =	sld [smem:$0x3FFE];
	_ =	sdelay $0x1  }
0x2: {  	s1 =	srdreg.scid  }
0x3: {  	s0 =	sand.u32 $0x1, s1  }
0x4: {  	s18 =	sshll.u32 s0, $0xA;
	s2 =	sadd.s32 s3, s2  }
0x5: {  	s2 =	sadd.s32 s2, s18  }
0x6: {  	[smem:$0x3FC6] =	sst s2  }
0x7: {  	_ = 	snop  }
0x8: {  	s2 =	sld [smem:$0x3FD0];
	(tm) =	ssettm $0x1  }
0x9: {  	s19 =	sld [smem:$0x3FFB];
	_ =	sdelay $0x3  }
0xa: {  	_ =	strace s19  }
0xb: {  	s3 =	sld [smem:$0x3FFC];
	_ =	sdelay $0x3  }
0xc: {  	_ =	strace s3  }
0xd: {  	s3 =	sld [smem:$0x3FFD];
	_ =	sdelay $0x3  }
0xe: {  	_ =	strace s3  }
0xf: {  	_ =	strace $0x8FFFFFFF  }
0x10: {  	s20 =	sld [smem:$0x3FDB];
	_ =	sdelay $0x1  }
0x11: {  	s4 =	simm.s32 $_scs_section_size  }
0x12: {  	s5 =	simm.s32 $_size__tile_overlayer_lowered;
	s6 =	simm.s32 $_tile_overlayer_lowered  }
0x13: {  	s23 =	simm.s32 $0x1BFF;
	s22 =	sshll.u32 s6, $0x1;
	s3 =	sadd.s32 s4, s20  }
0x14: {  	s7 =	simm.s32 $0x0;
	s21 =	sshll.u32 s5, $0x1;
	s5 =	sadd.s32 s22, s3  }
0x15: {  	[timem:s7], [sflag:s23] =	dma.local [hbm:s5], s21  }
0x16: {  	_ =	swait.ge [sflag:s23], s21  }
0x17: {  	s4 =	ssub.s32 $0x0, s21;
	[sflag:s23] =	ssyncset.done $0x0  }
0x18: {  	[sflag:s23] =	ssyncadd.s32 s4;
	_ =	sdelay $0x1  }
0x19: {  	s24 =	simm.s32 $0x1B8B  }
0x1a: {  	_ =	swait.ge [sflag:s24], $0x1  }
0x1b: {  	[sflag:s24] =	ssyncset.done $0x0  }
0x1c: {  	s26 =	simm.s32 $0x1B8E;
	s25 =	sld [smem:$0x3FFE];
	[sflag:s24] =	ssyncadd.s32 $0xFFFFFFFF  }
0x1d: {  	s27 =	simm.s32 $execute0_lowered;
	[smem:$0x3FD2] =	sst s26  }
0x1e: {  	s5 =	sshll.u32 s27, $0x1;
	_ =	strace $0x80000046;
	[dreg:$0x1] =	wrdreg $0xFFFFFFFF  }
0x1f: {  	s28 =	simm.s32 $_size_execute0_lowered;
	s3 =	sadd.s32 s3, s5;
	[dreg:$0x0] =	wrdreg $0x0  }
0x20: {  	s5 =	sshll.u32 s28, $0x1;
	[dreg:$0x2] =	wrdreg s3  }
0x21: {  	[dreg:$0x3] =	wrdreg s5  }
0x22: {  	[dreg:$0x4] =	wrdreg $0xC0  }
0x23: {  	_ =	task [dreg:s7], $0x5FFFF  }
0x24: {  	[dreg:$0x1] =	wrdreg $0xFFFFFFFF  }
0x25: {  	[dreg:$0x0] =	wrdreg $0x60  }
0x26: {  	[dreg:$0x2] =	wrdreg s2  }
0x27: {  	[dreg:$0x3] =	wrdreg s25  }
0x28: {  	[dreg:$0x4] =	wrdreg $0x9  }
0x29: {  	_ =	task.clear_ibuf [dreg:s7], $0x5FFFF;
	_ =	strace $0x90000046  }
0x2a: {  	s29 =	simm.s32 $0x9;
	_ =	strace $0x80000048  }
0x2b: {  	_ =	swait.ge [sflag:s29], $0x1  }
0x2c: {  	[sflag:s29] =	ssyncadd.s32 $0xFFFFFFFF  }
0x2d: {  	_ =	strace $0x90000048  }
0x2e: {  	_ =	sfence  }
0x2f: {  	s30 =	sld [smem:$0x0];
	_ =	sdelay $0x2  }
0x30: {  	s31 =	sshll.u32 s1, $0xD;
	s1 =	sshrl.u32 s1, $0x2  }
0x31: {  	s3 =	sand.u32 $0x4000, s31;
	s1 =	sadd.s32 s1, s30  }
0x32: {  	s0 =	sor.u32 s3, s0;
	s1 =	sshll.u32 s1, $0x11  }
0x33: {  	s0 =	sor.u32 s1, s0  }
0x34: {  	s0 =	sadd.s32 $0x8F2B, s0  }
0x35: {  	[sflag:s0] =	ssyncadd.remote.s32 $0x1  }
0x36: {  	_ =	sfence.sel $0xFFFF  }
0x37: {  	[dreg:$0x0] =	wrdreg $0xFFFFFFFF;
	(pc) =	sbr.abs _section_cstart, $3  }
0x38: {  	[dreg:$0x1] =	wrdreg $0xFFFFFFFF  }
0x39: {  	_ =	task.clear_ibuf [dreg:s7], $0x2FFFF;
	_ =	strace $0x9FFFFFFF  }
0x3a: {  	(tm) =	ssettm $0x7FFFFFFF  }
0x3b: {  	_ =	shalt  }
tec
execute0_lowered:
.L_overlay_start_1:
0x0: {  	(tag) =	ssettag $0x1  }
0x1: {  	s3 =	stileid.u32  }
0x2: {  	s0 =	srdreg.scid;
	s2 =	rddreg [dreg:$0x0]  }
0x3: {  	s7 =	rddreg [dreg:$0x1];
	_ =	strace $0x80000047;
	s5 =	simm.s32 $0x1  }
0x4: {  	s8 =	simm.s32 $0x2;
	s18 =	simm.s32 $0x0;
	s9 =	simm.s32 $0x80  }
0x5: {  	s10 =	simm.s32 $0x100;
	s1 =	sshll.u32 s3, $0x6;
	s0 =	sshll.u32 s0, $0xA  }
0x6: {  	s11 =	simm.s32 $0x0;
	s3 =	sand.u32 $0x1, s3;
	s0 =	sor.u32 s1, s0  }
0x7: {  	s17 =	simm.s32 $0x0;
	s30 =	ssub.s32 $0x2, s3;
	s4 =	sand.u32 $0x780, s0  }
0x8: {  	s12 =	simm.s32 $0x0;
	s6 =	sshrl.u32 s30, $0x1;
	s31 =	ssub.s32 $0xBA00, s4  }
.Ltmp0:
0x9: {  	s0 =	sand.u32 $0x1, s30;
	s1 =	sshrl.u32 s31, $0xB;
	(pc) =	sbr.rel .LBB1_1-.Ltmp0, $4  }
0xa: {  	s13 =	simm.s32 $0x0;
	s0 =	sadd.s32 s0, s6;
	s1 =	sadd.s32 $0x1, s1  }
0xb: {  	s16 =	simm.s32 $0x0;
	[sflag:s5] =	ssyncpa.u1 $0x0;
	s6 =	smul.u32 s0, s1  }
0xc: {  	s25 =	simm.s32 $0x0;
	s7 =	sadd.s32 $0x1C00, s7;
	[sflag:s8] =	ssyncpa.u1 $0x0  }
0xd: {  	s15 =	smov.u32 s3;
	s14 =	smov.u32 s4;
	s8 =	sadd.s32 $0x1, s6  }
.LBB1_11:
0xe: {  	p0 =	sgt.s32 s12, $0xB99A;
	s0 =	smov.u32 s12  }
0xf: {  	s0 =	simm.s32 @!p0 $0xB99A  }
0x10: {  	s0 =	sadd.s32 s19, s0  }
0x11: {  	s1 =	sadd.s32 $0xFFFF4666, s0  }
0x12: {  	s0 =	ssub.s32 $0xBA1A, s0;
	p0 =	sgt.s32 s1, $0x7F  }
0x13: {  	s29 =	sshll.u32 s13, $0x4;
	s0 =	simm.s32 @p0 $0x0  }
0x14: {  	s1 =	sand.u32 $0x10, s29;
	s0 =	smul.u32 s0, s20  }
0x15: {  	s30 =	sshll.u32 s12, $0x5;
	s1 =	sadd.s32 s7, s1  }
0x16: {  	s31 =	sor.u32 $0x8000, s21;
	s1 =	sadd.s32 s30, s1;
	s0 =	sand.u32 $0x3FFFFF80, s0  }
0x17: {  	[hbm4b:s1+s9] =	stream.strided.scatter [tilespmem:s31], [sflag:$0x2], s0, s10, s9, $0x38;
	[tilespmem:$0x10000] =	vst v63  }
.LBB1_12:
0x18: {  	p0 =	slt.u32 s16, $0x2  }
0x19: {  	p1 =	sgt.s32 @!p0 s18, $0xB99A  }
0x1a: {  	s0 =	smov.u32 s18;
	s1 =	sshra.s32 @!p0 s18, $0x1F;
	p1 =	por !p1, p0  }
0x1b: {  	s1 =	sand.u32 @!p0 s1, s18;
	s0 =	simm.s32 @p1 $0xB99A  }
0x1c: {  	s18 =	sshra.s32 @!p0 s17, $0x1F;
	p1 =	sgt.s32 @!p0 s17, $0x1;
	s0 =	ssub.s32 @!p0 s0, s1  }
0x1d: {  	p1 =	por !p1, p0;
	s1 =	smov.u32 s17;
	s17 =	sand.u32 @!p0 s18, s17  }
0x1e: {  	s1 =	simm.s32 @p1 $0x1;
	s17 =	sxor.u32 @!p0 $0xFFFFFFFF, s17  }
0x1f: {  	s18 =	sadd.s32 @!p0 $0xFFFF4666, s0;
	s0 =	ssub.s32 @!p0 $0xBA1A, s0;
	s1 =	sadd.s32 @!p0 s17, s1  }
0x20: {  	p1 =	sgt.s32 @!p0 s18, $0x7F;
	p2 =	sgt.s32 @!p0 s1, $0x0;
	s1 =	sshll.u32 @!p0 s1, $0x7  }
0x21: {  	p1 =	por !p1, p0;
	s1 =	ssub.s32 @!p0 $0x80, s1;
	p2 =	por !p2, p0  }
0x22: {  	s0 =	simm.s32 @!p1 $0x0;
	s1 =	simm.s32 @!p2 $0x0  }
0x23: {  	s0 =	smul.u32 @!p0 s0, s1;
	s1 =	sadd.s32 $0x800, s14  }
0x24: {  	s20 =	smov.u32 s15;
	s17 =	sadd.s32 $0x2, s15;
	p1 =	sgt.s32 s1, $0xBA19  }
0x25: {  	s20 =	smov.u32 @p1 s17  }
0x26: {  	s1 =	smov.u32 @p1 s4;
	p1 =	sgt.s32 s20, $0x1  }
0x27: {  	s20 =	smov.u32 @p1 s3;
	p1 =	sne.s32 s16, s8  }
.Ltmp1:
0x28: {  	s11 =	sadd.s32 $0x4000, s11;
	s19 =	simm.s32 @!p0 $0x2;
	(pc) =	sbr.rel @!p1 .LBB1_13-.Ltmp1, $4  }
0x29: {  	s18 =	smov.u32 s12;
	s12 =	smov.u32 s14;
	s0 =	sand.u32 @!p0 $0x3FFFFF80, s0  }
0x2a: {  	s17 =	smov.u32 s13;
	s13 =	smov.u32 s15;
	_ =	swait.ge @!p0 [sflag:s19], s0  }
0x2b: {  	s0 =	ssub.s32 @!p0 $0x0, s0;
	s14 =	smov.u32 s1;
	[sflag:s19] =	ssyncset.done @!p0 $0x0  }
0x2c: {  	s16 =	sadd.s32 $0x1, s16;
	[sflag:s19] =	ssyncadd.s32 @!p0 s0;
	s15 =	smov.u32 s20  }
.LBB1_1:
0x2d: {  	p0 =	sge.u32 s16, s6;
	s20 =	smov.u32 s14;
	s22 =	smov.u32 s15  }
0x2e: {  	s31 =	sadd.s32 $0xFFFFFFFF, s16;
	s0 =	sand.u32 @!p0 $0x1FFFFFF, s14;
	p1 =	sgt.s32 @!p0 s15, $0x1  }
0x2f: {  	p2 =	sgt.s32 @!p0 s14, $0xB9A0;
	s19 =	sshra.s32 @!p0 s15, $0x1F;
	s21 =	sshra.s32 @!p0 s14, $0x1F  }
0x30: {  	s1 =	smulhi.u32 @!p0 $0x2C03705, s0;
	p1 =	por !p1, p0;
	p2 =	por !p2, p0  }
0x31: {  	s19 =	sand.u32 @!p0 s19, s15;
	s21 =	sand.u32 @!p0 s21, s14;
	s20 =	simm.s32 @p2 $0xB9A0  }
0x32: {  	s22 =	simm.s32 @p1 $0x1;
	s19 =	sxor.u32 @!p0 $0xFFFFFFFF, s19;
	s20 =	ssub.s32 @!p0 s20, s21  }
0x33: {  	s1 =	sshrl.u32 @!p0 s1, $0x9;
	s19 =	sadd.s32 @!p0 s19, s22;
	s22 =	smul.u32 @!p0 $0xBA200, s15  }
0x34: {  	s21 =	sadd.s32 @!p0 $0xFFFF4660, s20;
	s1 =	smul.u32 @!p0 $0xBA20, s1;
	p1 =	sgt.s32 @!p0 s19, $0x0  }
0x35: {  	s20 =	ssub.s32 @!p0 $0xBA20, s20;
	s19 =	sshll.u32 @!p0 s19, $0x7;
	p2 =	sgt.s32 @!p0 s21, $0x7F  }
0x36: {  	s19 =	ssub.s32 @!p0 $0x80, s19;
	p1 =	por !p1, p0;
	p2 =	por !p2, p0  }
0x37: {  	s21 =	sxor.u32 @!p0 $0xFFFFFFFF, s16;
	s19 =	simm.s32 @!p1 $0x0;
	s20 =	simm.s32 @!p2 $0x0  }
0x38: {  	s0 =	ssub.s32 @!p0 s0, s1;
	s1 =	sshll.u32 @!p0 s21, $0xE;
	s19 =	smul.u32 @!p0 s20, s19  }
0x39: {  	s1 =	sand.u32 @!p0 $0x4000, s1;
	s0 =	sshll.u32 @!p0 s0, $0x4;
	s20 =	sadd.s32 @!p0 s2, s22  }
0x3a: {  	s0 =	sadd.s32 @!p0 s0, s20;
	s20 =	simm.s32 @!p0 $0x0;
	s19 =	sand.u32 @!p0 $0x3FFFFF80, s19  }
0x3b: {  	[tilespmem:s1], [sflag:$0x1] =	stream.linear.gather @!p0 [hbm4b:s0+s20], s19, $0x38;
	[tilespmem:$0x10000] =	vst v63  }
0x3c: {  	p0 =	sge.u32 s31, s6  }
.Ltmp2:
0x3d: {  	_ = 	snop;
	(pc) =	sbr.rel @p0 .LBB1_12-.Ltmp2, $1  }
0x3e: {  	_ =	sdelay $0x3  }
0x3f: {  	p0 =	sgt.s32 s13, $0x1;
	s0 =	smov.u32 s13;
	s1 =	sshra.s32 s13, $0x1F  }
0x40: {  	s19 =	ssub.s32 $0x0, s12;
	s20 =	sshra.s32 s12, $0x1F;
	s1 =	sand.u32 s1, s13  }
0x41: {  	s21 =	smov.u32 s12;
	s0 =	simm.s32 @!p0 $0x1;
	s1 =	sxor.u32 $0xFFFFFFFF, s1  }
0x42: {  	p0 =	sgt.s32 s12, $0xB9A0;
	s19 =	sand.u32 s19, s20;
	s0 =	sadd.s32 s1, s0  }
0x43: {  	s21 =	simm.s32 @!p0 $0xB9A0;
	p0 =	sgt.s32 s0, $0x0;
	s0 =	sshll.u32 s0, $0x7  }
0x44: {  	s28 =	sadd.s32 s19, s21;
	s20 =	ssub.s32 $0x80, s0;
	s0 =	sadd.s32 $0x1, s13  }
0x45: {  	s21 =	sadd.s32 $0x80, s12;
	s20 =	simm.s32 @p0 $0x0;
	p0 =	slt.s32 s0, $0x2  }
0x46: {  	s29 =	sadd.s32 $0xFFFF4660, s28;
	s0 =	simm.s32 @!p0 $0x2;
	p0 =	slt.s32 s21, $0xBA1A  }
0x47: {  	s1 =	ssub.s32 $0xBA20, s28;
	s22 =	ssub.s32 s0, s13;
	s21 =	simm.s32 @!p0 $0xBA1A  }
0x48: {  	p1 =	sgt.s32 s29, $0x7F;
	s23 =	ssub.s32 s21, s12;
	p0 =	slt.s32 s22, $0x1  }
0x49: {  	s1 =	simm.s32 @p1 $0x0;
	p1 =	slt.s32 @!p0 s23, $0x1  }
0x4a: {  	s1 =	smul.u32 s1, s20;
	p0 =	por p0, p1  }
.Ltmp3:
0x4b: {  	_ = 	snop;
	(pc) =	sbr.rel @p0 .LBB1_11-.Ltmp3, $4  }
0x4c: {  	s30 =	sand.u32 $0x3FFFFF80, s1  }
0x4d: {  	_ =	swait.ge [sflag:s5], s30  }
0x4e: {  	s31 =	sshll.u32 s16, $0xE;
	s1 =	ssub.s32 $0x0, s30;
	[sflag:s5] =	ssyncset.done $0x0  }
0x4f: {  	s21 =	sand.u32 $0x4000, s31;
	[sflag:s5] =	ssyncadd.s32 s1  }
0x50: {  	s0 =	sshll.u32 s11, $0x2  }
0x51: {  	s0 =	sand.u32 $0x10000, s0  }
0x52: {  	s0 =	sshrl.u32 s0, $0x2  }
0x53: {  	s26 =	simm.s32 $0x0;
	s27 =	simm.s32 $0x0;
	s24 =	sadd.s32 $0x8040, s0  }
.LBB1_4:
0x54: {  	s0 =	sshll.u32 s27, $0x10  }
0x55: {  	s0 =	sshra.s32 s0, $0x2  }
0x56: {  	p1 =	sne.s32 s23, $0x1;
	s0 =	sadd.s32 s0, s21  }
.Ltmp4:
0x57: {  	v0 =	vmov s0;
	(pc) =	sbr.rel @!p1 .LBB1_5-.Ltmp4, $3  }
0x58: {  	_ =	sdelay $0x1  }
0x59: {  	s1 =	sand.u32 $0x80, s26;
	s30 =	sand.u32 $0x3F80, s25  }
0x5a: {  	p0 =	por $0x0, $0x0;
	s28 =	sadd.s32 s1, s24;
	s0 =	sadd.s32 $0xFFFFFFFF, s23  }
0x5b: {  	_ =	sdelay $0x3  }
0x5c: {  	v6 =	vld.idx.msk [tilespmem:v0+s30+$0x70 ss:$0x1], $0xffff  }
0x5d: {  	v7 =	vld.idx.msk [tilespmem:v0+s30+$0x0 ss:$0x1], $0xffff  }
0x5e: {  	v1 =	vld.idx.msk [tilespmem:v0+s30+$0x10 ss:$0x1], $0xffff;
	p1 =	sne.s32 s0, $0x1  }
.Ltmp5:
0x5f: {  	v2 =	vld.idx.msk [tilespmem:v0+s30+$0x20 ss:$0x1], $0xffff;
	(pc) =	sbr.rel @!p1 .LBB1_7-.Ltmp5, $4  }
0x60: {  	v3 =	vld.idx.msk [tilespmem:v0+s30+$0x30 ss:$0x1], $0xffff  }
0x61: {  	v4 =	vld.idx.msk [tilespmem:v0+s30+$0x40 ss:$0x1], $0xffff  }
0x62: {  	v5 =	vld.idx.msk [tilespmem:v0+s30+$0x50 ss:$0x1], $0xffff;
	s1 =	simm.s32 $0x80;
	s0 =	sadd.s32 $0xFFFFFFFF, s0;
	[tilespmem:s28+$0x30] =	vst v6  }
0x63: {  	p0 =	por $0x1, $0x1;
	s29 =	smov.u32 s28;
	s31 =	sand.u32 $0x3F80, s1;
	[tilespmem:s28+$0xFFFFFFC0] =	vst v7;
	v6 =	vld.idx.msk [tilespmem:v0+s30+$0x60 ss:$0x1], $0xffff  }
.LBB1_8:
0x64: {  	p1 =	sne.s32 s0, $0x1;
	v7 =	vld.idx.msk [tilespmem:v0+s31+$0x70 ss:$0x1], $0xffff;
	[tilespmem:s29+$0xFFFFFFD0] =	vst v1  }
0x65: {  	v8 =	vld.idx.msk [tilespmem:v0+s31+$0x0 ss:$0x1], $0xffff;
	[tilespmem:s29+$0xFFFFFFE0] =	vst v2  }
0x66: {  	v1 =	vld.idx.msk [tilespmem:v0+s31+$0x10 ss:$0x1], $0xffff;
	[tilespmem:s29+$0xFFFFFFF0] =	vst v3  }
.Ltmp6:
0x67: {  	v2 =	vld.idx.msk [tilespmem:v0+s31+$0x20 ss:$0x1], $0xffff;
	[tilespmem:s29+$0x0] =	vst v4;
	(pc) =	sbr.rel @p1 .LBB1_8-.Ltmp6, $4  }
0x68: {  	v3 =	vld.idx.msk [tilespmem:v0+s31+$0x30 ss:$0x1], $0xffff;
	[tilespmem:s29+$0x10] =	vst v5  }
0x69: {  	v4 =	vld.idx.msk [tilespmem:v0+s31+$0x40 ss:$0x1], $0xffff;
	[tilespmem:s29+$0x20] =	vst v6;
	s29 =	sadd.s32 $0x80, s29  }
0x6a: {  	s1 =	sadd.s32 $0x80, s1;
	v5 =	vld.idx.msk [tilespmem:v0+s31+$0x50 ss:$0x1], $0xffff;
	[tilespmem:s29+$0x30] =	vst v7  }
0x6b: {  	s0 =	sadd.s32 $0xFFFFFFFF, s0;
	[tilespmem:s29+$0xFFFFFFC0] =	vst v8;
	v6 =	vld.idx.msk [tilespmem:v0+s31+$0x60 ss:$0x1], $0xffff;
	s31 =	sand.u32 $0x3F80, s1  }
0x6c: {  	s30 =	smov.u32 s31  }
.LBB1_10:
0x6d: {  	_ =	sdelay $0x2  }
0x6e: {  	[tilespmem:s29+$0xFFFFFFD0] =	vst @p0 v1  }
0x6f: {  	v56 =	vld.idx.msk [tilespmem:v0+s30+$0x70 ss:$0x1], $0xffff;
	[tilespmem:s29+$0xFFFFFFE0] =	vst @p0 v2  }
0x70: {  	v57 =	vld.idx.msk [tilespmem:v0+s30+$0x0 ss:$0x1], $0xffff;
	[tilespmem:s29+$0xFFFFFFF0] =	vst @p0 v3  }
0x71: {  	v58 =	vld.idx.msk [tilespmem:v0+s30+$0x10 ss:$0x1], $0xffff;
	[tilespmem:s29+$0x0] =	vst @p0 v4  }
0x72: {  	v59 =	vld.idx.msk [tilespmem:v0+s30+$0x20 ss:$0x1], $0xffff;
	s0 =	sadd.s32 @p0 $0x80, s29;
	[tilespmem:s29+$0x10] =	vst @p0 v5  }
0x73: {  	v60 =	vld.idx.msk [tilespmem:v0+s30+$0x30 ss:$0x1], $0xffff;
	s28 =	smov.u32 @p0 s0;
	[tilespmem:s29+$0x20] =	vst @p0 v6  }
0x74: {  	v61 =	vld.idx.msk [tilespmem:v0+s30+$0x40 ss:$0x1], $0xffff;
	[tilespmem:s28+$0x30] =	vst v56  }
0x75: {  	v62 =	vld.idx.msk [tilespmem:v0+s30+$0x50 ss:$0x1], $0xffff;
	s27 =	sadd.s32 $0x1, s27;
	[tilespmem:s28+$0xFFFFFFC0] =	vst v57  }
0x76: {  	v63 =	vld.idx.msk [tilespmem:v0+s30+$0x60 ss:$0x1], $0xffff;
	p0 =	sne.s32 s27, s22;
	[tilespmem:s28+$0xFFFFFFD0] =	vst v58  }
.Ltmp7:
0x77: {  	[tilespmem:s28+$0xFFFFFFE0] =	vst v59;
	(pc) =	sbr.rel @p0 .LBB1_4-.Ltmp7, $4  }
.Ltmp8:
0x78: {  	[tilespmem:s28+$0xFFFFFFF0] =	vst v60;
	(pc) =	sbr.rel @!p0 .LBB1_11-.Ltmp8, $4  }
0x79: {  	[tilespmem:s28+$0x0] =	vst v61  }
0x7a: {  	[tilespmem:s28+$0x10] =	vst v62  }
0x7b: {  	s26 =	sadd.s32 $0x80, s26;
	[tilespmem:s28+$0x20] =	vst v63  }
0x7c: {  	_ = 	snop  }
.LBB1_5:
.Ltmp9:
0x7d: {  	(pc) =	sbr.rel .LBB1_10-.Ltmp9, $2  }
0x7e: {  	_ =	sdelay $0x2  }
0x7f: {  	s29 =	smov.u32 s28  }
.LBB1_7:
.Ltmp10:
0x80: {  	(pc) =	sbr.rel .LBB1_10-.Ltmp10, $2  }
0x81: {  	_ =	sdelay $0x2  }
0x82: {  	s30 =	smov.u32 s31;
	s29 =	smov.u32 s28  }
.LBB1_13:
0x83: {  	_ =	sfence.sel $0x180000  }
0x84: {  	s0 =	simm.s32 $0x1;
	[bflag:$0x0] =	sbarrier.arrive $0xFFFF  }
0x85: {  	s30 =	simm.s32 $0x2;
	[sflag:s0] =	ssyncpa.u1 $0x1  }
0x86: {  	[sflag:s30] =	ssyncpa.u1 $0x1  }
0x87: {  	_ =	strace $0x90000047  }
0x88: {  	s31 =	stileid.u32;
	[bflag:$0x2] =	sbarrier.arrive $0xFFFF  }
0x89: {  	p0 =	sne.s32 s31, $0x0;
	s0 =	rddreg [dreg:$0x2]  }
0x8a: {  	s0 =	sadd.s32 @!p0 $0x100000, s0  }
0x8b: {  	[sflag:s0] =	ssyncadd.tile.s32 @!p0 $0x1;
	_ =	shalt  }
.Lfunc_end1:
_tile_overlayer_lowered:
.L_overlay_start_2:
0x8c: {  	(tag) =	ssettag $0x2  }
0x8d: {  	s0 =	rddreg [dreg:$0x0];
	s2 =	stileid.u32  }
0x8e: {  	s1 =	rddreg [dreg:$0x1];
	p0 =	sne.s32 s2, $0x0  }
0x8f: {  	s3 =	rddreg [dreg:$0x2];
	[bflag:$0x3] =	sbarrier.arrive $0xFFFF;
	s2 =	simm.s32 @!p0 $0x1C01  }
0x90: {  	[timem:s3], [sflag:s2] =	dma.local @!p0 [hbm:s0], s1  }
0x91: {  	s0 =	simm.s32 @!p0 $0x1  }
0x92: {  	_ =	swait.ge @!p0 [sflag:s0], s1  }
0x93: {  	s1 =	ssub.s32 @!p0 $0x0, s1;
	[sflag:s0] =	ssyncset.done @!p0 $0x0  }
0x94: {  	[sflag:s0] =	ssyncadd.s32 @!p0 s1  }
0x95: {  	[bflag:$0x3] =	sbarrier.arrive $0xFFFF  }
0x96: {  	_ =	shalt  }

</sc_bundles>
